<compile_context>
chip_gen: v7x
topology: tpu7x:2x2x1
jax: 0.10.2.dev20260603
libtpu: 0.0.44.dev20260713+nightly
codegen_flags: <defaults>
</compile_context>

<pallas_src>
import functools

import jax
import jax.numpy as jnp
from jax import lax
from jax.experimental import pallas as pl
from jax.experimental.pallas import tpu as pltpu
from jax.experimental.pallas import tpu_sc as plsc

_N = 10000
_E = 320000
_D = 128
_NCLS = 16

_NC = 2
_NS = 16
_NW = _NC * _NS
_CHUNK = 128
_CPT = 80
_GRP = 8
_NGRP = _CPT // _GRP
_EPAD = _NW * _CPT * _CHUNK
_ROWS = 10112
_ZROWS = _ROWS // _NS


def _sc_propagate_body(sup_hbm, src_hbm, dst_hbm, out_hbm,
                       src_v, dst_v, rows_v, agg_sh,
                       sem0, sem1, semis, semid):
    cid = lax.axis_index("c")
    sid = lax.axis_index("s")
    wid = cid * _NS + sid
    sems = (sem0, sem1)

    @pl.loop(0, _CHUNK)
    def _zero_buf(i):
        for j in range(_D // 16):
            rows_v[0, i, pl.ds(j * 16, 16)] = jnp.zeros((16,), jnp.float32)

    zbase = sid * _ZROWS
    off = 0
    for blk in (128, 128, 128, 128, _ZROWS - 4 * 128):
        pltpu.sync_copy(rows_v.at[0, pl.ds(0, blk)],
                        agg_sh.at[pl.ds(zbase + off, blk)])
        off += blk
    plsc.subcore_barrier()

    ebase = wid * _CPT

    def idx_copies(grp, buf):
        s = pltpu.make_async_copy(
            src_hbm.at[pl.ds(ebase + grp * _GRP, _GRP)], src_v.at[buf], semis)
        d = pltpu.make_async_copy(
            dst_hbm.at[pl.ds(ebase + grp * _GRP, _GRP)], dst_v.at[buf], semid)
        return s, d

    def gather(buf, j, slot, sem):
        pltpu.async_copy(sup_hbm.at[src_v.at[buf, j]], rows_v.at[slot], sem)

    def gather_wait(slot, sem):
        pltpu.make_async_copy(sup_hbm.at[src_v.at[0, 0]], rows_v.at[slot],
                              sem).wait()

    for c in idx_copies(0, 0):
        c.start()
        c.wait()
    gather(0, 0, 0, sem0)

    @pl.loop(0, _NGRP // 2)
    def _pair(t):
        for buf in (0, 1):
            g = 2 * t + buf
            last = (buf == 1) & (t == _NGRP // 2 - 1)

            @pl.when(~last)
            def _():
                for c in idx_copies(g + 1, 1 - buf):
                    c.start()

            for j in range(_GRP - 1):
                gather(buf, j + 1, (j + 1) % 2, sems[(j + 1) % 2])
                gather_wait(j % 2, sems[j % 2])
                pltpu.sync_copy(rows_v.at[j % 2],
                                agg_sh.at[dst_v.at[buf, j]], add=True)

            @pl.when(~last)
            def _():
                for c in idx_copies(g + 1, 1 - buf):
                    c.wait()
                gather(1 - buf, 0, 0, sem0)

            gather_wait((_GRP - 1) % 2, sems[(_GRP - 1) % 2])
            pltpu.sync_copy(rows_v.at[(_GRP - 1) % 2],
                            agg_sh.at[dst_v.at[buf, _GRP - 1]], add=True)

    plsc.subcore_barrier()
    pltpu.sync_copy(agg_sh.at[pl.ds(zbase, _ZROWS)],
                    out_hbm.at[cid, pl.ds(zbase, _ZROWS)])


_sc_propagate = functools.partial(
    pl.kernel,
    out_type=jax.ShapeDtypeStruct((_NC, _ROWS, _D), jnp.float32),
    mesh=plsc.VectorSubcoreMesh(core_axis_name="c", subcore_axis_name="s",
                                num_cores=_NC, num_subcores=_NS),
    scratch_types=[
        pltpu.VMEM((2, _GRP, _CHUNK), jnp.int32),
        pltpu.VMEM((2, _GRP, _CHUNK), jnp.int32),
        pltpu.VMEM((2, _CHUNK, _D), jnp.float32),
        pltpu.VMEM_SHARED((_ROWS, _D), jnp.float32),
        pltpu.SemaphoreType.DMA,
        pltpu.SemaphoreType.DMA,
        pltpu.SemaphoreType.DMA,
        pltpu.SemaphoreType.DMA,
    ],
)(_sc_propagate_body)


def _tc_norm_mm_body(f_ref, w_ref, o_ref):
    x = f_ref[...]
    nrm = jnp.sqrt(jnp.sum(x * x, axis=1, keepdims=True))
    x = x / jnp.maximum(nrm, 1e-12)
    o_ref[...] = jnp.dot(x, w_ref[...], preferred_element_type=jnp.float32)


def _tc_combine_mm_body(p_ref, b_ref, w_ref, o_ref):
    h = jnp.maximum(p_ref[0, :_N] + p_ref[1, :_N] + b_ref[...], 0.0)
    o_ref[...] = jnp.dot(h, w_ref[...], preferred_element_type=jnp.float32)


def _tc_head_body(p_ref, b2_ref, y_ref, wy_ref, by_ref, wfc_ref, bfc_ref,
                  o_ref):
    h = p_ref[0, :_N] + p_ref[1, :_N] + b2_ref[...]
    y_emb = jnp.dot(y_ref[...], wy_ref[...],
                    preferred_element_type=jnp.float32) + by_ref[...]
    z = (jnp.dot(y_emb, wfc_ref[0], preferred_element_type=jnp.float32)
         + jnp.dot(h, wfc_ref[1], preferred_element_type=jnp.float32)
         + bfc_ref[...])
    m = jnp.max(z, axis=1, keepdims=True)
    e = jnp.exp(z - m)
    o_ref[...] = e / jnp.sum(e, axis=1, keepdims=True)


def kernel(features, edge_index, y, W1, b1, W2, b2, Wy, by, Wfc, bfc):
    pad = _EPAD - _E
    trash = _N + (jnp.arange(pad, dtype=jnp.int32) % (_ROWS - _N))
    src = jnp.concatenate([edge_index[0], jnp.zeros((pad,), jnp.int32)])
    dst = jnp.concatenate([edge_index[1], trash])
    src2d = src.reshape(_NW * _CPT, _CHUNK)
    dst2d = dst.reshape(_NW * _CPT, _CHUNK)

    support1 = pl.pallas_call(
        _tc_norm_mm_body,
        out_shape=jax.ShapeDtypeStruct((_N, _D), jnp.float32),
    )(features, W1)

    part1 = _sc_propagate(support1, src2d, dst2d)

    support2 = pl.pallas_call(
        _tc_combine_mm_body,
        out_shape=jax.ShapeDtypeStruct((_N, _D), jnp.float32),
    )(part1, b1.reshape(1, _D), W2)

    part2 = _sc_propagate(support2, src2d, dst2d)

    out = pl.pallas_call(
        _tc_head_body,
        out_shape=jax.ShapeDtypeStruct((_N, _NCLS), jnp.float32),
    )(part2, b2.reshape(1, _D), y, Wy, by.reshape(1, _D),
      Wfc.reshape(2, _D, _NCLS), bfc.reshape(1, _NCLS))

    return out

# --- scband reference (transcript-rebuilt; emitter-appended) ---
"""Pipeline reference for scband-y-decoder-58506044506607 (READ-ONLY COPY).

The authoritative reference and input builder live on the scoring server;
editing this copy changes nothing except your own understanding.
"""

import jax, jax.numpy as jnp
import numpy as np

N = 10000
E = 320000
D_IN = 128
HID = 128
OUT = 128
NUM_CLASS = 16


def setup_inputs(seed: int = 0) -> dict:
    key = jax.random.key(seed)
    ks = jax.random.split(key, 12)
    features = jax.random.normal(ks[0], (N, D_IN), dtype=jnp.float32)
    edge_index = jax.random.randint(ks[1], (2, E), 0, N, dtype=jnp.int32)
    y = jax.random.uniform(ks[2], (N, NUM_CLASS), dtype=jnp.float32)
    # GCN layer 1: GraphConvolution(input_size, hidden_size)
    W1 = jax.random.normal(ks[3], (D_IN, HID), dtype=jnp.float32) * 0.05
    b1 = jnp.zeros((HID,), dtype=jnp.float32)
    # GCN layer 2: GraphConvolution(hidden_size, output_size)
    W2 = jax.random.normal(ks[4], (HID, OUT), dtype=jnp.float32) * 0.05
    b2 = jnp.zeros((OUT,), dtype=jnp.float32)
    # y_fc_emb: Linear(num_class, output_size)
    Wy = jax.random.normal(ks[5], (NUM_CLASS, OUT), dtype=jnp.float32) * 0.05
    by = jnp.zeros((OUT,), dtype=jnp.float32)
    # y_fc: Linear(hidden_size * 2, num_class)  (hidden_size == output_size here)
    Wfc = jax.random.normal(ks[6], (OUT + HID, NUM_CLASS), dtype=jnp.float32) * 0.05
    bfc = jnp.zeros((NUM_CLASS,), dtype=jnp.float32)
    return {
        "features": features,
        "edge_index": edge_index,
        "y": y,
        "W1": W1, "b1": b1,
        "W2": W2, "b2": b2,
        "Wy": Wy, "by": by,
        "Wfc": Wfc, "bfc": bfc,
    }


def reference(features, edge_index, y, W1, b1, W2, b2, Wy, by, Wfc, bfc):
    # F.normalize(features): L2 row normalization with eps=1e-12
    norm = jnp.linalg.norm(features, axis=1, keepdims=True)
    x = features / jnp.maximum(norm, 1e-12)

    src = edge_index[0]
    dst = edge_index[1]

    def graph_conv(h, W, b):
        # support = h @ W ; output = adj @ support (+ bias)
        support = h @ W
        msgs = jnp.take(support, src, axis=0)
        agg = jax.ops.segment_sum(msgs, dst, num_segments=N)
        return agg + b

    # GCN forward: relu(gc1) -> dropout(p=0) -> gc2
    h1 = jax.nn.relu(graph_conv(x, W1, b1))
    h = graph_conv(h1, W2, b2)

    y_emb = y @ Wy + by
    z = jnp.concatenate([y_emb, h], axis=1) @ Wfc + bfc
    y_hat_after = jax.nn.softmax(z, axis=-1)
    return y_hat_after

if __name__ == "__main__":
    import jax
    _d = setup_inputs()
    print(jax.jit(kernel)(*tuple(_d.values())))

</pallas_src>

<mosaic_0001>
#map = affine_map<(d0, d1) -> (0, 0)>
#map1 = affine_map<(d0, d1) -> (0, 0, 0)>
module attributes {stable_mosaic.version = 14 : i64} {
  func.func @_sc_propagate_body(%arg0: i32, %arg1: i32, %arg2: memref<10000x128xf32, #tpu.memory_space<hbm>>, %arg3: memref<2560x128xi32, #tpu.memory_space<hbm>>, %arg4: memref<2560x128xi32, #tpu.memory_space<hbm>>, %arg5: memref<2x10112x128xf32, #tpu.memory_space<hbm>>, %arg6: memref<2x8x128xi32, #tpu.memory_space<vmem>>, %arg7: memref<2x8x128xi32, #tpu.memory_space<vmem>>, %arg8: memref<2x128x128xf32, #tpu.memory_space<vmem>>, %arg9: memref<10112x128xf32, #tpu.memory_space<vmem_shared>>, %arg10: memref<!tpu.dma_semaphore, #tpu.memory_space<semaphore_mem>>, %arg11: memref<!tpu.dma_semaphore, #tpu.memory_space<semaphore_mem>>, %arg12: memref<!tpu.dma_semaphore, #tpu.memory_space<semaphore_mem>>, %arg13: memref<!tpu.dma_semaphore, #tpu.memory_space<semaphore_mem>>) attributes {dimension_semantics = [#tpu.dimension_semantics<core_parallel>, #tpu.dimension_semantics<subcore_parallel>], iteration_bounds = array<i64: 2, 16>, scalar_prefetch = 0 : i64, scratch_operands = 8 : i64, tpu.core_type = #tpu.core_type<sc_vector_subcore>, window_params = [{transform_indices = #map}, {transform_indices = #map}, {transform_indices = #map}, {transform_indices = #map1}]} {
    %mul3A = arith.constant 16 : i32
    %mul3A_0 = arith.muli %arg0, %mul3A : i32
    %add3A = arith.addi %mul3A_0, %arg1 : i32
    %scan3A = arith.constant 0 : i32
    %scan3A_1 = arith.constant 128 : i32
    %scan3A_2 = arith.addi %scan3A, %scan3A_1 : i32
    %scan3A_3 = arith.constant 1 : i32
    scf.for %scan3A_96 = %scan3A to %scan3A_2 step %scan3A_3  : i32 {
      %mul3A_97 = arith.constant 1 : i32
      %mul3A_98 = arith.muli %scan3A_96, %mul3A_97 : i32
      %add3A_99 = arith.constant 0 : i32
      %add3A_100 = arith.addi %add3A_99, %mul3A_98 : i32
      %broadcast_in_dim3A = arith.constant 0.000000e+00 : f32
      %broadcast_in_dim3A_101 = vector.broadcast %broadcast_in_dim3A : f32 to vector<16xf32>
      %swap3A = arith.constant 0 : i32
      %swap3A_102 = arith.index_cast %swap3A : i32 to index
      %swap3A_103 = arith.index_cast %add3A_100 : i32 to index
      %swap3A_104 = arith.constant 0 : index
      %swap3A_105 = tpu.vector_load %arg8[%swap3A_102, %swap3A_103, %swap3A_104] {strides = array<i32>} : memref<2x128x128xf32, #tpu.memory_space<vmem>>, vector<1x1x16xf32>,
      %swap3A_106 = vector.shape_cast %swap3A_105 : vector<1x1x16xf32> to vector<16xf32>
      %swap3A_107 = vector.shape_cast %broadcast_in_dim3A_101 : vector<16xf32> to vector<1x1x16xf32>
      tpu.vector_store %arg8[%swap3A_102, %swap3A_103, %swap3A_104], %swap3A_107 {strides = array<i32>} : memref<2x128x128xf32, #tpu.memory_space<vmem>>, vector<1x1x16xf32>,
      %broadcast_in_dim3A_108 = arith.constant 0.000000e+00 : f32
      %broadcast_in_dim3A_109 = vector.broadcast %broadcast_in_dim3A_108 : f32 to vector<16xf32>
      %swap3A_110 = arith.constant 0 : i32
      %swap3A_111 = arith.index_cast %swap3A_110 : i32 to index
      %swap3A_112 = arith.index_cast %add3A_100 : i32 to index
      %swap3A_113 = arith.constant 16 : index
      %swap3A_114 = tpu.vector_load %arg8[%swap3A_111, %swap3A_112, %swap3A_113] {strides = array<i32>} : memref<2x128x128xf32, #tpu.memory_space<vmem>>, vector<1x1x16xf32>,
      %swap3A_115 = vector.shape_cast %swap3A_114 : vector<1x1x16xf32> to vector<16xf32>
      %swap3A_116 = vector.shape_cast %broadcast_in_dim3A_109 : vector<16xf32> to vector<1x1x16xf32>
      tpu.vector_store %arg8[%swap3A_111, %swap3A_112, %swap3A_113], %swap3A_116 {strides = array<i32>} : memref<2x128x128xf32, #tpu.memory_space<vmem>>, vector<1x1x16xf32>,
      %broadcast_in_dim3A_117 = arith.constant 0.000000e+00 : f32
      %broadcast_in_dim3A_118 = vector.broadcast %broadcast_in_dim3A_117 : f32 to vector<16xf32>
      %swap3A_119 = arith.constant 0 : i32
      %swap3A_120 = arith.index_cast %swap3A_119 : i32 to index
      %swap3A_121 = arith.index_cast %add3A_100 : i32 to index
      %swap3A_122 = arith.constant 32 : index
      %swap3A_123 = tpu.vector_load %arg8[%swap3A_120, %swap3A_121, %swap3A_122] {strides = array<i32>} : memref<2x128x128xf32, #tpu.memory_space<vmem>>, vector<1x1x16xf32>,
      %swap3A_124 = vector.shape_cast %swap3A_123 : vector<1x1x16xf32> to vector<16xf32>
      %swap3A_125 = vector.shape_cast %broadcast_in_dim3A_118 : vector<16xf32> to vector<1x1x16xf32>
      tpu.vector_store %arg8[%swap3A_120, %swap3A_121, %swap3A_122], %swap3A_125 {strides = array<i32>} : memref<2x128x128xf32, #tpu.memory_space<vmem>>, vector<1x1x16xf32>,
      %broadcast_in_dim3A_126 = arith.constant 0.000000e+00 : f32
      %broadcast_in_dim3A_127 = vector.broadcast %broadcast_in_dim3A_126 : f32 to vector<16xf32>
      %swap3A_128 = arith.constant 0 : i32
      %swap3A_129 = arith.index_cast %swap3A_128 : i32 to index
      %swap3A_130 = arith.index_cast %add3A_100 : i32 to index
      %swap3A_131 = arith.constant 48 : index
      %swap3A_132 = tpu.vector_load %arg8[%swap3A_129, %swap3A_130, %swap3A_131] {strides = array<i32>} : memref<2x128x128xf32, #tpu.memory_space<vmem>>, vector<1x1x16xf32>,
      %swap3A_133 = vector.shape_cast %swap3A_132 : vector<1x1x16xf32> to vector<16xf32>
      %swap3A_134 = vector.shape_cast %broadcast_in_dim3A_127 : vector<16xf32> to vector<1x1x16xf32>
      tpu.vector_store %arg8[%swap3A_129, %swap3A_130, %swap3A_131], %swap3A_134 {strides = array<i32>} : memref<2x128x128xf32, #tpu.memory_space<vmem>>, vector<1x1x16xf32>,
      %broadcast_in_dim3A_135 = arith.constant 0.000000e+00 : f32
      %broadcast_in_dim3A_136 = vector.broadcast %broadcast_in_dim3A_135 : f32 to vector<16xf32>
      %swap3A_137 = arith.constant 0 : i32
      %swap3A_138 = arith.index_cast %swap3A_137 : i32 to index
      %swap3A_139 = arith.index_cast %add3A_100 : i32 to index
      %swap3A_140 = arith.constant 64 : index
      %swap3A_141 = tpu.vector_load %arg8[%swap3A_138, %swap3A_139, %swap3A_140] {strides = array<i32>} : memref<2x128x128xf32, #tpu.memory_space<vmem>>, vector<1x1x16xf32>,
      %swap3A_142 = vector.shape_cast %swap3A_141 : vector<1x1x16xf32> to vector<16xf32>
      %swap3A_143 = vector.shape_cast %broadcast_in_dim3A_136 : vector<16xf32> to vector<1x1x16xf32>
      tpu.vector_store %arg8[%swap3A_138, %swap3A_139, %swap3A_140], %swap3A_143 {strides = array<i32>} : memref<2x128x128xf32, #tpu.memory_space<vmem>>, vector<1x1x16xf32>,
      %broadcast_in_dim3A_144 = arith.constant 0.000000e+00 : f32
      %broadcast_in_dim3A_145 = vector.broadcast %broadcast_in_dim3A_144 : f32 to vector<16xf32>
      %swap3A_146 = arith.constant 0 : i32
      %swap3A_147 = arith.index_cast %swap3A_146 : i32 to index
      %swap3A_148 = arith.index_cast %add3A_100 : i32 to index
      %swap3A_149 = arith.constant 80 : index
      %swap3A_150 = tpu.vector_load %arg8[%swap3A_147, %swap3A_148, %swap3A_149] {strides = array<i32>} : memref<2x128x128xf32, #tpu.memory_space<vmem>>, vector<1x1x16xf32>,
      %swap3A_151 = vector.shape_cast %swap3A_150 : vector<1x1x16xf32> to vector<16xf32>
      %swap3A_152 = vector.shape_cast %broadcast_in_dim3A_145 : vector<16xf32> to vector<1x1x16xf32>
      tpu.vector_store %arg8[%swap3A_147, %swap3A_148, %swap3A_149], %swap3A_152 {strides = array<i32>} : memref<2x128x128xf32, #tpu.memory_space<vmem>>, vector<1x1x16xf32>,
      %broadcast_in_dim3A_153 = arith.constant 0.000000e+00 : f32
      %broadcast_in_dim3A_154 = vector.broadcast %broadcast_in_dim3A_153 : f32 to vector<16xf32>
      %swap3A_155 = arith.constant 0 : i32
      %swap3A_156 = arith.index_cast %swap3A_155 : i32 to index
      %swap3A_157 = arith.index_cast %add3A_100 : i32 to index
      %swap3A_158 = arith.constant 96 : index
      %swap3A_159 = tpu.vector_load %arg8[%swap3A_156, %swap3A_157, %swap3A_158] {strides = array<i32>} : memref<2x128x128xf32, #tpu.memory_space<vmem>>, vector<1x1x16xf32>,
      %swap3A_160 = vector.shape_cast %swap3A_159 : vector<1x1x16xf32> to vector<16xf32>
      %swap3A_161 = vector.shape_cast %broadcast_in_dim3A_154 : vector<16xf32> to vector<1x1x16xf32>
      tpu.vector_store %arg8[%swap3A_156, %swap3A_157, %swap3A_158], %swap3A_161 {strides = array<i32>} : memref<2x128x128xf32, #tpu.memory_space<vmem>>, vector<1x1x16xf32>,
      %broadcast_in_dim3A_162 = arith.constant 0.000000e+00 : f32
      %broadcast_in_dim3A_163 = vector.broadcast %broadcast_in_dim3A_162 : f32 to vector<16xf32>
      %swap3A_164 = arith.constant 0 : i32
      %swap3A_165 = arith.index_cast %swap3A_164 : i32 to index
      %swap3A_166 = arith.index_cast %add3A_100 : i32 to index
      %swap3A_167 = arith.constant 112 : index
      %swap3A_168 = tpu.vector_load %arg8[%swap3A_165, %swap3A_166, %swap3A_167] {strides = array<i32>} : memref<2x128x128xf32, #tpu.memory_space<vmem>>, vector<1x1x16xf32>,
      %swap3A_169 = vector.shape_cast %swap3A_168 : vector<1x1x16xf32> to vector<16xf32>
      %swap3A_170 = vector.shape_cast %broadcast_in_dim3A_163 : vector<16xf32> to vector<1x1x16xf32>
      tpu.vector_store %arg8[%swap3A_165, %swap3A_166, %swap3A_167], %swap3A_170 {strides = array<i32>} : memref<2x128x128xf32, #tpu.memory_space<vmem>>, vector<1x1x16xf32>,
    }
    %scan3A_4 = arith.constant 128 : i32
    %mul3A_5 = arith.constant 632 : i32
    %mul3A_6 = arith.muli %arg1, %mul3A_5 : i32
    %add3A_7 = arith.constant 0 : i32
    %add3A_8 = arith.addi %mul3A_6, %add3A_7 : i32
    %run_scoped3A = arith.constant 0 : i32
    "tpu.region"() ({
      %run_scoped3A_96 = tpu.sem_alloc : memref<!tpu.dma_semaphore, #tpu.memory_space<semaphore_mem>>
      %dma_start3A_97 = arith.constant 0 : i32
      %dma_start3A_98 = arith.constant 0 : i32
      %dma_start3A_99 = tpu.memref_slice %arg8[%run_scoped3A, %dma_start3A_97, %dma_start3A_98] : memref<2x128x128xf32, #tpu.memory_space<vmem>> -> memref<1x128x128xf32, #tpu.memory_space<vmem>>
      %dma_start3A_100 = tpu.memref_squeeze %dma_start3A_99 : memref<1x128x128xf32, #tpu.memory_space<vmem>> -> memref<128x128xf32, #tpu.memory_space<vmem>>
      %dma_start3A_101 = arith.constant 0 : i32
      %dma_start3A_102 = tpu.memref_slice %arg9[%add3A_8, %dma_start3A_101] : memref<10112x128xf32, #tpu.memory_space<vmem_shared>> -> memref<128x128xf32, #tpu.memory_space<vmem_shared>>
      %dma_start3A_103 = arith.constant 0 : i32
      %dma_start3A_104 = tpu.memref_slice %arg9[%add3A_8, %dma_start3A_103] : memref<10112x128xf32, #tpu.memory_space<vmem_shared>> -> memref<128x128xf32, #tpu.memory_space<vmem_shared>>
      %dma_start3A_105 = arith.constant 0 : i32
      %dma_start3A_106 = arith.constant 0 : i32
      %dma_start3A_107 = tpu.memref_slice %arg8[%run_scoped3A, %dma_start3A_105, %dma_start3A_106] : memref<2x128x128xf32, #tpu.memory_space<vmem>> -> memref<1x128x128xf32, #tpu.memory_space<vmem>>
      %dma_start3A_108 = tpu.memref_squeeze %dma_start3A_107 : memref<1x128x128xf32, #tpu.memory_space<vmem>> -> memref<128x128xf32, #tpu.memory_space<vmem>>
      tpu.enqueue_dma source(%dma_start3A_108 : memref<128x128xf32, #tpu.memory_space<vmem>>) target(%dma_start3A_104 : memref<128x128xf32, #tpu.memory_space<vmem_shared>>) target_semaphore(%run_scoped3A_96 : memref<!tpu.dma_semaphore, #tpu.memory_space<semaphore_mem>>)
      %dma_wait3A_109 = arith.constant 0 : i32
      %dma_wait3A_110 = arith.constant 0 : i32
      %dma_wait3A_111 = tpu.memref_slice %arg8[%run_scoped3A, %dma_wait3A_109, %dma_wait3A_110] : memref<2x128x128xf32, #tpu.memory_space<vmem>> -> memref<1x128x128xf32, #tpu.memory_space<vmem>>
      %dma_wait3A_112 = tpu.memref_squeeze %dma_wait3A_111 : memref<1x128x128xf32, #tpu.memory_space<vmem>> -> memref<128x128xf32, #tpu.memory_space<vmem>>
      %dma_wait3A_113 = arith.constant 0 : i32
      %dma_wait3A_114 = tpu.memref_slice %arg9[%add3A_8, %dma_wait3A_113] : memref<10112x128xf32, #tpu.memory_space<vmem_shared>> -> memref<128x128xf32, #tpu.memory_space<vmem_shared>>
      %dma_wait3A_115 = arith.constant 0 : i32
      %dma_wait3A_116 = tpu.memref_slice %arg9[%add3A_8, %dma_wait3A_115] : memref<10112x128xf32, #tpu.memory_space<vmem_shared>> -> memref<128x128xf32, #tpu.memory_space<vmem_shared>>
      %dma_wait3A_117 = arith.constant 0 : i32
      %dma_wait3A_118 = arith.constant 0 : i32
      %dma_wait3A_119 = tpu.memref_slice %arg8[%run_scoped3A, %dma_wait3A_117, %dma_wait3A_118] : memref<2x128x128xf32, #tpu.memory_space<vmem>> -> memref<1x128x128xf32, #tpu.memory_space<vmem>>
      %dma_wait3A_120 = tpu.memref_squeeze %dma_wait3A_119 : memref<1x128x128xf32, #tpu.memory_space<vmem>> -> memref<128x128xf32, #tpu.memory_space<vmem>>
      tpu.wait_dma2 semaphore(%run_scoped3A_96 : memref<!tpu.dma_semaphore, #tpu.memory_space<semaphore_mem>>) src(%dma_wait3A_120 : memref<128x128xf32, #tpu.memory_space<vmem>>) dst(%dma_wait3A_116 : memref<128x128xf32, #tpu.memory_space<vmem_shared>>)
      tpu.yield
    }) : () -> ()
    %add3A_9 = arith.constant 128 : i32
    %add3A_10 = arith.addi %mul3A_6, %add3A_9 : i32
    %run_scoped3A_11 = arith.constant 0 : i32
    "tpu.region"() ({
      %run_scoped3A_96 = tpu.sem_alloc : memref<!tpu.dma_semaphore, #tpu.memory_space<semaphore_mem>>
      %dma_start3A_97 = arith.constant 0 : i32
      %dma_start3A_98 = arith.constant 0 : i32
      %dma_start3A_99 = tpu.memref_slice %arg8[%run_scoped3A_11, %dma_start3A_97, %dma_start3A_98] : memref<2x128x128xf32, #tpu.memory_space<vmem>> -> memref<1x128x128xf32, #tpu.memory_space<vmem>>
      %dma_start3A_100 = tpu.memref_squeeze %dma_start3A_99 : memref<1x128x128xf32, #tpu.memory_space<vmem>> -> memref<128x128xf32, #tpu.memory_space<vmem>>
      %dma_start3A_101 = arith.constant 0 : i32
      %dma_start3A_102 = tpu.memref_slice %arg9[%add3A_10, %dma_start3A_101] : memref<10112x128xf32, #tpu.memory_space<vmem_shared>> -> memref<128x128xf32, #tpu.memory_space<vmem_shared>>
      %dma_start3A_103 = arith.constant 0 : i32
      %dma_start3A_104 = tpu.memref_slice %arg9[%add3A_10, %dma_start3A_103] : memref<10112x128xf32, #tpu.memory_space<vmem_shared>> -> memref<128x128xf32, #tpu.memory_space<vmem_shared>>
      %dma_start3A_105 = arith.constant 0 : i32
      %dma_start3A_106 = arith.constant 0 : i32
      %dma_start3A_107 = tpu.memref_slice %arg8[%run_scoped3A_11, %dma_start3A_105, %dma_start3A_106] : memref<2x128x128xf32, #tpu.memory_space<vmem>> -> memref<1x128x128xf32, #tpu.memory_space<vmem>>
      %dma_start3A_108 = tpu.memref_squeeze %dma_start3A_107 : memref<1x128x128xf32, #tpu.memory_space<vmem>> -> memref<128x128xf32, #tpu.memory_space<vmem>>
      tpu.enqueue_dma source(%dma_start3A_108 : memref<128x128xf32, #tpu.memory_space<vmem>>) target(%dma_start3A_104 : memref<128x128xf32, #tpu.memory_space<vmem_shared>>) target_semaphore(%run_scoped3A_96 : memref<!tpu.dma_semaphore, #tpu.memory_space<semaphore_mem>>)
      %dma_wait3A_109 = arith.constant 0 : i32
      %dma_wait3A_110 = arith.constant 0 : i32
      %dma_wait3A_111 = tpu.memref_slice %arg8[%run_scoped3A_11, %dma_wait3A_109, %dma_wait3A_110] : memref<2x128x128xf32, #tpu.memory_space<vmem>> -> memref<1x128x128xf32, #tpu.memory_space<vmem>>
      %dma_wait3A_112 = tpu.memref_squeeze %dma_wait3A_111 : memref<1x128x128xf32, #tpu.memory_space<vmem>> -> memref<128x128xf32, #tpu.memory_space<vmem>>
      %dma_wait3A_113 = arith.constant 0 : i32
      %dma_wait3A_114 = tpu.memref_slice %arg9[%add3A_10, %dma_wait3A_113] : memref<10112x128xf32, #tpu.memory_space<vmem_shared>> -> memref<128x128xf32, #tpu.memory_space<vmem_shared>>
      %dma_wait3A_115 = arith.constant 0 : i32
      %dma_wait3A_116 = tpu.memref_slice %arg9[%add3A_10, %dma_wait3A_115] : memref<10112x128xf32, #tpu.memory_space<vmem_shared>> -> memref<128x128xf32, #tpu.memory_space<vmem_shared>>
      %dma_wait3A_117 = arith.constant 0 : i32
      %dma_wait3A_118 = arith.constant 0 : i32
      %dma_wait3A_119 = tpu.memref_slice %arg8[%run_scoped3A_11, %dma_wait3A_117, %dma_wait3A_118] : memref<2x128x128xf32, #tpu.memory_space<vmem>> -> memref<1x128x128xf32, #tpu.memory_space<vmem>>
      %dma_wait3A_120 = tpu.memref_squeeze %dma_wait3A_119 : memref<1x128x128xf32, #tpu.memory_space<vmem>> -> memref<128x128xf32, #tpu.memory_space<vmem>>
      tpu.wait_dma2 semaphore(%run_scoped3A_96 : memref<!tpu.dma_semaphore, #tpu.memory_space<semaphore_mem>>) src(%dma_wait3A_120 : memref<128x128xf32, #tpu.memory_space<vmem>>) dst(%dma_wait3A_116 : memref<128x128xf32, #tpu.memory_space<vmem_shared>>)
      tpu.yield
    }) : () -> ()
    %add3A_12 = arith.constant 256 : i32
    %add3A_13 = arith.addi %mul3A_6, %add3A_12 : i32
    %run_scoped3A_14 = arith.constant 0 : i32
    "tpu.region"() ({
      %run_scoped3A_96 = tpu.sem_alloc : memref<!tpu.dma_semaphore, #tpu.memory_space<semaphore_mem>>
      %dma_start3A_97 = arith.constant 0 : i32
      %dma_start3A_98 = arith.constant 0 : i32
      %dma_start3A_99 = tpu.memref_slice %arg8[%run_scoped3A_14, %dma_start3A_97, %dma_start3A_98] : memref<2x128x128xf32, #tpu.memory_space<vmem>> -> memref<1x128x128xf32, #tpu.memory_space<vmem>>
      %dma_start3A_100 = tpu.memref_squeeze %dma_start3A_99 : memref<1x128x128xf32, #tpu.memory_space<vmem>> -> memref<128x128xf32, #tpu.memory_space<vmem>>
      %dma_start3A_101 = arith.constant 0 : i32
      %dma_start3A_102 = tpu.memref_slice %arg9[%add3A_13, %dma_start3A_101] : memref<10112x128xf32, #tpu.memory_space<vmem_shared>> -> memref<128x128xf32, #tpu.memory_space<vmem_shared>>
      %dma_start3A_103 = arith.constant 0 : i32
      %dma_start3A_104 = tpu.memref_slice %arg9[%add3A_13, %dma_start3A_103] : memref<10112x128xf32, #tpu.memory_space<vmem_shared>> -> memref<128x128xf32, #tpu.memory_space<vmem_shared>>
      %dma_start3A_105 = arith.constant 0 : i32
      %dma_start3A_106 = arith.constant 0 : i32
      %dma_start3A_107 = tpu.memref_slice %arg8[%run_scoped3A_14, %dma_start3A_105, %dma_start3A_106] : memref<2x128x128xf32, #tpu.memory_space<vmem>> -> memref<1x128x128xf32, #tpu.memory_space<vmem>>
      %dma_start3A_108 = tpu.memref_squeeze %dma_start3A_107 : memref<1x128x128xf32, #tpu.memory_space<vmem>> -> memref<128x128xf32, #tpu.memory_space<vmem>>
      tpu.enqueue_dma source(%dma_start3A_108 : memref<128x128xf32, #tpu.memory_space<vmem>>) target(%dma_start3A_104 : memref<128x128xf32, #tpu.memory_space<vmem_shared>>) target_semaphore(%run_scoped3A_96 : memref<!tpu.dma_semaphore, #tpu.memory_space<semaphore_mem>>)
      %dma_wait3A_109 = arith.constant 0 : i32
      %dma_wait3A_110 = arith.constant 0 : i32
      %dma_wait3A_111 = tpu.memref_slice %arg8[%run_scoped3A_14, %dma_wait3A_109, %dma_wait3A_110] : memref<2x128x128xf32, #tpu.memory_space<vmem>> -> memref<1x128x128xf32, #tpu.memory_space<vmem>>
      %dma_wait3A_112 = tpu.memref_squeeze %dma_wait3A_111 : memref<1x128x128xf32, #tpu.memory_space<vmem>> -> memref<128x128xf32, #tpu.memory_space<vmem>>
      %dma_wait3A_113 = arith.constant 0 : i32
      %dma_wait3A_114 = tpu.memref_slice %arg9[%add3A_13, %dma_wait3A_113] : memref<10112x128xf32, #tpu.memory_space<vmem_shared>> -> memref<128x128xf32, #tpu.memory_space<vmem_shared>>
      %dma_wait3A_115 = arith.constant 0 : i32
      %dma_wait3A_116 = tpu.memref_slice %arg9[%add3A_13, %dma_wait3A_115] : memref<10112x128xf32, #tpu.memory_space<vmem_shared>> -> memref<128x128xf32, #tpu.memory_space<vmem_shared>>
      %dma_wait3A_117 = arith.constant 0 : i32
      %dma_wait3A_118 = arith.constant 0 : i32
      %dma_wait3A_119 = tpu.memref_slice %arg8[%run_scoped3A_14, %dma_wait3A_117, %dma_wait3A_118] : memref<2x128x128xf32, #tpu.memory_space<vmem>> -> memref<1x128x128xf32, #tpu.memory_space<vmem>>
      %dma_wait3A_120 = tpu.memref_squeeze %dma_wait3A_119 : memref<1x128x128xf32, #tpu.memory_space<vmem>> -> memref<128x128xf32, #tpu.memory_space<vmem>>
      tpu.wait_dma2 semaphore(%run_scoped3A_96 : memref<!tpu.dma_semaphore, #tpu.memory_space<semaphore_mem>>) src(%dma_wait3A_120 : memref<128x128xf32, #tpu.memory_space<vmem>>) dst(%dma_wait3A_116 : memref<128x128xf32, #tpu.memory_space<vmem_shared>>)
      tpu.yield
    }) : () -> ()
    %add3A_15 = arith.constant 384 : i32
    %add3A_16 = arith.addi %mul3A_6, %add3A_15 : i32
    %run_scoped3A_17 = arith.constant 0 : i32
    "tpu.region"() ({
      %run_scoped3A_96 = tpu.sem_alloc : memref<!tpu.dma_semaphore, #tpu.memory_space<semaphore_mem>>
      %dma_start3A_97 = arith.constant 0 : i32
      %dma_start3A_98 = arith.constant 0 : i32
      %dma_start3A_99 = tpu.memref_slice %arg8[%run_scoped3A_17, %dma_start3A_97, %dma_start3A_98] : memref<2x128x128xf32, #tpu.memory_space<vmem>> -> memref<1x128x128xf32, #tpu.memory_space<vmem>>
      %dma_start3A_100 = tpu.memref_squeeze %dma_start3A_99 : memref<1x128x128xf32, #tpu.memory_space<vmem>> -> memref<128x128xf32, #tpu.memory_space<vmem>>
      %dma_start3A_101 = arith.constant 0 : i32
      %dma_start3A_102 = tpu.memref_slice %arg9[%add3A_16, %dma_start3A_101] : memref<10112x128xf32, #tpu.memory_space<vmem_shared>> -> memref<128x128xf32, #tpu.memory_space<vmem_shared>>
      %dma_start3A_103 = arith.constant 0 : i32
      %dma_start3A_104 = tpu.memref_slice %arg9[%add3A_16, %dma_start3A_103] : memref<10112x128xf32, #tpu.memory_space<vmem_shared>> -> memref<128x128xf32, #tpu.memory_space<vmem_shared>>
      %dma_start3A_105 = arith.constant 0 : i32
      %dma_start3A_106 = arith.constant 0 : i32
      %dma_start3A_107 = tpu.memref_slice %arg8[%run_scoped3A_17, %dma_start3A_105, %dma_start3A_106] : memref<2x128x128xf32, #tpu.memory_space<vmem>> -> memref<1x128x128xf32, #tpu.memory_space<vmem>>
      %dma_start3A_108 = tpu.memref_squeeze %dma_start3A_107 : memref<1x128x128xf32, #tpu.memory_space<vmem>> -> memref<128x128xf32, #tpu.memory_space<vmem>>
      tpu.enqueue_dma source(%dma_start3A_108 : memref<128x128xf32, #tpu.memory_space<vmem>>) target(%dma_start3A_104 : memref<128x128xf32, #tpu.memory_space<vmem_shared>>) target_semaphore(%run_scoped3A_96 : memref<!tpu.dma_semaphore, #tpu.memory_space<semaphore_mem>>)
      %dma_wait3A_109 = arith.constant 0 : i32
      %dma_wait3A_110 = arith.constant 0 : i32
      %dma_wait3A_111 = tpu.memref_slice %arg8[%run_scoped3A_17, %dma_wait3A_109, %dma_wait3A_110] : memref<2x128x128xf32, #tpu.memory_space<vmem>> -> memref<1x128x128xf32, #tpu.memory_space<vmem>>
      %dma_wait3A_112 = tpu.memref_squeeze %dma_wait3A_111 : memref<1x128x128xf32, #tpu.memory_space<vmem>> -> memref<128x128xf32, #tpu.memory_space<vmem>>
      %dma_wait3A_113 = arith.constant 0 : i32
      %dma_wait3A_114 = tpu.memref_slice %arg9[%add3A_16, %dma_wait3A_113] : memref<10112x128xf32, #tpu.memory_space<vmem_shared>> -> memref<128x128xf32, #tpu.memory_space<vmem_shared>>
      %dma_wait3A_115 = arith.constant 0 : i32
      %dma_wait3A_116 = tpu.memref_slice %arg9[%add3A_16, %dma_wait3A_115] : memref<10112x128xf32, #tpu.memory_space<vmem_shared>> -> memref<128x128xf32, #tpu.memory_space<vmem_shared>>
      %dma_wait3A_117 = arith.constant 0 : i32
      %dma_wait3A_118 = arith.constant 0 : i32
      %dma_wait3A_119 = tpu.memref_slice %arg8[%run_scoped3A_17, %dma_wait3A_117, %dma_wait3A_118] : memref<2x128x128xf32, #tpu.memory_space<vmem>> -> memref<1x128x128xf32, #tpu.memory_space<vmem>>
      %dma_wait3A_120 = tpu.memref_squeeze %dma_wait3A_119 : memref<1x128x128xf32, #tpu.memory_space<vmem>> -> memref<128x128xf32, #tpu.memory_space<vmem>>
      tpu.wait_dma2 semaphore(%run_scoped3A_96 : memref<!tpu.dma_semaphore, #tpu.memory_space<semaphore_mem>>) src(%dma_wait3A_120 : memref<128x128xf32, #tpu.memory_space<vmem>>) dst(%dma_wait3A_116 : memref<128x128xf32, #tpu.memory_space<vmem_shared>>)
      tpu.yield
    }) : () -> ()
    %add3A_18 = arith.constant 512 : i32
    %add3A_19 = arith.addi %mul3A_6, %add3A_18 : i32
    %run_scoped3A_20 = arith.constant 0 : i32
    "tpu.region"() ({
      %run_scoped3A_96 = tpu.sem_alloc : memref<!tpu.dma_semaphore, #tpu.memory_space<semaphore_mem>>
      %dma_start3A_97 = arith.constant 0 : i32
      %dma_start3A_98 = arith.constant 0 : i32
      %dma_start3A_99 = tpu.memref_slice %arg8[%run_scoped3A_20, %dma_start3A_97, %dma_start3A_98] : memref<2x128x128xf32, #tpu.memory_space<vmem>> -> memref<1x120x128xf32, #tpu.memory_space<vmem>>
      %dma_start3A_100 = tpu.memref_squeeze %dma_start3A_99 : memref<1x120x128xf32, #tpu.memory_space<vmem>> -> memref<120x128xf32, #tpu.memory_space<vmem>>
      %dma_start3A_101 = arith.constant 0 : i32
      %dma_start3A_102 = tpu.memref_slice %arg9[%add3A_19, %dma_start3A_101] : memref<10112x128xf32, #tpu.memory_space<vmem_shared>> -> memref<120x128xf32, #tpu.memory_space<vmem_shared>>
      %dma_start3A_103 = arith.constant 0 : i32
      %dma_start3A_104 = tpu.memref_slice %arg9[%add3A_19, %dma_start3A_103] : memref<10112x128xf32, #tpu.memory_space<vmem_shared>> -> memref<120x128xf32, #tpu.memory_space<vmem_shared>>
      %dma_start3A_105 = arith.constant 0 : i32
      %dma_start3A_106 = arith.constant 0 : i32
      %dma_start3A_107 = tpu.memref_slice %arg8[%run_scoped3A_20, %dma_start3A_105, %dma_start3A_106] : memref<2x128x128xf32, #tpu.memory_space<vmem>> -> memref<1x120x128xf32, #tpu.memory_space<vmem>>
      %dma_start3A_108 = tpu.memref_squeeze %dma_start3A_107 : memref<1x120x128xf32, #tpu.memory_space<vmem>> -> memref<120x128xf32, #tpu.memory_space<vmem>>
      tpu.enqueue_dma source(%dma_start3A_108 : memref<120x128xf32, #tpu.memory_space<vmem>>) target(%dma_start3A_104 : memref<120x128xf32, #tpu.memory_space<vmem_shared>>) target_semaphore(%run_scoped3A_96 : memref<!tpu.dma_semaphore, #tpu.memory_space<semaphore_mem>>)
      %dma_wait3A_109 = arith.constant 0 : i32
      %dma_wait3A_110 = arith.constant 0 : i32
      %dma_wait3A_111 = tpu.memref_slice %arg8[%run_scoped3A_20, %dma_wait3A_109, %dma_wait3A_110] : memref<2x128x128xf32, #tpu.memory_space<vmem>> -> memref<1x120x128xf32, #tpu.memory_space<vmem>>
      %dma_wait3A_112 = tpu.memref_squeeze %dma_wait3A_111 : memref<1x120x128xf32, #tpu.memory_space<vmem>> -> memref<120x128xf32, #tpu.memory_space<vmem>>
      %dma_wait3A_113 = arith.constant 0 : i32
      %dma_wait3A_114 = tpu.memref_slice %arg9[%add3A_19, %dma_wait3A_113] : memref<10112x128xf32, #tpu.memory_space<vmem_shared>> -> memref<120x128xf32, #tpu.memory_space<vmem_shared>>
      %dma_wait3A_115 = arith.constant 0 : i32
      %dma_wait3A_116 = tpu.memref_slice %arg9[%add3A_19, %dma_wait3A_115] : memref<10112x128xf32, #tpu.memory_space<vmem_shared>> -> memref<120x128xf32, #tpu.memory_space<vmem_shared>>
      %dma_wait3A_117 = arith.constant 0 : i32
      %dma_wait3A_118 = arith.constant 0 : i32
      %dma_wait3A_119 = tpu.memref_slice %arg8[%run_scoped3A_20, %dma_wait3A_117, %dma_wait3A_118] : memref<2x128x128xf32, #tpu.memory_space<vmem>> -> memref<1x120x128xf32, #tpu.memory_space<vmem>>
      %dma_wait3A_120 = tpu.memref_squeeze %dma_wait3A_119 : memref<1x120x128xf32, #tpu.memory_space<vmem>> -> memref<120x128xf32, #tpu.memory_space<vmem>>
      tpu.wait_dma2 semaphore(%run_scoped3A_96 : memref<!tpu.dma_semaphore, #tpu.memory_space<semaphore_mem>>) src(%dma_wait3A_120 : memref<120x128xf32, #tpu.memory_space<vmem>>) dst(%dma_wait3A_116 : memref<120x128xf32, #tpu.memory_space<vmem_shared>>)
      tpu.yield
    }) : () -> ()
    %barrier3A = arith.constant 0 : index
    tpu.barrier barrier_id(%barrier3A)
    %mul3A_21 = arith.constant 80 : i32
    %mul3A_22 = arith.muli %add3A, %mul3A_21 : i32
    %add3A_23 = arith.constant 0 : i32
    %add3A_24 = arith.addi %mul3A_22, %add3A_23 : i32
    %add3A_25 = arith.constant 0 : i32
    %add3A_26 = arith.addi %mul3A_22, %add3A_25 : i32
    %dma_start3A = arith.constant 0 : i32
    %dma_start3A_27 = arith.constant 0 : i32
    %dma_start3A_28 = arith.constant 0 : i32
    %dma_start3A_29 = tpu.memref_slice %arg6[%dma_start3A, %dma_start3A_27, %dma_start3A_28] : memref<2x8x128xi32, #tpu.memory_space<vmem>> -> memref<1x8x128xi32, #tpu.memory_space<vmem>>
    %dma_start3A_30 = tpu.memref_squeeze %dma_start3A_29 : memref<1x8x128xi32, #tpu.memory_space<vmem>> -> memref<8x128xi32, #tpu.memory_space<vmem>>
    %dma_start3A_31 = arith.constant 0 : i32
    %dma_start3A_32 = tpu.memref_slice %arg3[%add3A_24, %dma_start3A_31] : memref<2560x128xi32, #tpu.memory_space<hbm>> -> memref<8x128xi32, #tpu.memory_space<hbm>>
    %dma_start3A_33 = arith.constant 0 : i32
    %dma_start3A_34 = arith.constant 0 : i32
    %dma_start3A_35 = tpu.memref_slice %arg6[%dma_start3A, %dma_start3A_33, %dma_start3A_34] : memref<2x8x128xi32, #tpu.memory_space<vmem>> -> memref<1x8x128xi32, #tpu.memory_space<vmem>>
    %dma_start3A_36 = tpu.memref_squeeze %dma_start3A_35 : memref<1x8x128xi32, #tpu.memory_space<vmem>> -> memref<8x128xi32, #tpu.memory_space<vmem>>
    %dma_start3A_37 = arith.constant 0 : i32
    %dma_start3A_38 = tpu.memref_slice %arg3[%add3A_24, %dma_start3A_37] : memref<2560x128xi32, #tpu.memory_space<hbm>> -> memref<8x128xi32, #tpu.memory_space<hbm>>
    tpu.enqueue_dma source(%dma_start3A_38 : memref<8x128xi32, #tpu.memory_space<hbm>>) target(%dma_start3A_36 : memref<8x128xi32, #tpu.memory_space<vmem>>) target_semaphore(%arg12 : memref<!tpu.dma_semaphore, #tpu.memory_space<semaphore_mem>>)
    %dma_wait3A = arith.constant 0 : i32
    %dma_wait3A_39 = arith.constant 0 : i32
    %dma_wait3A_40 = arith.constant 0 : i32
    %dma_wait3A_41 = tpu.memref_slice %arg6[%dma_wait3A, %dma_wait3A_39, %dma_wait3A_40] : memref<2x8x128xi32, #tpu.memory_space<vmem>> -> memref<1x8x128xi32, #tpu.memory_space<vmem>>
    %dma_wait3A_42 = tpu.memref_squeeze %dma_wait3A_41 : memref<1x8x128xi32, #tpu.memory_space<vmem>> -> memref<8x128xi32, #tpu.memory_space<vmem>>
    %dma_wait3A_43 = arith.constant 0 : i32
    %dma_wait3A_44 = tpu.memref_slice %arg3[%add3A_24, %dma_wait3A_43] : memref<2560x128xi32, #tpu.memory_space<hbm>> -> memref<8x128xi32, #tpu.memory_space<hbm>>
    %dma_wait3A_45 = arith.constant 0 : i32
    %dma_wait3A_46 = arith.constant 0 : i32
    %dma_wait3A_47 = tpu.memref_slice %arg6[%dma_wait3A, %dma_wait3A_45, %dma_wait3A_46] : memref<2x8x128xi32, #tpu.memory_space<vmem>> -> memref<1x8x128xi32, #tpu.memory_space<vmem>>
    %dma_wait3A_48 = tpu.memref_squeeze %dma_wait3A_47 : memref<1x8x128xi32, #tpu.memory_space<vmem>> -> memref<8x128xi32, #tpu.memory_space<vmem>>
    %dma_wait3A_49 = arith.constant 0 : i32
    %dma_wait3A_50 = tpu.memref_slice %arg3[%add3A_24, %dma_wait3A_49] : memref<2560x128xi32, #tpu.memory_space<hbm>> -> memref<8x128xi32, #tpu.memory_space<hbm>>
    tpu.wait_dma2 semaphore(%arg12 : memref<!tpu.dma_semaphore, #tpu.memory_space<semaphore_mem>>) src(%dma_wait3A_50 : memref<8x128xi32, #tpu.memory_space<hbm>>) dst(%dma_wait3A_48 : memref<8x128xi32, #tpu.memory_space<vmem>>)
    %dma_start3A_51 = arith.constant 0 : i32
    %dma_start3A_52 = arith.constant 0 : i32
    %dma_start3A_53 = arith.constant 0 : i32
    %dma_start3A_54 = tpu.memref_slice %arg7[%dma_start3A_51, %dma_start3A_52, %dma_start3A_53] : memref<2x8x128xi32, #tpu.memory_space<vmem>> -> memref<1x8x128xi32, #tpu.memory_space<vmem>>
    %dma_start3A_55 = tpu.memref_squeeze %dma_start3A_54 : memref<1x8x128xi32, #tpu.memory_space<vmem>> -> memref<8x128xi32, #tpu.memory_space<vmem>>
    %dma_start3A_56 = arith.constant 0 : i32
    %dma_start3A_57 = tpu.memref_slice %arg4[%add3A_26, %dma_start3A_56] : memref<2560x128xi32, #tpu.memory_space<hbm>> -> memref<8x128xi32, #tpu.memory_space<hbm>>
    %dma_start3A_58 = arith.constant 0 : i32
    %dma_start3A_59 = arith.constant 0 : i32
    %dma_start3A_60 = tpu.memref_slice %arg7[%dma_start3A_51, %dma_start3A_58, %dma_start3A_59] : memref<2x8x128xi32, #tpu.memory_space<vmem>> -> memref<1x8x128xi32, #tpu.memory_space<vmem>>
    %dma_start3A_61 = tpu.memref_squeeze %dma_start3A_60 : memref<1x8x128xi32, #tpu.memory_space<vmem>> -> memref<8x128xi32, #tpu.memory_space<vmem>>
    %dma_start3A_62 = arith.constant 0 : i32
    %dma_start3A_63 = tpu.memref_slice %arg4[%add3A_26, %dma_start3A_62] : memref<2560x128xi32, #tpu.memory_space<hbm>> -> memref<8x128xi32, #tpu.memory_space<hbm>>
    tpu.enqueue_dma source(%dma_start3A_63 : memref<8x128xi32, #tpu.memory_space<hbm>>) target(%dma_start3A_61 : memref<8x128xi32, #tpu.memory_space<vmem>>) target_semaphore(%arg13 : memref<!tpu.dma_semaphore, #tpu.memory_space<semaphore_mem>>)
    %dma_wait3A_64 = arith.constant 0 : i32
    %dma_wait3A_65 = arith.constant 0 : i32
    %dma_wait3A_66 = arith.constant 0 : i32
    %dma_wait3A_67 = tpu.memref_slice %arg7[%dma_wait3A_64, %dma_wait3A_65, %dma_wait3A_66] : memref<2x8x128xi32, #tpu.memory_space<vmem>> -> memref<1x8x128xi32, #tpu.memory_space<vmem>>
    %dma_wait3A_68 = tpu.memref_squeeze %dma_wait3A_67 : memref<1x8x128xi32, #tpu.memory_space<vmem>> -> memref<8x128xi32, #tpu.memory_space<vmem>>
    %dma_wait3A_69 = arith.constant 0 : i32
    %dma_wait3A_70 = tpu.memref_slice %arg4[%add3A_26, %dma_wait3A_69] : memref<2560x128xi32, #tpu.memory_space<hbm>> -> memref<8x128xi32, #tpu.memory_space<hbm>>
    %dma_wait3A_71 = arith.constant 0 : i32
    %dma_wait3A_72 = arith.constant 0 : i32
    %dma_wait3A_73 = tpu.memref_slice %arg7[%dma_wait3A_64, %dma_wait3A_71, %dma_wait3A_72] : memref<2x8x128xi32, #tpu.memory_space<vmem>> -> memref<1x8x128xi32, #tpu.memory_space<vmem>>
    %dma_wait3A_74 = tpu.memref_squeeze %dma_wait3A_73 : memref<1x8x128xi32, #tpu.memory_space<vmem>> -> memref<8x128xi32, #tpu.memory_space<vmem>>
    %dma_wait3A_75 = arith.constant 0 : i32
    %dma_wait3A_76 = tpu.memref_slice %arg4[%add3A_26, %dma_wait3A_75] : memref<2560x128xi32, #tpu.memory_space<hbm>> -> memref<8x128xi32, #tpu.memory_space<hbm>>
    tpu.wait_dma2 semaphore(%arg13 : memref<!tpu.dma_semaphore, #tpu.memory_space<semaphore_mem>>) src(%dma_wait3A_76 : memref<8x128xi32, #tpu.memory_space<hbm>>) dst(%dma_wait3A_74 : memref<8x128xi32, #tpu.memory_space<vmem>>)
    %dma_start3A_77 = arith.constant 0 : i32
    %dma_start3A_78 = arith.constant 0 : i32
    %dma_start3A_79 = arith.constant 0 : i32
    %dma_start3A_80 = arith.constant 0 : i32
    %dma_start3A_81 = arith.constant 0 : i32
    %dma_start3A_82 = tpu.memref_slice %arg8[%dma_start3A_79, %dma_start3A_80, %dma_start3A_81] : memref<2x128x128xf32, #tpu.memory_space<vmem>> -> memref<1x128x128xf32, #tpu.memory_space<vmem>>
    %dma_start3A_83 = tpu.memref_squeeze %dma_start3A_82 : memref<1x128x128xf32, #tpu.memory_space<vmem>> -> memref<128x128xf32, #tpu.memory_space<vmem>>
    %dma_start3A_84 = arith.constant 0 : i32
    %dma_start3A_85 = tpu.memref_slice %arg6[%dma_start3A_77, %dma_start3A_78, %dma_start3A_84] : memref<2x8x128xi32, #tpu.memory_space<vmem>> -> memref<1x1x128xi32, #tpu.memory_space<vmem>>
    %dma_start3A_86 = tpu.memref_squeeze %dma_start3A_85 : memref<1x1x128xi32, #tpu.memory_space<vmem>> -> memref<128xi32, #tpu.memory_space<vmem>>
    %dma_start3A_87 = arith.constant 0 : i32
    %dma_start3A_88 = arith.constant 0 : i32
    %dma_start3A_89 = tpu.memref_slice %arg2[%dma_start3A_87, %dma_start3A_88] : memref<10000x128xf32, #tpu.memory_space<hbm>> -> memref<10000x128xf32, #tpu.memory_space<hbm>>
    tpu.enqueue_indirect_dma source(%dma_start3A_89 : memref<10000x128xf32, #tpu.memory_space<hbm>>) target(%dma_start3A_83 : memref<128x128xf32, #tpu.memory_space<vmem>>) offsets(%dma_start3A_86 : memref<128xi32, #tpu.memory_space<vmem>>) semaphore(%arg10 : memref<!tpu.dma_semaphore, #tpu.memory_space<semaphore_mem>>)
    %scan3A_90 = arith.constant 0 : i32
    %scan3A_91 = arith.constant 5 : i32
    %scan3A_92 = arith.addi %scan3A_90, %scan3A_91 : i32
    %scan3A_93 = arith.constant 1 : i32
    scf.for %scan3A_96 = %scan3A_90 to %scan3A_92 step %scan3A_93  : i32 {
      %mul3A_97 = arith.constant 1 : i32
      %mul3A_98 = arith.muli %scan3A_96, %mul3A_97 : i32
      %add3A_99 = arith.constant 0 : i32
      %add3A_100 = arith.addi %add3A_99, %mul3A_98 : i32
      %mul3A_101 = arith.constant 2 : i32
      %mul3A_102 = arith.muli %mul3A_101, %add3A_100 : i32
      %add3A_103 = arith.constant 0 : i32
      %add3A_104 = arith.addi %mul3A_102, %add3A_103 : i32
      %eq3A = arith.constant 4 : i32
      %eq3A_105 = arith.cmpi eq, %add3A_100, %eq3A : i32
      %and3A = arith.constant false
      %and3A_106 = arith.andi %and3A, %eq3A_105 : i1
      %not3A = arith.constant true
      %not3A_107 = arith.xori %and3A_106, %not3A : i1
      %convert_element_type3A = arith.extui %not3A_107 : i1 to i32
      %cond3A = arith.constant 0 : i32
      %cond3A_108 = arith.cmpi ne, %convert_element_type3A, %cond3A : i32
      scf.if %cond3A_108 {
        %add3A_570 = arith.constant 1 : i32
        %add3A_571 = arith.addi %add3A_104, %add3A_570 : i32
        %mul3A_572 = arith.constant 8 : i32
        %mul3A_573 = arith.muli %add3A_571, %mul3A_572 : i32
        %add3A_574 = arith.addi %mul3A_22, %mul3A_573 : i32
        %mul3A_575 = arith.constant 8 : i32
        %mul3A_576 = arith.muli %add3A_571, %mul3A_575 : i32
        %add3A_577 = arith.addi %mul3A_22, %mul3A_576 : i32
        %dma_start3A_578 = arith.constant 1 : i32
        %dma_start3A_579 = arith.constant 0 : i32
        %dma_start3A_580 = arith.constant 0 : i32
        %dma_start3A_581 = tpu.memref_slice %arg6[%dma_start3A_578, %dma_start3A_579, %dma_start3A_580] : memref<2x8x128xi32, #tpu.memory_space<vmem>> -> memref<1x8x128xi32, #tpu.memory_space<vmem>>
        %dma_start3A_582 = tpu.memref_squeeze %dma_start3A_581 : memref<1x8x128xi32, #tpu.memory_space<vmem>> -> memref<8x128xi32, #tpu.memory_space<vmem>>
        %dma_start3A_583 = arith.constant 0 : i32
        %dma_start3A_584 = tpu.memref_slice %arg3[%add3A_574, %dma_start3A_583] : memref<2560x128xi32, #tpu.memory_space<hbm>> -> memref<8x128xi32, #tpu.memory_space<hbm>>
        %dma_start3A_585 = arith.constant 0 : i32
        %dma_start3A_586 = arith.constant 0 : i32
        %dma_start3A_587 = tpu.memref_slice %arg6[%dma_start3A_578, %dma_start3A_585, %dma_start3A_586] : memref<2x8x128xi32, #tpu.memory_space<vmem>> -> memref<1x8x128xi32, #tpu.memory_space<vmem>>
        %dma_start3A_588 = tpu.memref_squeeze %dma_start3A_587 : memref<1x8x128xi32, #tpu.memory_space<vmem>> -> memref<8x128xi32, #tpu.memory_space<vmem>>
        %dma_start3A_589 = arith.constant 0 : i32
        %dma_start3A_590 = tpu.memref_slice %arg3[%add3A_574, %dma_start3A_589] : memref<2560x128xi32, #tpu.memory_space<hbm>> -> memref<8x128xi32, #tpu.memory_space<hbm>>
        tpu.enqueue_dma source(%dma_start3A_590 : memref<8x128xi32, #tpu.memory_space<hbm>>) target(%dma_start3A_588 : memref<8x128xi32, #tpu.memory_space<vmem>>) target_semaphore(%arg12 : memref<!tpu.dma_semaphore, #tpu.memory_space<semaphore_mem>>)
        %dma_start3A_591 = arith.constant 1 : i32
        %dma_start3A_592 = arith.constant 0 : i32
        %dma_start3A_593 = arith.constant 0 : i32
        %dma_start3A_594 = tpu.memref_slice %arg7[%dma_start3A_591, %dma_start3A_592, %dma_start3A_593] : memref<2x8x128xi32, #tpu.memory_space<vmem>> -> memref<1x8x128xi32, #tpu.memory_space<vmem>>
        %dma_start3A_595 = tpu.memref_squeeze %dma_start3A_594 : memref<1x8x128xi32, #tpu.memory_space<vmem>> -> memref<8x128xi32, #tpu.memory_space<vmem>>
        %dma_start3A_596 = arith.constant 0 : i32
        %dma_start3A_597 = tpu.memref_slice %arg4[%add3A_577, %dma_start3A_596] : memref<2560x128xi32, #tpu.memory_space<hbm>> -> memref<8x128xi32, #tpu.memory_space<hbm>>
        %dma_start3A_598 = arith.constant 0 : i32
        %dma_start3A_599 = arith.constant 0 : i32
        %dma_start3A_600 = tpu.memref_slice %arg7[%dma_start3A_591, %dma_start3A_598, %dma_start3A_599] : memref<2x8x128xi32, #tpu.memory_space<vmem>> -> memref<1x8x128xi32, #tpu.memory_space<vmem>>
        %dma_start3A_601 = tpu.memref_squeeze %dma_start3A_600 : memref<1x8x128xi32, #tpu.memory_space<vmem>> -> memref<8x128xi32, #tpu.memory_space<vmem>>
        %dma_start3A_602 = arith.constant 0 : i32
        %dma_start3A_603 = tpu.memref_slice %arg4[%add3A_577, %dma_start3A_602] : memref<2560x128xi32, #tpu.memory_space<hbm>> -> memref<8x128xi32, #tpu.memory_space<hbm>>
        tpu.enqueue_dma source(%dma_start3A_603 : memref<8x128xi32, #tpu.memory_space<hbm>>) target(%dma_start3A_601 : memref<8x128xi32, #tpu.memory_space<vmem>>) target_semaphore(%arg13 : memref<!tpu.dma_semaphore, #tpu.memory_space<semaphore_mem>>)
      } else {
      }
      %dma_start3A_109 = arith.constant 0 : i32
      %dma_start3A_110 = arith.constant 1 : i32
      %dma_start3A_111 = arith.constant 1 : i32
      %dma_start3A_112 = arith.constant 0 : i32
      %dma_start3A_113 = arith.constant 0 : i32
      %dma_start3A_114 = tpu.memref_slice %arg8[%dma_start3A_111, %dma_start3A_112, %dma_start3A_113] : memref<2x128x128xf32, #tpu.memory_space<vmem>> -> memref<1x128x128xf32, #tpu.memory_space<vmem>>
      %dma_start3A_115 = tpu.memref_squeeze %dma_start3A_114 : memref<1x128x128xf32, #tpu.memory_space<vmem>> -> memref<128x128xf32, #tpu.memory_space<vmem>>
      %dma_start3A_116 = arith.constant 0 : i32
      %dma_start3A_117 = tpu.memref_slice %arg6[%dma_start3A_109, %dma_start3A_110, %dma_start3A_116] : memref<2x8x128xi32, #tpu.memory_space<vmem>> -> memref<1x1x128xi32, #tpu.memory_space<vmem>>
      %dma_start3A_118 = tpu.memref_squeeze %dma_start3A_117 : memref<1x1x128xi32, #tpu.memory_space<vmem>> -> memref<128xi32, #tpu.memory_space<vmem>>
      %dma_start3A_119 = arith.constant 0 : i32
      %dma_start3A_120 = arith.constant 0 : i32
      %dma_start3A_121 = tpu.memref_slice %arg2[%dma_start3A_119, %dma_start3A_120] : memref<10000x128xf32, #tpu.memory_space<hbm>> -> memref<10000x128xf32, #tpu.memory_space<hbm>>
      tpu.enqueue_indirect_dma source(%dma_start3A_121 : memref<10000x128xf32, #tpu.memory_space<hbm>>) target(%dma_start3A_115 : memref<128x128xf32, #tpu.memory_space<vmem>>) offsets(%dma_start3A_118 : memref<128xi32, #tpu.memory_space<vmem>>) semaphore(%arg11 : memref<!tpu.dma_semaphore, #tpu.memory_space<semaphore_mem>>)
      %dma_wait3A_122 = arith.constant 0 : i32
      %dma_wait3A_123 = arith.constant 0 : i32
      %dma_wait3A_124 = arith.constant 0 : i32
      %dma_wait3A_125 = arith.constant 0 : i32
      %dma_wait3A_126 = arith.constant 0 : i32
      %dma_wait3A_127 = tpu.memref_slice %arg8[%dma_wait3A_124, %dma_wait3A_125, %dma_wait3A_126] : memref<2x128x128xf32, #tpu.memory_space<vmem>> -> memref<1x128x128xf32, #tpu.memory_space<vmem>>
      %dma_wait3A_128 = tpu.memref_squeeze %dma_wait3A_127 : memref<1x128x128xf32, #tpu.memory_space<vmem>> -> memref<128x128xf32, #tpu.memory_space<vmem>>
      %dma_wait3A_129 = arith.constant 0 : i32
      %dma_wait3A_130 = tpu.memref_slice %arg6[%dma_wait3A_122, %dma_wait3A_123, %dma_wait3A_129] : memref<2x8x128xi32, #tpu.memory_space<vmem>> -> memref<1x1x128xi32, #tpu.memory_space<vmem>>
      %dma_wait3A_131 = tpu.memref_squeeze %dma_wait3A_130 : memref<1x1x128xi32, #tpu.memory_space<vmem>> -> memref<128xi32, #tpu.memory_space<vmem>>
      %dma_wait3A_132 = arith.constant 0 : i32
      %dma_wait3A_133 = arith.constant 0 : i32
      %dma_wait3A_134 = tpu.memref_slice %arg2[%dma_wait3A_132, %dma_wait3A_133] : memref<10000x128xf32, #tpu.memory_space<hbm>> -> memref<10000x128xf32, #tpu.memory_space<hbm>>
      tpu.wait_indirect_dma semaphore(%arg10 : memref<!tpu.dma_semaphore, #tpu.memory_space<semaphore_mem>>) src(%dma_wait3A_134 : memref<10000x128xf32, #tpu.memory_space<hbm>>) dst(%dma_wait3A_128 : memref<128x128xf32, #tpu.memory_space<vmem>>)
      %run_scoped3A_135 = arith.constant 0 : i32
      %run_scoped3A_136 = arith.constant 0 : i32
      %run_scoped3A_137 = arith.constant 0 : i32
      "tpu.region"() ({
        %run_scoped3A_570 = tpu.sem_alloc : memref<!tpu.dma_semaphore, #tpu.memory_space<semaphore_mem>>
        %dma_start3A_571 = arith.constant 0 : i32
        %dma_start3A_572 = arith.constant 0 : i32
        %dma_start3A_573 = tpu.memref_slice %arg8[%run_scoped3A_135, %dma_start3A_571, %dma_start3A_572] : memref<2x128x128xf32, #tpu.memory_space<vmem>> -> memref<1x128x128xf32, #tpu.memory_space<vmem>>
        %dma_start3A_574 = tpu.memref_squeeze %dma_start3A_573 : memref<1x128x128xf32, #tpu.memory_space<vmem>> -> memref<128x128xf32, #tpu.memory_space<vmem>>
        %dma_start3A_575 = arith.constant 0 : i32
        %dma_start3A_576 = tpu.memref_slice %arg7[%run_scoped3A_136, %run_scoped3A_137, %dma_start3A_575] : memref<2x8x128xi32, #tpu.memory_space<vmem>> -> memref<1x1x128xi32, #tpu.memory_space<vmem>>
        %dma_start3A_577 = tpu.memref_squeeze %dma_start3A_576 : memref<1x1x128xi32, #tpu.memory_space<vmem>> -> memref<128xi32, #tpu.memory_space<vmem>>
        %dma_start3A_578 = arith.constant 0 : i32
        %dma_start3A_579 = arith.constant 0 : i32
        %dma_start3A_580 = tpu.memref_slice %arg9[%dma_start3A_578, %dma_start3A_579] : memref<10112x128xf32, #tpu.memory_space<vmem_shared>> -> memref<10112x128xf32, #tpu.memory_space<vmem_shared>>
        tpu.enqueue_indirect_dma source(%dma_start3A_574 : memref<128x128xf32, #tpu.memory_space<vmem>>) target(%dma_start3A_580 : memref<10112x128xf32, #tpu.memory_space<vmem_shared>>) offsets(%dma_start3A_577 : memref<128xi32, #tpu.memory_space<vmem>>) semaphore(%run_scoped3A_570 : memref<!tpu.dma_semaphore, #tpu.memory_space<semaphore_mem>>) {add = true}
        %dma_wait3A_581 = arith.constant 0 : i32
        %dma_wait3A_582 = arith.constant 0 : i32
        %dma_wait3A_583 = tpu.memref_slice %arg8[%run_scoped3A_135, %dma_wait3A_581, %dma_wait3A_582] : memref<2x128x128xf32, #tpu.memory_space<vmem>> -> memref<1x128x128xf32, #tpu.memory_space<vmem>>
        %dma_wait3A_584 = tpu.memref_squeeze %dma_wait3A_583 : memref<1x128x128xf32, #tpu.memory_space<vmem>> -> memref<128x128xf32, #tpu.memory_space<vmem>>
        %dma_wait3A_585 = arith.constant 0 : i32
        %dma_wait3A_586 = tpu.memref_slice %arg7[%run_scoped3A_136, %run_scoped3A_137, %dma_wait3A_585] : memref<2x8x128xi32, #tpu.memory_space<vmem>> -> memref<1x1x128xi32, #tpu.memory_space<vmem>>
        %dma_wait3A_587 = tpu.memref_squeeze %dma_wait3A_586 : memref<1x1x128xi32, #tpu.memory_space<vmem>> -> memref<128xi32, #tpu.memory_space<vmem>>
        %dma_wait3A_588 = arith.constant 0 : i32
        %dma_wait3A_589 = arith.constant 0 : i32
        %dma_wait3A_590 = tpu.memref_slice %arg9[%dma_wait3A_588, %dma_wait3A_589] : memref<10112x128xf32, #tpu.memory_space<vmem_shared>> -> memref<10112x128xf32, #tpu.memory_space<vmem_shared>>
        tpu.wait_indirect_dma semaphore(%run_scoped3A_570 : memref<!tpu.dma_semaphore, #tpu.memory_space<semaphore_mem>>) src(%dma_wait3A_584 : memref<128x128xf32, #tpu.memory_space<vmem>>) dst(%dma_wait3A_590 : memref<10112x128xf32, #tpu.memory_space<vmem_shared>>)
        tpu.yield
      }) : () -> ()
      %dma_start3A_138 = arith.constant 0 : i32
      %dma_start3A_139 = arith.constant 2 : i32
      %dma_start3A_140 = arith.constant 0 : i32
      %dma_start3A_141 = arith.constant 0 : i32
      %dma_start3A_142 = arith.constant 0 : i32
      %dma_start3A_143 = tpu.memref_slice %arg8[%dma_start3A_140, %dma_start3A_141, %dma_start3A_142] : memref<2x128x128xf32, #tpu.memory_space<vmem>> -> memref<1x128x128xf32, #tpu.memory_space<vmem>>
      %dma_start3A_144 = tpu.memref_squeeze %dma_start3A_143 : memref<1x128x128xf32, #tpu.memory_space<vmem>> -> memref<128x128xf32, #tpu.memory_space<vmem>>
      %dma_start3A_145 = arith.constant 0 : i32
      %dma_start3A_146 = tpu.memref_slice %arg6[%dma_start3A_138, %dma_start3A_139, %dma_start3A_145] : memref<2x8x128xi32, #tpu.memory_space<vmem>> -> memref<1x1x128xi32, #tpu.memory_space<vmem>>
      %dma_start3A_147 = tpu.memref_squeeze %dma_start3A_146 : memref<1x1x128xi32, #tpu.memory_space<vmem>> -> memref<128xi32, #tpu.memory_space<vmem>>
      %dma_start3A_148 = arith.constant 0 : i32
      %dma_start3A_149 = arith.constant 0 : i32
      %dma_start3A_150 = tpu.memref_slice %arg2[%dma_start3A_148, %dma_start3A_149] : memref<10000x128xf32, #tpu.memory_space<hbm>> -> memref<10000x128xf32, #tpu.memory_space<hbm>>
      tpu.enqueue_indirect_dma source(%dma_start3A_150 : memref<10000x128xf32, #tpu.memory_space<hbm>>) target(%dma_start3A_144 : memref<128x128xf32, #tpu.memory_space<vmem>>) offsets(%dma_start3A_147 : memref<128xi32, #tpu.memory_space<vmem>>) semaphore(%arg10 : memref<!tpu.dma_semaphore, #tpu.memory_space<semaphore_mem>>)
      %dma_wait3A_151 = arith.constant 0 : i32
      %dma_wait3A_152 = arith.constant 0 : i32
      %dma_wait3A_153 = arith.constant 1 : i32
      %dma_wait3A_154 = arith.constant 0 : i32
      %dma_wait3A_155 = arith.constant 0 : i32
      %dma_wait3A_156 = tpu.memref_slice %arg8[%dma_wait3A_153, %dma_wait3A_154, %dma_wait3A_155] : memref<2x128x128xf32, #tpu.memory_space<vmem>> -> memref<1x128x128xf32, #tpu.memory_space<vmem>>
      %dma_wait3A_157 = tpu.memref_squeeze %dma_wait3A_156 : memref<1x128x128xf32, #tpu.memory_space<vmem>> -> memref<128x128xf32, #tpu.memory_space<vmem>>
      %dma_wait3A_158 = arith.constant 0 : i32
      %dma_wait3A_159 = tpu.memref_slice %arg6[%dma_wait3A_151, %dma_wait3A_152, %dma_wait3A_158] : memref<2x8x128xi32, #tpu.memory_space<vmem>> -> memref<1x1x128xi32, #tpu.memory_space<vmem>>
      %dma_wait3A_160 = tpu.memref_squeeze %dma_wait3A_159 : memref<1x1x128xi32, #tpu.memory_space<vmem>> -> memref<128xi32, #tpu.memory_space<vmem>>
      %dma_wait3A_161 = arith.constant 0 : i32
      %dma_wait3A_162 = arith.constant 0 : i32
      %dma_wait3A_163 = tpu.memref_slice %arg2[%dma_wait3A_161, %dma_wait3A_162] : memref<10000x128xf32, #tpu.memory_space<hbm>> -> memref<10000x128xf32, #tpu.memory_space<hbm>>
      tpu.wait_indirect_dma semaphore(%arg11 : memref<!tpu.dma_semaphore, #tpu.memory_space<semaphore_mem>>) src(%dma_wait3A_163 : memref<10000x128xf32, #tpu.memory_space<hbm>>) dst(%dma_wait3A_157 : memref<128x128xf32, #tpu.memory_space<vmem>>)
      %run_scoped3A_164 = arith.constant 1 : i32
      %run_scoped3A_165 = arith.constant 0 : i32
      %run_scoped3A_166 = arith.constant 1 : i32
      "tpu.region"() ({
        %run_scoped3A_570 = tpu.sem_alloc : memref<!tpu.dma_semaphore, #tpu.memory_space<semaphore_mem>>
        %dma_start3A_571 = arith.constant 0 : i32
        %dma_start3A_572 = arith.constant 0 : i32
        %dma_start3A_573 = tpu.memref_slice %arg8[%run_scoped3A_164, %dma_start3A_571, %dma_start3A_572] : memref<2x128x128xf32, #tpu.memory_space<vmem>> -> memref<1x128x128xf32, #tpu.memory_space<vmem>>
        %dma_start3A_574 = tpu.memref_squeeze %dma_start3A_573 : memref<1x128x128xf32, #tpu.memory_space<vmem>> -> memref<128x128xf32, #tpu.memory_space<vmem>>
        %dma_start3A_575 = arith.constant 0 : i32
        %dma_start3A_576 = tpu.memref_slice %arg7[%run_scoped3A_165, %run_scoped3A_166, %dma_start3A_575] : memref<2x8x128xi32, #tpu.memory_space<vmem>> -> memref<1x1x128xi32, #tpu.memory_space<vmem>>
        %dma_start3A_577 = tpu.memref_squeeze %dma_start3A_576 : memref<1x1x128xi32, #tpu.memory_space<vmem>> -> memref<128xi32, #tpu.memory_space<vmem>>
        %dma_start3A_578 = arith.constant 0 : i32
        %dma_start3A_579 = arith.constant 0 : i32
        %dma_start3A_580 = tpu.memref_slice %arg9[%dma_start3A_578, %dma_start3A_579] : memref<10112x128xf32, #tpu.memory_space<vmem_shared>> -> memref<10112x128xf32, #tpu.memory_space<vmem_shared>>
        tpu.enqueue_indirect_dma source(%dma_start3A_574 : memref<128x128xf32, #tpu.memory_space<vmem>>) target(%dma_start3A_580 : memref<10112x128xf32, #tpu.memory_space<vmem_shared>>) offsets(%dma_start3A_577 : memref<128xi32, #tpu.memory_space<vmem>>) semaphore(%run_scoped3A_570 : memref<!tpu.dma_semaphore, #tpu.memory_space<semaphore_mem>>) {add = true}
        %dma_wait3A_581 = arith.constant 0 : i32
        %dma_wait3A_582 = arith.constant 0 : i32
        %dma_wait3A_583 = tpu.memref_slice %arg8[%run_scoped3A_164, %dma_wait3A_581, %dma_wait3A_582] : memref<2x128x128xf32, #tpu.memory_space<vmem>> -> memref<1x128x128xf32, #tpu.memory_space<vmem>>
        %dma_wait3A_584 = tpu.memref_squeeze %dma_wait3A_583 : memref<1x128x128xf32, #tpu.memory_space<vmem>> -> memref<128x128xf32, #tpu.memory_space<vmem>>
        %dma_wait3A_585 = arith.constant 0 : i32
        %dma_wait3A_586 = tpu.memref_slice %arg7[%run_scoped3A_165, %run_scoped3A_166, %dma_wait3A_585] : memref<2x8x128xi32, #tpu.memory_space<vmem>> -> memref<1x1x128xi32, #tpu.memory_space<vmem>>
        %dma_wait3A_587 = tpu.memref_squeeze %dma_wait3A_586 : memref<1x1x128xi32, #tpu.memory_space<vmem>> -> memref<128xi32, #tpu.memory_space<vmem>>
        %dma_wait3A_588 = arith.constant 0 : i32
        %dma_wait3A_589 = arith.constant 0 : i32
        %dma_wait3A_590 = tpu.memref_slice %arg9[%dma_wait3A_588, %dma_wait3A_589] : memref<10112x128xf32, #tpu.memory_space<vmem_shared>> -> memref<10112x128xf32, #tpu.memory_space<vmem_shared>>
        tpu.wait_indirect_dma semaphore(%run_scoped3A_570 : memref<!tpu.dma_semaphore, #tpu.memory_space<semaphore_mem>>) src(%dma_wait3A_584 : memref<128x128xf32, #tpu.memory_space<vmem>>) dst(%dma_wait3A_590 : memref<10112x128xf32, #tpu.memory_space<vmem_shared>>)
        tpu.yield
      }) : () -> ()
      %dma_start3A_167 = arith.constant 0 : i32
      %dma_start3A_168 = arith.constant 3 : i32
      %dma_start3A_169 = arith.constant 1 : i32
      %dma_start3A_170 = arith.constant 0 : i32
      %dma_start3A_171 = arith.constant 0 : i32
      %dma_start3A_172 = tpu.memref_slice %arg8[%dma_start3A_169, %dma_start3A_170, %dma_start3A_171] : memref<2x128x128xf32, #tpu.memory_space<vmem>> -> memref<1x128x128xf32, #tpu.memory_space<vmem>>
      %dma_start3A_173 = tpu.memref_squeeze %dma_start3A_172 : memref<1x128x128xf32, #tpu.memory_space<vmem>> -> memref<128x128xf32, #tpu.memory_space<vmem>>
      %dma_start3A_174 = arith.constant 0 : i32
      %dma_start3A_175 = tpu.memref_slice %arg6[%dma_start3A_167, %dma_start3A_168, %dma_start3A_174] : memref<2x8x128xi32, #tpu.memory_space<vmem>> -> memref<1x1x128xi32, #tpu.memory_space<vmem>>
      %dma_start3A_176 = tpu.memref_squeeze %dma_start3A_175 : memref<1x1x128xi32, #tpu.memory_space<vmem>> -> memref<128xi32, #tpu.memory_space<vmem>>
      %dma_start3A_177 = arith.constant 0 : i32
      %dma_start3A_178 = arith.constant 0 : i32
      %dma_start3A_179 = tpu.memref_slice %arg2[%dma_start3A_177, %dma_start3A_178] : memref<10000x128xf32, #tpu.memory_space<hbm>> -> memref<10000x128xf32, #tpu.memory_space<hbm>>
      tpu.enqueue_indirect_dma source(%dma_start3A_179 : memref<10000x128xf32, #tpu.memory_space<hbm>>) target(%dma_start3A_173 : memref<128x128xf32, #tpu.memory_space<vmem>>) offsets(%dma_start3A_176 : memref<128xi32, #tpu.memory_space<vmem>>) semaphore(%arg11 : memref<!tpu.dma_semaphore, #tpu.memory_space<semaphore_mem>>)
      %dma_wait3A_180 = arith.constant 0 : i32
      %dma_wait3A_181 = arith.constant 0 : i32
      %dma_wait3A_182 = arith.constant 0 : i32
      %dma_wait3A_183 = arith.constant 0 : i32
      %dma_wait3A_184 = arith.constant 0 : i32
      %dma_wait3A_185 = tpu.memref_slice %arg8[%dma_wait3A_182, %dma_wait3A_183, %dma_wait3A_184] : memref<2x128x128xf32, #tpu.memory_space<vmem>> -> memref<1x128x128xf32, #tpu.memory_space<vmem>>
      %dma_wait3A_186 = tpu.memref_squeeze %dma_wait3A_185 : memref<1x128x128xf32, #tpu.memory_space<vmem>> -> memref<128x128xf32, #tpu.memory_space<vmem>>
      %dma_wait3A_187 = arith.constant 0 : i32
      %dma_wait3A_188 = tpu.memref_slice %arg6[%dma_wait3A_180, %dma_wait3A_181, %dma_wait3A_187] : memref<2x8x128xi32, #tpu.memory_space<vmem>> -> memref<1x1x128xi32, #tpu.memory_space<vmem>>
      %dma_wait3A_189 = tpu.memref_squeeze %dma_wait3A_188 : memref<1x1x128xi32, #tpu.memory_space<vmem>> -> memref<128xi32, #tpu.memory_space<vmem>>
      %dma_wait3A_190 = arith.constant 0 : i32
      %dma_wait3A_191 = arith.constant 0 : i32
      %dma_wait3A_192 = tpu.memref_slice %arg2[%dma_wait3A_190, %dma_wait3A_191] : memref<10000x128xf32, #tpu.memory_space<hbm>> -> memref<10000x128xf32, #tpu.memory_space<hbm>>
      tpu.wait_indirect_dma semaphore(%arg10 : memref<!tpu.dma_semaphore, #tpu.memory_space<semaphore_mem>>) src(%dma_wait3A_192 : memref<10000x128xf32, #tpu.memory_space<hbm>>) dst(%dma_wait3A_186 : memref<128x128xf32, #tpu.memory_space<vmem>>)
      %run_scoped3A_193 = arith.constant 0 : i32
      %run_scoped3A_194 = arith.constant 0 : i32
      %run_scoped3A_195 = arith.constant 2 : i32
      "tpu.region"() ({
        %run_scoped3A_570 = tpu.sem_alloc : memref<!tpu.dma_semaphore, #tpu.memory_space<semaphore_mem>>
        %dma_start3A_571 = arith.constant 0 : i32
        %dma_start3A_572 = arith.constant 0 : i32
        %dma_start3A_573 = tpu.memref_slice %arg8[%run_scoped3A_193, %dma_start3A_571, %dma_start3A_572] : memref<2x128x128xf32, #tpu.memory_space<vmem>> -> memref<1x128x128xf32, #tpu.memory_space<vmem>>
        %dma_start3A_574 = tpu.memref_squeeze %dma_start3A_573 : memref<1x128x128xf32, #tpu.memory_space<vmem>> -> memref<128x128xf32, #tpu.memory_space<vmem>>
        %dma_start3A_575 = arith.constant 0 : i32
        %dma_start3A_576 = tpu.memref_slice %arg7[%run_scoped3A_194, %run_scoped3A_195, %dma_start3A_575] : memref<2x8x128xi32, #tpu.memory_space<vmem>> -> memref<1x1x128xi32, #tpu.memory_space<vmem>>
        %dma_start3A_577 = tpu.memref_squeeze %dma_start3A_576 : memref<1x1x128xi32, #tpu.memory_space<vmem>> -> memref<128xi32, #tpu.memory_space<vmem>>
        %dma_start3A_578 = arith.constant 0 : i32
        %dma_start3A_579 = arith.constant 0 : i32
        %dma_start3A_580 = tpu.memref_slice %arg9[%dma_start3A_578, %dma_start3A_579] : memref<10112x128xf32, #tpu.memory_space<vmem_shared>> -> memref<10112x128xf32, #tpu.memory_space<vmem_shared>>
        tpu.enqueue_indirect_dma source(%dma_start3A_574 : memref<128x128xf32, #tpu.memory_space<vmem>>) target(%dma_start3A_580 : memref<10112x128xf32, #tpu.memory_space<vmem_shared>>) offsets(%dma_start3A_577 : memref<128xi32, #tpu.memory_space<vmem>>) semaphore(%run_scoped3A_570 : memref<!tpu.dma_semaphore, #tpu.memory_space<semaphore_mem>>) {add = true}
        %dma_wait3A_581 = arith.constant 0 : i32
        %dma_wait3A_582 = arith.constant 0 : i32
        %dma_wait3A_583 = tpu.memref_slice %arg8[%run_scoped3A_193, %dma_wait3A_581, %dma_wait3A_582] : memref<2x128x128xf32, #tpu.memory_space<vmem>> -> memref<1x128x128xf32, #tpu.memory_space<vmem>>
        %dma_wait3A_584 = tpu.memref_squeeze %dma_wait3A_583 : memref<1x128x128xf32, #tpu.memory_space<vmem>> -> memref<128x128xf32, #tpu.memory_space<vmem>>
        %dma_wait3A_585 = arith.constant 0 : i32
        %dma_wait3A_586 = tpu.memref_slice %arg7[%run_scoped3A_194, %run_scoped3A_195, %dma_wait3A_585] : memref<2x8x128xi32, #tpu.memory_space<vmem>> -> memref<1x1x128xi32, #tpu.memory_space<vmem>>
        %dma_wait3A_587 = tpu.memref_squeeze %dma_wait3A_586 : memref<1x1x128xi32, #tpu.memory_space<vmem>> -> memref<128xi32, #tpu.memory_space<vmem>>
        %dma_wait3A_588 = arith.constant 0 : i32
        %dma_wait3A_589 = arith.constant 0 : i32
        %dma_wait3A_590 = tpu.memref_slice %arg9[%dma_wait3A_588, %dma_wait3A_589] : memref<10112x128xf32, #tpu.memory_space<vmem_shared>> -> memref<10112x128xf32, #tpu.memory_space<vmem_shared>>
        tpu.wait_indirect_dma semaphore(%run_scoped3A_570 : memref<!tpu.dma_semaphore, #tpu.memory_space<semaphore_mem>>) src(%dma_wait3A_584 : memref<128x128xf32, #tpu.memory_space<vmem>>) dst(%dma_wait3A_590 : memref<10112x128xf32, #tpu.memory_space<vmem_shared>>)
        tpu.yield
      }) : () -> ()
      %dma_start3A_196 = arith.constant 0 : i32
      %dma_start3A_197 = arith.constant 4 : i32
      %dma_start3A_198 = arith.constant 0 : i32
      %dma_start3A_199 = arith.constant 0 : i32
      %dma_start3A_200 = arith.constant 0 : i32
      %dma_start3A_201 = tpu.memref_slice %arg8[%dma_start3A_198, %dma_start3A_199, %dma_start3A_200] : memref<2x128x128xf32, #tpu.memory_space<vmem>> -> memref<1x128x128xf32, #tpu.memory_space<vmem>>
      %dma_start3A_202 = tpu.memref_squeeze %dma_start3A_201 : memref<1x128x128xf32, #tpu.memory_space<vmem>> -> memref<128x128xf32, #tpu.memory_space<vmem>>
      %dma_start3A_203 = arith.constant 0 : i32
      %dma_start3A_204 = tpu.memref_slice %arg6[%dma_start3A_196, %dma_start3A_197, %dma_start3A_203] : memref<2x8x128xi32, #tpu.memory_space<vmem>> -> memref<1x1x128xi32, #tpu.memory_space<vmem>>
      %dma_start3A_205 = tpu.memref_squeeze %dma_start3A_204 : memref<1x1x128xi32, #tpu.memory_space<vmem>> -> memref<128xi32, #tpu.memory_space<vmem>>
      %dma_start3A_206 = arith.constant 0 : i32
      %dma_start3A_207 = arith.constant 0 : i32
      %dma_start3A_208 = tpu.memref_slice %arg2[%dma_start3A_206, %dma_start3A_207] : memref<10000x128xf32, #tpu.memory_space<hbm>> -> memref<10000x128xf32, #tpu.memory_space<hbm>>
      tpu.enqueue_indirect_dma source(%dma_start3A_208 : memref<10000x128xf32, #tpu.memory_space<hbm>>) target(%dma_start3A_202 : memref<128x128xf32, #tpu.memory_space<vmem>>) offsets(%dma_start3A_205 : memref<128xi32, #tpu.memory_space<vmem>>) semaphore(%arg10 : memref<!tpu.dma_semaphore, #tpu.memory_space<semaphore_mem>>)
      %dma_wait3A_209 = arith.constant 0 : i32
      %dma_wait3A_210 = arith.constant 0 : i32
      %dma_wait3A_211 = arith.constant 1 : i32
      %dma_wait3A_212 = arith.constant 0 : i32
      %dma_wait3A_213 = arith.constant 0 : i32
      %dma_wait3A_214 = tpu.memref_slice %arg8[%dma_wait3A_211, %dma_wait3A_212, %dma_wait3A_213] : memref<2x128x128xf32, #tpu.memory_space<vmem>> -> memref<1x128x128xf32, #tpu.memory_space<vmem>>
      %dma_wait3A_215 = tpu.memref_squeeze %dma_wait3A_214 : memref<1x128x128xf32, #tpu.memory_space<vmem>> -> memref<128x128xf32, #tpu.memory_space<vmem>>
      %dma_wait3A_216 = arith.constant 0 : i32
      %dma_wait3A_217 = tpu.memref_slice %arg6[%dma_wait3A_209, %dma_wait3A_210, %dma_wait3A_216] : memref<2x8x128xi32, #tpu.memory_space<vmem>> -> memref<1x1x128xi32, #tpu.memory_space<vmem>>
      %dma_wait3A_218 = tpu.memref_squeeze %dma_wait3A_217 : memref<1x1x128xi32, #tpu.memory_space<vmem>> -> memref<128xi32, #tpu.memory_space<vmem>>
      %dma_wait3A_219 = arith.constant 0 : i32
      %dma_wait3A_220 = arith.constant 0 : i32
      %dma_wait3A_221 = tpu.memref_slice %arg2[%dma_wait3A_219, %dma_wait3A_220] : memref<10000x128xf32, #tpu.memory_space<hbm>> -> memref<10000x128xf32, #tpu.memory_space<hbm>>
      tpu.wait_indirect_dma semaphore(%arg11 : memref<!tpu.dma_semaphore, #tpu.memory_space<semaphore_mem>>) src(%dma_wait3A_221 : memref<10000x128xf32, #tpu.memory_space<hbm>>) dst(%dma_wait3A_215 : memref<128x128xf32, #tpu.memory_space<vmem>>)
      %run_scoped3A_222 = arith.constant 1 : i32
      %run_scoped3A_223 = arith.constant 0 : i32
      %run_scoped3A_224 = arith.constant 3 : i32
      "tpu.region"() ({
        %run_scoped3A_570 = tpu.sem_alloc : memref<!tpu.dma_semaphore, #tpu.memory_space<semaphore_mem>>
        %dma_start3A_571 = arith.constant 0 : i32
        %dma_start3A_572 = arith.constant 0 : i32
        %dma_start3A_573 = tpu.memref_slice %arg8[%run_scoped3A_222, %dma_start3A_571, %dma_start3A_572] : memref<2x128x128xf32, #tpu.memory_space<vmem>> -> memref<1x128x128xf32, #tpu.memory_space<vmem>>
        %dma_start3A_574 = tpu.memref_squeeze %dma_start3A_573 : memref<1x128x128xf32, #tpu.memory_space<vmem>> -> memref<128x128xf32, #tpu.memory_space<vmem>>
        %dma_start3A_575 = arith.constant 0 : i32
        %dma_start3A_576 = tpu.memref_slice %arg7[%run_scoped3A_223, %run_scoped3A_224, %dma_start3A_575] : memref<2x8x128xi32, #tpu.memory_space<vmem>> -> memref<1x1x128xi32, #tpu.memory_space<vmem>>
        %dma_start3A_577 = tpu.memref_squeeze %dma_start3A_576 : memref<1x1x128xi32, #tpu.memory_space<vmem>> -> memref<128xi32, #tpu.memory_space<vmem>>
        %dma_start3A_578 = arith.constant 0 : i32
        %dma_start3A_579 = arith.constant 0 : i32
        %dma_start3A_580 = tpu.memref_slice %arg9[%dma_start3A_578, %dma_start3A_579] : memref<10112x128xf32, #tpu.memory_space<vmem_shared>> -> memref<10112x128xf32, #tpu.memory_space<vmem_shared>>
        tpu.enqueue_indirect_dma source(%dma_start3A_574 : memref<128x128xf32, #tpu.memory_space<vmem>>) target(%dma_start3A_580 : memref<10112x128xf32, #tpu.memory_space<vmem_shared>>) offsets(%dma_start3A_577 : memref<128xi32, #tpu.memory_space<vmem>>) semaphore(%run_scoped3A_570 : memref<!tpu.dma_semaphore, #tpu.memory_space<semaphore_mem>>) {add = true}
        %dma_wait3A_581 = arith.constant 0 : i32
        %dma_wait3A_582 = arith.constant 0 : i32
        %dma_wait3A_583 = tpu.memref_slice %arg8[%run_scoped3A_222, %dma_wait3A_581, %dma_wait3A_582] : memref<2x128x128xf32, #tpu.memory_space<vmem>> -> memref<1x128x128xf32, #tpu.memory_space<vmem>>
        %dma_wait3A_584 = tpu.memref_squeeze %dma_wait3A_583 : memref<1x128x128xf32, #tpu.memory_space<vmem>> -> memref<128x128xf32, #tpu.memory_space<vmem>>
        %dma_wait3A_585 = arith.constant 0 : i32
        %dma_wait3A_586 = tpu.memref_slice %arg7[%run_scoped3A_223, %run_scoped3A_224, %dma_wait3A_585] : memref<2x8x128xi32, #tpu.memory_space<vmem>> -> memref<1x1x128xi32, #tpu.memory_space<vmem>>
        %dma_wait3A_587 = tpu.memref_squeeze %dma_wait3A_586 : memref<1x1x128xi32, #tpu.memory_space<vmem>> -> memref<128xi32, #tpu.memory_space<vmem>>
        %dma_wait3A_588 = arith.constant 0 : i32
        %dma_wait3A_589 = arith.constant 0 : i32
        %dma_wait3A_590 = tpu.memref_slice %arg9[%dma_wait3A_588, %dma_wait3A_589] : memref<10112x128xf32, #tpu.memory_space<vmem_shared>> -> memref<10112x128xf32, #tpu.memory_space<vmem_shared>>
        tpu.wait_indirect_dma semaphore(%run_scoped3A_570 : memref<!tpu.dma_semaphore, #tpu.memory_space<semaphore_mem>>) src(%dma_wait3A_584 : memref<128x128xf32, #tpu.memory_space<vmem>>) dst(%dma_wait3A_590 : memref<10112x128xf32, #tpu.memory_space<vmem_shared>>)
        tpu.yield
      }) : () -> ()
      %dma_start3A_225 = arith.constant 0 : i32
      %dma_start3A_226 = arith.constant 5 : i32
      %dma_start3A_227 = arith.constant 1 : i32
      %dma_start3A_228 = arith.constant 0 : i32
      %dma_start3A_229 = arith.constant 0 : i32
      %dma_start3A_230 = tpu.memref_slice %arg8[%dma_start3A_227, %dma_start3A_228, %dma_start3A_229] : memref<2x128x128xf32, #tpu.memory_space<vmem>> -> memref<1x128x128xf32, #tpu.memory_space<vmem>>
      %dma_start3A_231 = tpu.memref_squeeze %dma_start3A_230 : memref<1x128x128xf32, #tpu.memory_space<vmem>> -> memref<128x128xf32, #tpu.memory_space<vmem>>
      %dma_start3A_232 = arith.constant 0 : i32
      %dma_start3A_233 = tpu.memref_slice %arg6[%dma_start3A_225, %dma_start3A_226, %dma_start3A_232] : memref<2x8x128xi32, #tpu.memory_space<vmem>> -> memref<1x1x128xi32, #tpu.memory_space<vmem>>
      %dma_start3A_234 = tpu.memref_squeeze %dma_start3A_233 : memref<1x1x128xi32, #tpu.memory_space<vmem>> -> memref<128xi32, #tpu.memory_space<vmem>>
      %dma_start3A_235 = arith.constant 0 : i32
      %dma_start3A_236 = arith.constant 0 : i32
      %dma_start3A_237 = tpu.memref_slice %arg2[%dma_start3A_235, %dma_start3A_236] : memref<10000x128xf32, #tpu.memory_space<hbm>> -> memref<10000x128xf32, #tpu.memory_space<hbm>>
      tpu.enqueue_indirect_dma source(%dma_start3A_237 : memref<10000x128xf32, #tpu.memory_space<hbm>>) target(%dma_start3A_231 : memref<128x128xf32, #tpu.memory_space<vmem>>) offsets(%dma_start3A_234 : memref<128xi32, #tpu.memory_space<vmem>>) semaphore(%arg11 : memref<!tpu.dma_semaphore, #tpu.memory_space<semaphore_mem>>)
      %dma_wait3A_238 = arith.constant 0 : i32
      %dma_wait3A_239 = arith.constant 0 : i32
      %dma_wait3A_240 = arith.constant 0 : i32
      %dma_wait3A_241 = arith.constant 0 : i32
      %dma_wait3A_242 = arith.constant 0 : i32
      %dma_wait3A_243 = tpu.memref_slice %arg8[%dma_wait3A_240, %dma_wait3A_241, %dma_wait3A_242] : memref<2x128x128xf32, #tpu.memory_space<vmem>> -> memref<1x128x128xf32, #tpu.memory_space<vmem>>
      %dma_wait3A_244 = tpu.memref_squeeze %dma_wait3A_243 : memref<1x128x128xf32, #tpu.memory_space<vmem>> -> memref<128x128xf32, #tpu.memory_space<vmem>>
      %dma_wait3A_245 = arith.constant 0 : i32
      %dma_wait3A_246 = tpu.memref_slice %arg6[%dma_wait3A_238, %dma_wait3A_239, %dma_wait3A_245] : memref<2x8x128xi32, #tpu.memory_space<vmem>> -> memref<1x1x128xi32, #tpu.memory_space<vmem>>
      %dma_wait3A_247 = tpu.memref_squeeze %dma_wait3A_246 : memref<1x1x128xi32, #tpu.memory_space<vmem>> -> memref<128xi32, #tpu.memory_space<vmem>>
      %dma_wait3A_248 = arith.constant 0 : i32
      %dma_wait3A_249 = arith.constant 0 : i32
      %dma_wait3A_250 = tpu.memref_slice %arg2[%dma_wait3A_248, %dma_wait3A_249] : memref<10000x128xf32, #tpu.memory_space<hbm>> -> memref<10000x128xf32, #tpu.memory_space<hbm>>
      tpu.wait_indirect_dma semaphore(%arg10 : memref<!tpu.dma_semaphore, #tpu.memory_space<semaphore_mem>>) src(%dma_wait3A_250 : memref<10000x128xf32, #tpu.memory_space<hbm>>) dst(%dma_wait3A_244 : memref<128x128xf32, #tpu.memory_space<vmem>>)
      %run_scoped3A_251 = arith.constant 0 : i32
      %run_scoped3A_252 = arith.constant 0 : i32
      %run_scoped3A_253 = arith.constant 4 : i32
      "tpu.region"() ({
        %run_scoped3A_570 = tpu.sem_alloc : memref<!tpu.dma_semaphore, #tpu.memory_space<semaphore_mem>>
        %dma_start3A_571 = arith.constant 0 : i32
        %dma_start3A_572 = arith.constant 0 : i32
        %dma_start3A_573 = tpu.memref_slice %arg8[%run_scoped3A_251, %dma_start3A_571, %dma_start3A_572] : memref<2x128x128xf32, #tpu.memory_space<vmem>> -> memref<1x128x128xf32, #tpu.memory_space<vmem>>
        %dma_start3A_574 = tpu.memref_squeeze %dma_start3A_573 : memref<1x128x128xf32, #tpu.memory_space<vmem>> -> memref<128x128xf32, #tpu.memory_space<vmem>>
        %dma_start3A_575 = arith.constant 0 : i32
        %dma_start3A_576 = tpu.memref_slice %arg7[%run_scoped3A_252, %run_scoped3A_253, %dma_start3A_575] : memref<2x8x128xi32, #tpu.memory_space<vmem>> -> memref<1x1x128xi32, #tpu.memory_space<vmem>>
        %dma_start3A_577 = tpu.memref_squeeze %dma_start3A_576 : memref<1x1x128xi32, #tpu.memory_space<vmem>> -> memref<128xi32, #tpu.memory_space<vmem>>
        %dma_start3A_578 = arith.constant 0 : i32
        %dma_start3A_579 = arith.constant 0 : i32
        %dma_start3A_580 = tpu.memref_slice %arg9[%dma_start3A_578, %dma_start3A_579] : memref<10112x128xf32, #tpu.memory_space<vmem_shared>> -> memref<10112x128xf32, #tpu.memory_space<vmem_shared>>
        tpu.enqueue_indirect_dma source(%dma_start3A_574 : memref<128x128xf32, #tpu.memory_space<vmem>>) target(%dma_start3A_580 : memref<10112x128xf32, #tpu.memory_space<vmem_shared>>) offsets(%dma_start3A_577 : memref<128xi32, #tpu.memory_space<vmem>>) semaphore(%run_scoped3A_570 : memref<!tpu.dma_semaphore, #tpu.memory_space<semaphore_mem>>) {add = true}
        %dma_wait3A_581 = arith.constant 0 : i32
        %dma_wait3A_582 = arith.constant 0 : i32
        %dma_wait3A_583 = tpu.memref_slice %arg8[%run_scoped3A_251, %dma_wait3A_581, %dma_wait3A_582] : memref<2x128x128xf32, #tpu.memory_space<vmem>> -> memref<1x128x128xf32, #tpu.memory_space<vmem>>
        %dma_wait3A_584 = tpu.memref_squeeze %dma_wait3A_583 : memref<1x128x128xf32, #tpu.memory_space<vmem>> -> memref<128x128xf32, #tpu.memory_space<vmem>>
        %dma_wait3A_585 = arith.constant 0 : i32
        %dma_wait3A_586 = tpu.memref_slice %arg7[%run_scoped3A_252, %run_scoped3A_253, %dma_wait3A_585] : memref<2x8x128xi32, #tpu.memory_space<vmem>> -> memref<1x1x128xi32, #tpu.memory_space<vmem>>
        %dma_wait3A_587 = tpu.memref_squeeze %dma_wait3A_586 : memref<1x1x128xi32, #tpu.memory_space<vmem>> -> memref<128xi32, #tpu.memory_space<vmem>>
        %dma_wait3A_588 = arith.constant 0 : i32
        %dma_wait3A_589 = arith.constant 0 : i32
        %dma_wait3A_590 = tpu.memref_slice %arg9[%dma_wait3A_588, %dma_wait3A_589] : memref<10112x128xf32, #tpu.memory_space<vmem_shared>> -> memref<10112x128xf32, #tpu.memory_space<vmem_shared>>
        tpu.wait_indirect_dma semaphore(%run_scoped3A_570 : memref<!tpu.dma_semaphore, #tpu.memory_space<semaphore_mem>>) src(%dma_wait3A_584 : memref<128x128xf32, #tpu.memory_space<vmem>>) dst(%dma_wait3A_590 : memref<10112x128xf32, #tpu.memory_space<vmem_shared>>)
        tpu.yield
      }) : () -> ()
      %dma_start3A_254 = arith.constant 0 : i32
      %dma_start3A_255 = arith.constant 6 : i32
      %dma_start3A_256 = arith.constant 0 : i32
      %dma_start3A_257 = arith.constant 0 : i32
      %dma_start3A_258 = arith.constant 0 : i32
      %dma_start3A_259 = tpu.memref_slice %arg8[%dma_start3A_256, %dma_start3A_257, %dma_start3A_258] : memref<2x128x128xf32, #tpu.memory_space<vmem>> -> memref<1x128x128xf32, #tpu.memory_space<vmem>>
      %dma_start3A_260 = tpu.memref_squeeze %dma_start3A_259 : memref<1x128x128xf32, #tpu.memory_space<vmem>> -> memref<128x128xf32, #tpu.memory_space<vmem>>
      %dma_start3A_261 = arith.constant 0 : i32
      %dma_start3A_262 = tpu.memref_slice %arg6[%dma_start3A_254, %dma_start3A_255, %dma_start3A_261] : memref<2x8x128xi32, #tpu.memory_space<vmem>> -> memref<1x1x128xi32, #tpu.memory_space<vmem>>
      %dma_start3A_263 = tpu.memref_squeeze %dma_start3A_262 : memref<1x1x128xi32, #tpu.memory_space<vmem>> -> memref<128xi32, #tpu.memory_space<vmem>>
      %dma_start3A_264 = arith.constant 0 : i32
      %dma_start3A_265 = arith.constant 0 : i32
      %dma_start3A_266 = tpu.memref_slice %arg2[%dma_start3A_264, %dma_start3A_265] : memref<10000x128xf32, #tpu.memory_space<hbm>> -> memref<10000x128xf32, #tpu.memory_space<hbm>>
      tpu.enqueue_indirect_dma source(%dma_start3A_266 : memref<10000x128xf32, #tpu.memory_space<hbm>>) target(%dma_start3A_260 : memref<128x128xf32, #tpu.memory_space<vmem>>) offsets(%dma_start3A_263 : memref<128xi32, #tpu.memory_space<vmem>>) semaphore(%arg10 : memref<!tpu.dma_semaphore, #tpu.memory_space<semaphore_mem>>)
      %dma_wait3A_267 = arith.constant 0 : i32
      %dma_wait3A_268 = arith.constant 0 : i32
      %dma_wait3A_269 = arith.constant 1 : i32
      %dma_wait3A_270 = arith.constant 0 : i32
      %dma_wait3A_271 = arith.constant 0 : i32
      %dma_wait3A_272 = tpu.memref_slice %arg8[%dma_wait3A_269, %dma_wait3A_270, %dma_wait3A_271] : memref<2x128x128xf32, #tpu.memory_space<vmem>> -> memref<1x128x128xf32, #tpu.memory_space<vmem>>
      %dma_wait3A_273 = tpu.memref_squeeze %dma_wait3A_272 : memref<1x128x128xf32, #tpu.memory_space<vmem>> -> memref<128x128xf32, #tpu.memory_space<vmem>>
      %dma_wait3A_274 = arith.constant 0 : i32
      %dma_wait3A_275 = tpu.memref_slice %arg6[%dma_wait3A_267, %dma_wait3A_268, %dma_wait3A_274] : memref<2x8x128xi32, #tpu.memory_space<vmem>> -> memref<1x1x128xi32, #tpu.memory_space<vmem>>
      %dma_wait3A_276 = tpu.memref_squeeze %dma_wait3A_275 : memref<1x1x128xi32, #tpu.memory_space<vmem>> -> memref<128xi32, #tpu.memory_space<vmem>>
      %dma_wait3A_277 = arith.constant 0 : i32
      %dma_wait3A_278 = arith.constant 0 : i32
      %dma_wait3A_279 = tpu.memref_slice %arg2[%dma_wait3A_277, %dma_wait3A_278] : memref<10000x128xf32, #tpu.memory_space<hbm>> -> memref<10000x128xf32, #tpu.memory_space<hbm>>
      tpu.wait_indirect_dma semaphore(%arg11 : memref<!tpu.dma_semaphore, #tpu.memory_space<semaphore_mem>>) src(%dma_wait3A_279 : memref<10000x128xf32, #tpu.memory_space<hbm>>) dst(%dma_wait3A_273 : memref<128x128xf32, #tpu.memory_space<vmem>>)
      %run_scoped3A_280 = arith.constant 1 : i32
      %run_scoped3A_281 = arith.constant 0 : i32
      %run_scoped3A_282 = arith.constant 5 : i32
      "tpu.region"() ({
        %run_scoped3A_570 = tpu.sem_alloc : memref<!tpu.dma_semaphore, #tpu.memory_space<semaphore_mem>>
        %dma_start3A_571 = arith.constant 0 : i32
        %dma_start3A_572 = arith.constant 0 : i32
        %dma_start3A_573 = tpu.memref_slice %arg8[%run_scoped3A_280, %dma_start3A_571, %dma_start3A_572] : memref<2x128x128xf32, #tpu.memory_space<vmem>> -> memref<1x128x128xf32, #tpu.memory_space<vmem>>
        %dma_start3A_574 = tpu.memref_squeeze %dma_start3A_573 : memref<1x128x128xf32, #tpu.memory_space<vmem>> -> memref<128x128xf32, #tpu.memory_space<vmem>>
        %dma_start3A_575 = arith.constant 0 : i32
        %dma_start3A_576 = tpu.memref_slice %arg7[%run_scoped3A_281, %run_scoped3A_282, %dma_start3A_575] : memref<2x8x128xi32, #tpu.memory_space<vmem>> -> memref<1x1x128xi32, #tpu.memory_space<vmem>>
        %dma_start3A_577 = tpu.memref_squeeze %dma_start3A_576 : memref<1x1x128xi32, #tpu.memory_space<vmem>> -> memref<128xi32, #tpu.memory_space<vmem>>
        %dma_start3A_578 = arith.constant 0 : i32
        %dma_start3A_579 = arith.constant 0 : i32
        %dma_start3A_580 = tpu.memref_slice %arg9[%dma_start3A_578, %dma_start3A_579] : memref<10112x128xf32, #tpu.memory_space<vmem_shared>> -> memref<10112x128xf32, #tpu.memory_space<vmem_shared>>
        tpu.enqueue_indirect_dma source(%dma_start3A_574 : memref<128x128xf32, #tpu.memory_space<vmem>>) target(%dma_start3A_580 : memref<10112x128xf32, #tpu.memory_space<vmem_shared>>) offsets(%dma_start3A_577 : memref<128xi32, #tpu.memory_space<vmem>>) semaphore(%run_scoped3A_570 : memref<!tpu.dma_semaphore, #tpu.memory_space<semaphore_mem>>) {add = true}
        %dma_wait3A_581 = arith.constant 0 : i32
        %dma_wait3A_582 = arith.constant 0 : i32
        %dma_wait3A_583 = tpu.memref_slice %arg8[%run_scoped3A_280, %dma_wait3A_581, %dma_wait3A_582] : memref<2x128x128xf32, #tpu.memory_space<vmem>> -> memref<1x128x128xf32, #tpu.memory_space<vmem>>
        %dma_wait3A_584 = tpu.memref_squeeze %dma_wait3A_583 : memref<1x128x128xf32, #tpu.memory_space<vmem>> -> memref<128x128xf32, #tpu.memory_space<vmem>>
        %dma_wait3A_585 = arith.constant 0 : i32
        %dma_wait3A_586 = tpu.memref_slice %arg7[%run_scoped3A_281, %run_scoped3A_282, %dma_wait3A_585] : memref<2x8x128xi32, #tpu.memory_space<vmem>> -> memref<1x1x128xi32, #tpu.memory_space<vmem>>
        %dma_wait3A_587 = tpu.memref_squeeze %dma_wait3A_586 : memref<1x1x128xi32, #tpu.memory_space<vmem>> -> memref<128xi32, #tpu.memory_space<vmem>>
        %dma_wait3A_588 = arith.constant 0 : i32
        %dma_wait3A_589 = arith.constant 0 : i32
        %dma_wait3A_590 = tpu.memref_slice %arg9[%dma_wait3A_588, %dma_wait3A_589] : memref<10112x128xf32, #tpu.memory_space<vmem_shared>> -> memref<10112x128xf32, #tpu.memory_space<vmem_shared>>
        tpu.wait_indirect_dma semaphore(%run_scoped3A_570 : memref<!tpu.dma_semaphore, #tpu.memory_space<semaphore_mem>>) src(%dma_wait3A_584 : memref<128x128xf32, #tpu.memory_space<vmem>>) dst(%dma_wait3A_590 : memref<10112x128xf32, #tpu.memory_space<vmem_shared>>)
        tpu.yield
      }) : () -> ()
      %dma_start3A_283 = arith.constant 0 : i32
      %dma_start3A_284 = arith.constant 7 : i32
      %dma_start3A_285 = arith.constant 1 : i32
      %dma_start3A_286 = arith.constant 0 : i32
      %dma_start3A_287 = arith.constant 0 : i32
      %dma_start3A_288 = tpu.memref_slice %arg8[%dma_start3A_285, %dma_start3A_286, %dma_start3A_287] : memref<2x128x128xf32, #tpu.memory_space<vmem>> -> memref<1x128x128xf32, #tpu.memory_space<vmem>>
      %dma_start3A_289 = tpu.memref_squeeze %dma_start3A_288 : memref<1x128x128xf32, #tpu.memory_space<vmem>> -> memref<128x128xf32, #tpu.memory_space<vmem>>
      %dma_start3A_290 = arith.constant 0 : i32
      %dma_start3A_291 = tpu.memref_slice %arg6[%dma_start3A_283, %dma_start3A_284, %dma_start3A_290] : memref<2x8x128xi32, #tpu.memory_space<vmem>> -> memref<1x1x128xi32, #tpu.memory_space<vmem>>
      %dma_start3A_292 = tpu.memref_squeeze %dma_start3A_291 : memref<1x1x128xi32, #tpu.memory_space<vmem>> -> memref<128xi32, #tpu.memory_space<vmem>>
      %dma_start3A_293 = arith.constant 0 : i32
      %dma_start3A_294 = arith.constant 0 : i32
      %dma_start3A_295 = tpu.memref_slice %arg2[%dma_start3A_293, %dma_start3A_294] : memref<10000x128xf32, #tpu.memory_space<hbm>> -> memref<10000x128xf32, #tpu.memory_space<hbm>>
      tpu.enqueue_indirect_dma source(%dma_start3A_295 : memref<10000x128xf32, #tpu.memory_space<hbm>>) target(%dma_start3A_289 : memref<128x128xf32, #tpu.memory_space<vmem>>) offsets(%dma_start3A_292 : memref<128xi32, #tpu.memory_space<vmem>>) semaphore(%arg11 : memref<!tpu.dma_semaphore, #tpu.memory_space<semaphore_mem>>)
      %dma_wait3A_296 = arith.constant 0 : i32
      %dma_wait3A_297 = arith.constant 0 : i32
      %dma_wait3A_298 = arith.constant 0 : i32
      %dma_wait3A_299 = arith.constant 0 : i32
      %dma_wait3A_300 = arith.constant 0 : i32
      %dma_wait3A_301 = tpu.memref_slice %arg8[%dma_wait3A_298, %dma_wait3A_299, %dma_wait3A_300] : memref<2x128x128xf32, #tpu.memory_space<vmem>> -> memref<1x128x128xf32, #tpu.memory_space<vmem>>
      %dma_wait3A_302 = tpu.memref_squeeze %dma_wait3A_301 : memref<1x128x128xf32, #tpu.memory_space<vmem>> -> memref<128x128xf32, #tpu.memory_space<vmem>>
      %dma_wait3A_303 = arith.constant 0 : i32
      %dma_wait3A_304 = tpu.memref_slice %arg6[%dma_wait3A_296, %dma_wait3A_297, %dma_wait3A_303] : memref<2x8x128xi32, #tpu.memory_space<vmem>> -> memref<1x1x128xi32, #tpu.memory_space<vmem>>
      %dma_wait3A_305 = tpu.memref_squeeze %dma_wait3A_304 : memref<1x1x128xi32, #tpu.memory_space<vmem>> -> memref<128xi32, #tpu.memory_space<vmem>>
      %dma_wait3A_306 = arith.constant 0 : i32
      %dma_wait3A_307 = arith.constant 0 : i32
      %dma_wait3A_308 = tpu.memref_slice %arg2[%dma_wait3A_306, %dma_wait3A_307] : memref<10000x128xf32, #tpu.memory_space<hbm>> -> memref<10000x128xf32, #tpu.memory_space<hbm>>
      tpu.wait_indirect_dma semaphore(%arg10 : memref<!tpu.dma_semaphore, #tpu.memory_space<semaphore_mem>>) src(%dma_wait3A_308 : memref<10000x128xf32, #tpu.memory_space<hbm>>) dst(%dma_wait3A_302 : memref<128x128xf32, #tpu.memory_space<vmem>>)
      %run_scoped3A_309 = arith.constant 0 : i32
      %run_scoped3A_310 = arith.constant 0 : i32
      %run_scoped3A_311 = arith.constant 6 : i32
      "tpu.region"() ({
        %run_scoped3A_570 = tpu.sem_alloc : memref<!tpu.dma_semaphore, #tpu.memory_space<semaphore_mem>>
        %dma_start3A_571 = arith.constant 0 : i32
        %dma_start3A_572 = arith.constant 0 : i32
        %dma_start3A_573 = tpu.memref_slice %arg8[%run_scoped3A_309, %dma_start3A_571, %dma_start3A_572] : memref<2x128x128xf32, #tpu.memory_space<vmem>> -> memref<1x128x128xf32, #tpu.memory_space<vmem>>
        %dma_start3A_574 = tpu.memref_squeeze %dma_start3A_573 : memref<1x128x128xf32, #tpu.memory_space<vmem>> -> memref<128x128xf32, #tpu.memory_space<vmem>>
        %dma_start3A_575 = arith.constant 0 : i32
        %dma_start3A_576 = tpu.memref_slice %arg7[%run_scoped3A_310, %run_scoped3A_311, %dma_start3A_575] : memref<2x8x128xi32, #tpu.memory_space<vmem>> -> memref<1x1x128xi32, #tpu.memory_space<vmem>>
        %dma_start3A_577 = tpu.memref_squeeze %dma_start3A_576 : memref<1x1x128xi32, #tpu.memory_space<vmem>> -> memref<128xi32, #tpu.memory_space<vmem>>
        %dma_start3A_578 = arith.constant 0 : i32
        %dma_start3A_579 = arith.constant 0 : i32
        %dma_start3A_580 = tpu.memref_slice %arg9[%dma_start3A_578, %dma_start3A_579] : memref<10112x128xf32, #tpu.memory_space<vmem_shared>> -> memref<10112x128xf32, #tpu.memory_space<vmem_shared>>
        tpu.enqueue_indirect_dma source(%dma_start3A_574 : memref<128x128xf32, #tpu.memory_space<vmem>>) target(%dma_start3A_580 : memref<10112x128xf32, #tpu.memory_space<vmem_shared>>) offsets(%dma_start3A_577 : memref<128xi32, #tpu.memory_space<vmem>>) semaphore(%run_scoped3A_570 : memref<!tpu.dma_semaphore, #tpu.memory_space<semaphore_mem>>) {add = true}
        %dma_wait3A_581 = arith.constant 0 : i32
        %dma_wait3A_582 = arith.constant 0 : i32
        %dma_wait3A_583 = tpu.memref_slice %arg8[%run_scoped3A_309, %dma_wait3A_581, %dma_wait3A_582] : memref<2x128x128xf32, #tpu.memory_space<vmem>> -> memref<1x128x128xf32, #tpu.memory_space<vmem>>
        %dma_wait3A_584 = tpu.memref_squeeze %dma_wait3A_583 : memref<1x128x128xf32, #tpu.memory_space<vmem>> -> memref<128x128xf32, #tpu.memory_space<vmem>>
        %dma_wait3A_585 = arith.constant 0 : i32
        %dma_wait3A_586 = tpu.memref_slice %arg7[%run_scoped3A_310, %run_scoped3A_311, %dma_wait3A_585] : memref<2x8x128xi32, #tpu.memory_space<vmem>> -> memref<1x1x128xi32, #tpu.memory_space<vmem>>
        %dma_wait3A_587 = tpu.memref_squeeze %dma_wait3A_586 : memref<1x1x128xi32, #tpu.memory_space<vmem>> -> memref<128xi32, #tpu.memory_space<vmem>>
        %dma_wait3A_588 = arith.constant 0 : i32
        %dma_wait3A_589 = arith.constant 0 : i32
        %dma_wait3A_590 = tpu.memref_slice %arg9[%dma_wait3A_588, %dma_wait3A_589] : memref<10112x128xf32, #tpu.memory_space<vmem_shared>> -> memref<10112x128xf32, #tpu.memory_space<vmem_shared>>
        tpu.wait_indirect_dma semaphore(%run_scoped3A_570 : memref<!tpu.dma_semaphore, #tpu.memory_space<semaphore_mem>>) src(%dma_wait3A_584 : memref<128x128xf32, #tpu.memory_space<vmem>>) dst(%dma_wait3A_590 : memref<10112x128xf32, #tpu.memory_space<vmem_shared>>)
        tpu.yield
      }) : () -> ()
      %not3A_312 = arith.constant true
      %not3A_313 = arith.xori %and3A_106, %not3A_312 : i1
      %convert_element_type3A_314 = arith.extui %not3A_313 : i1 to i32
      %cond3A_315 = arith.constant 0 : i32
      %cond3A_316 = arith.cmpi ne, %convert_element_type3A_314, %cond3A_315 : i32
      scf.if %cond3A_316 {
        %add3A_570 = arith.constant 1 : i32
        %add3A_571 = arith.addi %add3A_104, %add3A_570 : i32
        %mul3A_572 = arith.constant 8 : i32
        %mul3A_573 = arith.muli %add3A_571, %mul3A_572 : i32
        %add3A_574 = arith.addi %mul3A_22, %mul3A_573 : i32
        %mul3A_575 = arith.constant 8 : i32
        %mul3A_576 = arith.muli %add3A_571, %mul3A_575 : i32
        %add3A_577 = arith.addi %mul3A_22, %mul3A_576 : i32
        %dma_wait3A_578 = arith.constant 1 : i32
        %dma_wait3A_579 = arith.constant 0 : i32
        %dma_wait3A_580 = arith.constant 0 : i32
        %dma_wait3A_581 = tpu.memref_slice %arg6[%dma_wait3A_578, %dma_wait3A_579, %dma_wait3A_580] : memref<2x8x128xi32, #tpu.memory_space<vmem>> -> memref<1x8x128xi32, #tpu.memory_space<vmem>>
        %dma_wait3A_582 = tpu.memref_squeeze %dma_wait3A_581 : memref<1x8x128xi32, #tpu.memory_space<vmem>> -> memref<8x128xi32, #tpu.memory_space<vmem>>
        %dma_wait3A_583 = arith.constant 0 : i32
        %dma_wait3A_584 = tpu.memref_slice %arg3[%add3A_574, %dma_wait3A_583] : memref<2560x128xi32, #tpu.memory_space<hbm>> -> memref<8x128xi32, #tpu.memory_space<hbm>>
        %dma_wait3A_585 = arith.constant 0 : i32
        %dma_wait3A_586 = arith.constant 0 : i32
        %dma_wait3A_587 = tpu.memref_slice %arg6[%dma_wait3A_578, %dma_wait3A_585, %dma_wait3A_586] : memref<2x8x128xi32, #tpu.memory_space<vmem>> -> memref<1x8x128xi32, #tpu.memory_space<vmem>>
        %dma_wait3A_588 = tpu.memref_squeeze %dma_wait3A_587 : memref<1x8x128xi32, #tpu.memory_space<vmem>> -> memref<8x128xi32, #tpu.memory_space<vmem>>
        %dma_wait3A_589 = arith.constant 0 : i32
        %dma_wait3A_590 = tpu.memref_slice %arg3[%add3A_574, %dma_wait3A_589] : memref<2560x128xi32, #tpu.memory_space<hbm>> -> memref<8x128xi32, #tpu.memory_space<hbm>>
        tpu.wait_dma2 semaphore(%arg12 : memref<!tpu.dma_semaphore, #tpu.memory_space<semaphore_mem>>) src(%dma_wait3A_590 : memref<8x128xi32, #tpu.memory_space<hbm>>) dst(%dma_wait3A_588 : memref<8x128xi32, #tpu.memory_space<vmem>>)
        %dma_wait3A_591 = arith.constant 1 : i32
        %dma_wait3A_592 = arith.constant 0 : i32
        %dma_wait3A_593 = arith.constant 0 : i32
        %dma_wait3A_594 = tpu.memref_slice %arg7[%dma_wait3A_591, %dma_wait3A_592, %dma_wait3A_593] : memref<2x8x128xi32, #tpu.memory_space<vmem>> -> memref<1x8x128xi32, #tpu.memory_space<vmem>>
        %dma_wait3A_595 = tpu.memref_squeeze %dma_wait3A_594 : memref<1x8x128xi32, #tpu.memory_space<vmem>> -> memref<8x128xi32, #tpu.memory_space<vmem>>
        %dma_wait3A_596 = arith.constant 0 : i32
        %dma_wait3A_597 = tpu.memref_slice %arg4[%add3A_577, %dma_wait3A_596] : memref<2560x128xi32, #tpu.memory_space<hbm>> -> memref<8x128xi32, #tpu.memory_space<hbm>>
        %dma_wait3A_598 = arith.constant 0 : i32
        %dma_wait3A_599 = arith.constant 0 : i32
        %dma_wait3A_600 = tpu.memref_slice %arg7[%dma_wait3A_591, %dma_wait3A_598, %dma_wait3A_599] : memref<2x8x128xi32, #tpu.memory_space<vmem>> -> memref<1x8x128xi32, #tpu.memory_space<vmem>>
        %dma_wait3A_601 = tpu.memref_squeeze %dma_wait3A_600 : memref<1x8x128xi32, #tpu.memory_space<vmem>> -> memref<8x128xi32, #tpu.memory_space<vmem>>
        %dma_wait3A_602 = arith.constant 0 : i32
        %dma_wait3A_603 = tpu.memref_slice %arg4[%add3A_577, %dma_wait3A_602] : memref<2560x128xi32, #tpu.memory_space<hbm>> -> memref<8x128xi32, #tpu.memory_space<hbm>>
        tpu.wait_dma2 semaphore(%arg13 : memref<!tpu.dma_semaphore, #tpu.memory_space<semaphore_mem>>) src(%dma_wait3A_603 : memref<8x128xi32, #tpu.memory_space<hbm>>) dst(%dma_wait3A_601 : memref<8x128xi32, #tpu.memory_space<vmem>>)
        %dma_start3A_604 = arith.constant 1 : i32
        %dma_start3A_605 = arith.constant 0 : i32
        %dma_start3A_606 = arith.constant 0 : i32
        %dma_start3A_607 = arith.constant 0 : i32
        %dma_start3A_608 = arith.constant 0 : i32
        %dma_start3A_609 = tpu.memref_slice %arg8[%dma_start3A_606, %dma_start3A_607, %dma_start3A_608] : memref<2x128x128xf32, #tpu.memory_space<vmem>> -> memref<1x128x128xf32, #tpu.memory_space<vmem>>
        %dma_start3A_610 = tpu.memref_squeeze %dma_start3A_609 : memref<1x128x128xf32, #tpu.memory_space<vmem>> -> memref<128x128xf32, #tpu.memory_space<vmem>>
        %dma_start3A_611 = arith.constant 0 : i32
        %dma_start3A_612 = tpu.memref_slice %arg6[%dma_start3A_604, %dma_start3A_605, %dma_start3A_611] : memref<2x8x128xi32, #tpu.memory_space<vmem>> -> memref<1x1x128xi32, #tpu.memory_space<vmem>>
        %dma_start3A_613 = tpu.memref_squeeze %dma_start3A_612 : memref<1x1x128xi32, #tpu.memory_space<vmem>> -> memref<128xi32, #tpu.memory_space<vmem>>
        %dma_start3A_614 = arith.constant 0 : i32
        %dma_start3A_615 = arith.constant 0 : i32
        %dma_start3A_616 = tpu.memref_slice %arg2[%dma_start3A_614, %dma_start3A_615] : memref<10000x128xf32, #tpu.memory_space<hbm>> -> memref<10000x128xf32, #tpu.memory_space<hbm>>
        tpu.enqueue_indirect_dma source(%dma_start3A_616 : memref<10000x128xf32, #tpu.memory_space<hbm>>) target(%dma_start3A_610 : memref<128x128xf32, #tpu.memory_space<vmem>>) offsets(%dma_start3A_613 : memref<128xi32, #tpu.memory_space<vmem>>) semaphore(%arg10 : memref<!tpu.dma_semaphore, #tpu.memory_space<semaphore_mem>>)
      } else {
      }
      %dma_wait3A_317 = arith.constant 0 : i32
      %dma_wait3A_318 = arith.constant 0 : i32
      %dma_wait3A_319 = arith.constant 1 : i32
      %dma_wait3A_320 = arith.constant 0 : i32
      %dma_wait3A_321 = arith.constant 0 : i32
      %dma_wait3A_322 = tpu.memref_slice %arg8[%dma_wait3A_319, %dma_wait3A_320, %dma_wait3A_321] : memref<2x128x128xf32, #tpu.memory_space<vmem>> -> memref<1x128x128xf32, #tpu.memory_space<vmem>>
      %dma_wait3A_323 = tpu.memref_squeeze %dma_wait3A_322 : memref<1x128x128xf32, #tpu.memory_space<vmem>> -> memref<128x128xf32, #tpu.memory_space<vmem>>
      %dma_wait3A_324 = arith.constant 0 : i32
      %dma_wait3A_325 = tpu.memref_slice %arg6[%dma_wait3A_317, %dma_wait3A_318, %dma_wait3A_324] : memref<2x8x128xi32, #tpu.memory_space<vmem>> -> memref<1x1x128xi32, #tpu.memory_space<vmem>>
      %dma_wait3A_326 = tpu.memref_squeeze %dma_wait3A_325 : memref<1x1x128xi32, #tpu.memory_space<vmem>> -> memref<128xi32, #tpu.memory_space<vmem>>
      %dma_wait3A_327 = arith.constant 0 : i32
      %dma_wait3A_328 = arith.constant 0 : i32
      %dma_wait3A_329 = tpu.memref_slice %arg2[%dma_wait3A_327, %dma_wait3A_328] : memref<10000x128xf32, #tpu.memory_space<hbm>> -> memref<10000x128xf32, #tpu.memory_space<hbm>>
      tpu.wait_indirect_dma semaphore(%arg11 : memref<!tpu.dma_semaphore, #tpu.memory_space<semaphore_mem>>) src(%dma_wait3A_329 : memref<10000x128xf32, #tpu.memory_space<hbm>>) dst(%dma_wait3A_323 : memref<128x128xf32, #tpu.memory_space<vmem>>)
      %run_scoped3A_330 = arith.constant 1 : i32
      %run_scoped3A_331 = arith.constant 0 : i32
      %run_scoped3A_332 = arith.constant 7 : i32
      "tpu.region"() ({
        %run_scoped3A_570 = tpu.sem_alloc : memref<!tpu.dma_semaphore, #tpu.memory_space<semaphore_mem>>
        %dma_start3A_571 = arith.constant 0 : i32
        %dma_start3A_572 = arith.constant 0 : i32
        %dma_start3A_573 = tpu.memref_slice %arg8[%run_scoped3A_330, %dma_start3A_571, %dma_start3A_572] : memref<2x128x128xf32, #tpu.memory_space<vmem>> -> memref<1x128x128xf32, #tpu.memory_space<vmem>>
        %dma_start3A_574 = tpu.memref_squeeze %dma_start3A_573 : memref<1x128x128xf32, #tpu.memory_space<vmem>> -> memref<128x128xf32, #tpu.memory_space<vmem>>
        %dma_start3A_575 = arith.constant 0 : i32
        %dma_start3A_576 = tpu.memref_slice %arg7[%run_scoped3A_331, %run_scoped3A_332, %dma_start3A_575] : memref<2x8x128xi32, #tpu.memory_space<vmem>> -> memref<1x1x128xi32, #tpu.memory_space<vmem>>
        %dma_start3A_577 = tpu.memref_squeeze %dma_start3A_576 : memref<1x1x128xi32, #tpu.memory_space<vmem>> -> memref<128xi32, #tpu.memory_space<vmem>>
        %dma_start3A_578 = arith.constant 0 : i32
        %dma_start3A_579 = arith.constant 0 : i32
        %dma_start3A_580 = tpu.memref_slice %arg9[%dma_start3A_578, %dma_start3A_579] : memref<10112x128xf32, #tpu.memory_space<vmem_shared>> -> memref<10112x128xf32, #tpu.memory_space<vmem_shared>>
        tpu.enqueue_indirect_dma source(%dma_start3A_574 : memref<128x128xf32, #tpu.memory_space<vmem>>) target(%dma_start3A_580 : memref<10112x128xf32, #tpu.memory_space<vmem_shared>>) offsets(%dma_start3A_577 : memref<128xi32, #tpu.memory_space<vmem>>) semaphore(%run_scoped3A_570 : memref<!tpu.dma_semaphore, #tpu.memory_space<semaphore_mem>>) {add = true}
        %dma_wait3A_581 = arith.constant 0 : i32
        %dma_wait3A_582 = arith.constant 0 : i32
        %dma_wait3A_583 = tpu.memref_slice %arg8[%run_scoped3A_330, %dma_wait3A_581, %dma_wait3A_582] : memref<2x128x128xf32, #tpu.memory_space<vmem>> -> memref<1x128x128xf32, #tpu.memory_space<vmem>>
        %dma_wait3A_584 = tpu.memref_squeeze %dma_wait3A_583 : memref<1x128x128xf32, #tpu.memory_space<vmem>> -> memref<128x128xf32, #tpu.memory_space<vmem>>
        %dma_wait3A_585 = arith.constant 0 : i32
        %dma_wait3A_586 = tpu.memref_slice %arg7[%run_scoped3A_331, %run_scoped3A_332, %dma_wait3A_585] : memref<2x8x128xi32, #tpu.memory_space<vmem>> -> memref<1x1x128xi32, #tpu.memory_space<vmem>>
        %dma_wait3A_587 = tpu.memref_squeeze %dma_wait3A_586 : memref<1x1x128xi32, #tpu.memory_space<vmem>> -> memref<128xi32, #tpu.memory_space<vmem>>
        %dma_wait3A_588 = arith.constant 0 : i32
        %dma_wait3A_589 = arith.constant 0 : i32
        %dma_wait3A_590 = tpu.memref_slice %arg9[%dma_wait3A_588, %dma_wait3A_589] : memref<10112x128xf32, #tpu.memory_space<vmem_shared>> -> memref<10112x128xf32, #tpu.memory_space<vmem_shared>>
        tpu.wait_indirect_dma semaphore(%run_scoped3A_570 : memref<!tpu.dma_semaphore, #tpu.memory_space<semaphore_mem>>) src(%dma_wait3A_584 : memref<128x128xf32, #tpu.memory_space<vmem>>) dst(%dma_wait3A_590 : memref<10112x128xf32, #tpu.memory_space<vmem_shared>>)
        tpu.yield
      }) : () -> ()
      %mul3A_333 = arith.constant 2 : i32
      %mul3A_334 = arith.muli %mul3A_333, %add3A_100 : i32
      %add3A_335 = arith.constant 1 : i32
      %add3A_336 = arith.addi %mul3A_334, %add3A_335 : i32
      %eq3A_337 = arith.constant 4 : i32
      %eq3A_338 = arith.cmpi eq, %add3A_100, %eq3A_337 : i32
      %and3A_339 = arith.constant true
      %and3A_340 = arith.andi %and3A_339, %eq3A_338 : i1
      %not3A_341 = arith.constant true
      %not3A_342 = arith.xori %and3A_340, %not3A_341 : i1
      %convert_element_type3A_343 = arith.extui %not3A_342 : i1 to i32
      %cond3A_344 = arith.constant 0 : i32
      %cond3A_345 = arith.cmpi ne, %convert_element_type3A_343, %cond3A_344 : i32
      scf.if %cond3A_345 {
        %add3A_570 = arith.constant 1 : i32
        %add3A_571 = arith.addi %add3A_336, %add3A_570 : i32
        %mul3A_572 = arith.constant 8 : i32
        %mul3A_573 = arith.muli %add3A_571, %mul3A_572 : i32
        %add3A_574 = arith.addi %mul3A_22, %mul3A_573 : i32
        %mul3A_575 = arith.constant 8 : i32
        %mul3A_576 = arith.muli %add3A_571, %mul3A_575 : i32
        %add3A_577 = arith.addi %mul3A_22, %mul3A_576 : i32
        %dma_start3A_578 = arith.constant 0 : i32
        %dma_start3A_579 = arith.constant 0 : i32
        %dma_start3A_580 = arith.constant 0 : i32
        %dma_start3A_581 = tpu.memref_slice %arg6[%dma_start3A_578, %dma_start3A_579, %dma_start3A_580] : memref<2x8x128xi32, #tpu.memory_space<vmem>> -> memref<1x8x128xi32, #tpu.memory_space<vmem>>
        %dma_start3A_582 = tpu.memref_squeeze %dma_start3A_581 : memref<1x8x128xi32, #tpu.memory_space<vmem>> -> memref<8x128xi32, #tpu.memory_space<vmem>>
        %dma_start3A_583 = arith.constant 0 : i32
        %dma_start3A_584 = tpu.memref_slice %arg3[%add3A_574, %dma_start3A_583] : memref<2560x128xi32, #tpu.memory_space<hbm>> -> memref<8x128xi32, #tpu.memory_space<hbm>>
        %dma_start3A_585 = arith.constant 0 : i32
        %dma_start3A_586 = arith.constant 0 : i32
        %dma_start3A_587 = tpu.memref_slice %arg6[%dma_start3A_578, %dma_start3A_585, %dma_start3A_586] : memref<2x8x128xi32, #tpu.memory_space<vmem>> -> memref<1x8x128xi32, #tpu.memory_space<vmem>>
        %dma_start3A_588 = tpu.memref_squeeze %dma_start3A_587 : memref<1x8x128xi32, #tpu.memory_space<vmem>> -> memref<8x128xi32, #tpu.memory_space<vmem>>
        %dma_start3A_589 = arith.constant 0 : i32
        %dma_start3A_590 = tpu.memref_slice %arg3[%add3A_574, %dma_start3A_589] : memref<2560x128xi32, #tpu.memory_space<hbm>> -> memref<8x128xi32, #tpu.memory_space<hbm>>
        tpu.enqueue_dma source(%dma_start3A_590 : memref<8x128xi32, #tpu.memory_space<hbm>>) target(%dma_start3A_588 : memref<8x128xi32, #tpu.memory_space<vmem>>) target_semaphore(%arg12 : memref<!tpu.dma_semaphore, #tpu.memory_space<semaphore_mem>>)
        %dma_start3A_591 = arith.constant 0 : i32
        %dma_start3A_592 = arith.constant 0 : i32
        %dma_start3A_593 = arith.constant 0 : i32
        %dma_start3A_594 = tpu.memref_slice %arg7[%dma_start3A_591, %dma_start3A_592, %dma_start3A_593] : memref<2x8x128xi32, #tpu.memory_space<vmem>> -> memref<1x8x128xi32, #tpu.memory_space<vmem>>
        %dma_start3A_595 = tpu.memref_squeeze %dma_start3A_594 : memref<1x8x128xi32, #tpu.memory_space<vmem>> -> memref<8x128xi32, #tpu.memory_space<vmem>>
        %dma_start3A_596 = arith.constant 0 : i32
        %dma_start3A_597 = tpu.memref_slice %arg4[%add3A_577, %dma_start3A_596] : memref<2560x128xi32, #tpu.memory_space<hbm>> -> memref<8x128xi32, #tpu.memory_space<hbm>>
        %dma_start3A_598 = arith.constant 0 : i32
        %dma_start3A_599 = arith.constant 0 : i32
        %dma_start3A_600 = tpu.memref_slice %arg7[%dma_start3A_591, %dma_start3A_598, %dma_start3A_599] : memref<2x8x128xi32, #tpu.memory_space<vmem>> -> memref<1x8x128xi32, #tpu.memory_space<vmem>>
        %dma_start3A_601 = tpu.memref_squeeze %dma_start3A_600 : memref<1x8x128xi32, #tpu.memory_space<vmem>> -> memref<8x128xi32, #tpu.memory_space<vmem>>
        %dma_start3A_602 = arith.constant 0 : i32
        %dma_start3A_603 = tpu.memref_slice %arg4[%add3A_577, %dma_start3A_602] : memref<2560x128xi32, #tpu.memory_space<hbm>> -> memref<8x128xi32, #tpu.memory_space<hbm>>
        tpu.enqueue_dma source(%dma_start3A_603 : memref<8x128xi32, #tpu.memory_space<hbm>>) target(%dma_start3A_601 : memref<8x128xi32, #tpu.memory_space<vmem>>) target_semaphore(%arg13 : memref<!tpu.dma_semaphore, #tpu.memory_space<semaphore_mem>>)
      } else {
      }
      %dma_start3A_346 = arith.constant 1 : i32
      %dma_start3A_347 = arith.constant 1 : i32
      %dma_start3A_348 = arith.constant 1 : i32
      %dma_start3A_349 = arith.constant 0 : i32
      %dma_start3A_350 = arith.constant 0 : i32
      %dma_start3A_351 = tpu.memref_slice %arg8[%dma_start3A_348, %dma_start3A_349, %dma_start3A_350] : memref<2x128x128xf32, #tpu.memory_space<vmem>> -> memref<1x128x128xf32, #tpu.memory_space<vmem>>
      %dma_start3A_352 = tpu.memref_squeeze %dma_start3A_351 : memref<1x128x128xf32, #tpu.memory_space<vmem>> -> memref<128x128xf32, #tpu.memory_space<vmem>>
      %dma_start3A_353 = arith.constant 0 : i32
      %dma_start3A_354 = tpu.memref_slice %arg6[%dma_start3A_346, %dma_start3A_347, %dma_start3A_353] : memref<2x8x128xi32, #tpu.memory_space<vmem>> -> memref<1x1x128xi32, #tpu.memory_space<vmem>>
      %dma_start3A_355 = tpu.memref_squeeze %dma_start3A_354 : memref<1x1x128xi32, #tpu.memory_space<vmem>> -> memref<128xi32, #tpu.memory_space<vmem>>
      %dma_start3A_356 = arith.constant 0 : i32
      %dma_start3A_357 = arith.constant 0 : i32
      %dma_start3A_358 = tpu.memref_slice %arg2[%dma_start3A_356, %dma_start3A_357] : memref<10000x128xf32, #tpu.memory_space<hbm>> -> memref<10000x128xf32, #tpu.memory_space<hbm>>
      tpu.enqueue_indirect_dma source(%dma_start3A_358 : memref<10000x128xf32, #tpu.memory_space<hbm>>) target(%dma_start3A_352 : memref<128x128xf32, #tpu.memory_space<vmem>>) offsets(%dma_start3A_355 : memref<128xi32, #tpu.memory_space<vmem>>) semaphore(%arg11 : memref<!tpu.dma_semaphore, #tpu.memory_space<semaphore_mem>>)
      %dma_wait3A_359 = arith.constant 0 : i32
      %dma_wait3A_360 = arith.constant 0 : i32
      %dma_wait3A_361 = arith.constant 0 : i32
      %dma_wait3A_362 = arith.constant 0 : i32
      %dma_wait3A_363 = arith.constant 0 : i32
      %dma_wait3A_364 = tpu.memref_slice %arg8[%dma_wait3A_361, %dma_wait3A_362, %dma_wait3A_363] : memref<2x128x128xf32, #tpu.memory_space<vmem>> -> memref<1x128x128xf32, #tpu.memory_space<vmem>>
      %dma_wait3A_365 = tpu.memref_squeeze %dma_wait3A_364 : memref<1x128x128xf32, #tpu.memory_space<vmem>> -> memref<128x128xf32, #tpu.memory_space<vmem>>
      %dma_wait3A_366 = arith.constant 0 : i32
      %dma_wait3A_367 = tpu.memref_slice %arg6[%dma_wait3A_359, %dma_wait3A_360, %dma_wait3A_366] : memref<2x8x128xi32, #tpu.memory_space<vmem>> -> memref<1x1x128xi32, #tpu.memory_space<vmem>>
      %dma_wait3A_368 = tpu.memref_squeeze %dma_wait3A_367 : memref<1x1x128xi32, #tpu.memory_space<vmem>> -> memref<128xi32, #tpu.memory_space<vmem>>
      %dma_wait3A_369 = arith.constant 0 : i32
      %dma_wait3A_370 = arith.constant 0 : i32
      %dma_wait3A_371 = tpu.memref_slice %arg2[%dma_wait3A_369, %dma_wait3A_370] : memref<10000x128xf32, #tpu.memory_space<hbm>> -> memref<10000x128xf32, #tpu.memory_space<hbm>>
      tpu.wait_indirect_dma semaphore(%arg10 : memref<!tpu.dma_semaphore, #tpu.memory_space<semaphore_mem>>) src(%dma_wait3A_371 : memref<10000x128xf32, #tpu.memory_space<hbm>>) dst(%dma_wait3A_365 : memref<128x128xf32, #tpu.memory_space<vmem>>)
      %run_scoped3A_372 = arith.constant 0 : i32
      %run_scoped3A_373 = arith.constant 1 : i32
      %run_scoped3A_374 = arith.constant 0 : i32
      "tpu.region"() ({
        %run_scoped3A_570 = tpu.sem_alloc : memref<!tpu.dma_semaphore, #tpu.memory_space<semaphore_mem>>
        %dma_start3A_571 = arith.constant 0 : i32
        %dma_start3A_572 = arith.constant 0 : i32
        %dma_start3A_573 = tpu.memref_slice %arg8[%run_scoped3A_372, %dma_start3A_571, %dma_start3A_572] : memref<2x128x128xf32, #tpu.memory_space<vmem>> -> memref<1x128x128xf32, #tpu.memory_space<vmem>>
        %dma_start3A_574 = tpu.memref_squeeze %dma_start3A_573 : memref<1x128x128xf32, #tpu.memory_space<vmem>> -> memref<128x128xf32, #tpu.memory_space<vmem>>
        %dma_start3A_575 = arith.constant 0 : i32
        %dma_start3A_576 = tpu.memref_slice %arg7[%run_scoped3A_373, %run_scoped3A_374, %dma_start3A_575] : memref<2x8x128xi32, #tpu.memory_space<vmem>> -> memref<1x1x128xi32, #tpu.memory_space<vmem>>
        %dma_start3A_577 = tpu.memref_squeeze %dma_start3A_576 : memref<1x1x128xi32, #tpu.memory_space<vmem>> -> memref<128xi32, #tpu.memory_space<vmem>>
        %dma_start3A_578 = arith.constant 0 : i32
        %dma_start3A_579 = arith.constant 0 : i32
        %dma_start3A_580 = tpu.memref_slice %arg9[%dma_start3A_578, %dma_start3A_579] : memref<10112x128xf32, #tpu.memory_space<vmem_shared>> -> memref<10112x128xf32, #tpu.memory_space<vmem_shared>>
        tpu.enqueue_indirect_dma source(%dma_start3A_574 : memref<128x128xf32, #tpu.memory_space<vmem>>) target(%dma_start3A_580 : memref<10112x128xf32, #tpu.memory_space<vmem_shared>>) offsets(%dma_start3A_577 : memref<128xi32, #tpu.memory_space<vmem>>) semaphore(%run_scoped3A_570 : memref<!tpu.dma_semaphore, #tpu.memory_space<semaphore_mem>>) {add = true}
        %dma_wait3A_581 = arith.constant 0 : i32
        %dma_wait3A_582 = arith.constant 0 : i32
        %dma_wait3A_583 = tpu.memref_slice %arg8[%run_scoped3A_372, %dma_wait3A_581, %dma_wait3A_582] : memref<2x128x128xf32, #tpu.memory_space<vmem>> -> memref<1x128x128xf32, #tpu.memory_space<vmem>>
        %dma_wait3A_584 = tpu.memref_squeeze %dma_wait3A_583 : memref<1x128x128xf32, #tpu.memory_space<vmem>> -> memref<128x128xf32, #tpu.memory_space<vmem>>
        %dma_wait3A_585 = arith.constant 0 : i32
        %dma_wait3A_586 = tpu.memref_slice %arg7[%run_scoped3A_373, %run_scoped3A_374, %dma_wait3A_585] : memref<2x8x128xi32, #tpu.memory_space<vmem>> -> memref<1x1x128xi32, #tpu.memory_space<vmem>>
        %dma_wait3A_587 = tpu.memref_squeeze %dma_wait3A_586 : memref<1x1x128xi32, #tpu.memory_space<vmem>> -> memref<128xi32, #tpu.memory_space<vmem>>
        %dma_wait3A_588 = arith.constant 0 : i32
        %dma_wait3A_589 = arith.constant 0 : i32
        %dma_wait3A_590 = tpu.memref_slice %arg9[%dma_wait3A_588, %dma_wait3A_589] : memref<10112x128xf32, #tpu.memory_space<vmem_shared>> -> memref<10112x128xf32, #tpu.memory_space<vmem_shared>>
        tpu.wait_indirect_dma semaphore(%run_scoped3A_570 : memref<!tpu.dma_semaphore, #tpu.memory_space<semaphore_mem>>) src(%dma_wait3A_584 : memref<128x128xf32, #tpu.memory_space<vmem>>) dst(%dma_wait3A_590 : memref<10112x128xf32, #tpu.memory_space<vmem_shared>>)
        tpu.yield
      }) : () -> ()
      %dma_start3A_375 = arith.constant 1 : i32
      %dma_start3A_376 = arith.constant 2 : i32
      %dma_start3A_377 = arith.constant 0 : i32
      %dma_start3A_378 = arith.constant 0 : i32
      %dma_start3A_379 = arith.constant 0 : i32
      %dma_start3A_380 = tpu.memref_slice %arg8[%dma_start3A_377, %dma_start3A_378, %dma_start3A_379] : memref<2x128x128xf32, #tpu.memory_space<vmem>> -> memref<1x128x128xf32, #tpu.memory_space<vmem>>
      %dma_start3A_381 = tpu.memref_squeeze %dma_start3A_380 : memref<1x128x128xf32, #tpu.memory_space<vmem>> -> memref<128x128xf32, #tpu.memory_space<vmem>>
      %dma_start3A_382 = arith.constant 0 : i32
      %dma_start3A_383 = tpu.memref_slice %arg6[%dma_start3A_375, %dma_start3A_376, %dma_start3A_382] : memref<2x8x128xi32, #tpu.memory_space<vmem>> -> memref<1x1x128xi32, #tpu.memory_space<vmem>>
      %dma_start3A_384 = tpu.memref_squeeze %dma_start3A_383 : memref<1x1x128xi32, #tpu.memory_space<vmem>> -> memref<128xi32, #tpu.memory_space<vmem>>
      %dma_start3A_385 = arith.constant 0 : i32
      %dma_start3A_386 = arith.constant 0 : i32
      %dma_start3A_387 = tpu.memref_slice %arg2[%dma_start3A_385, %dma_start3A_386] : memref<10000x128xf32, #tpu.memory_space<hbm>> -> memref<10000x128xf32, #tpu.memory_space<hbm>>
      tpu.enqueue_indirect_dma source(%dma_start3A_387 : memref<10000x128xf32, #tpu.memory_space<hbm>>) target(%dma_start3A_381 : memref<128x128xf32, #tpu.memory_space<vmem>>) offsets(%dma_start3A_384 : memref<128xi32, #tpu.memory_space<vmem>>) semaphore(%arg10 : memref<!tpu.dma_semaphore, #tpu.memory_space<semaphore_mem>>)
      %dma_wait3A_388 = arith.constant 0 : i32
      %dma_wait3A_389 = arith.constant 0 : i32
      %dma_wait3A_390 = arith.constant 1 : i32
      %dma_wait3A_391 = arith.constant 0 : i32
      %dma_wait3A_392 = arith.constant 0 : i32
      %dma_wait3A_393 = tpu.memref_slice %arg8[%dma_wait3A_390, %dma_wait3A_391, %dma_wait3A_392] : memref<2x128x128xf32, #tpu.memory_space<vmem>> -> memref<1x128x128xf32, #tpu.memory_space<vmem>>
      %dma_wait3A_394 = tpu.memref_squeeze %dma_wait3A_393 : memref<1x128x128xf32, #tpu.memory_space<vmem>> -> memref<128x128xf32, #tpu.memory_space<vmem>>
      %dma_wait3A_395 = arith.constant 0 : i32
      %dma_wait3A_396 = tpu.memref_slice %arg6[%dma_wait3A_388, %dma_wait3A_389, %dma_wait3A_395] : memref<2x8x128xi32, #tpu.memory_space<vmem>> -> memref<1x1x128xi32, #tpu.memory_space<vmem>>
      %dma_wait3A_397 = tpu.memref_squeeze %dma_wait3A_396 : memref<1x1x128xi32, #tpu.memory_space<vmem>> -> memref<128xi32, #tpu.memory_space<vmem>>
      %dma_wait3A_398 = arith.constant 0 : i32
      %dma_wait3A_399 = arith.constant 0 : i32
      %dma_wait3A_400 = tpu.memref_slice %arg2[%dma_wait3A_398, %dma_wait3A_399] : memref<10000x128xf32, #tpu.memory_space<hbm>> -> memref<10000x128xf32, #tpu.memory_space<hbm>>
      tpu.wait_indirect_dma semaphore(%arg11 : memref<!tpu.dma_semaphore, #tpu.memory_space<semaphore_mem>>) src(%dma_wait3A_400 : memref<10000x128xf32, #tpu.memory_space<hbm>>) dst(%dma_wait3A_394 : memref<128x128xf32, #tpu.memory_space<vmem>>)
      %run_scoped3A_401 = arith.constant 1 : i32
      %run_scoped3A_402 = arith.constant 1 : i32
      %run_scoped3A_403 = arith.constant 1 : i32
      "tpu.region"() ({
        %run_scoped3A_570 = tpu.sem_alloc : memref<!tpu.dma_semaphore, #tpu.memory_space<semaphore_mem>>
        %dma_start3A_571 = arith.constant 0 : i32
        %dma_start3A_572 = arith.constant 0 : i32
        %dma_start3A_573 = tpu.memref_slice %arg8[%run_scoped3A_401, %dma_start3A_571, %dma_start3A_572] : memref<2x128x128xf32, #tpu.memory_space<vmem>> -> memref<1x128x128xf32, #tpu.memory_space<vmem>>
        %dma_start3A_574 = tpu.memref_squeeze %dma_start3A_573 : memref<1x128x128xf32, #tpu.memory_space<vmem>> -> memref<128x128xf32, #tpu.memory_space<vmem>>
        %dma_start3A_575 = arith.constant 0 : i32
        %dma_start3A_576 = tpu.memref_slice %arg7[%run_scoped3A_402, %run_scoped3A_403, %dma_start3A_575] : memref<2x8x128xi32, #tpu.memory_space<vmem>> -> memref<1x1x128xi32, #tpu.memory_space<vmem>>
        %dma_start3A_577 = tpu.memref_squeeze %dma_start3A_576 : memref<1x1x128xi32, #tpu.memory_space<vmem>> -> memref<128xi32, #tpu.memory_space<vmem>>
        %dma_start3A_578 = arith.constant 0 : i32
        %dma_start3A_579 = arith.constant 0 : i32
        %dma_start3A_580 = tpu.memref_slice %arg9[%dma_start3A_578, %dma_start3A_579] : memref<10112x128xf32, #tpu.memory_space<vmem_shared>> -> memref<10112x128xf32, #tpu.memory_space<vmem_shared>>
        tpu.enqueue_indirect_dma source(%dma_start3A_574 : memref<128x128xf32, #tpu.memory_space<vmem>>) target(%dma_start3A_580 : memref<10112x128xf32, #tpu.memory_space<vmem_shared>>) offsets(%dma_start3A_577 : memref<128xi32, #tpu.memory_space<vmem>>) semaphore(%run_scoped3A_570 : memref<!tpu.dma_semaphore, #tpu.memory_space<semaphore_mem>>) {add = true}
        %dma_wait3A_581 = arith.constant 0 : i32
        %dma_wait3A_582 = arith.constant 0 : i32
        %dma_wait3A_583 = tpu.memref_slice %arg8[%run_scoped3A_401, %dma_wait3A_581, %dma_wait3A_582] : memref<2x128x128xf32, #tpu.memory_space<vmem>> -> memref<1x128x128xf32, #tpu.memory_space<vmem>>
        %dma_wait3A_584 = tpu.memref_squeeze %dma_wait3A_583 : memref<1x128x128xf32, #tpu.memory_space<vmem>> -> memref<128x128xf32, #tpu.memory_space<vmem>>
        %dma_wait3A_585 = arith.constant 0 : i32
        %dma_wait3A_586 = tpu.memref_slice %arg7[%run_scoped3A_402, %run_scoped3A_403, %dma_wait3A_585] : memref<2x8x128xi32, #tpu.memory_space<vmem>> -> memref<1x1x128xi32, #tpu.memory_space<vmem>>
        %dma_wait3A_587 = tpu.memref_squeeze %dma_wait3A_586 : memref<1x1x128xi32, #tpu.memory_space<vmem>> -> memref<128xi32, #tpu.memory_space<vmem>>
        %dma_wait3A_588 = arith.constant 0 : i32
        %dma_wait3A_589 = arith.constant 0 : i32
        %dma_wait3A_590 = tpu.memref_slice %arg9[%dma_wait3A_588, %dma_wait3A_589] : memref<10112x128xf32, #tpu.memory_space<vmem_shared>> -> memref<10112x128xf32, #tpu.memory_space<vmem_shared>>
        tpu.wait_indirect_dma semaphore(%run_scoped3A_570 : memref<!tpu.dma_semaphore, #tpu.memory_space<semaphore_mem>>) src(%dma_wait3A_584 : memref<128x128xf32, #tpu.memory_space<vmem>>) dst(%dma_wait3A_590 : memref<10112x128xf32, #tpu.memory_space<vmem_shared>>)
        tpu.yield
      }) : () -> ()
      %dma_start3A_404 = arith.constant 1 : i32
      %dma_start3A_405 = arith.constant 3 : i32
      %dma_start3A_406 = arith.constant 1 : i32
      %dma_start3A_407 = arith.constant 0 : i32
      %dma_start3A_408 = arith.constant 0 : i32
      %dma_start3A_409 = tpu.memref_slice %arg8[%dma_start3A_406, %dma_start3A_407, %dma_start3A_408] : memref<2x128x128xf32, #tpu.memory_space<vmem>> -> memref<1x128x128xf32, #tpu.memory_space<vmem>>
      %dma_start3A_410 = tpu.memref_squeeze %dma_start3A_409 : memref<1x128x128xf32, #tpu.memory_space<vmem>> -> memref<128x128xf32, #tpu.memory_space<vmem>>
      %dma_start3A_411 = arith.constant 0 : i32
      %dma_start3A_412 = tpu.memref_slice %arg6[%dma_start3A_404, %dma_start3A_405, %dma_start3A_411] : memref<2x8x128xi32, #tpu.memory_space<vmem>> -> memref<1x1x128xi32, #tpu.memory_space<vmem>>
      %dma_start3A_413 = tpu.memref_squeeze %dma_start3A_412 : memref<1x1x128xi32, #tpu.memory_space<vmem>> -> memref<128xi32, #tpu.memory_space<vmem>>
      %dma_start3A_414 = arith.constant 0 : i32
      %dma_start3A_415 = arith.constant 0 : i32
      %dma_start3A_416 = tpu.memref_slice %arg2[%dma_start3A_414, %dma_start3A_415] : memref<10000x128xf32, #tpu.memory_space<hbm>> -> memref<10000x128xf32, #tpu.memory_space<hbm>>
      tpu.enqueue_indirect_dma source(%dma_start3A_416 : memref<10000x128xf32, #tpu.memory_space<hbm>>) target(%dma_start3A_410 : memref<128x128xf32, #tpu.memory_space<vmem>>) offsets(%dma_start3A_413 : memref<128xi32, #tpu.memory_space<vmem>>) semaphore(%arg11 : memref<!tpu.dma_semaphore, #tpu.memory_space<semaphore_mem>>)
      %dma_wait3A_417 = arith.constant 0 : i32
      %dma_wait3A_418 = arith.constant 0 : i32
      %dma_wait3A_419 = arith.constant 0 : i32
      %dma_wait3A_420 = arith.constant 0 : i32
      %dma_wait3A_421 = arith.constant 0 : i32
      %dma_wait3A_422 = tpu.memref_slice %arg8[%dma_wait3A_419, %dma_wait3A_420, %dma_wait3A_421] : memref<2x128x128xf32, #tpu.memory_space<vmem>> -> memref<1x128x128xf32, #tpu.memory_space<vmem>>
      %dma_wait3A_423 = tpu.memref_squeeze %dma_wait3A_422 : memref<1x128x128xf32, #tpu.memory_space<vmem>> -> memref<128x128xf32, #tpu.memory_space<vmem>>
      %dma_wait3A_424 = arith.constant 0 : i32
      %dma_wait3A_425 = tpu.memref_slice %arg6[%dma_wait3A_417, %dma_wait3A_418, %dma_wait3A_424] : memref<2x8x128xi32, #tpu.memory_space<vmem>> -> memref<1x1x128xi32, #tpu.memory_space<vmem>>
      %dma_wait3A_426 = tpu.memref_squeeze %dma_wait3A_425 : memref<1x1x128xi32, #tpu.memory_space<vmem>> -> memref<128xi32, #tpu.memory_space<vmem>>
      %dma_wait3A_427 = arith.constant 0 : i32
      %dma_wait3A_428 = arith.constant 0 : i32
      %dma_wait3A_429 = tpu.memref_slice %arg2[%dma_wait3A_427, %dma_wait3A_428] : memref<10000x128xf32, #tpu.memory_space<hbm>> -> memref<10000x128xf32, #tpu.memory_space<hbm>>
      tpu.wait_indirect_dma semaphore(%arg10 : memref<!tpu.dma_semaphore, #tpu.memory_space<semaphore_mem>>) src(%dma_wait3A_429 : memref<10000x128xf32, #tpu.memory_space<hbm>>) dst(%dma_wait3A_423 : memref<128x128xf32, #tpu.memory_space<vmem>>)
      %run_scoped3A_430 = arith.constant 0 : i32
      %run_scoped3A_431 = arith.constant 1 : i32
      %run_scoped3A_432 = arith.constant 2 : i32
      "tpu.region"() ({
        %run_scoped3A_570 = tpu.sem_alloc : memref<!tpu.dma_semaphore, #tpu.memory_space<semaphore_mem>>
        %dma_start3A_571 = arith.constant 0 : i32
        %dma_start3A_572 = arith.constant 0 : i32
        %dma_start3A_573 = tpu.memref_slice %arg8[%run_scoped3A_430, %dma_start3A_571, %dma_start3A_572] : memref<2x128x128xf32, #tpu.memory_space<vmem>> -> memref<1x128x128xf32, #tpu.memory_space<vmem>>
        %dma_start3A_574 = tpu.memref_squeeze %dma_start3A_573 : memref<1x128x128xf32, #tpu.memory_space<vmem>> -> memref<128x128xf32, #tpu.memory_space<vmem>>
        %dma_start3A_575 = arith.constant 0 : i32
        %dma_start3A_576 = tpu.memref_slice %arg7[%run_scoped3A_431, %run_scoped3A_432, %dma_start3A_575] : memref<2x8x128xi32, #tpu.memory_space<vmem>> -> memref<1x1x128xi32, #tpu.memory_space<vmem>>
        %dma_start3A_577 = tpu.memref_squeeze %dma_start3A_576 : memref<1x1x128xi32, #tpu.memory_space<vmem>> -> memref<128xi32, #tpu.memory_space<vmem>>
        %dma_start3A_578 = arith.constant 0 : i32
        %dma_start3A_579 = arith.constant 0 : i32
        %dma_start3A_580 = tpu.memref_slice %arg9[%dma_start3A_578, %dma_start3A_579] : memref<10112x128xf32, #tpu.memory_space<vmem_shared>> -> memref<10112x128xf32, #tpu.memory_space<vmem_shared>>
        tpu.enqueue_indirect_dma source(%dma_start3A_574 : memref<128x128xf32, #tpu.memory_space<vmem>>) target(%dma_start3A_580 : memref<10112x128xf32, #tpu.memory_space<vmem_shared>>) offsets(%dma_start3A_577 : memref<128xi32, #tpu.memory_space<vmem>>) semaphore(%run_scoped3A_570 : memref<!tpu.dma_semaphore, #tpu.memory_space<semaphore_mem>>) {add = true}
        %dma_wait3A_581 = arith.constant 0 : i32
        %dma_wait3A_582 = arith.constant 0 : i32
        %dma_wait3A_583 = tpu.memref_slice %arg8[%run_scoped3A_430, %dma_wait3A_581, %dma_wait3A_582] : memref<2x128x128xf32, #tpu.memory_space<vmem>> -> memref<1x128x128xf32, #tpu.memory_space<vmem>>
        %dma_wait3A_584 = tpu.memref_squeeze %dma_wait3A_583 : memref<1x128x128xf32, #tpu.memory_space<vmem>> -> memref<128x128xf32, #tpu.memory_space<vmem>>
        %dma_wait3A_585 = arith.constant 0 : i32
        %dma_wait3A_586 = tpu.memref_slice %arg7[%run_scoped3A_431, %run_scoped3A_432, %dma_wait3A_585] : memref<2x8x128xi32, #tpu.memory_space<vmem>> -> memref<1x1x128xi32, #tpu.memory_space<vmem>>
        %dma_wait3A_587 = tpu.memref_squeeze %dma_wait3A_586 : memref<1x1x128xi32, #tpu.memory_space<vmem>> -> memref<128xi32, #tpu.memory_space<vmem>>
        %dma_wait3A_588 = arith.constant 0 : i32
        %dma_wait3A_589 = arith.constant 0 : i32
        %dma_wait3A_590 = tpu.memref_slice %arg9[%dma_wait3A_588, %dma_wait3A_589] : memref<10112x128xf32, #tpu.memory_space<vmem_shared>> -> memref<10112x128xf32, #tpu.memory_space<vmem_shared>>
        tpu.wait_indirect_dma semaphore(%run_scoped3A_570 : memref<!tpu.dma_semaphore, #tpu.memory_space<semaphore_mem>>) src(%dma_wait3A_584 : memref<128x128xf32, #tpu.memory_space<vmem>>) dst(%dma_wait3A_590 : memref<10112x128xf32, #tpu.memory_space<vmem_shared>>)
        tpu.yield
      }) : () -> ()
      %dma_start3A_433 = arith.constant 1 : i32
      %dma_start3A_434 = arith.constant 4 : i32
      %dma_start3A_435 = arith.constant 0 : i32
      %dma_start3A_436 = arith.constant 0 : i32
      %dma_start3A_437 = arith.constant 0 : i32
      %dma_start3A_438 = tpu.memref_slice %arg8[%dma_start3A_435, %dma_start3A_436, %dma_start3A_437] : memref<2x128x128xf32, #tpu.memory_space<vmem>> -> memref<1x128x128xf32, #tpu.memory_space<vmem>>
      %dma_start3A_439 = tpu.memref_squeeze %dma_start3A_438 : memref<1x128x128xf32, #tpu.memory_space<vmem>> -> memref<128x128xf32, #tpu.memory_space<vmem>>
      %dma_start3A_440 = arith.constant 0 : i32
      %dma_start3A_441 = tpu.memref_slice %arg6[%dma_start3A_433, %dma_start3A_434, %dma_start3A_440] : memref<2x8x128xi32, #tpu.memory_space<vmem>> -> memref<1x1x128xi32, #tpu.memory_space<vmem>>
      %dma_start3A_442 = tpu.memref_squeeze %dma_start3A_441 : memref<1x1x128xi32, #tpu.memory_space<vmem>> -> memref<128xi32, #tpu.memory_space<vmem>>
      %dma_start3A_443 = arith.constant 0 : i32
      %dma_start3A_444 = arith.constant 0 : i32
      %dma_start3A_445 = tpu.memref_slice %arg2[%dma_start3A_443, %dma_start3A_444] : memref<10000x128xf32, #tpu.memory_space<hbm>> -> memref<10000x128xf32, #tpu.memory_space<hbm>>
      tpu.enqueue_indirect_dma source(%dma_start3A_445 : memref<10000x128xf32, #tpu.memory_space<hbm>>) target(%dma_start3A_439 : memref<128x128xf32, #tpu.memory_space<vmem>>) offsets(%dma_start3A_442 : memref<128xi32, #tpu.memory_space<vmem>>) semaphore(%arg10 : memref<!tpu.dma_semaphore, #tpu.memory_space<semaphore_mem>>)
      %dma_wait3A_446 = arith.constant 0 : i32
      %dma_wait3A_447 = arith.constant 0 : i32
      %dma_wait3A_448 = arith.constant 1 : i32
      %dma_wait3A_449 = arith.constant 0 : i32
      %dma_wait3A_450 = arith.constant 0 : i32
      %dma_wait3A_451 = tpu.memref_slice %arg8[%dma_wait3A_448, %dma_wait3A_449, %dma_wait3A_450] : memref<2x128x128xf32, #tpu.memory_space<vmem>> -> memref<1x128x128xf32, #tpu.memory_space<vmem>>
      %dma_wait3A_452 = tpu.memref_squeeze %dma_wait3A_451 : memref<1x128x128xf32, #tpu.memory_space<vmem>> -> memref<128x128xf32, #tpu.memory_space<vmem>>
      %dma_wait3A_453 = arith.constant 0 : i32
      %dma_wait3A_454 = tpu.memref_slice %arg6[%dma_wait3A_446, %dma_wait3A_447, %dma_wait3A_453] : memref<2x8x128xi32, #tpu.memory_space<vmem>> -> memref<1x1x128xi32, #tpu.memory_space<vmem>>
      %dma_wait3A_455 = tpu.memref_squeeze %dma_wait3A_454 : memref<1x1x128xi32, #tpu.memory_space<vmem>> -> memref<128xi32, #tpu.memory_space<vmem>>
      %dma_wait3A_456 = arith.constant 0 : i32
      %dma_wait3A_457 = arith.constant 0 : i32
      %dma_wait3A_458 = tpu.memref_slice %arg2[%dma_wait3A_456, %dma_wait3A_457] : memref<10000x128xf32, #tpu.memory_space<hbm>> -> memref<10000x128xf32, #tpu.memory_space<hbm>>
      tpu.wait_indirect_dma semaphore(%arg11 : memref<!tpu.dma_semaphore, #tpu.memory_space<semaphore_mem>>) src(%dma_wait3A_458 : memref<10000x128xf32, #tpu.memory_space<hbm>>) dst(%dma_wait3A_452 : memref<128x128xf32, #tpu.memory_space<vmem>>)
      %run_scoped3A_459 = arith.constant 1 : i32
      %run_scoped3A_460 = arith.constant 1 : i32
      %run_scoped3A_461 = arith.constant 3 : i32
      "tpu.region"() ({
        %run_scoped3A_570 = tpu.sem_alloc : memref<!tpu.dma_semaphore, #tpu.memory_space<semaphore_mem>>
        %dma_start3A_571 = arith.constant 0 : i32
        %dma_start3A_572 = arith.constant 0 : i32
        %dma_start3A_573 = tpu.memref_slice %arg8[%run_scoped3A_459, %dma_start3A_571, %dma_start3A_572] : memref<2x128x128xf32, #tpu.memory_space<vmem>> -> memref<1x128x128xf32, #tpu.memory_space<vmem>>
        %dma_start3A_574 = tpu.memref_squeeze %dma_start3A_573 : memref<1x128x128xf32, #tpu.memory_space<vmem>> -> memref<128x128xf32, #tpu.memory_space<vmem>>
        %dma_start3A_575 = arith.constant 0 : i32
        %dma_start3A_576 = tpu.memref_slice %arg7[%run_scoped3A_460, %run_scoped3A_461, %dma_start3A_575] : memref<2x8x128xi32, #tpu.memory_space<vmem>> -> memref<1x1x128xi32, #tpu.memory_space<vmem>>
        %dma_start3A_577 = tpu.memref_squeeze %dma_start3A_576 : memref<1x1x128xi32, #tpu.memory_space<vmem>> -> memref<128xi32, #tpu.memory_space<vmem>>
        %dma_start3A_578 = arith.constant 0 : i32
        %dma_start3A_579 = arith.constant 0 : i32
        %dma_start3A_580 = tpu.memref_slice %arg9[%dma_start3A_578, %dma_start3A_579] : memref<10112x128xf32, #tpu.memory_space<vmem_shared>> -> memref<10112x128xf32, #tpu.memory_space<vmem_shared>>
        tpu.enqueue_indirect_dma source(%dma_start3A_574 : memref<128x128xf32, #tpu.memory_space<vmem>>) target(%dma_start3A_580 : memref<10112x128xf32, #tpu.memory_space<vmem_shared>>) offsets(%dma_start3A_577 : memref<128xi32, #tpu.memory_space<vmem>>) semaphore(%run_scoped3A_570 : memref<!tpu.dma_semaphore, #tpu.memory_space<semaphore_mem>>) {add = true}
        %dma_wait3A_581 = arith.constant 0 : i32
        %dma_wait3A_582 = arith.constant 0 : i32
        %dma_wait3A_583 = tpu.memref_slice %arg8[%run_scoped3A_459, %dma_wait3A_581, %dma_wait3A_582] : memref<2x128x128xf32, #tpu.memory_space<vmem>> -> memref<1x128x128xf32, #tpu.memory_space<vmem>>
        %dma_wait3A_584 = tpu.memref_squeeze %dma_wait3A_583 : memref<1x128x128xf32, #tpu.memory_space<vmem>> -> memref<128x128xf32, #tpu.memory_space<vmem>>
        %dma_wait3A_585 = arith.constant 0 : i32
        %dma_wait3A_586 = tpu.memref_slice %arg7[%run_scoped3A_460, %run_scoped3A_461, %dma_wait3A_585] : memref<2x8x128xi32, #tpu.memory_space<vmem>> -> memref<1x1x128xi32, #tpu.memory_space<vmem>>
        %dma_wait3A_587 = tpu.memref_squeeze %dma_wait3A_586 : memref<1x1x128xi32, #tpu.memory_space<vmem>> -> memref<128xi32, #tpu.memory_space<vmem>>
        %dma_wait3A_588 = arith.constant 0 : i32
        %dma_wait3A_589 = arith.constant 0 : i32
        %dma_wait3A_590 = tpu.memref_slice %arg9[%dma_wait3A_588, %dma_wait3A_589] : memref<10112x128xf32, #tpu.memory_space<vmem_shared>> -> memref<10112x128xf32, #tpu.memory_space<vmem_shared>>
        tpu.wait_indirect_dma semaphore(%run_scoped3A_570 : memref<!tpu.dma_semaphore, #tpu.memory_space<semaphore_mem>>) src(%dma_wait3A_584 : memref<128x128xf32, #tpu.memory_space<vmem>>) dst(%dma_wait3A_590 : memref<10112x128xf32, #tpu.memory_space<vmem_shared>>)
        tpu.yield
      }) : () -> ()
      %dma_start3A_462 = arith.constant 1 : i32
      %dma_start3A_463 = arith.constant 5 : i32
      %dma_start3A_464 = arith.constant 1 : i32
      %dma_start3A_465 = arith.constant 0 : i32
      %dma_start3A_466 = arith.constant 0 : i32
      %dma_start3A_467 = tpu.memref_slice %arg8[%dma_start3A_464, %dma_start3A_465, %dma_start3A_466] : memref<2x128x128xf32, #tpu.memory_space<vmem>> -> memref<1x128x128xf32, #tpu.memory_space<vmem>>
      %dma_start3A_468 = tpu.memref_squeeze %dma_start3A_467 : memref<1x128x128xf32, #tpu.memory_space<vmem>> -> memref<128x128xf32, #tpu.memory_space<vmem>>
      %dma_start3A_469 = arith.constant 0 : i32
      %dma_start3A_470 = tpu.memref_slice %arg6[%dma_start3A_462, %dma_start3A_463, %dma_start3A_469] : memref<2x8x128xi32, #tpu.memory_space<vmem>> -> memref<1x1x128xi32, #tpu.memory_space<vmem>>
      %dma_start3A_471 = tpu.memref_squeeze %dma_start3A_470 : memref<1x1x128xi32, #tpu.memory_space<vmem>> -> memref<128xi32, #tpu.memory_space<vmem>>
      %dma_start3A_472 = arith.constant 0 : i32
      %dma_start3A_473 = arith.constant 0 : i32
      %dma_start3A_474 = tpu.memref_slice %arg2[%dma_start3A_472, %dma_start3A_473] : memref<10000x128xf32, #tpu.memory_space<hbm>> -> memref<10000x128xf32, #tpu.memory_space<hbm>>
      tpu.enqueue_indirect_dma source(%dma_start3A_474 : memref<10000x128xf32, #tpu.memory_space<hbm>>) target(%dma_start3A_468 : memref<128x128xf32, #tpu.memory_space<vmem>>) offsets(%dma_start3A_471 : memref<128xi32, #tpu.memory_space<vmem>>) semaphore(%arg11 : memref<!tpu.dma_semaphore, #tpu.memory_space<semaphore_mem>>)
      %dma_wait3A_475 = arith.constant 0 : i32
      %dma_wait3A_476 = arith.constant 0 : i32
      %dma_wait3A_477 = arith.constant 0 : i32
      %dma_wait3A_478 = arith.constant 0 : i32
      %dma_wait3A_479 = arith.constant 0 : i32
      %dma_wait3A_480 = tpu.memref_slice %arg8[%dma_wait3A_477, %dma_wait3A_478, %dma_wait3A_479] : memref<2x128x128xf32, #tpu.memory_space<vmem>> -> memref<1x128x128xf32, #tpu.memory_space<vmem>>
      %dma_wait3A_481 = tpu.memref_squeeze %dma_wait3A_480 : memref<1x128x128xf32, #tpu.memory_space<vmem>> -> memref<128x128xf32, #tpu.memory_space<vmem>>
      %dma_wait3A_482 = arith.constant 0 : i32
      %dma_wait3A_483 = tpu.memref_slice %arg6[%dma_wait3A_475, %dma_wait3A_476, %dma_wait3A_482] : memref<2x8x128xi32, #tpu.memory_space<vmem>> -> memref<1x1x128xi32, #tpu.memory_space<vmem>>
      %dma_wait3A_484 = tpu.memref_squeeze %dma_wait3A_483 : memref<1x1x128xi32, #tpu.memory_space<vmem>> -> memref<128xi32, #tpu.memory_space<vmem>>
      %dma_wait3A_485 = arith.constant 0 : i32
      %dma_wait3A_486 = arith.constant 0 : i32
      %dma_wait3A_487 = tpu.memref_slice %arg2[%dma_wait3A_485, %dma_wait3A_486] : memref<10000x128xf32, #tpu.memory_space<hbm>> -> memref<10000x128xf32, #tpu.memory_space<hbm>>
      tpu.wait_indirect_dma semaphore(%arg10 : memref<!tpu.dma_semaphore, #tpu.memory_space<semaphore_mem>>) src(%dma_wait3A_487 : memref<10000x128xf32, #tpu.memory_space<hbm>>) dst(%dma_wait3A_481 : memref<128x128xf32, #tpu.memory_space<vmem>>)
      %run_scoped3A_488 = arith.constant 0 : i32
      %run_scoped3A_489 = arith.constant 1 : i32
      %run_scoped3A_490 = arith.constant 4 : i32
      "tpu.region"() ({
        %run_scoped3A_570 = tpu.sem_alloc : memref<!tpu.dma_semaphore, #tpu.memory_space<semaphore_mem>>
        %dma_start3A_571 = arith.constant 0 : i32
        %dma_start3A_572 = arith.constant 0 : i32
        %dma_start3A_573 = tpu.memref_slice %arg8[%run_scoped3A_488, %dma_start3A_571, %dma_start3A_572] : memref<2x128x128xf32, #tpu.memory_space<vmem>> -> memref<1x128x128xf32, #tpu.memory_space<vmem>>
        %dma_start3A_574 = tpu.memref_squeeze %dma_start3A_573 : memref<1x128x128xf32, #tpu.memory_space<vmem>> -> memref<128x128xf32, #tpu.memory_space<vmem>>
        %dma_start3A_575 = arith.constant 0 : i32
        %dma_start3A_576 = tpu.memref_slice %arg7[%run_scoped3A_489, %run_scoped3A_490, %dma_start3A_575] : memref<2x8x128xi32, #tpu.memory_space<vmem>> -> memref<1x1x128xi32, #tpu.memory_space<vmem>>
        %dma_start3A_577 = tpu.memref_squeeze %dma_start3A_576 : memref<1x1x128xi32, #tpu.memory_space<vmem>> -> memref<128xi32, #tpu.memory_space<vmem>>
        %dma_start3A_578 = arith.constant 0 : i32
        %dma_start3A_579 = arith.constant 0 : i32
        %dma_start3A_580 = tpu.memref_slice %arg9[%dma_start3A_578, %dma_start3A_579] : memref<10112x128xf32, #tpu.memory_space<vmem_shared>> -> memref<10112x128xf32, #tpu.memory_space<vmem_shared>>
        tpu.enqueue_indirect_dma source(%dma_start3A_574 : memref<128x128xf32, #tpu.memory_space<vmem>>) target(%dma_start3A_580 : memref<10112x128xf32, #tpu.memory_space<vmem_shared>>) offsets(%dma_start3A_577 : memref<128xi32, #tpu.memory_space<vmem>>) semaphore(%run_scoped3A_570 : memref<!tpu.dma_semaphore, #tpu.memory_space<semaphore_mem>>) {add = true}
        %dma_wait3A_581 = arith.constant 0 : i32
        %dma_wait3A_582 = arith.constant 0 : i32
        %dma_wait3A_583 = tpu.memref_slice %arg8[%run_scoped3A_488, %dma_wait3A_581, %dma_wait3A_582] : memref<2x128x128xf32, #tpu.memory_space<vmem>> -> memref<1x128x128xf32, #tpu.memory_space<vmem>>
        %dma_wait3A_584 = tpu.memref_squeeze %dma_wait3A_583 : memref<1x128x128xf32, #tpu.memory_space<vmem>> -> memref<128x128xf32, #tpu.memory_space<vmem>>
        %dma_wait3A_585 = arith.constant 0 : i32
        %dma_wait3A_586 = tpu.memref_slice %arg7[%run_scoped3A_489, %run_scoped3A_490, %dma_wait3A_585] : memref<2x8x128xi32, #tpu.memory_space<vmem>> -> memref<1x1x128xi32, #tpu.memory_space<vmem>>
        %dma_wait3A_587 = tpu.memref_squeeze %dma_wait3A_586 : memref<1x1x128xi32, #tpu.memory_space<vmem>> -> memref<128xi32, #tpu.memory_space<vmem>>
        %dma_wait3A_588 = arith.constant 0 : i32
        %dma_wait3A_589 = arith.constant 0 : i32
        %dma_wait3A_590 = tpu.memref_slice %arg9[%dma_wait3A_588, %dma_wait3A_589] : memref<10112x128xf32, #tpu.memory_space<vmem_shared>> -> memref<10112x128xf32, #tpu.memory_space<vmem_shared>>
        tpu.wait_indirect_dma semaphore(%run_scoped3A_570 : memref<!tpu.dma_semaphore, #tpu.memory_space<semaphore_mem>>) src(%dma_wait3A_584 : memref<128x128xf32, #tpu.memory_space<vmem>>) dst(%dma_wait3A_590 : memref<10112x128xf32, #tpu.memory_space<vmem_shared>>)
        tpu.yield
      }) : () -> ()
      %dma_start3A_491 = arith.constant 1 : i32
      %dma_start3A_492 = arith.constant 6 : i32
      %dma_start3A_493 = arith.constant 0 : i32
      %dma_start3A_494 = arith.constant 0 : i32
      %dma_start3A_495 = arith.constant 0 : i32
      %dma_start3A_496 = tpu.memref_slice %arg8[%dma_start3A_493, %dma_start3A_494, %dma_start3A_495] : memref<2x128x128xf32, #tpu.memory_space<vmem>> -> memref<1x128x128xf32, #tpu.memory_space<vmem>>
      %dma_start3A_497 = tpu.memref_squeeze %dma_start3A_496 : memref<1x128x128xf32, #tpu.memory_space<vmem>> -> memref<128x128xf32, #tpu.memory_space<vmem>>
      %dma_start3A_498 = arith.constant 0 : i32
      %dma_start3A_499 = tpu.memref_slice %arg6[%dma_start3A_491, %dma_start3A_492, %dma_start3A_498] : memref<2x8x128xi32, #tpu.memory_space<vmem>> -> memref<1x1x128xi32, #tpu.memory_space<vmem>>
      %dma_start3A_500 = tpu.memref_squeeze %dma_start3A_499 : memref<1x1x128xi32, #tpu.memory_space<vmem>> -> memref<128xi32, #tpu.memory_space<vmem>>
      %dma_start3A_501 = arith.constant 0 : i32
      %dma_start3A_502 = arith.constant 0 : i32
      %dma_start3A_503 = tpu.memref_slice %arg2[%dma_start3A_501, %dma_start3A_502] : memref<10000x128xf32, #tpu.memory_space<hbm>> -> memref<10000x128xf32, #tpu.memory_space<hbm>>
      tpu.enqueue_indirect_dma source(%dma_start3A_503 : memref<10000x128xf32, #tpu.memory_space<hbm>>) target(%dma_start3A_497 : memref<128x128xf32, #tpu.memory_space<vmem>>) offsets(%dma_start3A_500 : memref<128xi32, #tpu.memory_space<vmem>>) semaphore(%arg10 : memref<!tpu.dma_semaphore, #tpu.memory_space<semaphore_mem>>)
      %dma_wait3A_504 = arith.constant 0 : i32
      %dma_wait3A_505 = arith.constant 0 : i32
      %dma_wait3A_506 = arith.constant 1 : i32
      %dma_wait3A_507 = arith.constant 0 : i32
      %dma_wait3A_508 = arith.constant 0 : i32
      %dma_wait3A_509 = tpu.memref_slice %arg8[%dma_wait3A_506, %dma_wait3A_507, %dma_wait3A_508] : memref<2x128x128xf32, #tpu.memory_space<vmem>> -> memref<1x128x128xf32, #tpu.memory_space<vmem>>
      %dma_wait3A_510 = tpu.memref_squeeze %dma_wait3A_509 : memref<1x128x128xf32, #tpu.memory_space<vmem>> -> memref<128x128xf32, #tpu.memory_space<vmem>>
      %dma_wait3A_511 = arith.constant 0 : i32
      %dma_wait3A_512 = tpu.memref_slice %arg6[%dma_wait3A_504, %dma_wait3A_505, %dma_wait3A_511] : memref<2x8x128xi32, #tpu.memory_space<vmem>> -> memref<1x1x128xi32, #tpu.memory_space<vmem>>
      %dma_wait3A_513 = tpu.memref_squeeze %dma_wait3A_512 : memref<1x1x128xi32, #tpu.memory_space<vmem>> -> memref<128xi32, #tpu.memory_space<vmem>>
      %dma_wait3A_514 = arith.constant 0 : i32
      %dma_wait3A_515 = arith.constant 0 : i32
      %dma_wait3A_516 = tpu.memref_slice %arg2[%dma_wait3A_514, %dma_wait3A_515] : memref<10000x128xf32, #tpu.memory_space<hbm>> -> memref<10000x128xf32, #tpu.memory_space<hbm>>
      tpu.wait_indirect_dma semaphore(%arg11 : memref<!tpu.dma_semaphore, #tpu.memory_space<semaphore_mem>>) src(%dma_wait3A_516 : memref<10000x128xf32, #tpu.memory_space<hbm>>) dst(%dma_wait3A_510 : memref<128x128xf32, #tpu.memory_space<vmem>>)
      %run_scoped3A_517 = arith.constant 1 : i32
      %run_scoped3A_518 = arith.constant 1 : i32
      %run_scoped3A_519 = arith.constant 5 : i32
      "tpu.region"() ({
        %run_scoped3A_570 = tpu.sem_alloc : memref<!tpu.dma_semaphore, #tpu.memory_space<semaphore_mem>>
        %dma_start3A_571 = arith.constant 0 : i32
        %dma_start3A_572 = arith.constant 0 : i32
        %dma_start3A_573 = tpu.memref_slice %arg8[%run_scoped3A_517, %dma_start3A_571, %dma_start3A_572] : memref<2x128x128xf32, #tpu.memory_space<vmem>> -> memref<1x128x128xf32, #tpu.memory_space<vmem>>
        %dma_start3A_574 = tpu.memref_squeeze %dma_start3A_573 : memref<1x128x128xf32, #tpu.memory_space<vmem>> -> memref<128x128xf32, #tpu.memory_space<vmem>>
        %dma_start3A_575 = arith.constant 0 : i32
        %dma_start3A_576 = tpu.memref_slice %arg7[%run_scoped3A_518, %run_scoped3A_519, %dma_start3A_575] : memref<2x8x128xi32, #tpu.memory_space<vmem>> -> memref<1x1x128xi32, #tpu.memory_space<vmem>>
        %dma_start3A_577 = tpu.memref_squeeze %dma_start3A_576 : memref<1x1x128xi32, #tpu.memory_space<vmem>> -> memref<128xi32, #tpu.memory_space<vmem>>
        %dma_start3A_578 = arith.constant 0 : i32
        %dma_start3A_579 = arith.constant 0 : i32
        %dma_start3A_580 = tpu.memref_slice %arg9[%dma_start3A_578, %dma_start3A_579] : memref<10112x128xf32, #tpu.memory_space<vmem_shared>> -> memref<10112x128xf32, #tpu.memory_space<vmem_shared>>
        tpu.enqueue_indirect_dma source(%dma_start3A_574 : memref<128x128xf32, #tpu.memory_space<vmem>>) target(%dma_start3A_580 : memref<10112x128xf32, #tpu.memory_space<vmem_shared>>) offsets(%dma_start3A_577 : memref<128xi32, #tpu.memory_space<vmem>>) semaphore(%run_scoped3A_570 : memref<!tpu.dma_semaphore, #tpu.memory_space<semaphore_mem>>) {add = true}
        %dma_wait3A_581 = arith.constant 0 : i32
        %dma_wait3A_582 = arith.constant 0 : i32
        %dma_wait3A_583 = tpu.memref_slice %arg8[%run_scoped3A_517, %dma_wait3A_581, %dma_wait3A_582] : memref<2x128x128xf32, #tpu.memory_space<vmem>> -> memref<1x128x128xf32, #tpu.memory_space<vmem>>
        %dma_wait3A_584 = tpu.memref_squeeze %dma_wait3A_583 : memref<1x128x128xf32, #tpu.memory_space<vmem>> -> memref<128x128xf32, #tpu.memory_space<vmem>>
        %dma_wait3A_585 = arith.constant 0 : i32
        %dma_wait3A_586 = tpu.memref_slice %arg7[%run_scoped3A_518, %run_scoped3A_519, %dma_wait3A_585] : memref<2x8x128xi32, #tpu.memory_space<vmem>> -> memref<1x1x128xi32, #tpu.memory_space<vmem>>
        %dma_wait3A_587 = tpu.memref_squeeze %dma_wait3A_586 : memref<1x1x128xi32, #tpu.memory_space<vmem>> -> memref<128xi32, #tpu.memory_space<vmem>>
        %dma_wait3A_588 = arith.constant 0 : i32
        %dma_wait3A_589 = arith.constant 0 : i32
        %dma_wait3A_590 = tpu.memref_slice %arg9[%dma_wait3A_588, %dma_wait3A_589] : memref<10112x128xf32, #tpu.memory_space<vmem_shared>> -> memref<10112x128xf32, #tpu.memory_space<vmem_shared>>
        tpu.wait_indirect_dma semaphore(%run_scoped3A_570 : memref<!tpu.dma_semaphore, #tpu.memory_space<semaphore_mem>>) src(%dma_wait3A_584 : memref<128x128xf32, #tpu.memory_space<vmem>>) dst(%dma_wait3A_590 : memref<10112x128xf32, #tpu.memory_space<vmem_shared>>)
        tpu.yield
      }) : () -> ()
      %dma_start3A_520 = arith.constant 1 : i32
      %dma_start3A_521 = arith.constant 7 : i32
      %dma_start3A_522 = arith.constant 1 : i32
      %dma_start3A_523 = arith.constant 0 : i32
      %dma_start3A_524 = arith.constant 0 : i32
      %dma_start3A_525 = tpu.memref_slice %arg8[%dma_start3A_522, %dma_start3A_523, %dma_start3A_524] : memref<2x128x128xf32, #tpu.memory_space<vmem>> -> memref<1x128x128xf32, #tpu.memory_space<vmem>>
      %dma_start3A_526 = tpu.memref_squeeze %dma_start3A_525 : memref<1x128x128xf32, #tpu.memory_space<vmem>> -> memref<128x128xf32, #tpu.memory_space<vmem>>
      %dma_start3A_527 = arith.constant 0 : i32
      %dma_start3A_528 = tpu.memref_slice %arg6[%dma_start3A_520, %dma_start3A_521, %dma_start3A_527] : memref<2x8x128xi32, #tpu.memory_space<vmem>> -> memref<1x1x128xi32, #tpu.memory_space<vmem>>
      %dma_start3A_529 = tpu.memref_squeeze %dma_start3A_528 : memref<1x1x128xi32, #tpu.memory_space<vmem>> -> memref<128xi32, #tpu.memory_space<vmem>>
      %dma_start3A_530 = arith.constant 0 : i32
      %dma_start3A_531 = arith.constant 0 : i32
      %dma_start3A_532 = tpu.memref_slice %arg2[%dma_start3A_530, %dma_start3A_531] : memref<10000x128xf32, #tpu.memory_space<hbm>> -> memref<10000x128xf32, #tpu.memory_space<hbm>>
      tpu.enqueue_indirect_dma source(%dma_start3A_532 : memref<10000x128xf32, #tpu.memory_space<hbm>>) target(%dma_start3A_526 : memref<128x128xf32, #tpu.memory_space<vmem>>) offsets(%dma_start3A_529 : memref<128xi32, #tpu.memory_space<vmem>>) semaphore(%arg11 : memref<!tpu.dma_semaphore, #tpu.memory_space<semaphore_mem>>)
      %dma_wait3A_533 = arith.constant 0 : i32
      %dma_wait3A_534 = arith.constant 0 : i32
      %dma_wait3A_535 = arith.constant 0 : i32
      %dma_wait3A_536 = arith.constant 0 : i32
      %dma_wait3A_537 = arith.constant 0 : i32
      %dma_wait3A_538 = tpu.memref_slice %arg8[%dma_wait3A_535, %dma_wait3A_536, %dma_wait3A_537] : memref<2x128x128xf32, #tpu.memory_space<vmem>> -> memref<1x128x128xf32, #tpu.memory_space<vmem>>
      %dma_wait3A_539 = tpu.memref_squeeze %dma_wait3A_538 : memref<1x128x128xf32, #tpu.memory_space<vmem>> -> memref<128x128xf32, #tpu.memory_space<vmem>>
      %dma_wait3A_540 = arith.constant 0 : i32
      %dma_wait3A_541 = tpu.memref_slice %arg6[%dma_wait3A_533, %dma_wait3A_534, %dma_wait3A_540] : memref<2x8x128xi32, #tpu.memory_space<vmem>> -> memref<1x1x128xi32, #tpu.memory_space<vmem>>
      %dma_wait3A_542 = tpu.memref_squeeze %dma_wait3A_541 : memref<1x1x128xi32, #tpu.memory_space<vmem>> -> memref<128xi32, #tpu.memory_space<vmem>>
      %dma_wait3A_543 = arith.constant 0 : i32
      %dma_wait3A_544 = arith.constant 0 : i32
      %dma_wait3A_545 = tpu.memref_slice %arg2[%dma_wait3A_543, %dma_wait3A_544] : memref<10000x128xf32, #tpu.memory_space<hbm>> -> memref<10000x128xf32, #tpu.memory_space<hbm>>
      tpu.wait_indirect_dma semaphore(%arg10 : memref<!tpu.dma_semaphore, #tpu.memory_space<semaphore_mem>>) src(%dma_wait3A_545 : memref<10000x128xf32, #tpu.memory_space<hbm>>) dst(%dma_wait3A_539 : memref<128x128xf32, #tpu.memory_space<vmem>>)
      %run_scoped3A_546 = arith.constant 0 : i32
      %run_scoped3A_547 = arith.constant 1 : i32
      %run_scoped3A_548 = arith.constant 6 : i32
      "tpu.region"() ({
        %run_scoped3A_570 = tpu.sem_alloc : memref<!tpu.dma_semaphore, #tpu.memory_space<semaphore_mem>>
        %dma_start3A_571 = arith.constant 0 : i32
        %dma_start3A_572 = arith.constant 0 : i32
        %dma_start3A_573 = tpu.memref_slice %arg8[%run_scoped3A_546, %dma_start3A_571, %dma_start3A_572] : memref<2x128x128xf32, #tpu.memory_space<vmem>> -> memref<1x128x128xf32, #tpu.memory_space<vmem>>
        %dma_start3A_574 = tpu.memref_squeeze %dma_start3A_573 : memref<1x128x128xf32, #tpu.memory_space<vmem>> -> memref<128x128xf32, #tpu.memory_space<vmem>>
        %dma_start3A_575 = arith.constant 0 : i32
        %dma_start3A_576 = tpu.memref_slice %arg7[%run_scoped3A_547, %run_scoped3A_548, %dma_start3A_575] : memref<2x8x128xi32, #tpu.memory_space<vmem>> -> memref<1x1x128xi32, #tpu.memory_space<vmem>>
        %dma_start3A_577 = tpu.memref_squeeze %dma_start3A_576 : memref<1x1x128xi32, #tpu.memory_space<vmem>> -> memref<128xi32, #tpu.memory_space<vmem>>
        %dma_start3A_578 = arith.constant 0 : i32
        %dma_start3A_579 = arith.constant 0 : i32
        %dma_start3A_580 = tpu.memref_slice %arg9[%dma_start3A_578, %dma_start3A_579] : memref<10112x128xf32, #tpu.memory_space<vmem_shared>> -> memref<10112x128xf32, #tpu.memory_space<vmem_shared>>
        tpu.enqueue_indirect_dma source(%dma_start3A_574 : memref<128x128xf32, #tpu.memory_space<vmem>>) target(%dma_start3A_580 : memref<10112x128xf32, #tpu.memory_space<vmem_shared>>) offsets(%dma_start3A_577 : memref<128xi32, #tpu.memory_space<vmem>>) semaphore(%run_scoped3A_570 : memref<!tpu.dma_semaphore, #tpu.memory_space<semaphore_mem>>) {add = true}
        %dma_wait3A_581 = arith.constant 0 : i32
        %dma_wait3A_582 = arith.constant 0 : i32
        %dma_wait3A_583 = tpu.memref_slice %arg8[%run_scoped3A_546, %dma_wait3A_581, %dma_wait3A_582] : memref<2x128x128xf32, #tpu.memory_space<vmem>> -> memref<1x128x128xf32, #tpu.memory_space<vmem>>
        %dma_wait3A_584 = tpu.memref_squeeze %dma_wait3A_583 : memref<1x128x128xf32, #tpu.memory_space<vmem>> -> memref<128x128xf32, #tpu.memory_space<vmem>>
        %dma_wait3A_585 = arith.constant 0 : i32
        %dma_wait3A_586 = tpu.memref_slice %arg7[%run_scoped3A_547, %run_scoped3A_548, %dma_wait3A_585] : memref<2x8x128xi32, #tpu.memory_space<vmem>> -> memref<1x1x128xi32, #tpu.memory_space<vmem>>
        %dma_wait3A_587 = tpu.memref_squeeze %dma_wait3A_586 : memref<1x1x128xi32, #tpu.memory_space<vmem>> -> memref<128xi32, #tpu.memory_space<vmem>>
        %dma_wait3A_588 = arith.constant 0 : i32
        %dma_wait3A_589 = arith.constant 0 : i32
        %dma_wait3A_590 = tpu.memref_slice %arg9[%dma_wait3A_588, %dma_wait3A_589] : memref<10112x128xf32, #tpu.memory_space<vmem_shared>> -> memref<10112x128xf32, #tpu.memory_space<vmem_shared>>
        tpu.wait_indirect_dma semaphore(%run_scoped3A_570 : memref<!tpu.dma_semaphore, #tpu.memory_space<semaphore_mem>>) src(%dma_wait3A_584 : memref<128x128xf32, #tpu.memory_space<vmem>>) dst(%dma_wait3A_590 : memref<10112x128xf32, #tpu.memory_space<vmem_shared>>)
        tpu.yield
      }) : () -> ()
      %not3A_549 = arith.constant true
      %not3A_550 = arith.xori %and3A_340, %not3A_549 : i1
      %convert_element_type3A_551 = arith.extui %not3A_550 : i1 to i32
      %cond3A_552 = arith.constant 0 : i32
      %cond3A_553 = arith.cmpi ne, %convert_element_type3A_551, %cond3A_552 : i32
      scf.if %cond3A_553 {
        %add3A_570 = arith.constant 1 : i32
        %add3A_571 = arith.addi %add3A_336, %add3A_570 : i32
        %mul3A_572 = arith.constant 8 : i32
        %mul3A_573 = arith.muli %add3A_571, %mul3A_572 : i32
        %add3A_574 = arith.addi %mul3A_22, %mul3A_573 : i32
        %mul3A_575 = arith.constant 8 : i32
        %mul3A_576 = arith.muli %add3A_571, %mul3A_575 : i32
        %add3A_577 = arith.addi %mul3A_22, %mul3A_576 : i32
        %dma_wait3A_578 = arith.constant 0 : i32
        %dma_wait3A_579 = arith.constant 0 : i32
        %dma_wait3A_580 = arith.constant 0 : i32
        %dma_wait3A_581 = tpu.memref_slice %arg6[%dma_wait3A_578, %dma_wait3A_579, %dma_wait3A_580] : memref<2x8x128xi32, #tpu.memory_space<vmem>> -> memref<1x8x128xi32, #tpu.memory_space<vmem>>
        %dma_wait3A_582 = tpu.memref_squeeze %dma_wait3A_581 : memref<1x8x128xi32, #tpu.memory_space<vmem>> -> memref<8x128xi32, #tpu.memory_space<vmem>>
        %dma_wait3A_583 = arith.constant 0 : i32
        %dma_wait3A_584 = tpu.memref_slice %arg3[%add3A_574, %dma_wait3A_583] : memref<2560x128xi32, #tpu.memory_space<hbm>> -> memref<8x128xi32, #tpu.memory_space<hbm>>
        %dma_wait3A_585 = arith.constant 0 : i32
        %dma_wait3A_586 = arith.constant 0 : i32
        %dma_wait3A_587 = tpu.memref_slice %arg6[%dma_wait3A_578, %dma_wait3A_585, %dma_wait3A_586] : memref<2x8x128xi32, #tpu.memory_space<vmem>> -> memref<1x8x128xi32, #tpu.memory_space<vmem>>
        %dma_wait3A_588 = tpu.memref_squeeze %dma_wait3A_587 : memref<1x8x128xi32, #tpu.memory_space<vmem>> -> memref<8x128xi32, #tpu.memory_space<vmem>>
        %dma_wait3A_589 = arith.constant 0 : i32
        %dma_wait3A_590 = tpu.memref_slice %arg3[%add3A_574, %dma_wait3A_589] : memref<2560x128xi32, #tpu.memory_space<hbm>> -> memref<8x128xi32, #tpu.memory_space<hbm>>
        tpu.wait_dma2 semaphore(%arg12 : memref<!tpu.dma_semaphore, #tpu.memory_space<semaphore_mem>>) src(%dma_wait3A_590 : memref<8x128xi32, #tpu.memory_space<hbm>>) dst(%dma_wait3A_588 : memref<8x128xi32, #tpu.memory_space<vmem>>)
        %dma_wait3A_591 = arith.constant 0 : i32
        %dma_wait3A_592 = arith.constant 0 : i32
        %dma_wait3A_593 = arith.constant 0 : i32
        %dma_wait3A_594 = tpu.memref_slice %arg7[%dma_wait3A_591, %dma_wait3A_592, %dma_wait3A_593] : memref<2x8x128xi32, #tpu.memory_space<vmem>> -> memref<1x8x128xi32, #tpu.memory_space<vmem>>
        %dma_wait3A_595 = tpu.memref_squeeze %dma_wait3A_594 : memref<1x8x128xi32, #tpu.memory_space<vmem>> -> memref<8x128xi32, #tpu.memory_space<vmem>>
        %dma_wait3A_596 = arith.constant 0 : i32
        %dma_wait3A_597 = tpu.memref_slice %arg4[%add3A_577, %dma_wait3A_596] : memref<2560x128xi32, #tpu.memory_space<hbm>> -> memref<8x128xi32, #tpu.memory_space<hbm>>
        %dma_wait3A_598 = arith.constant 0 : i32
        %dma_wait3A_599 = arith.constant 0 : i32
        %dma_wait3A_600 = tpu.memref_slice %arg7[%dma_wait3A_591, %dma_wait3A_598, %dma_wait3A_599] : memref<2x8x128xi32, #tpu.memory_space<vmem>> -> memref<1x8x128xi32, #tpu.memory_space<vmem>>
        %dma_wait3A_601 = tpu.memref_squeeze %dma_wait3A_600 : memref<1x8x128xi32, #tpu.memory_space<vmem>> -> memref<8x128xi32, #tpu.memory_space<vmem>>
        %dma_wait3A_602 = arith.constant 0 : i32
        %dma_wait3A_603 = tpu.memref_slice %arg4[%add3A_577, %dma_wait3A_602] : memref<2560x128xi32, #tpu.memory_space<hbm>> -> memref<8x128xi32, #tpu.memory_space<hbm>>
        tpu.wait_dma2 semaphore(%arg13 : memref<!tpu.dma_semaphore, #tpu.memory_space<semaphore_mem>>) src(%dma_wait3A_603 : memref<8x128xi32, #tpu.memory_space<hbm>>) dst(%dma_wait3A_601 : memref<8x128xi32, #tpu.memory_space<vmem>>)
        %dma_start3A_604 = arith.constant 0 : i32
        %dma_start3A_605 = arith.constant 0 : i32
        %dma_start3A_606 = arith.constant 0 : i32
        %dma_start3A_607 = arith.constant 0 : i32
        %dma_start3A_608 = arith.constant 0 : i32
        %dma_start3A_609 = tpu.memref_slice %arg8[%dma_start3A_606, %dma_start3A_607, %dma_start3A_608] : memref<2x128x128xf32, #tpu.memory_space<vmem>> -> memref<1x128x128xf32, #tpu.memory_space<vmem>>
        %dma_start3A_610 = tpu.memref_squeeze %dma_start3A_609 : memref<1x128x128xf32, #tpu.memory_space<vmem>> -> memref<128x128xf32, #tpu.memory_space<vmem>>
        %dma_start3A_611 = arith.constant 0 : i32
        %dma_start3A_612 = tpu.memref_slice %arg6[%dma_start3A_604, %dma_start3A_605, %dma_start3A_611] : memref<2x8x128xi32, #tpu.memory_space<vmem>> -> memref<1x1x128xi32, #tpu.memory_space<vmem>>
        %dma_start3A_613 = tpu.memref_squeeze %dma_start3A_612 : memref<1x1x128xi32, #tpu.memory_space<vmem>> -> memref<128xi32, #tpu.memory_space<vmem>>
        %dma_start3A_614 = arith.constant 0 : i32
        %dma_start3A_615 = arith.constant 0 : i32
        %dma_start3A_616 = tpu.memref_slice %arg2[%dma_start3A_614, %dma_start3A_615] : memref<10000x128xf32, #tpu.memory_space<hbm>> -> memref<10000x128xf32, #tpu.memory_space<hbm>>
        tpu.enqueue_indirect_dma source(%dma_start3A_616 : memref<10000x128xf32, #tpu.memory_space<hbm>>) target(%dma_start3A_610 : memref<128x128xf32, #tpu.memory_space<vmem>>) offsets(%dma_start3A_613 : memref<128xi32, #tpu.memory_space<vmem>>) semaphore(%arg10 : memref<!tpu.dma_semaphore, #tpu.memory_space<semaphore_mem>>)
      } else {
      }
      %dma_wait3A_554 = arith.constant 0 : i32
      %dma_wait3A_555 = arith.constant 0 : i32
      %dma_wait3A_556 = arith.constant 1 : i32
      %dma_wait3A_557 = arith.constant 0 : i32
      %dma_wait3A_558 = arith.constant 0 : i32
      %dma_wait3A_559 = tpu.memref_slice %arg8[%dma_wait3A_556, %dma_wait3A_557, %dma_wait3A_558] : memref<2x128x128xf32, #tpu.memory_space<vmem>> -> memref<1x128x128xf32, #tpu.memory_space<vmem>>
      %dma_wait3A_560 = tpu.memref_squeeze %dma_wait3A_559 : memref<1x128x128xf32, #tpu.memory_space<vmem>> -> memref<128x128xf32, #tpu.memory_space<vmem>>
      %dma_wait3A_561 = arith.constant 0 : i32
      %dma_wait3A_562 = tpu.memref_slice %arg6[%dma_wait3A_554, %dma_wait3A_555, %dma_wait3A_561] : memref<2x8x128xi32, #tpu.memory_space<vmem>> -> memref<1x1x128xi32, #tpu.memory_space<vmem>>
      %dma_wait3A_563 = tpu.memref_squeeze %dma_wait3A_562 : memref<1x1x128xi32, #tpu.memory_space<vmem>> -> memref<128xi32, #tpu.memory_space<vmem>>
      %dma_wait3A_564 = arith.constant 0 : i32
      %dma_wait3A_565 = arith.constant 0 : i32
      %dma_wait3A_566 = tpu.memref_slice %arg2[%dma_wait3A_564, %dma_wait3A_565] : memref<10000x128xf32, #tpu.memory_space<hbm>> -> memref<10000x128xf32, #tpu.memory_space<hbm>>
      tpu.wait_indirect_dma semaphore(%arg11 : memref<!tpu.dma_semaphore, #tpu.memory_space<semaphore_mem>>) src(%dma_wait3A_566 : memref<10000x128xf32, #tpu.memory_space<hbm>>) dst(%dma_wait3A_560 : memref<128x128xf32, #tpu.memory_space<vmem>>)
      %run_scoped3A_567 = arith.constant 1 : i32
      %run_scoped3A_568 = arith.constant 1 : i32
      %run_scoped3A_569 = arith.constant 7 : i32
      "tpu.region"() ({
        %run_scoped3A_570 = tpu.sem_alloc : memref<!tpu.dma_semaphore, #tpu.memory_space<semaphore_mem>>
        %dma_start3A_571 = arith.constant 0 : i32
        %dma_start3A_572 = arith.constant 0 : i32
        %dma_start3A_573 = tpu.memref_slice %arg8[%run_scoped3A_567, %dma_start3A_571, %dma_start3A_572] : memref<2x128x128xf32, #tpu.memory_space<vmem>> -> memref<1x128x128xf32, #tpu.memory_space<vmem>>
        %dma_start3A_574 = tpu.memref_squeeze %dma_start3A_573 : memref<1x128x128xf32, #tpu.memory_space<vmem>> -> memref<128x128xf32, #tpu.memory_space<vmem>>
        %dma_start3A_575 = arith.constant 0 : i32
        %dma_start3A_576 = tpu.memref_slice %arg7[%run_scoped3A_568, %run_scoped3A_569, %dma_start3A_575] : memref<2x8x128xi32, #tpu.memory_space<vmem>> -> memref<1x1x128xi32, #tpu.memory_space<vmem>>
        %dma_start3A_577 = tpu.memref_squeeze %dma_start3A_576 : memref<1x1x128xi32, #tpu.memory_space<vmem>> -> memref<128xi32, #tpu.memory_space<vmem>>
        %dma_start3A_578 = arith.constant 0 : i32
        %dma_start3A_579 = arith.constant 0 : i32
        %dma_start3A_580 = tpu.memref_slice %arg9[%dma_start3A_578, %dma_start3A_579] : memref<10112x128xf32, #tpu.memory_space<vmem_shared>> -> memref<10112x128xf32, #tpu.memory_space<vmem_shared>>
        tpu.enqueue_indirect_dma source(%dma_start3A_574 : memref<128x128xf32, #tpu.memory_space<vmem>>) target(%dma_start3A_580 : memref<10112x128xf32, #tpu.memory_space<vmem_shared>>) offsets(%dma_start3A_577 : memref<128xi32, #tpu.memory_space<vmem>>) semaphore(%run_scoped3A_570 : memref<!tpu.dma_semaphore, #tpu.memory_space<semaphore_mem>>) {add = true}
        %dma_wait3A_581 = arith.constant 0 : i32
        %dma_wait3A_582 = arith.constant 0 : i32
        %dma_wait3A_583 = tpu.memref_slice %arg8[%run_scoped3A_567, %dma_wait3A_581, %dma_wait3A_582] : memref<2x128x128xf32, #tpu.memory_space<vmem>> -> memref<1x128x128xf32, #tpu.memory_space<vmem>>
        %dma_wait3A_584 = tpu.memref_squeeze %dma_wait3A_583 : memref<1x128x128xf32, #tpu.memory_space<vmem>> -> memref<128x128xf32, #tpu.memory_space<vmem>>
        %dma_wait3A_585 = arith.constant 0 : i32
        %dma_wait3A_586 = tpu.memref_slice %arg7[%run_scoped3A_568, %run_scoped3A_569, %dma_wait3A_585] : memref<2x8x128xi32, #tpu.memory_space<vmem>> -> memref<1x1x128xi32, #tpu.memory_space<vmem>>
        %dma_wait3A_587 = tpu.memref_squeeze %dma_wait3A_586 : memref<1x1x128xi32, #tpu.memory_space<vmem>> -> memref<128xi32, #tpu.memory_space<vmem>>
        %dma_wait3A_588 = arith.constant 0 : i32
        %dma_wait3A_589 = arith.constant 0 : i32
        %dma_wait3A_590 = tpu.memref_slice %arg9[%dma_wait3A_588, %dma_wait3A_589] : memref<10112x128xf32, #tpu.memory_space<vmem_shared>> -> memref<10112x128xf32, #tpu.memory_space<vmem_shared>>
        tpu.wait_indirect_dma semaphore(%run_scoped3A_570 : memref<!tpu.dma_semaphore, #tpu.memory_space<semaphore_mem>>) src(%dma_wait3A_584 : memref<128x128xf32, #tpu.memory_space<vmem>>) dst(%dma_wait3A_590 : memref<10112x128xf32, #tpu.memory_space<vmem_shared>>)
        tpu.yield
      }) : () -> ()
    }
    %scan3A_94 = arith.constant 5 : i32
    %barrier3A_95 = arith.constant 0 : index
    tpu.barrier barrier_id(%barrier3A_95)
    "tpu.region"() ({
      %run_scoped3A_96 = tpu.sem_alloc : memref<!tpu.dma_semaphore, #tpu.memory_space<semaphore_mem>>
      %dma_start3A_97 = arith.constant 0 : i32
      %dma_start3A_98 = tpu.memref_slice %arg5[%arg0, %mul3A_6, %dma_start3A_97] : memref<2x10112x128xf32, #tpu.memory_space<hbm>> -> memref<1x632x128xf32, #tpu.memory_space<hbm>>
      %dma_start3A_99 = tpu.memref_squeeze %dma_start3A_98 : memref<1x632x128xf32, #tpu.memory_space<hbm>> -> memref<632x128xf32, #tpu.memory_space<hbm>>
      %dma_start3A_100 = arith.constant 0 : i32
      %dma_start3A_101 = tpu.memref_slice %arg9[%mul3A_6, %dma_start3A_100] : memref<10112x128xf32, #tpu.memory_space<vmem_shared>> -> memref<632x128xf32, #tpu.memory_space<vmem_shared>>
      tpu.enqueue_dma source(%dma_start3A_101 : memref<632x128xf32, #tpu.memory_space<vmem_shared>>) target(%dma_start3A_99 : memref<632x128xf32, #tpu.memory_space<hbm>>) target_semaphore(%run_scoped3A_96 : memref<!tpu.dma_semaphore, #tpu.memory_space<semaphore_mem>>)
      %dma_wait3A_102 = arith.constant 0 : i32
      %dma_wait3A_103 = tpu.memref_slice %arg5[%arg0, %mul3A_6, %dma_wait3A_102] : memref<2x10112x128xf32, #tpu.memory_space<hbm>> -> memref<1x632x128xf32, #tpu.memory_space<hbm>>
      %dma_wait3A_104 = tpu.memref_squeeze %dma_wait3A_103 : memref<1x632x128xf32, #tpu.memory_space<hbm>> -> memref<632x128xf32, #tpu.memory_space<hbm>>
      %dma_wait3A_105 = arith.constant 0 : i32
      %dma_wait3A_106 = tpu.memref_slice %arg9[%mul3A_6, %dma_wait3A_105] : memref<10112x128xf32, #tpu.memory_space<vmem_shared>> -> memref<632x128xf32, #tpu.memory_space<vmem_shared>>
      tpu.wait_dma2 semaphore(%run_scoped3A_96 : memref<!tpu.dma_semaphore, #tpu.memory_space<semaphore_mem>>) src(%dma_wait3A_106 : memref<632x128xf32, #tpu.memory_space<vmem_shared>>) dst(%dma_wait3A_104 : memref<632x128xf32, #tpu.memory_space<hbm>>)
      tpu.yield
    }) : () -> ()
    return
  }
}

#map = affine_map<(d0, d1) -> (0, 0)>
#map1 = affine_map<(d0, d1) -> (0, 0, 0)>
module attributes {stable_mosaic.version = 14 : i64} {
  func.func @_sc_propagate_body(%arg0: i32, %arg1: i32, %arg2: memref<10000x128xf32, #tpu.memory_space<hbm>>, %arg3: memref<2560x128xi32, #tpu.memory_space<hbm>>, %arg4: memref<2560x128xi32, #tpu.memory_space<hbm>>, %arg5: memref<2x10112x128xf32, #tpu.memory_space<hbm>>, %arg6: memref<2x8x128xi32, #tpu.memory_space<vmem>>, %arg7: memref<2x8x128xi32, #tpu.memory_space<vmem>>, %arg8: memref<2x128x128xf32, #tpu.memory_space<vmem>>, %arg9: memref<10112x128xf32, #tpu.memory_space<vmem_shared>>, %arg10: memref<!tpu.dma_semaphore, #tpu.memory_space<semaphore_mem>>, %arg11: memref<!tpu.dma_semaphore, #tpu.memory_space<semaphore_mem>>, %arg12: memref<!tpu.dma_semaphore, #tpu.memory_space<semaphore_mem>>, %arg13: memref<!tpu.dma_semaphore, #tpu.memory_space<semaphore_mem>>) attributes {dimension_semantics = [#tpu.dimension_semantics<core_parallel>, #tpu.dimension_semantics<subcore_parallel>], iteration_bounds = array<i64: 2, 16>, scalar_prefetch = 0 : i64, scratch_operands = 8 : i64, tpu.core_type = #tpu.core_type<sc_vector_subcore>, window_params = [{transform_indices = #map}, {transform_indices = #map}, {transform_indices = #map}, {transform_indices = #map1}]} {
    %mul3A = arith.constant 16 : i32
    %mul3A_0 = arith.muli %arg0, %mul3A : i32
    %add3A = arith.addi %mul3A_0, %arg1 : i32
    %scan3A = arith.constant 0 : i32
    %scan3A_1 = arith.constant 128 : i32
    %scan3A_2 = arith.addi %scan3A, %scan3A_1 : i32
    %scan3A_3 = arith.constant 1 : i32
    scf.for %scan3A_96 = %scan3A to %scan3A_2 step %scan3A_3  : i32 {
      %mul3A_97 = arith.constant 1 : i32
      %mul3A_98 = arith.muli %scan3A_96, %mul3A_97 : i32
      %add3A_99 = arith.constant 0 : i32
      %add3A_100 = arith.addi %add3A_99, %mul3A_98 : i32
      %broadcast_in_dim3A = arith.constant 0.000000e+00 : f32
      %broadcast_in_dim3A_101 = vector.broadcast %broadcast_in_dim3A : f32 to vector<16xf32>
      %swap3A = arith.constant 0 : i32
      %swap3A_102 = arith.index_cast %swap3A : i32 to index
      %swap3A_103 = arith.index_cast %add3A_100 : i32 to index
      %swap3A_104 = arith.constant 0 : index
      %swap3A_105 = tpu.vector_load %arg8[%swap3A_102, %swap3A_103, %swap3A_104] {strides = array<i32>} : memref<2x128x128xf32, #tpu.memory_space<vmem>>, vector<1x1x16xf32>,
      %swap3A_106 = vector.shape_cast %swap3A_105 : vector<1x1x16xf32> to vector<16xf32>
      %swap3A_107 = vector.shape_cast %broadcast_in_dim3A_101 : vector<16xf32> to vector<1x1x16xf32>
      tpu.vector_store %arg8[%swap3A_102, %swap3A_103, %swap3A_104], %swap3A_107 {strides = array<i32>} : memref<2x128x128xf32, #tpu.memory_space<vmem>>, vector<1x1x16xf32>,
      %broadcast_in_dim3A_108 = arith.constant 0.000000e+00 : f32
      %broadcast_in_dim3A_109 = vector.broadcast %broadcast_in_dim3A_108 : f32 to vector<16xf32>
      %swap3A_110 = arith.constant 0 : i32
      %swap3A_111 = arith.index_cast %swap3A_110 : i32 to index
      %swap3A_112 = arith.index_cast %add3A_100 : i32 to index
      %swap3A_113 = arith.constant 16 : index
      %swap3A_114 = tpu.vector_load %arg8[%swap3A_111, %swap3A_112, %swap3A_113] {strides = array<i32>} : memref<2x128x128xf32, #tpu.memory_space<vmem>>, vector<1x1x16xf32>,
      %swap3A_115 = vector.shape_cast %swap3A_114 : vector<1x1x16xf32> to vector<16xf32>
      %swap3A_116 = vector.shape_cast %broadcast_in_dim3A_109 : vector<16xf32> to vector<1x1x16xf32>
      tpu.vector_store %arg8[%swap3A_111, %swap3A_112, %swap3A_113], %swap3A_116 {strides = array<i32>} : memref<2x128x128xf32, #tpu.memory_space<vmem>>, vector<1x1x16xf32>,
      %broadcast_in_dim3A_117 = arith.constant 0.000000e+00 : f32
      %broadcast_in_dim3A_118 = vector.broadcast %broadcast_in_dim3A_117 : f32 to vector<16xf32>
      %swap3A_119 = arith.constant 0 : i32
      %swap3A_120 = arith.index_cast %swap3A_119 : i32 to index
      %swap3A_121 = arith.index_cast %add3A_100 : i32 to index
      %swap3A_122 = arith.constant 32 : index
      %swap3A_123 = tpu.vector_load %arg8[%swap3A_120, %swap3A_121, %swap3A_122] {strides = array<i32>} : memref<2x128x128xf32, #tpu.memory_space<vmem>>, vector<1x1x16xf32>,
      %swap3A_124 = vector.shape_cast %swap3A_123 : vector<1x1x16xf32> to vector<16xf32>
      %swap3A_125 = vector.shape_cast %broadcast_in_dim3A_118 : vector<16xf32> to vector<1x1x16xf32>
      tpu.vector_store %arg8[%swap3A_120, %swap3A_121, %swap3A_122], %swap3A_125 {strides = array<i32>} : memref<2x128x128xf32, #tpu.memory_space<vmem>>, vector<1x1x16xf32>,
      %broadcast_in_dim3A_126 = arith.constant 0.000000e+00 : f32
      %broadcast_in_dim3A_127 = vector.broadcast %broadcast_in_dim3A_126 : f32 to vector<16xf32>
      %swap3A_128 = arith.constant 0 : i32
      %swap3A_129 = arith.index_cast %swap3A_128 : i32 to index
      %swap3A_130 = arith.index_cast %add3A_100 : i32 to index
      %swap3A_131 = arith.constant 48 : index
      %swap3A_132 = tpu.vector_load %arg8[%swap3A_129, %swap3A_130, %swap3A_131] {strides = array<i32>} : memref<2x128x128xf32, #tpu.memory_space<vmem>>, vector<1x1x16xf32>,
      %swap3A_133 = vector.shape_cast %swap3A_132 : vector<1x1x16xf32> to vector<16xf32>
      %swap3A_134 = vector.shape_cast %broadcast_in_dim3A_127 : vector<16xf32> to vector<1x1x16xf32>
      tpu.vector_store %arg8[%swap3A_129, %swap3A_130, %swap3A_131], %swap3A_134 {strides = array<i32>} : memref<2x128x128xf32, #tpu.memory_space<vmem>>, vector<1x1x16xf32>,
      %broadcast_in_dim3A_135 = arith.constant 0.000000e+00 : f32
      %broadcast_in_dim3A_136 = vector.broadcast %broadcast_in_dim3A_135 : f32 to vector<16xf32>
      %swap3A_137 = arith.constant 0 : i32
      %swap3A_138 = arith.index_cast %swap3A_137 : i32 to index
      %swap3A_139 = arith.index_cast %add3A_100 : i32 to index
      %swap3A_140 = arith.constant 64 : index
      %swap3A_141 = tpu.vector_load %arg8[%swap3A_138, %swap3A_139, %swap3A_140] {strides = array<i32>} : memref<2x128x128xf32, #tpu.memory_space<vmem>>, vector<1x1x16xf32>,
      %swap3A_142 = vector.shape_cast %swap3A_141 : vector<1x1x16xf32> to vector<16xf32>
      %swap3A_143 = vector.shape_cast %broadcast_in_dim3A_136 : vector<16xf32> to vector<1x1x16xf32>
      tpu.vector_store %arg8[%swap3A_138, %swap3A_139, %swap3A_140], %swap3A_143 {strides = array<i32>} : memref<2x128x128xf32, #tpu.memory_space<vmem>>, vector<1x1x16xf32>,
      %broadcast_in_dim3A_144 = arith.constant 0.000000e+00 : f32
      %broadcast_in_dim3A_145 = vector.broadcast %broadcast_in_dim3A_144 : f32 to vector<16xf32>
      %swap3A_146 = arith.constant 0 : i32
      %swap3A_147 = arith.index_cast %swap3A_146 : i32 to index
      %swap3A_148 = arith.index_cast %add3A_100 : i32 to index
      %swap3A_149 = arith.constant 80 : index
      %swap3A_150 = tpu.vector_load %arg8[%swap3A_147, %swap3A_148, %swap3A_149] {strides = array<i32>} : memref<2x128x128xf32, #tpu.memory_space<vmem>>, vector<1x1x16xf32>,
      %swap3A_151 = vector.shape_cast %swap3A_150 : vector<1x1x16xf32> to vector<16xf32>
      %swap3A_152 = vector.shape_cast %broadcast_in_dim3A_145 : vector<16xf32> to vector<1x1x16xf32>
      tpu.vector_store %arg8[%swap3A_147, %swap3A_148, %swap3A_149], %swap3A_152 {strides = array<i32>} : memref<2x128x128xf32, #tpu.memory_space<vmem>>, vector<1x1x16xf32>,
      %broadcast_in_dim3A_153 = arith.constant 0.000000e+00 : f32
      %broadcast_in_dim3A_154 = vector.broadcast %broadcast_in_dim3A_153 : f32 to vector<16xf32>
      %swap3A_155 = arith.constant 0 : i32
      %swap3A_156 = arith.index_cast %swap3A_155 : i32 to index
      %swap3A_157 = arith.index_cast %add3A_100 : i32 to index
      %swap3A_158 = arith.constant 96 : index
      %swap3A_159 = tpu.vector_load %arg8[%swap3A_156, %swap3A_157, %swap3A_158] {strides = array<i32>} : memref<2x128x128xf32, #tpu.memory_space<vmem>>, vector<1x1x16xf32>,
      %swap3A_160 = vector.shape_cast %swap3A_159 : vector<1x1x16xf32> to vector<16xf32>
      %swap3A_161 = vector.shape_cast %broadcast_in_dim3A_154 : vector<16xf32> to vector<1x1x16xf32>
      tpu.vector_store %arg8[%swap3A_156, %swap3A_157, %swap3A_158], %swap3A_161 {strides = array<i32>} : memref<2x128x128xf32, #tpu.memory_space<vmem>>, vector<1x1x16xf32>,
      %broadcast_in_dim3A_162 = arith.constant 0.000000e+00 : f32
      %broadcast_in_dim3A_163 = vector.broadcast %broadcast_in_dim3A_162 : f32 to vector<16xf32>
      %swap3A_164 = arith.constant 0 : i32
      %swap3A_165 = arith.index_cast %swap3A_164 : i32 to index
      %swap3A_166 = arith.index_cast %add3A_100 : i32 to index
      %swap3A_167 = arith.constant 112 : index
      %swap3A_168 = tpu.vector_load %arg8[%swap3A_165, %swap3A_166, %swap3A_167] {strides = array<i32>} : memref<2x128x128xf32, #tpu.memory_space<vmem>>, vector<1x1x16xf32>,
      %swap3A_169 = vector.shape_cast %swap3A_168 : vector<1x1x16xf32> to vector<16xf32>
      %swap3A_170 = vector.shape_cast %broadcast_in_dim3A_163 : vector<16xf32> to vector<1x1x16xf32>
      tpu.vector_store %arg8[%swap3A_165, %swap3A_166, %swap3A_167], %swap3A_170 {strides = array<i32>} : memref<2x128x128xf32, #tpu.memory_space<vmem>>, vector<1x1x16xf32>,
    }
    %scan3A_4 = arith.constant 128 : i32
    %mul3A_5 = arith.constant 632 : i32
    %mul3A_6 = arith.muli %arg1, %mul3A_5 : i32
    %add3A_7 = arith.constant 0 : i32
    %add3A_8 = arith.addi %mul3A_6, %add3A_7 : i32
    %run_scoped3A = arith.constant 0 : i32
    "tpu.region"() ({
      %run_scoped3A_96 = tpu.sem_alloc : memref<!tpu.dma_semaphore, #tpu.memory_space<semaphore_mem>>
      %dma_start3A_97 = arith.constant 0 : i32
      %dma_start3A_98 = arith.constant 0 : i32
      %dma_start3A_99 = tpu.memref_slice %arg8[%run_scoped3A, %dma_start3A_97, %dma_start3A_98] : memref<2x128x128xf32, #tpu.memory_space<vmem>> -> memref<1x128x128xf32, #tpu.memory_space<vmem>>
      %dma_start3A_100 = tpu.memref_squeeze %dma_start3A_99 : memref<1x128x128xf32, #tpu.memory_space<vmem>> -> memref<128x128xf32, #tpu.memory_space<vmem>>
      %dma_start3A_101 = arith.constant 0 : i32
      %dma_start3A_102 = tpu.memref_slice %arg9[%add3A_8, %dma_start3A_101] : memref<10112x128xf32, #tpu.memory_space<vmem_shared>> -> memref<128x128xf32, #tpu.memory_space<vmem_shared>>
      %dma_start3A_103 = arith.constant 0 : i32
      %dma_start3A_104 = tpu.memref_slice %arg9[%add3A_8, %dma_start3A_103] : memref<10112x128xf32, #tpu.memory_space<vmem_shared>> -> memref<128x128xf32, #tpu.memory_space<vmem_shared>>
      %dma_start3A_105 = arith.constant 0 : i32
      %dma_start3A_106 = arith.constant 0 : i32
      %dma_start3A_107 = tpu.memref_slice %arg8[%run_scoped3A, %dma_start3A_105, %dma_start3A_106] : memref<2x128x128xf32, #tpu.memory_space<vmem>> -> memref<1x128x128xf32, #tpu.memory_space<vmem>>
      %dma_start3A_108 = tpu.memref_squeeze %dma_start3A_107 : memref<1x128x128xf32, #tpu.memory_space<vmem>> -> memref<128x128xf32, #tpu.memory_space<vmem>>
      tpu.enqueue_dma source(%dma_start3A_108 : memref<128x128xf32, #tpu.memory_space<vmem>>) target(%dma_start3A_104 : memref<128x128xf32, #tpu.memory_space<vmem_shared>>) target_semaphore(%run_scoped3A_96 : memref<!tpu.dma_semaphore, #tpu.memory_space<semaphore_mem>>)
      %dma_wait3A_109 = arith.constant 0 : i32
      %dma_wait3A_110 = arith.constant 0 : i32
      %dma_wait3A_111 = tpu.memref_slice %arg8[%run_scoped3A, %dma_wait3A_109, %dma_wait3A_110] : memref<2x128x128xf32, #tpu.memory_space<vmem>> -> memref<1x128x128xf32, #tpu.memory_space<vmem>>
      %dma_wait3A_112 = tpu.memref_squeeze %dma_wait3A_111 : memref<1x128x128xf32, #tpu.memory_space<vmem>> -> memref<128x128xf32, #tpu.memory_space<vmem>>
      %dma_wait3A_113 = arith.constant 0 : i32
      %dma_wait3A_114 = tpu.memref_slice %arg9[%add3A_8, %dma_wait3A_113] : memref<10112x128xf32, #tpu.memory_space<vmem_shared>> -> memref<128x128xf32, #tpu.memory_space<vmem_shared>>
      %dma_wait3A_115 = arith.constant 0 : i32
      %dma_wait3A_116 = tpu.memref_slice %arg9[%add3A_8, %dma_wait3A_115] : memref<10112x128xf32, #tpu.memory_space<vmem_shared>> -> memref<128x128xf32, #tpu.memory_space<vmem_shared>>
      %dma_wait3A_117 = arith.constant 0 : i32
      %dma_wait3A_118 = arith.constant 0 : i32
      %dma_wait3A_119 = tpu.memref_slice %arg8[%run_scoped3A, %dma_wait3A_117, %dma_wait3A_118] : memref<2x128x128xf32, #tpu.memory_space<vmem>> -> memref<1x128x128xf32, #tpu.memory_space<vmem>>
      %dma_wait3A_120 = tpu.memref_squeeze %dma_wait3A_119 : memref<1x128x128xf32, #tpu.memory_space<vmem>> -> memref<128x128xf32, #tpu.memory_space<vmem>>
      tpu.wait_dma2 semaphore(%run_scoped3A_96 : memref<!tpu.dma_semaphore, #tpu.memory_space<semaphore_mem>>) src(%dma_wait3A_120 : memref<128x128xf32, #tpu.memory_space<vmem>>) dst(%dma_wait3A_116 : memref<128x128xf32, #tpu.memory_space<vmem_shared>>)
      tpu.yield
    }) : () -> ()
    %add3A_9 = arith.constant 128 : i32
    %add3A_10 = arith.addi %mul3A_6, %add3A_9 : i32
    %run_scoped3A_11 = arith.constant 0 : i32
    "tpu.region"() ({
      %run_scoped3A_96 = tpu.sem_alloc : memref<!tpu.dma_semaphore, #tpu.memory_space<semaphore_mem>>
      %dma_start3A_97 = arith.constant 0 : i32
      %dma_start3A_98 = arith.constant 0 : i32
      %dma_start3A_99 = tpu.memref_slice %arg8[%run_scoped3A_11, %dma_start3A_97, %dma_start3A_98] : memref<2x128x128xf32, #tpu.memory_space<vmem>> -> memref<1x128x128xf32, #tpu.memory_space<vmem>>
      %dma_start3A_100 = tpu.memref_squeeze %dma_start3A_99 : memref<1x128x128xf32, #tpu.memory_space<vmem>> -> memref<128x128xf32, #tpu.memory_space<vmem>>
      %dma_start3A_101 = arith.constant 0 : i32
      %dma_start3A_102 = tpu.memref_slice %arg9[%add3A_10, %dma_start3A_101] : memref<10112x128xf32, #tpu.memory_space<vmem_shared>> -> memref<128x128xf32, #tpu.memory_space<vmem_shared>>
      %dma_start3A_103 = arith.constant 0 : i32
      %dma_start3A_104 = tpu.memref_slice %arg9[%add3A_10, %dma_start3A_103] : memref<10112x128xf32, #tpu.memory_space<vmem_shared>> -> memref<128x128xf32, #tpu.memory_space<vmem_shared>>
      %dma_start3A_105 = arith.constant 0 : i32
      %dma_start3A_106 = arith.constant 0 : i32
      %dma_start3A_107 = tpu.memref_slice %arg8[%run_scoped3A_11, %dma_start3A_105, %dma_start3A_106] : memref<2x128x128xf32, #tpu.memory_space<vmem>> -> memref<1x128x128xf32, #tpu.memory_space<vmem>>
      %dma_start3A_108 = tpu.memref_squeeze %dma_start3A_107 : memref<1x128x128xf32, #tpu.memory_space<vmem>> -> memref<128x128xf32, #tpu.memory_space<vmem>>
      tpu.enqueue_dma source(%dma_start3A_108 : memref<128x128xf32, #tpu.memory_space<vmem>>) target(%dma_start3A_104 : memref<128x128xf32, #tpu.memory_space<vmem_shared>>) target_semaphore(%run_scoped3A_96 : memref<!tpu.dma_semaphore, #tpu.memory_space<semaphore_mem>>)
      %dma_wait3A_109 = arith.constant 0 : i32
      %dma_wait3A_110 = arith.constant 0 : i32
      %dma_wait3A_111 = tpu.memref_slice %arg8[%run_scoped3A_11, %dma_wait3A_109, %dma_wait3A_110] : memref<2x128x128xf32, #tpu.memory_space<vmem>> -> memref<1x128x128xf32, #tpu.memory_space<vmem>>
      %dma_wait3A_112 = tpu.memref_squeeze %dma_wait3A_111 : memref<1x128x128xf32, #tpu.memory_space<vmem>> -> memref<128x128xf32, #tpu.memory_space<vmem>>
      %dma_wait3A_113 = arith.constant 0 : i32
      %dma_wait3A_114 = tpu.memref_slice %arg9[%add3A_10, %dma_wait3A_113] : memref<10112x128xf32, #tpu.memory_space<vmem_shared>> -> memref<128x128xf32, #tpu.memory_space<vmem_shared>>
      %dma_wait3A_115 = arith.constant 0 : i32
      %dma_wait3A_116 = tpu.memref_slice %arg9[%add3A_10, %dma_wait3A_115] : memref<10112x128xf32, #tpu.memory_space<vmem_shared>> -> memref<128x128xf32, #tpu.memory_space<vmem_shared>>
      %dma_wait3A_117 = arith.constant 0 : i32
      %dma_wait3A_118 = arith.constant 0 : i32
      %dma_wait3A_119 = tpu.memref_slice %arg8[%run_scoped3A_11, %dma_wait3A_117, %dma_wait3A_118] : memref<2x128x128xf32, #tpu.memory_space<vmem>> -> memref<1x128x128xf32, #tpu.memory_space<vmem>>
      %dma_wait3A_120 = tpu.memref_squeeze %dma_wait3A_119 : memref<1x128x128xf32, #tpu.memory_space<vmem>> -> memref<128x128xf32, #tpu.memory_space<vmem>>
      tpu.wait_dma2 semaphore(%run_scoped3A_96 : memref<!tpu.dma_semaphore, #tpu.memory_space<semaphore_mem>>) src(%dma_wait3A_120 : memref<128x128xf32, #tpu.memory_space<vmem>>) dst(%dma_wait3A_116 : memref<128x128xf32, #tpu.memory_space<vmem_shared>>)
      tpu.yield
    }) : () -> ()
    %add3A_12 = arith.constant 256 : i32
    %add3A_13 = arith.addi %mul3A_6, %add3A_12 : i32
    %run_scoped3A_14 = arith.constant 0 : i32
    "tpu.region"() ({
      %run_scoped3A_96 = tpu.sem_alloc : memref<!tpu.dma_semaphore, #tpu.memory_space<semaphore_mem>>
      %dma_start3A_97 = arith.constant 0 : i32
      %dma_start3A_98 = arith.constant 0 : i32
      %dma_start3A_99 = tpu.memref_slice %arg8[%run_scoped3A_14, %dma_start3A_97, %dma_start3A_98] : memref<2x128x128xf32, #tpu.memory_space<vmem>> -> memref<1x128x128xf32, #tpu.memory_space<vmem>>
      %dma_start3A_100 = tpu.memref_squeeze %dma_start3A_99 : memref<1x128x128xf32, #tpu.memory_space<vmem>> -> memref<128x128xf32, #tpu.memory_space<vmem>>
      %dma_start3A_101 = arith.constant 0 : i32
      %dma_start3A_102 = tpu.memref_slice %arg9[%add3A_13, %dma_start3A_101] : memref<10112x128xf32, #tpu.memory_space<vmem_shared>> -> memref<128x128xf32, #tpu.memory_space<vmem_shared>>
      %dma_start3A_103 = arith.constant 0 : i32
      %dma_start3A_104 = tpu.memref_slice %arg9[%add3A_13, %dma_start3A_103] : memref<10112x128xf32, #tpu.memory_space<vmem_shared>> -> memref<128x128xf32, #tpu.memory_space<vmem_shared>>
      %dma_start3A_105 = arith.constant 0 : i32
      %dma_start3A_106 = arith.constant 0 : i32
      %dma_start3A_107 = tpu.memref_slice %arg8[%run_scoped3A_14, %dma_start3A_105, %dma_start3A_106] : memref<2x128x128xf32, #tpu.memory_space<vmem>> -> memref<1x128x128xf32, #tpu.memory_space<vmem>>
      %dma_start3A_108 = tpu.memref_squeeze %dma_start3A_107 : memref<1x128x128xf32, #tpu.memory_space<vmem>> -> memref<128x128xf32, #tpu.memory_space<vmem>>
      tpu.enqueue_dma source(%dma_start3A_108 : memref<128x128xf32, #tpu.memory_space<vmem>>) target(%dma_start3A_104 : memref<128x128xf32, #tpu.memory_space<vmem_shared>>) target_semaphore(%run_scoped3A_96 : memref<!tpu.dma_semaphore, #tpu.memory_space<semaphore_mem>>)
      %dma_wait3A_109 = arith.constant 0 : i32
      %dma_wait3A_110 = arith.constant 0 : i32
      %dma_wait3A_111 = tpu.memref_slice %arg8[%run_scoped3A_14, %dma_wait3A_109, %dma_wait3A_110] : memref<2x128x128xf32, #tpu.memory_space<vmem>> -> memref<1x128x128xf32, #tpu.memory_space<vmem>>
      %dma_wait3A_112 = tpu.memref_squeeze %dma_wait3A_111 : memref<1x128x128xf32, #tpu.memory_space<vmem>> -> memref<128x128xf32, #tpu.memory_space<vmem>>
      %dma_wait3A_113 = arith.constant 0 : i32
      %dma_wait3A_114 = tpu.memref_slice %arg9[%add3A_13, %dma_wait3A_113] : memref<10112x128xf32, #tpu.memory_space<vmem_shared>> -> memref<128x128xf32, #tpu.memory_space<vmem_shared>>
      %dma_wait3A_115 = arith.constant 0 : i32
      %dma_wait3A_116 = tpu.memref_slice %arg9[%add3A_13, %dma_wait3A_115] : memref<10112x128xf32, #tpu.memory_space<vmem_shared>> -> memref<128x128xf32, #tpu.memory_space<vmem_shared>>
      %dma_wait3A_117 = arith.constant 0 : i32
      %dma_wait3A_118 = arith.constant 0 : i32
      %dma_wait3A_119 = tpu.memref_slice %arg8[%run_scoped3A_14, %dma_wait3A_117, %dma_wait3A_118] : memref<2x128x128xf32, #tpu.memory_space<vmem>> -> memref<1x128x128xf32, #tpu.memory_space<vmem>>
      %dma_wait3A_120 = tpu.memref_squeeze %dma_wait3A_119 : memref<1x128x128xf32, #tpu.memory_space<vmem>> -> memref<128x128xf32, #tpu.memory_space<vmem>>
      tpu.wait_dma2 semaphore(%run_scoped3A_96 : memref<!tpu.dma_semaphore, #tpu.memory_space<semaphore_mem>>) src(%dma_wait3A_120 : memref<128x128xf32, #tpu.memory_space<vmem>>) dst(%dma_wait3A_116 : memref<128x128xf32, #tpu.memory_space<vmem_shared>>)
      tpu.yield
    }) : () -> ()
    %add3A_15 = arith.constant 384 : i32
    %add3A_16 = arith.addi %mul3A_6, %add3A_15 : i32
    %run_scoped3A_17 = arith.constant 0 : i32
    "tpu.region"() ({
      %run_scoped3A_96 = tpu.sem_alloc : memref<!tpu.dma_semaphore, #tpu.memory_space<semaphore_mem>>
      %dma_start3A_97 = arith.constant 0 : i32
      %dma_start3A_98 = arith.constant 0 : i32
      %dma_start3A_99 = tpu.memref_slice %arg8[%run_scoped3A_17, %dma_start3A_97, %dma_start3A_98] : memref<2x128x128xf32, #tpu.memory_space<vmem>> -> memref<1x128x128xf32, #tpu.memory_space<vmem>>
      %dma_start3A_100 = tpu.memref_squeeze %dma_start3A_99 : memref<1x128x128xf32, #tpu.memory_space<vmem>> -> memref<128x128xf32, #tpu.memory_space<vmem>>
      %dma_start3A_101 = arith.constant 0 : i32
      %dma_start3A_102 = tpu.memref_slice %arg9[%add3A_16, %dma_start3A_101] : memref<10112x128xf32, #tpu.memory_space<vmem_shared>> -> memref<128x128xf32, #tpu.memory_space<vmem_shared>>
      %dma_start3A_103 = arith.constant 0 : i32
      %dma_start3A_104 = tpu.memref_slice %arg9[%add3A_16, %dma_start3A_103] : memref<10112x128xf32, #tpu.memory_space<vmem_shared>> -> memref<128x128xf32, #tpu.memory_space<vmem_shared>>
      %dma_start3A_105 = arith.constant 0 : i32
      %dma_start3A_106 = arith.constant 0 : i32
      %dma_start3A_107 = tpu.memref_slice %arg8[%run_scoped3A_17, %dma_start3A_105, %dma_start3A_106] : memref<2x128x128xf32, #tpu.memory_space<vmem>> -> memref<1x128x128xf32, #tpu.memory_space<vmem>>
      %dma_start3A_108 = tpu.memref_squeeze %dma_start3A_107 : memref<1x128x128xf32, #tpu.memory_space<vmem>> -> memref<128x128xf32, #tpu.memory_space<vmem>>
      tpu.enqueue_dma source(%dma_start3A_108 : memref<128x128xf32, #tpu.memory_space<vmem>>) target(%dma_start3A_104 : memref<128x128xf32, #tpu.memory_space<vmem_shared>>) target_semaphore(%run_scoped3A_96 : memref<!tpu.dma_semaphore, #tpu.memory_space<semaphore_mem>>)
      %dma_wait3A_109 = arith.constant 0 : i32
      %dma_wait3A_110 = arith.constant 0 : i32
      %dma_wait3A_111 = tpu.memref_slice %arg8[%run_scoped3A_17, %dma_wait3A_109, %dma_wait3A_110] : memref<2x128x128xf32, #tpu.memory_space<vmem>> -> memref<1x128x128xf32, #tpu.memory_space<vmem>>
      %dma_wait3A_112 = tpu.memref_squeeze %dma_wait3A_111 : memref<1x128x128xf32, #tpu.memory_space<vmem>> -> memref<128x128xf32, #tpu.memory_space<vmem>>
      %dma_wait3A_113 = arith.constant 0 : i32
      %dma_wait3A_114 = tpu.memref_slice %arg9[%add3A_16, %dma_wait3A_113] : memref<10112x128xf32, #tpu.memory_space<vmem_shared>> -> memref<128x128xf32, #tpu.memory_space<vmem_shared>>
      %dma_wait3A_115 = arith.constant 0 : i32
      %dma_wait3A_116 = tpu.memref_slice %arg9[%add3A_16, %dma_wait3A_115] : memref<10112x128xf32, #tpu.memory_space<vmem_shared>> -> memref<128x128xf32, #tpu.memory_space<vmem_shared>>
      %dma_wait3A_117 = arith.constant 0 : i32
      %dma_wait3A_118 = arith.constant 0 : i32
      %dma_wait3A_119 = tpu.memref_slice %arg8[%run_scoped3A_17, %dma_wait3A_117, %dma_wait3A_118] : memref<2x128x128xf32, #tpu.memory_space<vmem>> -> memref<1x128x128xf32, #tpu.memory_space<vmem>>
      %dma_wait3A_120 = tpu.memref_squeeze %dma_wait3A_119 : memref<1x128x128xf32, #tpu.memory_space<vmem>> -> memref<128x128xf32, #tpu.memory_space<vmem>>
      tpu.wait_dma2 semaphore(%run_scoped3A_96 : memref<!tpu.dma_semaphore, #tpu.memory_space<semaphore_mem>>) src(%dma_wait3A_120 : memref<128x128xf32, #tpu.memory_space<vmem>>) dst(%dma_wait3A_116 : memref<128x128xf32, #tpu.memory_space<vmem_shared>>)
      tpu.yield
    }) : () -> ()
    %add3A_18 = arith.constant 512 : i32
    %add3A_19 = arith.addi %mul3A_6, %add3A_18 : i32
    %run_scoped3A_20 = arith.constant 0 : i32
    "tpu.region"() ({
      %run_scoped3A_96 = tpu.sem_alloc : memref<!tpu.dma_semaphore, #tpu.memory_space<semaphore_mem>>
      %dma_start3A_97 = arith.constant 0 : i32
      %dma_start3A_98 = arith.constant 0 : i32
      %dma_start3A_99 = tpu.memref_slice %arg8[%run_scoped3A_20, %dma_start3A_97, %dma_start3A_98] : memref<2x128x128xf32, #tpu.memory_space<vmem>> -> memref<1x120x128xf32, #tpu.memory_space<vmem>>
      %dma_start3A_100 = tpu.memref_squeeze %dma_start3A_99 : memref<1x120x128xf32, #tpu.memory_space<vmem>> -> memref<120x128xf32, #tpu.memory_space<vmem>>
      %dma_start3A_101 = arith.constant 0 : i32
      %dma_start3A_102 = tpu.memref_slice %arg9[%add3A_19, %dma_start3A_101] : memref<10112x128xf32, #tpu.memory_space<vmem_shared>> -> memref<120x128xf32, #tpu.memory_space<vmem_shared>>
      %dma_start3A_103 = arith.constant 0 : i32
      %dma_start3A_104 = tpu.memref_slice %arg9[%add3A_19, %dma_start3A_103] : memref<10112x128xf32, #tpu.memory_space<vmem_shared>> -> memref<120x128xf32, #tpu.memory_space<vmem_shared>>
      %dma_start3A_105 = arith.constant 0 : i32
      %dma_start3A_106 = arith.constant 0 : i32
      %dma_start3A_107 = tpu.memref_slice %arg8[%run_scoped3A_20, %dma_start3A_105, %dma_start3A_106] : memref<2x128x128xf32, #tpu.memory_space<vmem>> -> memref<1x120x128xf32, #tpu.memory_space<vmem>>
      %dma_start3A_108 = tpu.memref_squeeze %dma_start3A_107 : memref<1x120x128xf32, #tpu.memory_space<vmem>> -> memref<120x128xf32, #tpu.memory_space<vmem>>
      tpu.enqueue_dma source(%dma_start3A_108 : memref<120x128xf32, #tpu.memory_space<vmem>>) target(%dma_start3A_104 : memref<120x128xf32, #tpu.memory_space<vmem_shared>>) target_semaphore(%run_scoped3A_96 : memref<!tpu.dma_semaphore, #tpu.memory_space<semaphore_mem>>)
      %dma_wait3A_109 = arith.constant 0 : i32
      %dma_wait3A_110 = arith.constant 0 : i32
      %dma_wait3A_111 = tpu.memref_slice %arg8[%run_scoped3A_20, %dma_wait3A_109, %dma_wait3A_110] : memref<2x128x128xf32, #tpu.memory_space<vmem>> -> memref<1x120x128xf32, #tpu.memory_space<vmem>>
      %dma_wait3A_112 = tpu.memref_squeeze %dma_wait3A_111 : memref<1x120x128xf32, #tpu.memory_space<vmem>> -> memref<120x128xf32, #tpu.memory_space<vmem>>
      %dma_wait3A_113 = arith.constant 0 : i32
      %dma_wait3A_114 = tpu.memref_slice %arg9[%add3A_19, %dma_wait3A_113] : memref<10112x128xf32, #tpu.memory_space<vmem_shared>> -> memref<120x128xf32, #tpu.memory_space<vmem_shared>>
      %dma_wait3A_115 = arith.constant 0 : i32
      %dma_wait3A_116 = tpu.memref_slice %arg9[%add3A_19, %dma_wait3A_115] : memref<10112x128xf32, #tpu.memory_space<vmem_shared>> -> memref<120x128xf32, #tpu.memory_space<vmem_shared>>
      %dma_wait3A_117 = arith.constant 0 : i32
      %dma_wait3A_118 = arith.constant 0 : i32
      %dma_wait3A_119 = tpu.memref_slice %arg8[%run_scoped3A_20, %dma_wait3A_117, %dma_wait3A_118] : memref<2x128x128xf32, #tpu.memory_space<vmem>> -> memref<1x120x128xf32, #tpu.memory_space<vmem>>
      %dma_wait3A_120 = tpu.memref_squeeze %dma_wait3A_119 : memref<1x120x128xf32, #tpu.memory_space<vmem>> -> memref<120x128xf32, #tpu.memory_space<vmem>>
      tpu.wait_dma2 semaphore(%run_scoped3A_96 : memref<!tpu.dma_semaphore, #tpu.memory_space<semaphore_mem>>) src(%dma_wait3A_120 : memref<120x128xf32, #tpu.memory_space<vmem>>) dst(%dma_wait3A_116 : memref<120x128xf32, #tpu.memory_space<vmem_shared>>)
      tpu.yield
    }) : () -> ()
    %barrier3A = arith.constant 0 : index
    tpu.barrier barrier_id(%barrier3A)
    %mul3A_21 = arith.constant 80 : i32
    %mul3A_22 = arith.muli %add3A, %mul3A_21 : i32
    %add3A_23 = arith.constant 0 : i32
    %add3A_24 = arith.addi %mul3A_22, %add3A_23 : i32
    %add3A_25 = arith.constant 0 : i32
    %add3A_26 = arith.addi %mul3A_22, %add3A_25 : i32
    %dma_start3A = arith.constant 0 : i32
    %dma_start3A_27 = arith.constant 0 : i32
    %dma_start3A_28 = arith.constant 0 : i32
    %dma_start3A_29 = tpu.memref_slice %arg6[%dma_start3A, %dma_start3A_27, %dma_start3A_28] : memref<2x8x128xi32, #tpu.memory_space<vmem>> -> memref<1x8x128xi32, #tpu.memory_space<vmem>>
    %dma_start3A_30 = tpu.memref_squeeze %dma_start3A_29 : memref<1x8x128xi32, #tpu.memory_space<vmem>> -> memref<8x128xi32, #tpu.memory_space<vmem>>
    %dma_start3A_31 = arith.constant 0 : i32
    %dma_start3A_32 = tpu.memref_slice %arg3[%add3A_24, %dma_start3A_31] : memref<2560x128xi32, #tpu.memory_space<hbm>> -> memref<8x128xi32, #tpu.memory_space<hbm>>
    %dma_start3A_33 = arith.constant 0 : i32
    %dma_start3A_34 = arith.constant 0 : i32
    %dma_start3A_35 = tpu.memref_slice %arg6[%dma_start3A, %dma_start3A_33, %dma_start3A_34] : memref<2x8x128xi32, #tpu.memory_space<vmem>> -> memref<1x8x128xi32, #tpu.memory_space<vmem>>
    %dma_start3A_36 = tpu.memref_squeeze %dma_start3A_35 : memref<1x8x128xi32, #tpu.memory_space<vmem>> -> memref<8x128xi32, #tpu.memory_space<vmem>>
    %dma_start3A_37 = arith.constant 0 : i32
    %dma_start3A_38 = tpu.memref_slice %arg3[%add3A_24, %dma_start3A_37] : memref<2560x128xi32, #tpu.memory_space<hbm>> -> memref<8x128xi32, #tpu.memory_space<hbm>>
    tpu.enqueue_dma source(%dma_start3A_38 : memref<8x128xi32, #tpu.memory_space<hbm>>) target(%dma_start3A_36 : memref<8x128xi32, #tpu.memory_space<vmem>>) target_semaphore(%arg12 : memref<!tpu.dma_semaphore, #tpu.memory_space<semaphore_mem>>)
    %dma_wait3A = arith.constant 0 : i32
    %dma_wait3A_39 = arith.constant 0 : i32
    %dma_wait3A_40 = arith.constant 0 : i32
    %dma_wait3A_41 = tpu.memref_slice %arg6[%dma_wait3A, %dma_wait3A_39, %dma_wait3A_40] : memref<2x8x128xi32, #tpu.memory_space<vmem>> -> memref<1x8x128xi32, #tpu.memory_space<vmem>>
    %dma_wait3A_42 = tpu.memref_squeeze %dma_wait3A_41 : memref<1x8x128xi32, #tpu.memory_space<vmem>> -> memref<8x128xi32, #tpu.memory_space<vmem>>
    %dma_wait3A_43 = arith.constant 0 : i32
    %dma_wait3A_44 = tpu.memref_slice %arg3[%add3A_24, %dma_wait3A_43] : memref<2560x128xi32, #tpu.memory_space<hbm>> -> memref<8x128xi32, #tpu.memory_space<hbm>>
    %dma_wait3A_45 = arith.constant 0 : i32
    %dma_wait3A_46 = arith.constant 0 : i32
    %dma_wait3A_47 = tpu.memref_slice %arg6[%dma_wait3A, %dma_wait3A_45, %dma_wait3A_46] : memref<2x8x128xi32, #tpu.memory_space<vmem>> -> memref<1x8x128xi32, #tpu.memory_space<vmem>>
    %dma_wait3A_48 = tpu.memref_squeeze %dma_wait3A_47 : memref<1x8x128xi32, #tpu.memory_space<vmem>> -> memref<8x128xi32, #tpu.memory_space<vmem>>
    %dma_wait3A_49 = arith.constant 0 : i32
    %dma_wait3A_50 = tpu.memref_slice %arg3[%add3A_24, %dma_wait3A_49] : memref<2560x128xi32, #tpu.memory_space<hbm>> -> memref<8x128xi32, #tpu.memory_space<hbm>>
    tpu.wait_dma2 semaphore(%arg12 : memref<!tpu.dma_semaphore, #tpu.memory_space<semaphore_mem>>) src(%dma_wait3A_50 : memref<8x128xi32, #tpu.memory_space<hbm>>) dst(%dma_wait3A_48 : memref<8x128xi32, #tpu.memory_space<vmem>>)
    %dma_start3A_51 = arith.constant 0 : i32
    %dma_start3A_52 = arith.constant 0 : i32
    %dma_start3A_53 = arith.constant 0 : i32
    %dma_start3A_54 = tpu.memref_slice %arg7[%dma_start3A_51, %dma_start3A_52, %dma_start3A_53] : memref<2x8x128xi32, #tpu.memory_space<vmem>> -> memref<1x8x128xi32, #tpu.memory_space<vmem>>
    %dma_start3A_55 = tpu.memref_squeeze %dma_start3A_54 : memref<1x8x128xi32, #tpu.memory_space<vmem>> -> memref<8x128xi32, #tpu.memory_space<vmem>>
    %dma_start3A_56 = arith.constant 0 : i32
    %dma_start3A_57 = tpu.memref_slice %arg4[%add3A_26, %dma_start3A_56] : memref<2560x128xi32, #tpu.memory_space<hbm>> -> memref<8x128xi32, #tpu.memory_space<hbm>>
    %dma_start3A_58 = arith.constant 0 : i32
    %dma_start3A_59 = arith.constant 0 : i32
    %dma_start3A_60 = tpu.memref_slice %arg7[%dma_start3A_51, %dma_start3A_58, %dma_start3A_59] : memref<2x8x128xi32, #tpu.memory_space<vmem>> -> memref<1x8x128xi32, #tpu.memory_space<vmem>>
    %dma_start3A_61 = tpu.memref_squeeze %dma_start3A_60 : memref<1x8x128xi32, #tpu.memory_space<vmem>> -> memref<8x128xi32, #tpu.memory_space<vmem>>
    %dma_start3A_62 = arith.constant 0 : i32
    %dma_start3A_63 = tpu.memref_slice %arg4[%add3A_26, %dma_start3A_62] : memref<2560x128xi32, #tpu.memory_space<hbm>> -> memref<8x128xi32, #tpu.memory_space<hbm>>
    tpu.enqueue_dma source(%dma_start3A_63 : memref<8x128xi32, #tpu.memory_space<hbm>>) target(%dma_start3A_61 : memref<8x128xi32, #tpu.memory_space<vmem>>) target_semaphore(%arg13 : memref<!tpu.dma_semaphore, #tpu.memory_space<semaphore_mem>>)
    %dma_wait3A_64 = arith.constant 0 : i32
    %dma_wait3A_65 = arith.constant 0 : i32
    %dma_wait3A_66 = arith.constant 0 : i32
    %dma_wait3A_67 = tpu.memref_slice %arg7[%dma_wait3A_64, %dma_wait3A_65, %dma_wait3A_66] : memref<2x8x128xi32, #tpu.memory_space<vmem>> -> memref<1x8x128xi32, #tpu.memory_space<vmem>>
    %dma_wait3A_68 = tpu.memref_squeeze %dma_wait3A_67 : memref<1x8x128xi32, #tpu.memory_space<vmem>> -> memref<8x128xi32, #tpu.memory_space<vmem>>
    %dma_wait3A_69 = arith.constant 0 : i32
    %dma_wait3A_70 = tpu.memref_slice %arg4[%add3A_26, %dma_wait3A_69] : memref<2560x128xi32, #tpu.memory_space<hbm>> -> memref<8x128xi32, #tpu.memory_space<hbm>>
    %dma_wait3A_71 = arith.constant 0 : i32
    %dma_wait3A_72 = arith.constant 0 : i32
    %dma_wait3A_73 = tpu.memref_slice %arg7[%dma_wait3A_64, %dma_wait3A_71, %dma_wait3A_72] : memref<2x8x128xi32, #tpu.memory_space<vmem>> -> memref<1x8x128xi32, #tpu.memory_space<vmem>>
    %dma_wait3A_74 = tpu.memref_squeeze %dma_wait3A_73 : memref<1x8x128xi32, #tpu.memory_space<vmem>> -> memref<8x128xi32, #tpu.memory_space<vmem>>
    %dma_wait3A_75 = arith.constant 0 : i32
    %dma_wait3A_76 = tpu.memref_slice %arg4[%add3A_26, %dma_wait3A_75] : memref<2560x128xi32, #tpu.memory_space<hbm>> -> memref<8x128xi32, #tpu.memory_space<hbm>>
    tpu.wait_dma2 semaphore(%arg13 : memref<!tpu.dma_semaphore, #tpu.memory_space<semaphore_mem>>) src(%dma_wait3A_76 : memref<8x128xi32, #tpu.memory_space<hbm>>) dst(%dma_wait3A_74 : memref<8x128xi32, #tpu.memory_space<vmem>>)
    %dma_start3A_77 = arith.constant 0 : i32
    %dma_start3A_78 = arith.constant 0 : i32
    %dma_start3A_79 = arith.constant 0 : i32
    %dma_start3A_80 = arith.constant 0 : i32
    %dma_start3A_81 = arith.constant 0 : i32
    %dma_start3A_82 = tpu.memref_slice %arg8[%dma_start3A_79, %dma_start3A_80, %dma_start3A_81] : memref<2x128x128xf32, #tpu.memory_space<vmem>> -> memref<1x128x128xf32, #tpu.memory_space<vmem>>
    %dma_start3A_83 = tpu.memref_squeeze %dma_start3A_82 : memref<1x128x128xf32, #tpu.memory_space<vmem>> -> memref<128x128xf32, #tpu.memory_space<vmem>>
    %dma_start3A_84 = arith.constant 0 : i32
    %dma_start3A_85 = tpu.memref_slice %arg6[%dma_start3A_77, %dma_start3A_78, %dma_start3A_84] : memref<2x8x128xi32, #tpu.memory_space<vmem>> -> memref<1x1x128xi32, #tpu.memory_space<vmem>>
    %dma_start3A_86 = tpu.memref_squeeze %dma_start3A_85 : memref<1x1x128xi32, #tpu.memory_space<vmem>> -> memref<128xi32, #tpu.memory_space<vmem>>
    %dma_start3A_87 = arith.constant 0 : i32
    %dma_start3A_88 = arith.constant 0 : i32
    %dma_start3A_89 = tpu.memref_slice %arg2[%dma_start3A_87, %dma_start3A_88] : memref<10000x128xf32, #tpu.memory_space<hbm>> -> memref<10000x128xf32, #tpu.memory_space<hbm>>
    tpu.enqueue_indirect_dma source(%dma_start3A_89 : memref<10000x128xf32, #tpu.memory_space<hbm>>) target(%dma_start3A_83 : memref<128x128xf32, #tpu.memory_space<vmem>>) offsets(%dma_start3A_86 : memref<128xi32, #tpu.memory_space<vmem>>) semaphore(%arg10 : memref<!tpu.dma_semaphore, #tpu.memory_space<semaphore_mem>>)
    %scan3A_90 = arith.constant 0 : i32
    %scan3A_91 = arith.constant 5 : i32
    %scan3A_92 = arith.addi %scan3A_90, %scan3A_91 : i32
    %scan3A_93 = arith.constant 1 : i32
    scf.for %scan3A_96 = %scan3A_90 to %scan3A_92 step %scan3A_93  : i32 {
      %mul3A_97 = arith.constant 1 : i32
      %mul3A_98 = arith.muli %scan3A_96, %mul3A_97 : i32
      %add3A_99 = arith.constant 0 : i32
      %add3A_100 = arith.addi %add3A_99, %mul3A_98 : i32
      %mul3A_101 = arith.constant 2 : i32
      %mul3A_102 = arith.muli %mul3A_101, %add3A_100 : i32
      %add3A_103 = arith.constant 0 : i32
      %add3A_104 = arith.addi %mul3A_102, %add3A_103 : i32
      %eq3A = arith.constant 4 : i32
      %eq3A_105 = arith.cmpi eq, %add3A_100, %eq3A : i32
      %and3A = arith.constant false
      %and3A_106 = arith.andi %and3A, %eq3A_105 : i1
      %not3A = arith.constant true
      %not3A_107 = arith.xori %and3A_106, %not3A : i1
      %convert_element_type3A = arith.extui %not3A_107 : i1 to i32
      %cond3A = arith.constant 0 : i32
      %cond3A_108 = arith.cmpi ne, %convert_element_type3A, %cond3A : i32
      scf.if %cond3A_108 {
        %add3A_570 = arith.constant 1 : i32
        %add3A_571 = arith.addi %add3A_104, %add3A_570 : i32
        %mul3A_572 = arith.constant 8 : i32
        %mul3A_573 = arith.muli %add3A_571, %mul3A_572 : i32
        %add3A_574 = arith.addi %mul3A_22, %mul3A_573 : i32
        %mul3A_575 = arith.constant 8 : i32
        %mul3A_576 = arith.muli %add3A_571, %mul3A_575 : i32
        %add3A_577 = arith.addi %mul3A_22, %mul3A_576 : i32
        %dma_start3A_578 = arith.constant 1 : i32
        %dma_start3A_579 = arith.constant 0 : i32
        %dma_start3A_580 = arith.constant 0 : i32
        %dma_start3A_581 = tpu.memref_slice %arg6[%dma_start3A_578, %dma_start3A_579, %dma_start3A_580] : memref<2x8x128xi32, #tpu.memory_space<vmem>> -> memref<1x8x128xi32, #tpu.memory_space<vmem>>
        %dma_start3A_582 = tpu.memref_squeeze %dma_start3A_581 : memref<1x8x128xi32, #tpu.memory_space<vmem>> -> memref<8x128xi32, #tpu.memory_space<vmem>>
        %dma_start3A_583 = arith.constant 0 : i32
        %dma_start3A_584 = tpu.memref_slice %arg3[%add3A_574, %dma_start3A_583] : memref<2560x128xi32, #tpu.memory_space<hbm>> -> memref<8x128xi32, #tpu.memory_space<hbm>>
        %dma_start3A_585 = arith.constant 0 : i32
        %dma_start3A_586 = arith.constant 0 : i32
        %dma_start3A_587 = tpu.memref_slice %arg6[%dma_start3A_578, %dma_start3A_585, %dma_start3A_586] : memref<2x8x128xi32, #tpu.memory_space<vmem>> -> memref<1x8x128xi32, #tpu.memory_space<vmem>>
        %dma_start3A_588 = tpu.memref_squeeze %dma_start3A_587 : memref<1x8x128xi32, #tpu.memory_space<vmem>> -> memref<8x128xi32, #tpu.memory_space<vmem>>
        %dma_start3A_589 = arith.constant 0 : i32
        %dma_start3A_590 = tpu.memref_slice %arg3[%add3A_574, %dma_start3A_589] : memref<2560x128xi32, #tpu.memory_space<hbm>> -> memref<8x128xi32, #tpu.memory_space<hbm>>
        tpu.enqueue_dma source(%dma_start3A_590 : memref<8x128xi32, #tpu.memory_space<hbm>>) target(%dma_start3A_588 : memref<8x128xi32, #tpu.memory_space<vmem>>) target_semaphore(%arg12 : memref<!tpu.dma_semaphore, #tpu.memory_space<semaphore_mem>>)
        %dma_start3A_591 = arith.constant 1 : i32
        %dma_start3A_592 = arith.constant 0 : i32
        %dma_start3A_593 = arith.constant 0 : i32
        %dma_start3A_594 = tpu.memref_slice %arg7[%dma_start3A_591, %dma_start3A_592, %dma_start3A_593] : memref<2x8x128xi32, #tpu.memory_space<vmem>> -> memref<1x8x128xi32, #tpu.memory_space<vmem>>
        %dma_start3A_595 = tpu.memref_squeeze %dma_start3A_594 : memref<1x8x128xi32, #tpu.memory_space<vmem>> -> memref<8x128xi32, #tpu.memory_space<vmem>>
        %dma_start3A_596 = arith.constant 0 : i32
        %dma_start3A_597 = tpu.memref_slice %arg4[%add3A_577, %dma_start3A_596] : memref<2560x128xi32, #tpu.memory_space<hbm>> -> memref<8x128xi32, #tpu.memory_space<hbm>>
        %dma_start3A_598 = arith.constant 0 : i32
        %dma_start3A_599 = arith.constant 0 : i32
        %dma_start3A_600 = tpu.memref_slice %arg7[%dma_start3A_591, %dma_start3A_598, %dma_start3A_599] : memref<2x8x128xi32, #tpu.memory_space<vmem>> -> memref<1x8x128xi32, #tpu.memory_space<vmem>>
        %dma_start3A_601 = tpu.memref_squeeze %dma_start3A_600 : memref<1x8x128xi32, #tpu.memory_space<vmem>> -> memref<8x128xi32, #tpu.memory_space<vmem>>
        %dma_start3A_602 = arith.constant 0 : i32
        %dma_start3A_603 = tpu.memref_slice %arg4[%add3A_577, %dma_start3A_602] : memref<2560x128xi32, #tpu.memory_space<hbm>> -> memref<8x128xi32, #tpu.memory_space<hbm>>
        tpu.enqueue_dma source(%dma_start3A_603 : memref<8x128xi32, #tpu.memory_space<hbm>>) target(%dma_start3A_601 : memref<8x128xi32, #tpu.memory_space<vmem>>) target_semaphore(%arg13 : memref<!tpu.dma_semaphore, #tpu.memory_space<semaphore_mem>>)
      } else {
      }
      %dma_start3A_109 = arith.constant 0 : i32
      %dma_start3A_110 = arith.constant 1 : i32
      %dma_start3A_111 = arith.constant 1 : i32
      %dma_start3A_112 = arith.constant 0 : i32
      %dma_start3A_113 = arith.constant 0 : i32
      %dma_start3A_114 = tpu.memref_slice %arg8[%dma_start3A_111, %dma_start3A_112, %dma_start3A_113] : memref<2x128x128xf32, #tpu.memory_space<vmem>> -> memref<1x128x128xf32, #tpu.memory_space<vmem>>
      %dma_start3A_115 = tpu.memref_squeeze %dma_start3A_114 : memref<1x128x128xf32, #tpu.memory_space<vmem>> -> memref<128x128xf32, #tpu.memory_space<vmem>>
      %dma_start3A_116 = arith.constant 0 : i32
      %dma_start3A_117 = tpu.memref_slice %arg6[%dma_start3A_109, %dma_start3A_110, %dma_start3A_116] : memref<2x8x128xi32, #tpu.memory_space<vmem>> -> memref<1x1x128xi32, #tpu.memory_space<vmem>>
      %dma_start3A_118 = tpu.memref_squeeze %dma_start3A_117 : memref<1x1x128xi32, #tpu.memory_space<vmem>> -> memref<128xi32, #tpu.memory_space<vmem>>
      %dma_start3A_119 = arith.constant 0 : i32
      %dma_start3A_120 = arith.constant 0 : i32
      %dma_start3A_121 = tpu.memref_slice %arg2[%dma_start3A_119, %dma_start3A_120] : memref<10000x128xf32, #tpu.memory_space<hbm>> -> memref<10000x128xf32, #tpu.memory_space<hbm>>
      tpu.enqueue_indirect_dma source(%dma_start3A_121 : memref<10000x128xf32, #tpu.memory_space<hbm>>) target(%dma_start3A_115 : memref<128x128xf32, #tpu.memory_space<vmem>>) offsets(%dma_start3A_118 : memref<128xi32, #tpu.memory_space<vmem>>) semaphore(%arg11 : memref<!tpu.dma_semaphore, #tpu.memory_space<semaphore_mem>>)
      %dma_wait3A_122 = arith.constant 0 : i32
      %dma_wait3A_123 = arith.constant 0 : i32
      %dma_wait3A_124 = arith.constant 0 : i32
      %dma_wait3A_125 = arith.constant 0 : i32
      %dma_wait3A_126 = arith.constant 0 : i32
      %dma_wait3A_127 = tpu.memref_slice %arg8[%dma_wait3A_124, %dma_wait3A_125, %dma_wait3A_126] : memref<2x128x128xf32, #tpu.memory_space<vmem>> -> memref<1x128x128xf32, #tpu.memory_space<vmem>>
      %dma_wait3A_128 = tpu.memref_squeeze %dma_wait3A_127 : memref<1x128x128xf32, #tpu.memory_space<vmem>> -> memref<128x128xf32, #tpu.memory_space<vmem>>
      %dma_wait3A_129 = arith.constant 0 : i32
      %dma_wait3A_130 = tpu.memref_slice %arg6[%dma_wait3A_122, %dma_wait3A_123, %dma_wait3A_129] : memref<2x8x128xi32, #tpu.memory_space<vmem>> -> memref<1x1x128xi32, #tpu.memory_space<vmem>>
      %dma_wait3A_131 = tpu.memref_squeeze %dma_wait3A_130 : memref<1x1x128xi32, #tpu.memory_space<vmem>> -> memref<128xi32, #tpu.memory_space<vmem>>
      %dma_wait3A_132 = arith.constant 0 : i32
      %dma_wait3A_133 = arith.constant 0 : i32
      %dma_wait3A_134 = tpu.memref_slice %arg2[%dma_wait3A_132, %dma_wait3A_133] : memref<10000x128xf32, #tpu.memory_space<hbm>> -> memref<10000x128xf32, #tpu.memory_space<hbm>>
      tpu.wait_indirect_dma semaphore(%arg10 : memref<!tpu.dma_semaphore, #tpu.memory_space<semaphore_mem>>) src(%dma_wait3A_134 : memref<10000x128xf32, #tpu.memory_space<hbm>>) dst(%dma_wait3A_128 : memref<128x128xf32, #tpu.memory_space<vmem>>)
      %run_scoped3A_135 = arith.constant 0 : i32
      %run_scoped3A_136 = arith.constant 0 : i32
      %run_scoped3A_137 = arith.constant 0 : i32
      "tpu.region"() ({
        %run_scoped3A_570 = tpu.sem_alloc : memref<!tpu.dma_semaphore, #tpu.memory_space<semaphore_mem>>
        %dma_start3A_571 = arith.constant 0 : i32
        %dma_start3A_572 = arith.constant 0 : i32
        %dma_start3A_573 = tpu.memref_slice %arg8[%run_scoped3A_135, %dma_start3A_571, %dma_start3A_572] : memref<2x128x128xf32, #tpu.memory_space<vmem>> -> memref<1x128x128xf32, #tpu.memory_space<vmem>>
        %dma_start3A_574 = tpu.memref_squeeze %dma_start3A_573 : memref<1x128x128xf32, #tpu.memory_space<vmem>> -> memref<128x128xf32, #tpu.memory_space<vmem>>
        %dma_start3A_575 = arith.constant 0 : i32
        %dma_start3A_576 = tpu.memref_slice %arg7[%run_scoped3A_136, %run_scoped3A_137, %dma_start3A_575] : memref<2x8x128xi32, #tpu.memory_space<vmem>> -> memref<1x1x128xi32, #tpu.memory_space<vmem>>
        %dma_start3A_577 = tpu.memref_squeeze %dma_start3A_576 : memref<1x1x128xi32, #tpu.memory_space<vmem>> -> memref<128xi32, #tpu.memory_space<vmem>>
        %dma_start3A_578 = arith.constant 0 : i32
        %dma_start3A_579 = arith.constant 0 : i32
        %dma_start3A_580 = tpu.memref_slice %arg9[%dma_start3A_578, %dma_start3A_579] : memref<10112x128xf32, #tpu.memory_space<vmem_shared>> -> memref<10112x128xf32, #tpu.memory_space<vmem_shared>>
        tpu.enqueue_indirect_dma source(%dma_start3A_574 : memref<128x128xf32, #tpu.memory_space<vmem>>) target(%dma_start3A_580 : memref<10112x128xf32, #tpu.memory_space<vmem_shared>>) offsets(%dma_start3A_577 : memref<128xi32, #tpu.memory_space<vmem>>) semaphore(%run_scoped3A_570 : memref<!tpu.dma_semaphore, #tpu.memory_space<semaphore_mem>>) {add = true}
        %dma_wait3A_581 = arith.constant 0 : i32
        %dma_wait3A_582 = arith.constant 0 : i32
        %dma_wait3A_583 = tpu.memref_slice %arg8[%run_scoped3A_135, %dma_wait3A_581, %dma_wait3A_582] : memref<2x128x128xf32, #tpu.memory_space<vmem>> -> memref<1x128x128xf32, #tpu.memory_space<vmem>>
        %dma_wait3A_584 = tpu.memref_squeeze %dma_wait3A_583 : memref<1x128x128xf32, #tpu.memory_space<vmem>> -> memref<128x128xf32, #tpu.memory_space<vmem>>
        %dma_wait3A_585 = arith.constant 0 : i32
        %dma_wait3A_586 = tpu.memref_slice %arg7[%run_scoped3A_136, %run_scoped3A_137, %dma_wait3A_585] : memref<2x8x128xi32, #tpu.memory_space<vmem>> -> memref<1x1x128xi32, #tpu.memory_space<vmem>>
        %dma_wait3A_587 = tpu.memref_squeeze %dma_wait3A_586 : memref<1x1x128xi32, #tpu.memory_space<vmem>> -> memref<128xi32, #tpu.memory_space<vmem>>
        %dma_wait3A_588 = arith.constant 0 : i32
        %dma_wait3A_589 = arith.constant 0 : i32
        %dma_wait3A_590 = tpu.memref_slice %arg9[%dma_wait3A_588, %dma_wait3A_589] : memref<10112x128xf32, #tpu.memory_space<vmem_shared>> -> memref<10112x128xf32, #tpu.memory_space<vmem_shared>>
        tpu.wait_indirect_dma semaphore(%run_scoped3A_570 : memref<!tpu.dma_semaphore, #tpu.memory_space<semaphore_mem>>) src(%dma_wait3A_584 : memref<128x128xf32, #tpu.memory_space<vmem>>) dst(%dma_wait3A_590 : memref<10112x128xf32, #tpu.memory_space<vmem_shared>>)
        tpu.yield
      }) : () -> ()
      %dma_start3A_138 = arith.constant 0 : i32
      %dma_start3A_139 = arith.constant 2 : i32
      %dma_start3A_140 = arith.constant 0 : i32
      %dma_start3A_141 = arith.constant 0 : i32
      %dma_start3A_142 = arith.constant 0 : i32
      %dma_start3A_143 = tpu.memref_slice %arg8[%dma_start3A_140, %dma_start3A_141, %dma_start3A_142] : memref<2x128x128xf32, #tpu.memory_space<vmem>> -> memref<1x128x128xf32, #tpu.memory_space<vmem>>
      %dma_start3A_144 = tpu.memref_squeeze %dma_start3A_143 : memref<1x128x128xf32, #tpu.memory_space<vmem>> -> memref<128x128xf32, #tpu.memory_space<vmem>>
      %dma_start3A_145 = arith.constant 0 : i32
      %dma_start3A_146 = tpu.memref_slice %arg6[%dma_start3A_138, %dma_start3A_139, %dma_start3A_145] : memref<2x8x128xi32, #tpu.memory_space<vmem>> -> memref<1x1x128xi32, #tpu.memory_space<vmem>>
      %dma_start3A_147 = tpu.memref_squeeze %dma_start3A_146 : memref<1x1x128xi32, #tpu.memory_space<vmem>> -> memref<128xi32, #tpu.memory_space<vmem>>
      %dma_start3A_148 = arith.constant 0 : i32
      %dma_start3A_149 = arith.constant 0 : i32
      %dma_start3A_150 = tpu.memref_slice %arg2[%dma_start3A_148, %dma_start3A_149] : memref<10000x128xf32, #tpu.memory_space<hbm>> -> memref<10000x128xf32, #tpu.memory_space<hbm>>
      tpu.enqueue_indirect_dma source(%dma_start3A_150 : memref<10000x128xf32, #tpu.memory_space<hbm>>) target(%dma_start3A_144 : memref<128x128xf32, #tpu.memory_space<vmem>>) offsets(%dma_start3A_147 : memref<128xi32, #tpu.memory_space<vmem>>) semaphore(%arg10 : memref<!tpu.dma_semaphore, #tpu.memory_space<semaphore_mem>>)
      %dma_wait3A_151 = arith.constant 0 : i32
      %dma_wait3A_152 = arith.constant 0 : i32
      %dma_wait3A_153 = arith.constant 1 : i32
      %dma_wait3A_154 = arith.constant 0 : i32
      %dma_wait3A_155 = arith.constant 0 : i32
      %dma_wait3A_156 = tpu.memref_slice %arg8[%dma_wait3A_153, %dma_wait3A_154, %dma_wait3A_155] : memref<2x128x128xf32, #tpu.memory_space<vmem>> -> memref<1x128x128xf32, #tpu.memory_space<vmem>>
      %dma_wait3A_157 = tpu.memref_squeeze %dma_wait3A_156 : memref<1x128x128xf32, #tpu.memory_space<vmem>> -> memref<128x128xf32, #tpu.memory_space<vmem>>
      %dma_wait3A_158 = arith.constant 0 : i32
      %dma_wait3A_159 = tpu.memref_slice %arg6[%dma_wait3A_151, %dma_wait3A_152, %dma_wait3A_158] : memref<2x8x128xi32, #tpu.memory_space<vmem>> -> memref<1x1x128xi32, #tpu.memory_space<vmem>>
      %dma_wait3A_160 = tpu.memref_squeeze %dma_wait3A_159 : memref<1x1x128xi32, #tpu.memory_space<vmem>> -> memref<128xi32, #tpu.memory_space<vmem>>
      %dma_wait3A_161 = arith.constant 0 : i32
      %dma_wait3A_162 = arith.constant 0 : i32
      %dma_wait3A_163 = tpu.memref_slice %arg2[%dma_wait3A_161, %dma_wait3A_162] : memref<10000x128xf32, #tpu.memory_space<hbm>> -> memref<10000x128xf32, #tpu.memory_space<hbm>>
      tpu.wait_indirect_dma semaphore(%arg11 : memref<!tpu.dma_semaphore, #tpu.memory_space<semaphore_mem>>) src(%dma_wait3A_163 : memref<10000x128xf32, #tpu.memory_space<hbm>>) dst(%dma_wait3A_157 : memref<128x128xf32, #tpu.memory_space<vmem>>)
      %run_scoped3A_164 = arith.constant 1 : i32
      %run_scoped3A_165 = arith.constant 0 : i32
      %run_scoped3A_166 = arith.constant 1 : i32
      "tpu.region"() ({
        %run_scoped3A_570 = tpu.sem_alloc : memref<!tpu.dma_semaphore, #tpu.memory_space<semaphore_mem>>
        %dma_start3A_571 = arith.constant 0 : i32
        %dma_start3A_572 = arith.constant 0 : i32
        %dma_start3A_573 = tpu.memref_slice %arg8[%run_scoped3A_164, %dma_start3A_571, %dma_start3A_572] : memref<2x128x128xf32, #tpu.memory_space<vmem>> -> memref<1x128x128xf32, #tpu.memory_space<vmem>>
        %dma_start3A_574 = tpu.memref_squeeze %dma_start3A_573 : memref<1x128x128xf32, #tpu.memory_space<vmem>> -> memref<128x128xf32, #tpu.memory_space<vmem>>
        %dma_start3A_575 = arith.constant 0 : i32
        %dma_start3A_576 = tpu.memref_slice %arg7[%run_scoped3A_165, %run_scoped3A_166, %dma_start3A_575] : memref<2x8x128xi32, #tpu.memory_space<vmem>> -> memref<1x1x128xi32, #tpu.memory_space<vmem>>
        %dma_start3A_577 = tpu.memref_squeeze %dma_start3A_576 : memref<1x1x128xi32, #tpu.memory_space<vmem>> -> memref<128xi32, #tpu.memory_space<vmem>>
        %dma_start3A_578 = arith.constant 0 : i32
        %dma_start3A_579 = arith.constant 0 : i32
        %dma_start3A_580 = tpu.memref_slice %arg9[%dma_start3A_578, %dma_start3A_579] : memref<10112x128xf32, #tpu.memory_space<vmem_shared>> -> memref<10112x128xf32, #tpu.memory_space<vmem_shared>>
        tpu.enqueue_indirect_dma source(%dma_start3A_574 : memref<128x128xf32, #tpu.memory_space<vmem>>) target(%dma_start3A_580 : memref<10112x128xf32, #tpu.memory_space<vmem_shared>>) offsets(%dma_start3A_577 : memref<128xi32, #tpu.memory_space<vmem>>) semaphore(%run_scoped3A_570 : memref<!tpu.dma_semaphore, #tpu.memory_space<semaphore_mem>>) {add = true}
        %dma_wait3A_581 = arith.constant 0 : i32
        %dma_wait3A_582 = arith.constant 0 : i32
        %dma_wait3A_583 = tpu.memref_slice %arg8[%run_scoped3A_164, %dma_wait3A_581, %dma_wait3A_582] : memref<2x128x128xf32, #tpu.memory_space<vmem>> -> memref<1x128x128xf32, #tpu.memory_space<vmem>>
        %dma_wait3A_584 = tpu.memref_squeeze %dma_wait3A_583 : memref<1x128x128xf32, #tpu.memory_space<vmem>> -> memref<128x128xf32, #tpu.memory_space<vmem>>
        %dma_wait3A_585 = arith.constant 0 : i32
        %dma_wait3A_586 = tpu.memref_slice %arg7[%run_scoped3A_165, %run_scoped3A_166, %dma_wait3A_585] : memref<2x8x128xi32, #tpu.memory_space<vmem>> -> memref<1x1x128xi32, #tpu.memory_space<vmem>>
        %dma_wait3A_587 = tpu.memref_squeeze %dma_wait3A_586 : memref<1x1x128xi32, #tpu.memory_space<vmem>> -> memref<128xi32, #tpu.memory_space<vmem>>
        %dma_wait3A_588 = arith.constant 0 : i32
        %dma_wait3A_589 = arith.constant 0 : i32
        %dma_wait3A_590 = tpu.memref_slice %arg9[%dma_wait3A_588, %dma_wait3A_589] : memref<10112x128xf32, #tpu.memory_space<vmem_shared>> -> memref<10112x128xf32, #tpu.memory_space<vmem_shared>>
        tpu.wait_indirect_dma semaphore(%run_scoped3A_570 : memref<!tpu.dma_semaphore, #tpu.memory_space<semaphore_mem>>) src(%dma_wait3A_584 : memref<128x128xf32, #tpu.memory_space<vmem>>) dst(%dma_wait3A_590 : memref<10112x128xf32, #tpu.memory_space<vmem_shared>>)
        tpu.yield
      }) : () -> ()
      %dma_start3A_167 = arith.constant 0 : i32
      %dma_start3A_168 = arith.constant 3 : i32
      %dma_start3A_169 = arith.constant 1 : i32
      %dma_start3A_170 = arith.constant 0 : i32
      %dma_start3A_171 = arith.constant 0 : i32
      %dma_start3A_172 = tpu.memref_slice %arg8[%dma_start3A_169, %dma_start3A_170, %dma_start3A_171] : memref<2x128x128xf32, #tpu.memory_space<vmem>> -> memref<1x128x128xf32, #tpu.memory_space<vmem>>
      %dma_start3A_173 = tpu.memref_squeeze %dma_start3A_172 : memref<1x128x128xf32, #tpu.memory_space<vmem>> -> memref<128x128xf32, #tpu.memory_space<vmem>>
      %dma_start3A_174 = arith.constant 0 : i32
      %dma_start3A_175 = tpu.memref_slice %arg6[%dma_start3A_167, %dma_start3A_168, %dma_start3A_174] : memref<2x8x128xi32, #tpu.memory_space<vmem>> -> memref<1x1x128xi32, #tpu.memory_space<vmem>>
      %dma_start3A_176 = tpu.memref_squeeze %dma_start3A_175 : memref<1x1x128xi32, #tpu.memory_space<vmem>> -> memref<128xi32, #tpu.memory_space<vmem>>
      %dma_start3A_177 = arith.constant 0 : i32
      %dma_start3A_178 = arith.constant 0 : i32
      %dma_start3A_179 = tpu.memref_slice %arg2[%dma_start3A_177, %dma_start3A_178] : memref<10000x128xf32, #tpu.memory_space<hbm>> -> memref<10000x128xf32, #tpu.memory_space<hbm>>
      tpu.enqueue_indirect_dma source(%dma_start3A_179 : memref<10000x128xf32, #tpu.memory_space<hbm>>) target(%dma_start3A_173 : memref<128x128xf32, #tpu.memory_space<vmem>>) offsets(%dma_start3A_176 : memref<128xi32, #tpu.memory_space<vmem>>) semaphore(%arg11 : memref<!tpu.dma_semaphore, #tpu.memory_space<semaphore_mem>>)
      %dma_wait3A_180 = arith.constant 0 : i32
      %dma_wait3A_181 = arith.constant 0 : i32
      %dma_wait3A_182 = arith.constant 0 : i32
      %dma_wait3A_183 = arith.constant 0 : i32
      %dma_wait3A_184 = arith.constant 0 : i32
      %dma_wait3A_185 = tpu.memref_slice %arg8[%dma_wait3A_182, %dma_wait3A_183, %dma_wait3A_184] : memref<2x128x128xf32, #tpu.memory_space<vmem>> -> memref<1x128x128xf32, #tpu.memory_space<vmem>>
      %dma_wait3A_186 = tpu.memref_squeeze %dma_wait3A_185 : memref<1x128x128xf32, #tpu.memory_space<vmem>> -> memref<128x128xf32, #tpu.memory_space<vmem>>
      %dma_wait3A_187 = arith.constant 0 : i32
      %dma_wait3A_188 = tpu.memref_slice %arg6[%dma_wait3A_180, %dma_wait3A_181, %dma_wait3A_187] : memref<2x8x128xi32, #tpu.memory_space<vmem>> -> memref<1x1x128xi32, #tpu.memory_space<vmem>>
      %dma_wait3A_189 = tpu.memref_squeeze %dma_wait3A_188 : memref<1x1x128xi32, #tpu.memory_space<vmem>> -> memref<128xi32, #tpu.memory_space<vmem>>
      %dma_wait3A_190 = arith.constant 0 : i32
      %dma_wait3A_191 = arith.constant 0 : i32
      %dma_wait3A_192 = tpu.memref_slice %arg2[%dma_wait3A_190, %dma_wait3A_191] : memref<10000x128xf32, #tpu.memory_space<hbm>> -> memref<10000x128xf32, #tpu.memory_space<hbm>>
      tpu.wait_indirect_dma semaphore(%arg10 : memref<!tpu.dma_semaphore, #tpu.memory_space<semaphore_mem>>) src(%dma_wait3A_192 : memref<10000x128xf32, #tpu.memory_space<hbm>>) dst(%dma_wait3A_186 : memref<128x128xf32, #tpu.memory_space<vmem>>)
      %run_scoped3A_193 = arith.constant 0 : i32
      %run_scoped3A_194 = arith.constant 0 : i32
      %run_scoped3A_195 = arith.constant 2 : i32
      "tpu.region"() ({
        %run_scoped3A_570 = tpu.sem_alloc : memref<!tpu.dma_semaphore, #tpu.memory_space<semaphore_mem>>
        %dma_start3A_571 = arith.constant 0 : i32
        %dma_start3A_572 = arith.constant 0 : i32
        %dma_start3A_573 = tpu.memref_slice %arg8[%run_scoped3A_193, %dma_start3A_571, %dma_start3A_572] : memref<2x128x128xf32, #tpu.memory_space<vmem>> -> memref<1x128x128xf32, #tpu.memory_space<vmem>>
        %dma_start3A_574 = tpu.memref_squeeze %dma_start3A_573 : memref<1x128x128xf32, #tpu.memory_space<vmem>> -> memref<128x128xf32, #tpu.memory_space<vmem>>
        %dma_start3A_575 = arith.constant 0 : i32
        %dma_start3A_576 = tpu.memref_slice %arg7[%run_scoped3A_194, %run_scoped3A_195, %dma_start3A_575] : memref<2x8x128xi32, #tpu.memory_space<vmem>> -> memref<1x1x128xi32, #tpu.memory_space<vmem>>
        %dma_start3A_577 = tpu.memref_squeeze %dma_start3A_576 : memref<1x1x128xi32, #tpu.memory_space<vmem>> -> memref<128xi32, #tpu.memory_space<vmem>>
        %dma_start3A_578 = arith.constant 0 : i32
        %dma_start3A_579 = arith.constant 0 : i32
        %dma_start3A_580 = tpu.memref_slice %arg9[%dma_start3A_578, %dma_start3A_579] : memref<10112x128xf32, #tpu.memory_space<vmem_shared>> -> memref<10112x128xf32, #tpu.memory_space<vmem_shared>>
        tpu.enqueue_indirect_dma source(%dma_start3A_574 : memref<128x128xf32, #tpu.memory_space<vmem>>) target(%dma_start3A_580 : memref<10112x128xf32, #tpu.memory_space<vmem_shared>>) offsets(%dma_start3A_577 : memref<128xi32, #tpu.memory_space<vmem>>) semaphore(%run_scoped3A_570 : memref<!tpu.dma_semaphore, #tpu.memory_space<semaphore_mem>>) {add = true}
        %dma_wait3A_581 = arith.constant 0 : i32
        %dma_wait3A_582 = arith.constant 0 : i32
        %dma_wait3A_583 = tpu.memref_slice %arg8[%run_scoped3A_193, %dma_wait3A_581, %dma_wait3A_582] : memref<2x128x128xf32, #tpu.memory_space<vmem>> -> memref<1x128x128xf32, #tpu.memory_space<vmem>>
        %dma_wait3A_584 = tpu.memref_squeeze %dma_wait3A_583 : memref<1x128x128xf32, #tpu.memory_space<vmem>> -> memref<128x128xf32, #tpu.memory_space<vmem>>
        %dma_wait3A_585 = arith.constant 0 : i32
        %dma_wait3A_586 = tpu.memref_slice %arg7[%run_scoped3A_194, %run_scoped3A_195, %dma_wait3A_585] : memref<2x8x128xi32, #tpu.memory_space<vmem>> -> memref<1x1x128xi32, #tpu.memory_space<vmem>>
        %dma_wait3A_587 = tpu.memref_squeeze %dma_wait3A_586 : memref<1x1x128xi32, #tpu.memory_space<vmem>> -> memref<128xi32, #tpu.memory_space<vmem>>
        %dma_wait3A_588 = arith.constant 0 : i32
        %dma_wait3A_589 = arith.constant 0 : i32
        %dma_wait3A_590 = tpu.memref_slice %arg9[%dma_wait3A_588, %dma_wait3A_589] : memref<10112x128xf32, #tpu.memory_space<vmem_shared>> -> memref<10112x128xf32, #tpu.memory_space<vmem_shared>>
        tpu.wait_indirect_dma semaphore(%run_scoped3A_570 : memref<!tpu.dma_semaphore, #tpu.memory_space<semaphore_mem>>) src(%dma_wait3A_584 : memref<128x128xf32, #tpu.memory_space<vmem>>) dst(%dma_wait3A_590 : memref<10112x128xf32, #tpu.memory_space<vmem_shared>>)
        tpu.yield
      }) : () -> ()
      %dma_start3A_196 = arith.constant 0 : i32
      %dma_start3A_197 = arith.constant 4 : i32
      %dma_start3A_198 = arith.constant 0 : i32
      %dma_start3A_199 = arith.constant 0 : i32
      %dma_start3A_200 = arith.constant 0 : i32
      %dma_start3A_201 = tpu.memref_slice %arg8[%dma_start3A_198, %dma_start3A_199, %dma_start3A_200] : memref<2x128x128xf32, #tpu.memory_space<vmem>> -> memref<1x128x128xf32, #tpu.memory_space<vmem>>
      %dma_start3A_202 = tpu.memref_squeeze %dma_start3A_201 : memref<1x128x128xf32, #tpu.memory_space<vmem>> -> memref<128x128xf32, #tpu.memory_space<vmem>>
      %dma_start3A_203 = arith.constant 0 : i32
      %dma_start3A_204 = tpu.memref_slice %arg6[%dma_start3A_196, %dma_start3A_197, %dma_start3A_203] : memref<2x8x128xi32, #tpu.memory_space<vmem>> -> memref<1x1x128xi32, #tpu.memory_space<vmem>>
      %dma_start3A_205 = tpu.memref_squeeze %dma_start3A_204 : memref<1x1x128xi32, #tpu.memory_space<vmem>> -> memref<128xi32, #tpu.memory_space<vmem>>
      %dma_start3A_206 = arith.constant 0 : i32
      %dma_start3A_207 = arith.constant 0 : i32
      %dma_start3A_208 = tpu.memref_slice %arg2[%dma_start3A_206, %dma_start3A_207] : memref<10000x128xf32, #tpu.memory_space<hbm>> -> memref<10000x128xf32, #tpu.memory_space<hbm>>
      tpu.enqueue_indirect_dma source(%dma_start3A_208 : memref<10000x128xf32, #tpu.memory_space<hbm>>) target(%dma_start3A_202 : memref<128x128xf32, #tpu.memory_space<vmem>>) offsets(%dma_start3A_205 : memref<128xi32, #tpu.memory_space<vmem>>) semaphore(%arg10 : memref<!tpu.dma_semaphore, #tpu.memory_space<semaphore_mem>>)
      %dma_wait3A_209 = arith.constant 0 : i32
      %dma_wait3A_210 = arith.constant 0 : i32
      %dma_wait3A_211 = arith.constant 1 : i32
      %dma_wait3A_212 = arith.constant 0 : i32
      %dma_wait3A_213 = arith.constant 0 : i32
      %dma_wait3A_214 = tpu.memref_slice %arg8[%dma_wait3A_211, %dma_wait3A_212, %dma_wait3A_213] : memref<2x128x128xf32, #tpu.memory_space<vmem>> -> memref<1x128x128xf32, #tpu.memory_space<vmem>>
      %dma_wait3A_215 = tpu.memref_squeeze %dma_wait3A_214 : memref<1x128x128xf32, #tpu.memory_space<vmem>> -> memref<128x128xf32, #tpu.memory_space<vmem>>
      %dma_wait3A_216 = arith.constant 0 : i32
      %dma_wait3A_217 = tpu.memref_slice %arg6[%dma_wait3A_209, %dma_wait3A_210, %dma_wait3A_216] : memref<2x8x128xi32, #tpu.memory_space<vmem>> -> memref<1x1x128xi32, #tpu.memory_space<vmem>>
      %dma_wait3A_218 = tpu.memref_squeeze %dma_wait3A_217 : memref<1x1x128xi32, #tpu.memory_space<vmem>> -> memref<128xi32, #tpu.memory_space<vmem>>
      %dma_wait3A_219 = arith.constant 0 : i32
      %dma_wait3A_220 = arith.constant 0 : i32
      %dma_wait3A_221 = tpu.memref_slice %arg2[%dma_wait3A_219, %dma_wait3A_220] : memref<10000x128xf32, #tpu.memory_space<hbm>> -> memref<10000x128xf32, #tpu.memory_space<hbm>>
      tpu.wait_indirect_dma semaphore(%arg11 : memref<!tpu.dma_semaphore, #tpu.memory_space<semaphore_mem>>) src(%dma_wait3A_221 : memref<10000x128xf32, #tpu.memory_space<hbm>>) dst(%dma_wait3A_215 : memref<128x128xf32, #tpu.memory_space<vmem>>)
      %run_scoped3A_222 = arith.constant 1 : i32
      %run_scoped3A_223 = arith.constant 0 : i32
      %run_scoped3A_224 = arith.constant 3 : i32
      "tpu.region"() ({
        %run_scoped3A_570 = tpu.sem_alloc : memref<!tpu.dma_semaphore, #tpu.memory_space<semaphore_mem>>
        %dma_start3A_571 = arith.constant 0 : i32
        %dma_start3A_572 = arith.constant 0 : i32
        %dma_start3A_573 = tpu.memref_slice %arg8[%run_scoped3A_222, %dma_start3A_571, %dma_start3A_572] : memref<2x128x128xf32, #tpu.memory_space<vmem>> -> memref<1x128x128xf32, #tpu.memory_space<vmem>>
        %dma_start3A_574 = tpu.memref_squeeze %dma_start3A_573 : memref<1x128x128xf32, #tpu.memory_space<vmem>> -> memref<128x128xf32, #tpu.memory_space<vmem>>
        %dma_start3A_575 = arith.constant 0 : i32
        %dma_start3A_576 = tpu.memref_slice %arg7[%run_scoped3A_223, %run_scoped3A_224, %dma_start3A_575] : memref<2x8x128xi32, #tpu.memory_space<vmem>> -> memref<1x1x128xi32, #tpu.memory_space<vmem>>
        %dma_start3A_577 = tpu.memref_squeeze %dma_start3A_576 : memref<1x1x128xi32, #tpu.memory_space<vmem>> -> memref<128xi32, #tpu.memory_space<vmem>>
        %dma_start3A_578 = arith.constant 0 : i32
        %dma_start3A_579 = arith.constant 0 : i32
        %dma_start3A_580 = tpu.memref_slice %arg9[%dma_start3A_578, %dma_start3A_579] : memref<10112x128xf32, #tpu.memory_space<vmem_shared>> -> memref<10112x128xf32, #tpu.memory_space<vmem_shared>>
        tpu.enqueue_indirect_dma source(%dma_start3A_574 : memref<128x128xf32, #tpu.memory_space<vmem>>) target(%dma_start3A_580 : memref<10112x128xf32, #tpu.memory_space<vmem_shared>>) offsets(%dma_start3A_577 : memref<128xi32, #tpu.memory_space<vmem>>) semaphore(%run_scoped3A_570 : memref<!tpu.dma_semaphore, #tpu.memory_space<semaphore_mem>>) {add = true}
        %dma_wait3A_581 = arith.constant 0 : i32
        %dma_wait3A_582 = arith.constant 0 : i32
        %dma_wait3A_583 = tpu.memref_slice %arg8[%run_scoped3A_222, %dma_wait3A_581, %dma_wait3A_582] : memref<2x128x128xf32, #tpu.memory_space<vmem>> -> memref<1x128x128xf32, #tpu.memory_space<vmem>>
        %dma_wait3A_584 = tpu.memref_squeeze %dma_wait3A_583 : memref<1x128x128xf32, #tpu.memory_space<vmem>> -> memref<128x128xf32, #tpu.memory_space<vmem>>
        %dma_wait3A_585 = arith.constant 0 : i32
        %dma_wait3A_586 = tpu.memref_slice %arg7[%run_scoped3A_223, %run_scoped3A_224, %dma_wait3A_585] : memref<2x8x128xi32, #tpu.memory_space<vmem>> -> memref<1x1x128xi32, #tpu.memory_space<vmem>>
        %dma_wait3A_587 = tpu.memref_squeeze %dma_wait3A_586 : memref<1x1x128xi32, #tpu.memory_space<vmem>> -> memref<128xi32, #tpu.memory_space<vmem>>
        %dma_wait3A_588 = arith.constant 0 : i32
        %dma_wait3A_589 = arith.constant 0 : i32
        %dma_wait3A_590 = tpu.memref_slice %arg9[%dma_wait3A_588, %dma_wait3A_589] : memref<10112x128xf32, #tpu.memory_space<vmem_shared>> -> memref<10112x128xf32, #tpu.memory_space<vmem_shared>>
        tpu.wait_indirect_dma semaphore(%run_scoped3A_570 : memref<!tpu.dma_semaphore, #tpu.memory_space<semaphore_mem>>) src(%dma_wait3A_584 : memref<128x128xf32, #tpu.memory_space<vmem>>) dst(%dma_wait3A_590 : memref<10112x128xf32, #tpu.memory_space<vmem_shared>>)
        tpu.yield
      }) : () -> ()
      %dma_start3A_225 = arith.constant 0 : i32
      %dma_start3A_226 = arith.constant 5 : i32
      %dma_start3A_227 = arith.constant 1 : i32
      %dma_start3A_228 = arith.constant 0 : i32
      %dma_start3A_229 = arith.constant 0 : i32
      %dma_start3A_230 = tpu.memref_slice %arg8[%dma_start3A_227, %dma_start3A_228, %dma_start3A_229] : memref<2x128x128xf32, #tpu.memory_space<vmem>> -> memref<1x128x128xf32, #tpu.memory_space<vmem>>
      %dma_start3A_231 = tpu.memref_squeeze %dma_start3A_230 : memref<1x128x128xf32, #tpu.memory_space<vmem>> -> memref<128x128xf32, #tpu.memory_space<vmem>>
      %dma_start3A_232 = arith.constant 0 : i32
      %dma_start3A_233 = tpu.memref_slice %arg6[%dma_start3A_225, %dma_start3A_226, %dma_start3A_232] : memref<2x8x128xi32, #tpu.memory_space<vmem>> -> memref<1x1x128xi32, #tpu.memory_space<vmem>>
      %dma_start3A_234 = tpu.memref_squeeze %dma_start3A_233 : memref<1x1x128xi32, #tpu.memory_space<vmem>> -> memref<128xi32, #tpu.memory_space<vmem>>
      %dma_start3A_235 = arith.constant 0 : i32
      %dma_start3A_236 = arith.constant 0 : i32
      %dma_start3A_237 = tpu.memref_slice %arg2[%dma_start3A_235, %dma_start3A_236] : memref<10000x128xf32, #tpu.memory_space<hbm>> -> memref<10000x128xf32, #tpu.memory_space<hbm>>
      tpu.enqueue_indirect_dma source(%dma_start3A_237 : memref<10000x128xf32, #tpu.memory_space<hbm>>) target(%dma_start3A_231 : memref<128x128xf32, #tpu.memory_space<vmem>>) offsets(%dma_start3A_234 : memref<128xi32, #tpu.memory_space<vmem>>) semaphore(%arg11 : memref<!tpu.dma_semaphore, #tpu.memory_space<semaphore_mem>>)
      %dma_wait3A_238 = arith.constant 0 : i32
      %dma_wait3A_239 = arith.constant 0 : i32
      %dma_wait3A_240 = arith.constant 0 : i32
      %dma_wait3A_241 = arith.constant 0 : i32
      %dma_wait3A_242 = arith.constant 0 : i32
      %dma_wait3A_243 = tpu.memref_slice %arg8[%dma_wait3A_240, %dma_wait3A_241, %dma_wait3A_242] : memref<2x128x128xf32, #tpu.memory_space<vmem>> -> memref<1x128x128xf32, #tpu.memory_space<vmem>>
      %dma_wait3A_244 = tpu.memref_squeeze %dma_wait3A_243 : memref<1x128x128xf32, #tpu.memory_space<vmem>> -> memref<128x128xf32, #tpu.memory_space<vmem>>
      %dma_wait3A_245 = arith.constant 0 : i32
      %dma_wait3A_246 = tpu.memref_slice %arg6[%dma_wait3A_238, %dma_wait3A_239, %dma_wait3A_245] : memref<2x8x128xi32, #tpu.memory_space<vmem>> -> memref<1x1x128xi32, #tpu.memory_space<vmem>>
      %dma_wait3A_247 = tpu.memref_squeeze %dma_wait3A_246 : memref<1x1x128xi32, #tpu.memory_space<vmem>> -> memref<128xi32, #tpu.memory_space<vmem>>
      %dma_wait3A_248 = arith.constant 0 : i32
      %dma_wait3A_249 = arith.constant 0 : i32
      %dma_wait3A_250 = tpu.memref_slice %arg2[%dma_wait3A_248, %dma_wait3A_249] : memref<10000x128xf32, #tpu.memory_space<hbm>> -> memref<10000x128xf32, #tpu.memory_space<hbm>>
      tpu.wait_indirect_dma semaphore(%arg10 : memref<!tpu.dma_semaphore, #tpu.memory_space<semaphore_mem>>) src(%dma_wait3A_250 : memref<10000x128xf32, #tpu.memory_space<hbm>>) dst(%dma_wait3A_244 : memref<128x128xf32, #tpu.memory_space<vmem>>)
      %run_scoped3A_251 = arith.constant 0 : i32
      %run_scoped3A_252 = arith.constant 0 : i32
      %run_scoped3A_253 = arith.constant 4 : i32
      "tpu.region"() ({
        %run_scoped3A_570 = tpu.sem_alloc : memref<!tpu.dma_semaphore, #tpu.memory_space<semaphore_mem>>
        %dma_start3A_571 = arith.constant 0 : i32
        %dma_start3A_572 = arith.constant 0 : i32
        %dma_start3A_573 = tpu.memref_slice %arg8[%run_scoped3A_251, %dma_start3A_571, %dma_start3A_572] : memref<2x128x128xf32, #tpu.memory_space<vmem>> -> memref<1x128x128xf32, #tpu.memory_space<vmem>>
        %dma_start3A_574 = tpu.memref_squeeze %dma_start3A_573 : memref<1x128x128xf32, #tpu.memory_space<vmem>> -> memref<128x128xf32, #tpu.memory_space<vmem>>
        %dma_start3A_575 = arith.constant 0 : i32
        %dma_start3A_576 = tpu.memref_slice %arg7[%run_scoped3A_252, %run_scoped3A_253, %dma_start3A_575] : memref<2x8x128xi32, #tpu.memory_space<vmem>> -> memref<1x1x128xi32, #tpu.memory_space<vmem>>
        %dma_start3A_577 = tpu.memref_squeeze %dma_start3A_576 : memref<1x1x128xi32, #tpu.memory_space<vmem>> -> memref<128xi32, #tpu.memory_space<vmem>>
        %dma_start3A_578 = arith.constant 0 : i32
        %dma_start3A_579 = arith.constant 0 : i32
        %dma_start3A_580 = tpu.memref_slice %arg9[%dma_start3A_578, %dma_start3A_579] : memref<10112x128xf32, #tpu.memory_space<vmem_shared>> -> memref<10112x128xf32, #tpu.memory_space<vmem_shared>>
        tpu.enqueue_indirect_dma source(%dma_start3A_574 : memref<128x128xf32, #tpu.memory_space<vmem>>) target(%dma_start3A_580 : memref<10112x128xf32, #tpu.memory_space<vmem_shared>>) offsets(%dma_start3A_577 : memref<128xi32, #tpu.memory_space<vmem>>) semaphore(%run_scoped3A_570 : memref<!tpu.dma_semaphore, #tpu.memory_space<semaphore_mem>>) {add = true}
        %dma_wait3A_581 = arith.constant 0 : i32
        %dma_wait3A_582 = arith.constant 0 : i32
        %dma_wait3A_583 = tpu.memref_slice %arg8[%run_scoped3A_251, %dma_wait3A_581, %dma_wait3A_582] : memref<2x128x128xf32, #tpu.memory_space<vmem>> -> memref<1x128x128xf32, #tpu.memory_space<vmem>>
        %dma_wait3A_584 = tpu.memref_squeeze %dma_wait3A_583 : memref<1x128x128xf32, #tpu.memory_space<vmem>> -> memref<128x128xf32, #tpu.memory_space<vmem>>
        %dma_wait3A_585 = arith.constant 0 : i32
        %dma_wait3A_586 = tpu.memref_slice %arg7[%run_scoped3A_252, %run_scoped3A_253, %dma_wait3A_585] : memref<2x8x128xi32, #tpu.memory_space<vmem>> -> memref<1x1x128xi32, #tpu.memory_space<vmem>>
        %dma_wait3A_587 = tpu.memref_squeeze %dma_wait3A_586 : memref<1x1x128xi32, #tpu.memory_space<vmem>> -> memref<128xi32, #tpu.memory_space<vmem>>
        %dma_wait3A_588 = arith.constant 0 : i32
        %dma_wait3A_589 = arith.constant 0 : i32
        %dma_wait3A_590 = tpu.memref_slice %arg9[%dma_wait3A_588, %dma_wait3A_589] : memref<10112x128xf32, #tpu.memory_space<vmem_shared>> -> memref<10112x128xf32, #tpu.memory_space<vmem_shared>>
        tpu.wait_indirect_dma semaphore(%run_scoped3A_570 : memref<!tpu.dma_semaphore, #tpu.memory_space<semaphore_mem>>) src(%dma_wait3A_584 : memref<128x128xf32, #tpu.memory_space<vmem>>) dst(%dma_wait3A_590 : memref<10112x128xf32, #tpu.memory_space<vmem_shared>>)
        tpu.yield
      }) : () -> ()
      %dma_start3A_254 = arith.constant 0 : i32
      %dma_start3A_255 = arith.constant 6 : i32
      %dma_start3A_256 = arith.constant 0 : i32
      %dma_start3A_257 = arith.constant 0 : i32
      %dma_start3A_258 = arith.constant 0 : i32
      %dma_start3A_259 = tpu.memref_slice %arg8[%dma_start3A_256, %dma_start3A_257, %dma_start3A_258] : memref<2x128x128xf32, #tpu.memory_space<vmem>> -> memref<1x128x128xf32, #tpu.memory_space<vmem>>
      %dma_start3A_260 = tpu.memref_squeeze %dma_start3A_259 : memref<1x128x128xf32, #tpu.memory_space<vmem>> -> memref<128x128xf32, #tpu.memory_space<vmem>>
      %dma_start3A_261 = arith.constant 0 : i32
      %dma_start3A_262 = tpu.memref_slice %arg6[%dma_start3A_254, %dma_start3A_255, %dma_start3A_261] : memref<2x8x128xi32, #tpu.memory_space<vmem>> -> memref<1x1x128xi32, #tpu.memory_space<vmem>>
      %dma_start3A_263 = tpu.memref_squeeze %dma_start3A_262 : memref<1x1x128xi32, #tpu.memory_space<vmem>> -> memref<128xi32, #tpu.memory_space<vmem>>
      %dma_start3A_264 = arith.constant 0 : i32
      %dma_start3A_265 = arith.constant 0 : i32
      %dma_start3A_266 = tpu.memref_slice %arg2[%dma_start3A_264, %dma_start3A_265] : memref<10000x128xf32, #tpu.memory_space<hbm>> -> memref<10000x128xf32, #tpu.memory_space<hbm>>
      tpu.enqueue_indirect_dma source(%dma_start3A_266 : memref<10000x128xf32, #tpu.memory_space<hbm>>) target(%dma_start3A_260 : memref<128x128xf32, #tpu.memory_space<vmem>>) offsets(%dma_start3A_263 : memref<128xi32, #tpu.memory_space<vmem>>) semaphore(%arg10 : memref<!tpu.dma_semaphore, #tpu.memory_space<semaphore_mem>>)
      %dma_wait3A_267 = arith.constant 0 : i32
      %dma_wait3A_268 = arith.constant 0 : i32
      %dma_wait3A_269 = arith.constant 1 : i32
      %dma_wait3A_270 = arith.constant 0 : i32
      %dma_wait3A_271 = arith.constant 0 : i32
      %dma_wait3A_272 = tpu.memref_slice %arg8[%dma_wait3A_269, %dma_wait3A_270, %dma_wait3A_271] : memref<2x128x128xf32, #tpu.memory_space<vmem>> -> memref<1x128x128xf32, #tpu.memory_space<vmem>>
      %dma_wait3A_273 = tpu.memref_squeeze %dma_wait3A_272 : memref<1x128x128xf32, #tpu.memory_space<vmem>> -> memref<128x128xf32, #tpu.memory_space<vmem>>
      %dma_wait3A_274 = arith.constant 0 : i32
      %dma_wait3A_275 = tpu.memref_slice %arg6[%dma_wait3A_267, %dma_wait3A_268, %dma_wait3A_274] : memref<2x8x128xi32, #tpu.memory_space<vmem>> -> memref<1x1x128xi32, #tpu.memory_space<vmem>>
      %dma_wait3A_276 = tpu.memref_squeeze %dma_wait3A_275 : memref<1x1x128xi32, #tpu.memory_space<vmem>> -> memref<128xi32, #tpu.memory_space<vmem>>
      %dma_wait3A_277 = arith.constant 0 : i32
      %dma_wait3A_278 = arith.constant 0 : i32
      %dma_wait3A_279 = tpu.memref_slice %arg2[%dma_wait3A_277, %dma_wait3A_278] : memref<10000x128xf32, #tpu.memory_space<hbm>> -> memref<10000x128xf32, #tpu.memory_space<hbm>>
      tpu.wait_indirect_dma semaphore(%arg11 : memref<!tpu.dma_semaphore, #tpu.memory_space<semaphore_mem>>) src(%dma_wait3A_279 : memref<10000x128xf32, #tpu.memory_space<hbm>>) dst(%dma_wait3A_273 : memref<128x128xf32, #tpu.memory_space<vmem>>)
      %run_scoped3A_280 = arith.constant 1 : i32
      %run_scoped3A_281 = arith.constant 0 : i32
      %run_scoped3A_282 = arith.constant 5 : i32
      "tpu.region"() ({
        %run_scoped3A_570 = tpu.sem_alloc : memref<!tpu.dma_semaphore, #tpu.memory_space<semaphore_mem>>
        %dma_start3A_571 = arith.constant 0 : i32
        %dma_start3A_572 = arith.constant 0 : i32
        %dma_start3A_573 = tpu.memref_slice %arg8[%run_scoped3A_280, %dma_start3A_571, %dma_start3A_572] : memref<2x128x128xf32, #tpu.memory_space<vmem>> -> memref<1x128x128xf32, #tpu.memory_space<vmem>>
        %dma_start3A_574 = tpu.memref_squeeze %dma_start3A_573 : memref<1x128x128xf32, #tpu.memory_space<vmem>> -> memref<128x128xf32, #tpu.memory_space<vmem>>
        %dma_start3A_575 = arith.constant 0 : i32
        %dma_start3A_576 = tpu.memref_slice %arg7[%run_scoped3A_281, %run_scoped3A_282, %dma_start3A_575] : memref<2x8x128xi32, #tpu.memory_space<vmem>> -> memref<1x1x128xi32, #tpu.memory_space<vmem>>
        %dma_start3A_577 = tpu.memref_squeeze %dma_start3A_576 : memref<1x1x128xi32, #tpu.memory_space<vmem>> -> memref<128xi32, #tpu.memory_space<vmem>>
        %dma_start3A_578 = arith.constant 0 : i32
        %dma_start3A_579 = arith.constant 0 : i32
        %dma_start3A_580 = tpu.memref_slice %arg9[%dma_start3A_578, %dma_start3A_579] : memref<10112x128xf32, #tpu.memory_space<vmem_shared>> -> memref<10112x128xf32, #tpu.memory_space<vmem_shared>>
        tpu.enqueue_indirect_dma source(%dma_start3A_574 : memref<128x128xf32, #tpu.memory_space<vmem>>) target(%dma_start3A_580 : memref<10112x128xf32, #tpu.memory_space<vmem_shared>>) offsets(%dma_start3A_577 : memref<128xi32, #tpu.memory_space<vmem>>) semaphore(%run_scoped3A_570 : memref<!tpu.dma_semaphore, #tpu.memory_space<semaphore_mem>>) {add = true}
        %dma_wait3A_581 = arith.constant 0 : i32
        %dma_wait3A_582 = arith.constant 0 : i32
        %dma_wait3A_583 = tpu.memref_slice %arg8[%run_scoped3A_280, %dma_wait3A_581, %dma_wait3A_582] : memref<2x128x128xf32, #tpu.memory_space<vmem>> -> memref<1x128x128xf32, #tpu.memory_space<vmem>>
        %dma_wait3A_584 = tpu.memref_squeeze %dma_wait3A_583 : memref<1x128x128xf32, #tpu.memory_space<vmem>> -> memref<128x128xf32, #tpu.memory_space<vmem>>
        %dma_wait3A_585 = arith.constant 0 : i32
        %dma_wait3A_586 = tpu.memref_slice %arg7[%run_scoped3A_281, %run_scoped3A_282, %dma_wait3A_585] : memref<2x8x128xi32, #tpu.memory_space<vmem>> -> memref<1x1x128xi32, #tpu.memory_space<vmem>>
        %dma_wait3A_587 = tpu.memref_squeeze %dma_wait3A_586 : memref<1x1x128xi32, #tpu.memory_space<vmem>> -> memref<128xi32, #tpu.memory_space<vmem>>
        %dma_wait3A_588 = arith.constant 0 : i32
        %dma_wait3A_589 = arith.constant 0 : i32
        %dma_wait3A_590 = tpu.memref_slice %arg9[%dma_wait3A_588, %dma_wait3A_589] : memref<10112x128xf32, #tpu.memory_space<vmem_shared>> -> memref<10112x128xf32, #tpu.memory_space<vmem_shared>>
        tpu.wait_indirect_dma semaphore(%run_scoped3A_570 : memref<!tpu.dma_semaphore, #tpu.memory_space<semaphore_mem>>) src(%dma_wait3A_584 : memref<128x128xf32, #tpu.memory_space<vmem>>) dst(%dma_wait3A_590 : memref<10112x128xf32, #tpu.memory_space<vmem_shared>>)
        tpu.yield
      }) : () -> ()
      %dma_start3A_283 = arith.constant 0 : i32
      %dma_start3A_284 = arith.constant 7 : i32
      %dma_start3A_285 = arith.constant 1 : i32
      %dma_start3A_286 = arith.constant 0 : i32
      %dma_start3A_287 = arith.constant 0 : i32
      %dma_start3A_288 = tpu.memref_slice %arg8[%dma_start3A_285, %dma_start3A_286, %dma_start3A_287] : memref<2x128x128xf32, #tpu.memory_space<vmem>> -> memref<1x128x128xf32, #tpu.memory_space<vmem>>
      %dma_start3A_289 = tpu.memref_squeeze %dma_start3A_288 : memref<1x128x128xf32, #tpu.memory_space<vmem>> -> memref<128x128xf32, #tpu.memory_space<vmem>>
      %dma_start3A_290 = arith.constant 0 : i32
      %dma_start3A_291 = tpu.memref_slice %arg6[%dma_start3A_283, %dma_start3A_284, %dma_start3A_290] : memref<2x8x128xi32, #tpu.memory_space<vmem>> -> memref<1x1x128xi32, #tpu.memory_space<vmem>>
      %dma_start3A_292 = tpu.memref_squeeze %dma_start3A_291 : memref<1x1x128xi32, #tpu.memory_space<vmem>> -> memref<128xi32, #tpu.memory_space<vmem>>
      %dma_start3A_293 = arith.constant 0 : i32
      %dma_start3A_294 = arith.constant 0 : i32
      %dma_start3A_295 = tpu.memref_slice %arg2[%dma_start3A_293, %dma_start3A_294] : memref<10000x128xf32, #tpu.memory_space<hbm>> -> memref<10000x128xf32, #tpu.memory_space<hbm>>
      tpu.enqueue_indirect_dma source(%dma_start3A_295 : memref<10000x128xf32, #tpu.memory_space<hbm>>) target(%dma_start3A_289 : memref<128x128xf32, #tpu.memory_space<vmem>>) offsets(%dma_start3A_292 : memref<128xi32, #tpu.memory_space<vmem>>) semaphore(%arg11 : memref<!tpu.dma_semaphore, #tpu.memory_space<semaphore_mem>>)
      %dma_wait3A_296 = arith.constant 0 : i32
      %dma_wait3A_297 = arith.constant 0 : i32
      %dma_wait3A_298 = arith.constant 0 : i32
      %dma_wait3A_299 = arith.constant 0 : i32
      %dma_wait3A_300 = arith.constant 0 : i32
      %dma_wait3A_301 = tpu.memref_slice %arg8[%dma_wait3A_298, %dma_wait3A_299, %dma_wait3A_300] : memref<2x128x128xf32, #tpu.memory_space<vmem>> -> memref<1x128x128xf32, #tpu.memory_space<vmem>>
      %dma_wait3A_302 = tpu.memref_squeeze %dma_wait3A_301 : memref<1x128x128xf32, #tpu.memory_space<vmem>> -> memref<128x128xf32, #tpu.memory_space<vmem>>
      %dma_wait3A_303 = arith.constant 0 : i32
      %dma_wait3A_304 = tpu.memref_slice %arg6[%dma_wait3A_296, %dma_wait3A_297, %dma_wait3A_303] : memref<2x8x128xi32, #tpu.memory_space<vmem>> -> memref<1x1x128xi32, #tpu.memory_space<vmem>>
      %dma_wait3A_305 = tpu.memref_squeeze %dma_wait3A_304 : memref<1x1x128xi32, #tpu.memory_space<vmem>> -> memref<128xi32, #tpu.memory_space<vmem>>
      %dma_wait3A_306 = arith.constant 0 : i32
      %dma_wait3A_307 = arith.constant 0 : i32
      %dma_wait3A_308 = tpu.memref_slice %arg2[%dma_wait3A_306, %dma_wait3A_307] : memref<10000x128xf32, #tpu.memory_space<hbm>> -> memref<10000x128xf32, #tpu.memory_space<hbm>>
      tpu.wait_indirect_dma semaphore(%arg10 : memref<!tpu.dma_semaphore, #tpu.memory_space<semaphore_mem>>) src(%dma_wait3A_308 : memref<10000x128xf32, #tpu.memory_space<hbm>>) dst(%dma_wait3A_302 : memref<128x128xf32, #tpu.memory_space<vmem>>)
      %run_scoped3A_309 = arith.constant 0 : i32
      %run_scoped3A_310 = arith.constant 0 : i32
      %run_scoped3A_311 = arith.constant 6 : i32
      "tpu.region"() ({
        %run_scoped3A_570 = tpu.sem_alloc : memref<!tpu.dma_semaphore, #tpu.memory_space<semaphore_mem>>
        %dma_start3A_571 = arith.constant 0 : i32
        %dma_start3A_572 = arith.constant 0 : i32
        %dma_start3A_573 = tpu.memref_slice %arg8[%run_scoped3A_309, %dma_start3A_571, %dma_start3A_572] : memref<2x128x128xf32, #tpu.memory_space<vmem>> -> memref<1x128x128xf32, #tpu.memory_space<vmem>>
        %dma_start3A_574 = tpu.memref_squeeze %dma_start3A_573 : memref<1x128x128xf32, #tpu.memory_space<vmem>> -> memref<128x128xf32, #tpu.memory_space<vmem>>
        %dma_start3A_575 = arith.constant 0 : i32
        %dma_start3A_576 = tpu.memref_slice %arg7[%run_scoped3A_310, %run_scoped3A_311, %dma_start3A_575] : memref<2x8x128xi32, #tpu.memory_space<vmem>> -> memref<1x1x128xi32, #tpu.memory_space<vmem>>
        %dma_start3A_577 = tpu.memref_squeeze %dma_start3A_576 : memref<1x1x128xi32, #tpu.memory_space<vmem>> -> memref<128xi32, #tpu.memory_space<vmem>>
        %dma_start3A_578 = arith.constant 0 : i32
        %dma_start3A_579 = arith.constant 0 : i32
        %dma_start3A_580 = tpu.memref_slice %arg9[%dma_start3A_578, %dma_start3A_579] : memref<10112x128xf32, #tpu.memory_space<vmem_shared>> -> memref<10112x128xf32, #tpu.memory_space<vmem_shared>>
        tpu.enqueue_indirect_dma source(%dma_start3A_574 : memref<128x128xf32, #tpu.memory_space<vmem>>) target(%dma_start3A_580 : memref<10112x128xf32, #tpu.memory_space<vmem_shared>>) offsets(%dma_start3A_577 : memref<128xi32, #tpu.memory_space<vmem>>) semaphore(%run_scoped3A_570 : memref<!tpu.dma_semaphore, #tpu.memory_space<semaphore_mem>>) {add = true}
        %dma_wait3A_581 = arith.constant 0 : i32
        %dma_wait3A_582 = arith.constant 0 : i32
        %dma_wait3A_583 = tpu.memref_slice %arg8[%run_scoped3A_309, %dma_wait3A_581, %dma_wait3A_582] : memref<2x128x128xf32, #tpu.memory_space<vmem>> -> memref<1x128x128xf32, #tpu.memory_space<vmem>>
        %dma_wait3A_584 = tpu.memref_squeeze %dma_wait3A_583 : memref<1x128x128xf32, #tpu.memory_space<vmem>> -> memref<128x128xf32, #tpu.memory_space<vmem>>
        %dma_wait3A_585 = arith.constant 0 : i32
        %dma_wait3A_586 = tpu.memref_slice %arg7[%run_scoped3A_310, %run_scoped3A_311, %dma_wait3A_585] : memref<2x8x128xi32, #tpu.memory_space<vmem>> -> memref<1x1x128xi32, #tpu.memory_space<vmem>>
        %dma_wait3A_587 = tpu.memref_squeeze %dma_wait3A_586 : memref<1x1x128xi32, #tpu.memory_space<vmem>> -> memref<128xi32, #tpu.memory_space<vmem>>
        %dma_wait3A_588 = arith.constant 0 : i32
        %dma_wait3A_589 = arith.constant 0 : i32
        %dma_wait3A_590 = tpu.memref_slice %arg9[%dma_wait3A_588, %dma_wait3A_589] : memref<10112x128xf32, #tpu.memory_space<vmem_shared>> -> memref<10112x128xf32, #tpu.memory_space<vmem_shared>>
        tpu.wait_indirect_dma semaphore(%run_scoped3A_570 : memref<!tpu.dma_semaphore, #tpu.memory_space<semaphore_mem>>) src(%dma_wait3A_584 : memref<128x128xf32, #tpu.memory_space<vmem>>) dst(%dma_wait3A_590 : memref<10112x128xf32, #tpu.memory_space<vmem_shared>>)
        tpu.yield
      }) : () -> ()
      %not3A_312 = arith.constant true
      %not3A_313 = arith.xori %and3A_106, %not3A_312 : i1
      %convert_element_type3A_314 = arith.extui %not3A_313 : i1 to i32
      %cond3A_315 = arith.constant 0 : i32
      %cond3A_316 = arith.cmpi ne, %convert_element_type3A_314, %cond3A_315 : i32
      scf.if %cond3A_316 {
        %add3A_570 = arith.constant 1 : i32
        %add3A_571 = arith.addi %add3A_104, %add3A_570 : i32
        %mul3A_572 = arith.constant 8 : i32
        %mul3A_573 = arith.muli %add3A_571, %mul3A_572 : i32
        %add3A_574 = arith.addi %mul3A_22, %mul3A_573 : i32
        %mul3A_575 = arith.constant 8 : i32
        %mul3A_576 = arith.muli %add3A_571, %mul3A_575 : i32
        %add3A_577 = arith.addi %mul3A_22, %mul3A_576 : i32
        %dma_wait3A_578 = arith.constant 1 : i32
        %dma_wait3A_579 = arith.constant 0 : i32
        %dma_wait3A_580 = arith.constant 0 : i32
        %dma_wait3A_581 = tpu.memref_slice %arg6[%dma_wait3A_578, %dma_wait3A_579, %dma_wait3A_580] : memref<2x8x128xi32, #tpu.memory_space<vmem>> -> memref<1x8x128xi32, #tpu.memory_space<vmem>>
        %dma_wait3A_582 = tpu.memref_squeeze %dma_wait3A_581 : memref<1x8x128xi32, #tpu.memory_space<vmem>> -> memref<8x128xi32, #tpu.memory_space<vmem>>
        %dma_wait3A_583 = arith.constant 0 : i32
        %dma_wait3A_584 = tpu.memref_slice %arg3[%add3A_574, %dma_wait3A_583] : memref<2560x128xi32, #tpu.memory_space<hbm>> -> memref<8x128xi32, #tpu.memory_space<hbm>>
        %dma_wait3A_585 = arith.constant 0 : i32
        %dma_wait3A_586 = arith.constant 0 : i32
        %dma_wait3A_587 = tpu.memref_slice %arg6[%dma_wait3A_578, %dma_wait3A_585, %dma_wait3A_586] : memref<2x8x128xi32, #tpu.memory_space<vmem>> -> memref<1x8x128xi32, #tpu.memory_space<vmem>>
        %dma_wait3A_588 = tpu.memref_squeeze %dma_wait3A_587 : memref<1x8x128xi32, #tpu.memory_space<vmem>> -> memref<8x128xi32, #tpu.memory_space<vmem>>
        %dma_wait3A_589 = arith.constant 0 : i32
        %dma_wait3A_590 = tpu.memref_slice %arg3[%add3A_574, %dma_wait3A_589] : memref<2560x128xi32, #tpu.memory_space<hbm>> -> memref<8x128xi32, #tpu.memory_space<hbm>>
        tpu.wait_dma2 semaphore(%arg12 : memref<!tpu.dma_semaphore, #tpu.memory_space<semaphore_mem>>) src(%dma_wait3A_590 : memref<8x128xi32, #tpu.memory_space<hbm>>) dst(%dma_wait3A_588 : memref<8x128xi32, #tpu.memory_space<vmem>>)
        %dma_wait3A_591 = arith.constant 1 : i32
        %dma_wait3A_592 = arith.constant 0 : i32
        %dma_wait3A_593 = arith.constant 0 : i32
        %dma_wait3A_594 = tpu.memref_slice %arg7[%dma_wait3A_591, %dma_wait3A_592, %dma_wait3A_593] : memref<2x8x128xi32, #tpu.memory_space<vmem>> -> memref<1x8x128xi32, #tpu.memory_space<vmem>>
        %dma_wait3A_595 = tpu.memref_squeeze %dma_wait3A_594 : memref<1x8x128xi32, #tpu.memory_space<vmem>> -> memref<8x128xi32, #tpu.memory_space<vmem>>
        %dma_wait3A_596 = arith.constant 0 : i32
        %dma_wait3A_597 = tpu.memref_slice %arg4[%add3A_577, %dma_wait3A_596] : memref<2560x128xi32, #tpu.memory_space<hbm>> -> memref<8x128xi32, #tpu.memory_space<hbm>>
        %dma_wait3A_598 = arith.constant 0 : i32
        %dma_wait3A_599 = arith.constant 0 : i32
        %dma_wait3A_600 = tpu.memref_slice %arg7[%dma_wait3A_591, %dma_wait3A_598, %dma_wait3A_599] : memref<2x8x128xi32, #tpu.memory_space<vmem>> -> memref<1x8x128xi32, #tpu.memory_space<vmem>>
        %dma_wait3A_601 = tpu.memref_squeeze %dma_wait3A_600 : memref<1x8x128xi32, #tpu.memory_space<vmem>> -> memref<8x128xi32, #tpu.memory_space<vmem>>
        %dma_wait3A_602 = arith.constant 0 : i32
        %dma_wait3A_603 = tpu.memref_slice %arg4[%add3A_577, %dma_wait3A_602] : memref<2560x128xi32, #tpu.memory_space<hbm>> -> memref<8x128xi32, #tpu.memory_space<hbm>>
        tpu.wait_dma2 semaphore(%arg13 : memref<!tpu.dma_semaphore, #tpu.memory_space<semaphore_mem>>) src(%dma_wait3A_603 : memref<8x128xi32, #tpu.memory_space<hbm>>) dst(%dma_wait3A_601 : memref<8x128xi32, #tpu.memory_space<vmem>>)
        %dma_start3A_604 = arith.constant 1 : i32
        %dma_start3A_605 = arith.constant 0 : i32
        %dma_start3A_606 = arith.constant 0 : i32
        %dma_start3A_607 = arith.constant 0 : i32
        %dma_start3A_608 = arith.constant 0 : i32
        %dma_start3A_609 = tpu.memref_slice %arg8[%dma_start3A_606, %dma_start3A_607, %dma_start3A_608] : memref<2x128x128xf32, #tpu.memory_space<vmem>> -> memref<1x128x128xf32, #tpu.memory_space<vmem>>
        %dma_start3A_610 = tpu.memref_squeeze %dma_start3A_609 : memref<1x128x128xf32, #tpu.memory_space<vmem>> -> memref<128x128xf32, #tpu.memory_space<vmem>>
        %dma_start3A_611 = arith.constant 0 : i32
        %dma_start3A_612 = tpu.memref_slice %arg6[%dma_start3A_604, %dma_start3A_605, %dma_start3A_611] : memref<2x8x128xi32, #tpu.memory_space<vmem>> -> memref<1x1x128xi32, #tpu.memory_space<vmem>>
        %dma_start3A_613 = tpu.memref_squeeze %dma_start3A_612 : memref<1x1x128xi32, #tpu.memory_space<vmem>> -> memref<128xi32, #tpu.memory_space<vmem>>
        %dma_start3A_614 = arith.constant 0 : i32
        %dma_start3A_615 = arith.constant 0 : i32
        %dma_start3A_616 = tpu.memref_slice %arg2[%dma_start3A_614, %dma_start3A_615] : memref<10000x128xf32, #tpu.memory_space<hbm>> -> memref<10000x128xf32, #tpu.memory_space<hbm>>
        tpu.enqueue_indirect_dma source(%dma_start3A_616 : memref<10000x128xf32, #tpu.memory_space<hbm>>) target(%dma_start3A_610 : memref<128x128xf32, #tpu.memory_space<vmem>>) offsets(%dma_start3A_613 : memref<128xi32, #tpu.memory_space<vmem>>) semaphore(%arg10 : memref<!tpu.dma_semaphore, #tpu.memory_space<semaphore_mem>>)
      } else {
      }
      %dma_wait3A_317 = arith.constant 0 : i32
      %dma_wait3A_318 = arith.constant 0 : i32
      %dma_wait3A_319 = arith.constant 1 : i32
      %dma_wait3A_320 = arith.constant 0 : i32
      %dma_wait3A_321 = arith.constant 0 : i32
      %dma_wait3A_322 = tpu.memref_slice %arg8[%dma_wait3A_319, %dma_wait3A_320, %dma_wait3A_321] : memref<2x128x128xf32, #tpu.memory_space<vmem>> -> memref<1x128x128xf32, #tpu.memory_space<vmem>>
      %dma_wait3A_323 = tpu.memref_squeeze %dma_wait3A_322 : memref<1x128x128xf32, #tpu.memory_space<vmem>> -> memref<128x128xf32, #tpu.memory_space<vmem>>
      %dma_wait3A_324 = arith.constant 0 : i32
      %dma_wait3A_325 = tpu.memref_slice %arg6[%dma_wait3A_317, %dma_wait3A_318, %dma_wait3A_324] : memref<2x8x128xi32, #tpu.memory_space<vmem>> -> memref<1x1x128xi32, #tpu.memory_space<vmem>>
      %dma_wait3A_326 = tpu.memref_squeeze %dma_wait3A_325 : memref<1x1x128xi32, #tpu.memory_space<vmem>> -> memref<128xi32, #tpu.memory_space<vmem>>
      %dma_wait3A_327 = arith.constant 0 : i32
      %dma_wait3A_328 = arith.constant 0 : i32
      %dma_wait3A_329 = tpu.memref_slice %arg2[%dma_wait3A_327, %dma_wait3A_328] : memref<10000x128xf32, #tpu.memory_space<hbm>> -> memref<10000x128xf32, #tpu.memory_space<hbm>>
      tpu.wait_indirect_dma semaphore(%arg11 : memref<!tpu.dma_semaphore, #tpu.memory_space<semaphore_mem>>) src(%dma_wait3A_329 : memref<10000x128xf32, #tpu.memory_space<hbm>>) dst(%dma_wait3A_323 : memref<128x128xf32, #tpu.memory_space<vmem>>)
      %run_scoped3A_330 = arith.constant 1 : i32
      %run_scoped3A_331 = arith.constant 0 : i32
      %run_scoped3A_332 = arith.constant 7 : i32
      "tpu.region"() ({
        %run_scoped3A_570 = tpu.sem_alloc : memref<!tpu.dma_semaphore, #tpu.memory_space<semaphore_mem>>
        %dma_start3A_571 = arith.constant 0 : i32
        %dma_start3A_572 = arith.constant 0 : i32
        %dma_start3A_573 = tpu.memref_slice %arg8[%run_scoped3A_330, %dma_start3A_571, %dma_start3A_572] : memref<2x128x128xf32, #tpu.memory_space<vmem>> -> memref<1x128x128xf32, #tpu.memory_space<vmem>>
        %dma_start3A_574 = tpu.memref_squeeze %dma_start3A_573 : memref<1x128x128xf32, #tpu.memory_space<vmem>> -> memref<128x128xf32, #tpu.memory_space<vmem>>
        %dma_start3A_575 = arith.constant 0 : i32
        %dma_start3A_576 = tpu.memref_slice %arg7[%run_scoped3A_331, %run_scoped3A_332, %dma_start3A_575] : memref<2x8x128xi32, #tpu.memory_space<vmem>> -> memref<1x1x128xi32, #tpu.memory_space<vmem>>
        %dma_start3A_577 = tpu.memref_squeeze %dma_start3A_576 : memref<1x1x128xi32, #tpu.memory_space<vmem>> -> memref<128xi32, #tpu.memory_space<vmem>>
        %dma_start3A_578 = arith.constant 0 : i32
        %dma_start3A_579 = arith.constant 0 : i32
        %dma_start3A_580 = tpu.memref_slice %arg9[%dma_start3A_578, %dma_start3A_579] : memref<10112x128xf32, #tpu.memory_space<vmem_shared>> -> memref<10112x128xf32, #tpu.memory_space<vmem_shared>>
        tpu.enqueue_indirect_dma source(%dma_start3A_574 : memref<128x128xf32, #tpu.memory_space<vmem>>) target(%dma_start3A_580 : memref<10112x128xf32, #tpu.memory_space<vmem_shared>>) offsets(%dma_start3A_577 : memref<128xi32, #tpu.memory_space<vmem>>) semaphore(%run_scoped3A_570 : memref<!tpu.dma_semaphore, #tpu.memory_space<semaphore_mem>>) {add = true}
        %dma_wait3A_581 = arith.constant 0 : i32
        %dma_wait3A_582 = arith.constant 0 : i32
        %dma_wait3A_583 = tpu.memref_slice %arg8[%run_scoped3A_330, %dma_wait3A_581, %dma_wait3A_582] : memref<2x128x128xf32, #tpu.memory_space<vmem>> -> memref<1x128x128xf32, #tpu.memory_space<vmem>>
        %dma_wait3A_584 = tpu.memref_squeeze %dma_wait3A_583 : memref<1x128x128xf32, #tpu.memory_space<vmem>> -> memref<128x128xf32, #tpu.memory_space<vmem>>
        %dma_wait3A_585 = arith.constant 0 : i32
        %dma_wait3A_586 = tpu.memref_slice %arg7[%run_scoped3A_331, %run_scoped3A_332, %dma_wait3A_585] : memref<2x8x128xi32, #tpu.memory_space<vmem>> -> memref<1x1x128xi32, #tpu.memory_space<vmem>>
        %dma_wait3A_587 = tpu.memref_squeeze %dma_wait3A_586 : memref<1x1x128xi32, #tpu.memory_space<vmem>> -> memref<128xi32, #tpu.memory_space<vmem>>
        %dma_wait3A_588 = arith.constant 0 : i32
        %dma_wait3A_589 = arith.constant 0 : i32
        %dma_wait3A_590 = tpu.memref_slice %arg9[%dma_wait3A_588, %dma_wait3A_589] : memref<10112x128xf32, #tpu.memory_space<vmem_shared>> -> memref<10112x128xf32, #tpu.memory_space<vmem_shared>>
        tpu.wait_indirect_dma semaphore(%run_scoped3A_570 : memref<!tpu.dma_semaphore, #tpu.memory_space<semaphore_mem>>) src(%dma_wait3A_584 : memref<128x128xf32, #tpu.memory_space<vmem>>) dst(%dma_wait3A_590 : memref<10112x128xf32, #tpu.memory_space<vmem_shared>>)
        tpu.yield
      }) : () -> ()
      %mul3A_333 = arith.constant 2 : i32
      %mul3A_334 = arith.muli %mul3A_333, %add3A_100 : i32
      %add3A_335 = arith.constant 1 : i32
      %add3A_336 = arith.addi %mul3A_334, %add3A_335 : i32
      %eq3A_337 = arith.constant 4 : i32
      %eq3A_338 = arith.cmpi eq, %add3A_100, %eq3A_337 : i32
      %and3A_339 = arith.constant true
      %and3A_340 = arith.andi %and3A_339, %eq3A_338 : i1
      %not3A_341 = arith.constant true
      %not3A_342 = arith.xori %and3A_340, %not3A_341 : i1
      %convert_element_type3A_343 = arith.extui %not3A_342 : i1 to i32
      %cond3A_344 = arith.constant 0 : i32
      %cond3A_345 = arith.cmpi ne, %convert_element_type3A_343, %cond3A_344 : i32
      scf.if %cond3A_345 {
        %add3A_570 = arith.constant 1 : i32
        %add3A_571 = arith.addi %add3A_336, %add3A_570 : i32
        %mul3A_572 = arith.constant 8 : i32
        %mul3A_573 = arith.muli %add3A_571, %mul3A_572 : i32
        %add3A_574 = arith.addi %mul3A_22, %mul3A_573 : i32
        %mul3A_575 = arith.constant 8 : i32
        %mul3A_576 = arith.muli %add3A_571, %mul3A_575 : i32
        %add3A_577 = arith.addi %mul3A_22, %mul3A_576 : i32
        %dma_start3A_578 = arith.constant 0 : i32
        %dma_start3A_579 = arith.constant 0 : i32
        %dma_start3A_580 = arith.constant 0 : i32
        %dma_start3A_581 = tpu.memref_slice %arg6[%dma_start3A_578, %dma_start3A_579, %dma_start3A_580] : memref<2x8x128xi32, #tpu.memory_space<vmem>> -> memref<1x8x128xi32, #tpu.memory_space<vmem>>
        %dma_start3A_582 = tpu.memref_squeeze %dma_start3A_581 : memref<1x8x128xi32, #tpu.memory_space<vmem>> -> memref<8x128xi32, #tpu.memory_space<vmem>>
        %dma_start3A_583 = arith.constant 0 : i32
        %dma_start3A_584 = tpu.memref_slice %arg3[%add3A_574, %dma_start3A_583] : memref<2560x128xi32, #tpu.memory_space<hbm>> -> memref<8x128xi32, #tpu.memory_space<hbm>>
        %dma_start3A_585 = arith.constant 0 : i32
        %dma_start3A_586 = arith.constant 0 : i32
        %dma_start3A_587 = tpu.memref_slice %arg6[%dma_start3A_578, %dma_start3A_585, %dma_start3A_586] : memref<2x8x128xi32, #tpu.memory_space<vmem>> -> memref<1x8x128xi32, #tpu.memory_space<vmem>>
        %dma_start3A_588 = tpu.memref_squeeze %dma_start3A_587 : memref<1x8x128xi32, #tpu.memory_space<vmem>> -> memref<8x128xi32, #tpu.memory_space<vmem>>
        %dma_start3A_589 = arith.constant 0 : i32
        %dma_start3A_590 = tpu.memref_slice %arg3[%add3A_574, %dma_start3A_589] : memref<2560x128xi32, #tpu.memory_space<hbm>> -> memref<8x128xi32, #tpu.memory_space<hbm>>
        tpu.enqueue_dma source(%dma_start3A_590 : memref<8x128xi32, #tpu.memory_space<hbm>>) target(%dma_start3A_588 : memref<8x128xi32, #tpu.memory_space<vmem>>) target_semaphore(%arg12 : memref<!tpu.dma_semaphore, #tpu.memory_space<semaphore_mem>>)
        %dma_start3A_591 = arith.constant 0 : i32
        %dma_start3A_592 = arith.constant 0 : i32
        %dma_start3A_593 = arith.constant 0 : i32
        %dma_start3A_594 = tpu.memref_slice %arg7[%dma_start3A_591, %dma_start3A_592, %dma_start3A_593] : memref<2x8x128xi32, #tpu.memory_space<vmem>> -> memref<1x8x128xi32, #tpu.memory_space<vmem>>
        %dma_start3A_595 = tpu.memref_squeeze %dma_start3A_594 : memref<1x8x128xi32, #tpu.memory_space<vmem>> -> memref<8x128xi32, #tpu.memory_space<vmem>>
        %dma_start3A_596 = arith.constant 0 : i32
        %dma_start3A_597 = tpu.memref_slice %arg4[%add3A_577, %dma_start3A_596] : memref<2560x128xi32, #tpu.memory_space<hbm>> -> memref<8x128xi32, #tpu.memory_space<hbm>>
        %dma_start3A_598 = arith.constant 0 : i32
        %dma_start3A_599 = arith.constant 0 : i32
        %dma_start3A_600 = tpu.memref_slice %arg7[%dma_start3A_591, %dma_start3A_598, %dma_start3A_599] : memref<2x8x128xi32, #tpu.memory_space<vmem>> -> memref<1x8x128xi32, #tpu.memory_space<vmem>>
        %dma_start3A_601 = tpu.memref_squeeze %dma_start3A_600 : memref<1x8x128xi32, #tpu.memory_space<vmem>> -> memref<8x128xi32, #tpu.memory_space<vmem>>
        %dma_start3A_602 = arith.constant 0 : i32
        %dma_start3A_603 = tpu.memref_slice %arg4[%add3A_577, %dma_start3A_602] : memref<2560x128xi32, #tpu.memory_space<hbm>> -> memref<8x128xi32, #tpu.memory_space<hbm>>
        tpu.enqueue_dma source(%dma_start3A_603 : memref<8x128xi32, #tpu.memory_space<hbm>>) target(%dma_start3A_601 : memref<8x128xi32, #tpu.memory_space<vmem>>) target_semaphore(%arg13 : memref<!tpu.dma_semaphore, #tpu.memory_space<semaphore_mem>>)
      } else {
      }
      %dma_start3A_346 = arith.constant 1 : i32
      %dma_start3A_347 = arith.constant 1 : i32
      %dma_start3A_348 = arith.constant 1 : i32
      %dma_start3A_349 = arith.constant 0 : i32
      %dma_start3A_350 = arith.constant 0 : i32
      %dma_start3A_351 = tpu.memref_slice %arg8[%dma_start3A_348, %dma_start3A_349, %dma_start3A_350] : memref<2x128x128xf32, #tpu.memory_space<vmem>> -> memref<1x128x128xf32, #tpu.memory_space<vmem>>
      %dma_start3A_352 = tpu.memref_squeeze %dma_start3A_351 : memref<1x128x128xf32, #tpu.memory_space<vmem>> -> memref<128x128xf32, #tpu.memory_space<vmem>>
      %dma_start3A_353 = arith.constant 0 : i32
      %dma_start3A_354 = tpu.memref_slice %arg6[%dma_start3A_346, %dma_start3A_347, %dma_start3A_353] : memref<2x8x128xi32, #tpu.memory_space<vmem>> -> memref<1x1x128xi32, #tpu.memory_space<vmem>>
      %dma_start3A_355 = tpu.memref_squeeze %dma_start3A_354 : memref<1x1x128xi32, #tpu.memory_space<vmem>> -> memref<128xi32, #tpu.memory_space<vmem>>
      %dma_start3A_356 = arith.constant 0 : i32
      %dma_start3A_357 = arith.constant 0 : i32
      %dma_start3A_358 = tpu.memref_slice %arg2[%dma_start3A_356, %dma_start3A_357] : memref<10000x128xf32, #tpu.memory_space<hbm>> -> memref<10000x128xf32, #tpu.memory_space<hbm>>
      tpu.enqueue_indirect_dma source(%dma_start3A_358 : memref<10000x128xf32, #tpu.memory_space<hbm>>) target(%dma_start3A_352 : memref<128x128xf32, #tpu.memory_space<vmem>>) offsets(%dma_start3A_355 : memref<128xi32, #tpu.memory_space<vmem>>) semaphore(%arg11 : memref<!tpu.dma_semaphore, #tpu.memory_space<semaphore_mem>>)
      %dma_wait3A_359 = arith.constant 0 : i32
      %dma_wait3A_360 = arith.constant 0 : i32
      %dma_wait3A_361 = arith.constant 0 : i32
      %dma_wait3A_362 = arith.constant 0 : i32
      %dma_wait3A_363 = arith.constant 0 : i32
      %dma_wait3A_364 = tpu.memref_slice %arg8[%dma_wait3A_361, %dma_wait3A_362, %dma_wait3A_363] : memref<2x128x128xf32, #tpu.memory_space<vmem>> -> memref<1x128x128xf32, #tpu.memory_space<vmem>>
      %dma_wait3A_365 = tpu.memref_squeeze %dma_wait3A_364 : memref<1x128x128xf32, #tpu.memory_space<vmem>> -> memref<128x128xf32, #tpu.memory_space<vmem>>
      %dma_wait3A_366 = arith.constant 0 : i32
      %dma_wait3A_367 = tpu.memref_slice %arg6[%dma_wait3A_359, %dma_wait3A_360, %dma_wait3A_366] : memref<2x8x128xi32, #tpu.memory_space<vmem>> -> memref<1x1x128xi32, #tpu.memory_space<vmem>>
      %dma_wait3A_368 = tpu.memref_squeeze %dma_wait3A_367 : memref<1x1x128xi32, #tpu.memory_space<vmem>> -> memref<128xi32, #tpu.memory_space<vmem>>
      %dma_wait3A_369 = arith.constant 0 : i32
      %dma_wait3A_370 = arith.constant 0 : i32
      %dma_wait3A_371 = tpu.memref_slice %arg2[%dma_wait3A_369, %dma_wait3A_370] : memref<10000x128xf32, #tpu.memory_space<hbm>> -> memref<10000x128xf32, #tpu.memory_space<hbm>>
      tpu.wait_indirect_dma semaphore(%arg10 : memref<!tpu.dma_semaphore, #tpu.memory_space<semaphore_mem>>) src(%dma_wait3A_371 : memref<10000x128xf32, #tpu.memory_space<hbm>>) dst(%dma_wait3A_365 : memref<128x128xf32, #tpu.memory_space<vmem>>)
      %run_scoped3A_372 = arith.constant 0 : i32
      %run_scoped3A_373 = arith.constant 1 : i32
      %run_scoped3A_374 = arith.constant 0 : i32
      "tpu.region"() ({
        %run_scoped3A_570 = tpu.sem_alloc : memref<!tpu.dma_semaphore, #tpu.memory_space<semaphore_mem>>
        %dma_start3A_571 = arith.constant 0 : i32
        %dma_start3A_572 = arith.constant 0 : i32
        %dma_start3A_573 = tpu.memref_slice %arg8[%run_scoped3A_372, %dma_start3A_571, %dma_start3A_572] : memref<2x128x128xf32, #tpu.memory_space<vmem>> -> memref<1x128x128xf32, #tpu.memory_space<vmem>>
        %dma_start3A_574 = tpu.memref_squeeze %dma_start3A_573 : memref<1x128x128xf32, #tpu.memory_space<vmem>> -> memref<128x128xf32, #tpu.memory_space<vmem>>
        %dma_start3A_575 = arith.constant 0 : i32
        %dma_start3A_576 = tpu.memref_slice %arg7[%run_scoped3A_373, %run_scoped3A_374, %dma_start3A_575] : memref<2x8x128xi32, #tpu.memory_space<vmem>> -> memref<1x1x128xi32, #tpu.memory_space<vmem>>
        %dma_start3A_577 = tpu.memref_squeeze %dma_start3A_576 : memref<1x1x128xi32, #tpu.memory_space<vmem>> -> memref<128xi32, #tpu.memory_space<vmem>>
        %dma_start3A_578 = arith.constant 0 : i32
        %dma_start3A_579 = arith.constant 0 : i32
        %dma_start3A_580 = tpu.memref_slice %arg9[%dma_start3A_578, %dma_start3A_579] : memref<10112x128xf32, #tpu.memory_space<vmem_shared>> -> memref<10112x128xf32, #tpu.memory_space<vmem_shared>>
        tpu.enqueue_indirect_dma source(%dma_start3A_574 : memref<128x128xf32, #tpu.memory_space<vmem>>) target(%dma_start3A_580 : memref<10112x128xf32, #tpu.memory_space<vmem_shared>>) offsets(%dma_start3A_577 : memref<128xi32, #tpu.memory_space<vmem>>) semaphore(%run_scoped3A_570 : memref<!tpu.dma_semaphore, #tpu.memory_space<semaphore_mem>>) {add = true}
        %dma_wait3A_581 = arith.constant 0 : i32
        %dma_wait3A_582 = arith.constant 0 : i32
        %dma_wait3A_583 = tpu.memref_slice %arg8[%run_scoped3A_372, %dma_wait3A_581, %dma_wait3A_582] : memref<2x128x128xf32, #tpu.memory_space<vmem>> -> memref<1x128x128xf32, #tpu.memory_space<vmem>>
        %dma_wait3A_584 = tpu.memref_squeeze %dma_wait3A_583 : memref<1x128x128xf32, #tpu.memory_space<vmem>> -> memref<128x128xf32, #tpu.memory_space<vmem>>
        %dma_wait3A_585 = arith.constant 0 : i32
        %dma_wait3A_586 = tpu.memref_slice %arg7[%run_scoped3A_373, %run_scoped3A_374, %dma_wait3A_585] : memref<2x8x128xi32, #tpu.memory_space<vmem>> -> memref<1x1x128xi32, #tpu.memory_space<vmem>>
        %dma_wait3A_587 = tpu.memref_squeeze %dma_wait3A_586 : memref<1x1x128xi32, #tpu.memory_space<vmem>> -> memref<128xi32, #tpu.memory_space<vmem>>
        %dma_wait3A_588 = arith.constant 0 : i32
        %dma_wait3A_589 = arith.constant 0 : i32
        %dma_wait3A_590 = tpu.memref_slice %arg9[%dma_wait3A_588, %dma_wait3A_589] : memref<10112x128xf32, #tpu.memory_space<vmem_shared>> -> memref<10112x128xf32, #tpu.memory_space<vmem_shared>>
        tpu.wait_indirect_dma semaphore(%run_scoped3A_570 : memref<!tpu.dma_semaphore, #tpu.memory_space<semaphore_mem>>) src(%dma_wait3A_584 : memref<128x128xf32, #tpu.memory_space<vmem>>) dst(%dma_wait3A_590 : memref<10112x128xf32, #tpu.memory_space<vmem_shared>>)
        tpu.yield
      }) : () -> ()
      %dma_start3A_375 = arith.constant 1 : i32
      %dma_start3A_376 = arith.constant 2 : i32
      %dma_start3A_377 = arith.constant 0 : i32
      %dma_start3A_378 = arith.constant 0 : i32
      %dma_start3A_379 = arith.constant 0 : i32
      %dma_start3A_380 = tpu.memref_slice %arg8[%dma_start3A_377, %dma_start3A_378, %dma_start3A_379] : memref<2x128x128xf32, #tpu.memory_space<vmem>> -> memref<1x128x128xf32, #tpu.memory_space<vmem>>
      %dma_start3A_381 = tpu.memref_squeeze %dma_start3A_380 : memref<1x128x128xf32, #tpu.memory_space<vmem>> -> memref<128x128xf32, #tpu.memory_space<vmem>>
      %dma_start3A_382 = arith.constant 0 : i32
      %dma_start3A_383 = tpu.memref_slice %arg6[%dma_start3A_375, %dma_start3A_376, %dma_start3A_382] : memref<2x8x128xi32, #tpu.memory_space<vmem>> -> memref<1x1x128xi32, #tpu.memory_space<vmem>>
      %dma_start3A_384 = tpu.memref_squeeze %dma_start3A_383 : memref<1x1x128xi32, #tpu.memory_space<vmem>> -> memref<128xi32, #tpu.memory_space<vmem>>
      %dma_start3A_385 = arith.constant 0 : i32
      %dma_start3A_386 = arith.constant 0 : i32
      %dma_start3A_387 = tpu.memref_slice %arg2[%dma_start3A_385, %dma_start3A_386] : memref<10000x128xf32, #tpu.memory_space<hbm>> -> memref<10000x128xf32, #tpu.memory_space<hbm>>
      tpu.enqueue_indirect_dma source(%dma_start3A_387 : memref<10000x128xf32, #tpu.memory_space<hbm>>) target(%dma_start3A_381 : memref<128x128xf32, #tpu.memory_space<vmem>>) offsets(%dma_start3A_384 : memref<128xi32, #tpu.memory_space<vmem>>) semaphore(%arg10 : memref<!tpu.dma_semaphore, #tpu.memory_space<semaphore_mem>>)
      %dma_wait3A_388 = arith.constant 0 : i32
      %dma_wait3A_389 = arith.constant 0 : i32
      %dma_wait3A_390 = arith.constant 1 : i32
      %dma_wait3A_391 = arith.constant 0 : i32
      %dma_wait3A_392 = arith.constant 0 : i32
      %dma_wait3A_393 = tpu.memref_slice %arg8[%dma_wait3A_390, %dma_wait3A_391, %dma_wait3A_392] : memref<2x128x128xf32, #tpu.memory_space<vmem>> -> memref<1x128x128xf32, #tpu.memory_space<vmem>>
      %dma_wait3A_394 = tpu.memref_squeeze %dma_wait3A_393 : memref<1x128x128xf32, #tpu.memory_space<vmem>> -> memref<128x128xf32, #tpu.memory_space<vmem>>
      %dma_wait3A_395 = arith.constant 0 : i32
      %dma_wait3A_396 = tpu.memref_slice %arg6[%dma_wait3A_388, %dma_wait3A_389, %dma_wait3A_395] : memref<2x8x128xi32, #tpu.memory_space<vmem>> -> memref<1x1x128xi32, #tpu.memory_space<vmem>>
      %dma_wait3A_397 = tpu.memref_squeeze %dma_wait3A_396 : memref<1x1x128xi32, #tpu.memory_space<vmem>> -> memref<128xi32, #tpu.memory_space<vmem>>
      %dma_wait3A_398 = arith.constant 0 : i32
      %dma_wait3A_399 = arith.constant 0 : i32
      %dma_wait3A_400 = tpu.memref_slice %arg2[%dma_wait3A_398, %dma_wait3A_399] : memref<10000x128xf32, #tpu.memory_space<hbm>> -> memref<10000x128xf32, #tpu.memory_space<hbm>>
      tpu.wait_indirect_dma semaphore(%arg11 : memref<!tpu.dma_semaphore, #tpu.memory_space<semaphore_mem>>) src(%dma_wait3A_400 : memref<10000x128xf32, #tpu.memory_space<hbm>>) dst(%dma_wait3A_394 : memref<128x128xf32, #tpu.memory_space<vmem>>)
      %run_scoped3A_401 = arith.constant 1 : i32
      %run_scoped3A_402 = arith.constant 1 : i32
      %run_scoped3A_403 = arith.constant 1 : i32
      "tpu.region"() ({
        %run_scoped3A_570 = tpu.sem_alloc : memref<!tpu.dma_semaphore, #tpu.memory_space<semaphore_mem>>
        %dma_start3A_571 = arith.constant 0 : i32
        %dma_start3A_572 = arith.constant 0 : i32
        %dma_start3A_573 = tpu.memref_slice %arg8[%run_scoped3A_401, %dma_start3A_571, %dma_start3A_572] : memref<2x128x128xf32, #tpu.memory_space<vmem>> -> memref<1x128x128xf32, #tpu.memory_space<vmem>>
        %dma_start3A_574 = tpu.memref_squeeze %dma_start3A_573 : memref<1x128x128xf32, #tpu.memory_space<vmem>> -> memref<128x128xf32, #tpu.memory_space<vmem>>
        %dma_start3A_575 = arith.constant 0 : i32
        %dma_start3A_576 = tpu.memref_slice %arg7[%run_scoped3A_402, %run_scoped3A_403, %dma_start3A_575] : memref<2x8x128xi32, #tpu.memory_space<vmem>> -> memref<1x1x128xi32, #tpu.memory_space<vmem>>
        %dma_start3A_577 = tpu.memref_squeeze %dma_start3A_576 : memref<1x1x128xi32, #tpu.memory_space<vmem>> -> memref<128xi32, #tpu.memory_space<vmem>>
        %dma_start3A_578 = arith.constant 0 : i32
        %dma_start3A_579 = arith.constant 0 : i32
        %dma_start3A_580 = tpu.memref_slice %arg9[%dma_start3A_578, %dma_start3A_579] : memref<10112x128xf32, #tpu.memory_space<vmem_shared>> -> memref<10112x128xf32, #tpu.memory_space<vmem_shared>>
        tpu.enqueue_indirect_dma source(%dma_start3A_574 : memref<128x128xf32, #tpu.memory_space<vmem>>) target(%dma_start3A_580 : memref<10112x128xf32, #tpu.memory_space<vmem_shared>>) offsets(%dma_start3A_577 : memref<128xi32, #tpu.memory_space<vmem>>) semaphore(%run_scoped3A_570 : memref<!tpu.dma_semaphore, #tpu.memory_space<semaphore_mem>>) {add = true}
        %dma_wait3A_581 = arith.constant 0 : i32
        %dma_wait3A_582 = arith.constant 0 : i32
        %dma_wait3A_583 = tpu.memref_slice %arg8[%run_scoped3A_401, %dma_wait3A_581, %dma_wait3A_582] : memref<2x128x128xf32, #tpu.memory_space<vmem>> -> memref<1x128x128xf32, #tpu.memory_space<vmem>>
        %dma_wait3A_584 = tpu.memref_squeeze %dma_wait3A_583 : memref<1x128x128xf32, #tpu.memory_space<vmem>> -> memref<128x128xf32, #tpu.memory_space<vmem>>
        %dma_wait3A_585 = arith.constant 0 : i32
        %dma_wait3A_586 = tpu.memref_slice %arg7[%run_scoped3A_402, %run_scoped3A_403, %dma_wait3A_585] : memref<2x8x128xi32, #tpu.memory_space<vmem>> -> memref<1x1x128xi32, #tpu.memory_space<vmem>>
        %dma_wait3A_587 = tpu.memref_squeeze %dma_wait3A_586 : memref<1x1x128xi32, #tpu.memory_space<vmem>> -> memref<128xi32, #tpu.memory_space<vmem>>
        %dma_wait3A_588 = arith.constant 0 : i32
        %dma_wait3A_589 = arith.constant 0 : i32
        %dma_wait3A_590 = tpu.memref_slice %arg9[%dma_wait3A_588, %dma_wait3A_589] : memref<10112x128xf32, #tpu.memory_space<vmem_shared>> -> memref<10112x128xf32, #tpu.memory_space<vmem_shared>>
        tpu.wait_indirect_dma semaphore(%run_scoped3A_570 : memref<!tpu.dma_semaphore, #tpu.memory_space<semaphore_mem>>) src(%dma_wait3A_584 : memref<128x128xf32, #tpu.memory_space<vmem>>) dst(%dma_wait3A_590 : memref<10112x128xf32, #tpu.memory_space<vmem_shared>>)
        tpu.yield
      }) : () -> ()
      %dma_start3A_404 = arith.constant 1 : i32
      %dma_start3A_405 = arith.constant 3 : i32
      %dma_start3A_406 = arith.constant 1 : i32
      %dma_start3A_407 = arith.constant 0 : i32
      %dma_start3A_408 = arith.constant 0 : i32
      %dma_start3A_409 = tpu.memref_slice %arg8[%dma_start3A_406, %dma_start3A_407, %dma_start3A_408] : memref<2x128x128xf32, #tpu.memory_space<vmem>> -> memref<1x128x128xf32, #tpu.memory_space<vmem>>
      %dma_start3A_410 = tpu.memref_squeeze %dma_start3A_409 : memref<1x128x128xf32, #tpu.memory_space<vmem>> -> memref<128x128xf32, #tpu.memory_space<vmem>>
      %dma_start3A_411 = arith.constant 0 : i32
      %dma_start3A_412 = tpu.memref_slice %arg6[%dma_start3A_404, %dma_start3A_405, %dma_start3A_411] : memref<2x8x128xi32, #tpu.memory_space<vmem>> -> memref<1x1x128xi32, #tpu.memory_space<vmem>>
      %dma_start3A_413 = tpu.memref_squeeze %dma_start3A_412 : memref<1x1x128xi32, #tpu.memory_space<vmem>> -> memref<128xi32, #tpu.memory_space<vmem>>
      %dma_start3A_414 = arith.constant 0 : i32
      %dma_start3A_415 = arith.constant 0 : i32
      %dma_start3A_416 = tpu.memref_slice %arg2[%dma_start3A_414, %dma_start3A_415] : memref<10000x128xf32, #tpu.memory_space<hbm>> -> memref<10000x128xf32, #tpu.memory_space<hbm>>
      tpu.enqueue_indirect_dma source(%dma_start3A_416 : memref<10000x128xf32, #tpu.memory_space<hbm>>) target(%dma_start3A_410 : memref<128x128xf32, #tpu.memory_space<vmem>>) offsets(%dma_start3A_413 : memref<128xi32, #tpu.memory_space<vmem>>) semaphore(%arg11 : memref<!tpu.dma_semaphore, #tpu.memory_space<semaphore_mem>>)
      %dma_wait3A_417 = arith.constant 0 : i32
      %dma_wait3A_418 = arith.constant 0 : i32
      %dma_wait3A_419 = arith.constant 0 : i32
      %dma_wait3A_420 = arith.constant 0 : i32
      %dma_wait3A_421 = arith.constant 0 : i32
      %dma_wait3A_422 = tpu.memref_slice %arg8[%dma_wait3A_419, %dma_wait3A_420, %dma_wait3A_421] : memref<2x128x128xf32, #tpu.memory_space<vmem>> -> memref<1x128x128xf32, #tpu.memory_space<vmem>>
      %dma_wait3A_423 = tpu.memref_squeeze %dma_wait3A_422 : memref<1x128x128xf32, #tpu.memory_space<vmem>> -> memref<128x128xf32, #tpu.memory_space<vmem>>
      %dma_wait3A_424 = arith.constant 0 : i32
      %dma_wait3A_425 = tpu.memref_slice %arg6[%dma_wait3A_417, %dma_wait3A_418, %dma_wait3A_424] : memref<2x8x128xi32, #tpu.memory_space<vmem>> -> memref<1x1x128xi32, #tpu.memory_space<vmem>>
      %dma_wait3A_426 = tpu.memref_squeeze %dma_wait3A_425 : memref<1x1x128xi32, #tpu.memory_space<vmem>> -> memref<128xi32, #tpu.memory_space<vmem>>
      %dma_wait3A_427 = arith.constant 0 : i32
      %dma_wait3A_428 = arith.constant 0 : i32
      %dma_wait3A_429 = tpu.memref_slice %arg2[%dma_wait3A_427, %dma_wait3A_428] : memref<10000x128xf32, #tpu.memory_space<hbm>> -> memref<10000x128xf32, #tpu.memory_space<hbm>>
      tpu.wait_indirect_dma semaphore(%arg10 : memref<!tpu.dma_semaphore, #tpu.memory_space<semaphore_mem>>) src(%dma_wait3A_429 : memref<10000x128xf32, #tpu.memory_space<hbm>>) dst(%dma_wait3A_423 : memref<128x128xf32, #tpu.memory_space<vmem>>)
      %run_scoped3A_430 = arith.constant 0 : i32
      %run_scoped3A_431 = arith.constant 1 : i32
      %run_scoped3A_432 = arith.constant 2 : i32
      "tpu.region"() ({
        %run_scoped3A_570 = tpu.sem_alloc : memref<!tpu.dma_semaphore, #tpu.memory_space<semaphore_mem>>
        %dma_start3A_571 = arith.constant 0 : i32
        %dma_start3A_572 = arith.constant 0 : i32
        %dma_start3A_573 = tpu.memref_slice %arg8[%run_scoped3A_430, %dma_start3A_571, %dma_start3A_572] : memref<2x128x128xf32, #tpu.memory_space<vmem>> -> memref<1x128x128xf32, #tpu.memory_space<vmem>>
        %dma_start3A_574 = tpu.memref_squeeze %dma_start3A_573 : memref<1x128x128xf32, #tpu.memory_space<vmem>> -> memref<128x128xf32, #tpu.memory_space<vmem>>
        %dma_start3A_575 = arith.constant 0 : i32
        %dma_start3A_576 = tpu.memref_slice %arg7[%run_scoped3A_431, %run_scoped3A_432, %dma_start3A_575] : memref<2x8x128xi32, #tpu.memory_space<vmem>> -> memref<1x1x128xi32, #tpu.memory_space<vmem>>
        %dma_start3A_577 = tpu.memref_squeeze %dma_start3A_576 : memref<1x1x128xi32, #tpu.memory_space<vmem>> -> memref<128xi32, #tpu.memory_space<vmem>>
        %dma_start3A_578 = arith.constant 0 : i32
        %dma_start3A_579 = arith.constant 0 : i32
        %dma_start3A_580 = tpu.memref_slice %arg9[%dma_start3A_578, %dma_start3A_579] : memref<10112x128xf32, #tpu.memory_space<vmem_shared>> -> memref<10112x128xf32, #tpu.memory_space<vmem_shared>>
        tpu.enqueue_indirect_dma source(%dma_start3A_574 : memref<128x128xf32, #tpu.memory_space<vmem>>) target(%dma_start3A_580 : memref<10112x128xf32, #tpu.memory_space<vmem_shared>>) offsets(%dma_start3A_577 : memref<128xi32, #tpu.memory_space<vmem>>) semaphore(%run_scoped3A_570 : memref<!tpu.dma_semaphore, #tpu.memory_space<semaphore_mem>>) {add = true}
        %dma_wait3A_581 = arith.constant 0 : i32
        %dma_wait3A_582 = arith.constant 0 : i32
        %dma_wait3A_583 = tpu.memref_slice %arg8[%run_scoped3A_430, %dma_wait3A_581, %dma_wait3A_582] : memref<2x128x128xf32, #tpu.memory_space<vmem>> -> memref<1x128x128xf32, #tpu.memory_space<vmem>>
        %dma_wait3A_584 = tpu.memref_squeeze %dma_wait3A_583 : memref<1x128x128xf32, #tpu.memory_space<vmem>> -> memref<128x128xf32, #tpu.memory_space<vmem>>
        %dma_wait3A_585 = arith.constant 0 : i32
        %dma_wait3A_586 = tpu.memref_slice %arg7[%run_scoped3A_431, %run_scoped3A_432, %dma_wait3A_585] : memref<2x8x128xi32, #tpu.memory_space<vmem>> -> memref<1x1x128xi32, #tpu.memory_space<vmem>>
        %dma_wait3A_587 = tpu.memref_squeeze %dma_wait3A_586 : memref<1x1x128xi32, #tpu.memory_space<vmem>> -> memref<128xi32, #tpu.memory_space<vmem>>
        %dma_wait3A_588 = arith.constant 0 : i32
        %dma_wait3A_589 = arith.constant 0 : i32
        %dma_wait3A_590 = tpu.memref_slice %arg9[%dma_wait3A_588, %dma_wait3A_589] : memref<10112x128xf32, #tpu.memory_space<vmem_shared>> -> memref<10112x128xf32, #tpu.memory_space<vmem_shared>>
        tpu.wait_indirect_dma semaphore(%run_scoped3A_570 : memref<!tpu.dma_semaphore, #tpu.memory_space<semaphore_mem>>) src(%dma_wait3A_584 : memref<128x128xf32, #tpu.memory_space<vmem>>) dst(%dma_wait3A_590 : memref<10112x128xf32, #tpu.memory_space<vmem_shared>>)
        tpu.yield
      }) : () -> ()
      %dma_start3A_433 = arith.constant 1 : i32
      %dma_start3A_434 = arith.constant 4 : i32
      %dma_start3A_435 = arith.constant 0 : i32
      %dma_start3A_436 = arith.constant 0 : i32
      %dma_start3A_437 = arith.constant 0 : i32
      %dma_start3A_438 = tpu.memref_slice %arg8[%dma_start3A_435, %dma_start3A_436, %dma_start3A_437] : memref<2x128x128xf32, #tpu.memory_space<vmem>> -> memref<1x128x128xf32, #tpu.memory_space<vmem>>
      %dma_start3A_439 = tpu.memref_squeeze %dma_start3A_438 : memref<1x128x128xf32, #tpu.memory_space<vmem>> -> memref<128x128xf32, #tpu.memory_space<vmem>>
      %dma_start3A_440 = arith.constant 0 : i32
      %dma_start3A_441 = tpu.memref_slice %arg6[%dma_start3A_433, %dma_start3A_434, %dma_start3A_440] : memref<2x8x128xi32, #tpu.memory_space<vmem>> -> memref<1x1x128xi32, #tpu.memory_space<vmem>>
      %dma_start3A_442 = tpu.memref_squeeze %dma_start3A_441 : memref<1x1x128xi32, #tpu.memory_space<vmem>> -> memref<128xi32, #tpu.memory_space<vmem>>
      %dma_start3A_443 = arith.constant 0 : i32
      %dma_start3A_444 = arith.constant 0 : i32
      %dma_start3A_445 = tpu.memref_slice %arg2[%dma_start3A_443, %dma_start3A_444] : memref<10000x128xf32, #tpu.memory_space<hbm>> -> memref<10000x128xf32, #tpu.memory_space<hbm>>
      tpu.enqueue_indirect_dma source(%dma_start3A_445 : memref<10000x128xf32, #tpu.memory_space<hbm>>) target(%dma_start3A_439 : memref<128x128xf32, #tpu.memory_space<vmem>>) offsets(%dma_start3A_442 : memref<128xi32, #tpu.memory_space<vmem>>) semaphore(%arg10 : memref<!tpu.dma_semaphore, #tpu.memory_space<semaphore_mem>>)
      %dma_wait3A_446 = arith.constant 0 : i32
      %dma_wait3A_447 = arith.constant 0 : i32
      %dma_wait3A_448 = arith.constant 1 : i32
      %dma_wait3A_449 = arith.constant 0 : i32
      %dma_wait3A_450 = arith.constant 0 : i32
      %dma_wait3A_451 = tpu.memref_slice %arg8[%dma_wait3A_448, %dma_wait3A_449, %dma_wait3A_450] : memref<2x128x128xf32, #tpu.memory_space<vmem>> -> memref<1x128x128xf32, #tpu.memory_space<vmem>>
      %dma_wait3A_452 = tpu.memref_squeeze %dma_wait3A_451 : memref<1x128x128xf32, #tpu.memory_space<vmem>> -> memref<128x128xf32, #tpu.memory_space<vmem>>
      %dma_wait3A_453 = arith.constant 0 : i32
      %dma_wait3A_454 = tpu.memref_slice %arg6[%dma_wait3A_446, %dma_wait3A_447, %dma_wait3A_453] : memref<2x8x128xi32, #tpu.memory_space<vmem>> -> memref<1x1x128xi32, #tpu.memory_space<vmem>>
      %dma_wait3A_455 = tpu.memref_squeeze %dma_wait3A_454 : memref<1x1x128xi32, #tpu.memory_space<vmem>> -> memref<128xi32, #tpu.memory_space<vmem>>
      %dma_wait3A_456 = arith.constant 0 : i32
      %dma_wait3A_457 = arith.constant 0 : i32
      %dma_wait3A_458 = tpu.memref_slice %arg2[%dma_wait3A_456, %dma_wait3A_457] : memref<10000x128xf32, #tpu.memory_space<hbm>> -> memref<10000x128xf32, #tpu.memory_space<hbm>>
      tpu.wait_indirect_dma semaphore(%arg11 : memref<!tpu.dma_semaphore, #tpu.memory_space<semaphore_mem>>) src(%dma_wait3A_458 : memref<10000x128xf32, #tpu.memory_space<hbm>>) dst(%dma_wait3A_452 : memref<128x128xf32, #tpu.memory_space<vmem>>)
      %run_scoped3A_459 = arith.constant 1 : i32
      %run_scoped3A_460 = arith.constant 1 : i32
      %run_scoped3A_461 = arith.constant 3 : i32
      "tpu.region"() ({
        %run_scoped3A_570 = tpu.sem_alloc : memref<!tpu.dma_semaphore, #tpu.memory_space<semaphore_mem>>
        %dma_start3A_571 = arith.constant 0 : i32
        %dma_start3A_572 = arith.constant 0 : i32
        %dma_start3A_573 = tpu.memref_slice %arg8[%run_scoped3A_459, %dma_start3A_571, %dma_start3A_572] : memref<2x128x128xf32, #tpu.memory_space<vmem>> -> memref<1x128x128xf32, #tpu.memory_space<vmem>>
        %dma_start3A_574 = tpu.memref_squeeze %dma_start3A_573 : memref<1x128x128xf32, #tpu.memory_space<vmem>> -> memref<128x128xf32, #tpu.memory_space<vmem>>
        %dma_start3A_575 = arith.constant 0 : i32
        %dma_start3A_576 = tpu.memref_slice %arg7[%run_scoped3A_460, %run_scoped3A_461, %dma_start3A_575] : memref<2x8x128xi32, #tpu.memory_space<vmem>> -> memref<1x1x128xi32, #tpu.memory_space<vmem>>
        %dma_start3A_577 = tpu.memref_squeeze %dma_start3A_576 : memref<1x1x128xi32, #tpu.memory_space<vmem>> -> memref<128xi32, #tpu.memory_space<vmem>>
        %dma_start3A_578 = arith.constant 0 : i32
        %dma_start3A_579 = arith.constant 0 : i32
        %dma_start3A_580 = tpu.memref_slice %arg9[%dma_start3A_578, %dma_start3A_579] : memref<10112x128xf32, #tpu.memory_space<vmem_shared>> -> memref<10112x128xf32, #tpu.memory_space<vmem_shared>>
        tpu.enqueue_indirect_dma source(%dma_start3A_574 : memref<128x128xf32, #tpu.memory_space<vmem>>) target(%dma_start3A_580 : memref<10112x128xf32, #tpu.memory_space<vmem_shared>>) offsets(%dma_start3A_577 : memref<128xi32, #tpu.memory_space<vmem>>) semaphore(%run_scoped3A_570 : memref<!tpu.dma_semaphore, #tpu.memory_space<semaphore_mem>>) {add = true}
        %dma_wait3A_581 = arith.constant 0 : i32
        %dma_wait3A_582 = arith.constant 0 : i32
        %dma_wait3A_583 = tpu.memref_slice %arg8[%run_scoped3A_459, %dma_wait3A_581, %dma_wait3A_582] : memref<2x128x128xf32, #tpu.memory_space<vmem>> -> memref<1x128x128xf32, #tpu.memory_space<vmem>>
        %dma_wait3A_584 = tpu.memref_squeeze %dma_wait3A_583 : memref<1x128x128xf32, #tpu.memory_space<vmem>> -> memref<128x128xf32, #tpu.memory_space<vmem>>
        %dma_wait3A_585 = arith.constant 0 : i32
        %dma_wait3A_586 = tpu.memref_slice %arg7[%run_scoped3A_460, %run_scoped3A_461, %dma_wait3A_585] : memref<2x8x128xi32, #tpu.memory_space<vmem>> -> memref<1x1x128xi32, #tpu.memory_space<vmem>>
        %dma_wait3A_587 = tpu.memref_squeeze %dma_wait3A_586 : memref<1x1x128xi32, #tpu.memory_space<vmem>> -> memref<128xi32, #tpu.memory_space<vmem>>
        %dma_wait3A_588 = arith.constant 0 : i32
        %dma_wait3A_589 = arith.constant 0 : i32
        %dma_wait3A_590 = tpu.memref_slice %arg9[%dma_wait3A_588, %dma_wait3A_589] : memref<10112x128xf32, #tpu.memory_space<vmem_shared>> -> memref<10112x128xf32, #tpu.memory_space<vmem_shared>>
        tpu.wait_indirect_dma semaphore(%run_scoped3A_570 : memref<!tpu.dma_semaphore, #tpu.memory_space<semaphore_mem>>) src(%dma_wait3A_584 : memref<128x128xf32, #tpu.memory_space<vmem>>) dst(%dma_wait3A_590 : memref<10112x128xf32, #tpu.memory_space<vmem_shared>>)
        tpu.yield
      }) : () -> ()
      %dma_start3A_462 = arith.constant 1 : i32
      %dma_start3A_463 = arith.constant 5 : i32
      %dma_start3A_464 = arith.constant 1 : i32
      %dma_start3A_465 = arith.constant 0 : i32
      %dma_start3A_466 = arith.constant 0 : i32
      %dma_start3A_467 = tpu.memref_slice %arg8[%dma_start3A_464, %dma_start3A_465, %dma_start3A_466] : memref<2x128x128xf32, #tpu.memory_space<vmem>> -> memref<1x128x128xf32, #tpu.memory_space<vmem>>
      %dma_start3A_468 = tpu.memref_squeeze %dma_start3A_467 : memref<1x128x128xf32, #tpu.memory_space<vmem>> -> memref<128x128xf32, #tpu.memory_space<vmem>>
      %dma_start3A_469 = arith.constant 0 : i32
      %dma_start3A_470 = tpu.memref_slice %arg6[%dma_start3A_462, %dma_start3A_463, %dma_start3A_469] : memref<2x8x128xi32, #tpu.memory_space<vmem>> -> memref<1x1x128xi32, #tpu.memory_space<vmem>>
      %dma_start3A_471 = tpu.memref_squeeze %dma_start3A_470 : memref<1x1x128xi32, #tpu.memory_space<vmem>> -> memref<128xi32, #tpu.memory_space<vmem>>
      %dma_start3A_472 = arith.constant 0 : i32
      %dma_start3A_473 = arith.constant 0 : i32
      %dma_start3A_474 = tpu.memref_slice %arg2[%dma_start3A_472, %dma_start3A_473] : memref<10000x128xf32, #tpu.memory_space<hbm>> -> memref<10000x128xf32, #tpu.memory_space<hbm>>
      tpu.enqueue_indirect_dma source(%dma_start3A_474 : memref<10000x128xf32, #tpu.memory_space<hbm>>) target(%dma_start3A_468 : memref<128x128xf32, #tpu.memory_space<vmem>>) offsets(%dma_start3A_471 : memref<128xi32, #tpu.memory_space<vmem>>) semaphore(%arg11 : memref<!tpu.dma_semaphore, #tpu.memory_space<semaphore_mem>>)
      %dma_wait3A_475 = arith.constant 0 : i32
      %dma_wait3A_476 = arith.constant 0 : i32
      %dma_wait3A_477 = arith.constant 0 : i32
      %dma_wait3A_478 = arith.constant 0 : i32
      %dma_wait3A_479 = arith.constant 0 : i32
      %dma_wait3A_480 = tpu.memref_slice %arg8[%dma_wait3A_477, %dma_wait3A_478, %dma_wait3A_479] : memref<2x128x128xf32, #tpu.memory_space<vmem>> -> memref<1x128x128xf32, #tpu.memory_space<vmem>>
      %dma_wait3A_481 = tpu.memref_squeeze %dma_wait3A_480 : memref<1x128x128xf32, #tpu.memory_space<vmem>> -> memref<128x128xf32, #tpu.memory_space<vmem>>
      %dma_wait3A_482 = arith.constant 0 : i32
      %dma_wait3A_483 = tpu.memref_slice %arg6[%dma_wait3A_475, %dma_wait3A_476, %dma_wait3A_482] : memref<2x8x128xi32, #tpu.memory_space<vmem>> -> memref<1x1x128xi32, #tpu.memory_space<vmem>>
      %dma_wait3A_484 = tpu.memref_squeeze %dma_wait3A_483 : memref<1x1x128xi32, #tpu.memory_space<vmem>> -> memref<128xi32, #tpu.memory_space<vmem>>
      %dma_wait3A_485 = arith.constant 0 : i32
      %dma_wait3A_486 = arith.constant 0 : i32
      %dma_wait3A_487 = tpu.memref_slice %arg2[%dma_wait3A_485, %dma_wait3A_486] : memref<10000x128xf32, #tpu.memory_space<hbm>> -> memref<10000x128xf32, #tpu.memory_space<hbm>>
      tpu.wait_indirect_dma semaphore(%arg10 : memref<!tpu.dma_semaphore, #tpu.memory_space<semaphore_mem>>) src(%dma_wait3A_487 : memref<10000x128xf32, #tpu.memory_space<hbm>>) dst(%dma_wait3A_481 : memref<128x128xf32, #tpu.memory_space<vmem>>)
      %run_scoped3A_488 = arith.constant 0 : i32
      %run_scoped3A_489 = arith.constant 1 : i32
      %run_scoped3A_490 = arith.constant 4 : i32
      "tpu.region"() ({
        %run_scoped3A_570 = tpu.sem_alloc : memref<!tpu.dma_semaphore, #tpu.memory_space<semaphore_mem>>
        %dma_start3A_571 = arith.constant 0 : i32
        %dma_start3A_572 = arith.constant 0 : i32
        %dma_start3A_573 = tpu.memref_slice %arg8[%run_scoped3A_488, %dma_start3A_571, %dma_start3A_572] : memref<2x128x128xf32, #tpu.memory_space<vmem>> -> memref<1x128x128xf32, #tpu.memory_space<vmem>>
        %dma_start3A_574 = tpu.memref_squeeze %dma_start3A_573 : memref<1x128x128xf32, #tpu.memory_space<vmem>> -> memref<128x128xf32, #tpu.memory_space<vmem>>
        %dma_start3A_575 = arith.constant 0 : i32
        %dma_start3A_576 = tpu.memref_slice %arg7[%run_scoped3A_489, %run_scoped3A_490, %dma_start3A_575] : memref<2x8x128xi32, #tpu.memory_space<vmem>> -> memref<1x1x128xi32, #tpu.memory_space<vmem>>
        %dma_start3A_577 = tpu.memref_squeeze %dma_start3A_576 : memref<1x1x128xi32, #tpu.memory_space<vmem>> -> memref<128xi32, #tpu.memory_space<vmem>>
        %dma_start3A_578 = arith.constant 0 : i32
        %dma_start3A_579 = arith.constant 0 : i32
        %dma_start3A_580 = tpu.memref_slice %arg9[%dma_start3A_578, %dma_start3A_579] : memref<10112x128xf32, #tpu.memory_space<vmem_shared>> -> memref<10112x128xf32, #tpu.memory_space<vmem_shared>>
        tpu.enqueue_indirect_dma source(%dma_start3A_574 : memref<128x128xf32, #tpu.memory_space<vmem>>) target(%dma_start3A_580 : memref<10112x128xf32, #tpu.memory_space<vmem_shared>>) offsets(%dma_start3A_577 : memref<128xi32, #tpu.memory_space<vmem>>) semaphore(%run_scoped3A_570 : memref<!tpu.dma_semaphore, #tpu.memory_space<semaphore_mem>>) {add = true}
        %dma_wait3A_581 = arith.constant 0 : i32
        %dma_wait3A_582 = arith.constant 0 : i32
        %dma_wait3A_583 = tpu.memref_slice %arg8[%run_scoped3A_488, %dma_wait3A_581, %dma_wait3A_582] : memref<2x128x128xf32, #tpu.memory_space<vmem>> -> memref<1x128x128xf32, #tpu.memory_space<vmem>>
        %dma_wait3A_584 = tpu.memref_squeeze %dma_wait3A_583 : memref<1x128x128xf32, #tpu.memory_space<vmem>> -> memref<128x128xf32, #tpu.memory_space<vmem>>
        %dma_wait3A_585 = arith.constant 0 : i32
        %dma_wait3A_586 = tpu.memref_slice %arg7[%run_scoped3A_489, %run_scoped3A_490, %dma_wait3A_585] : memref<2x8x128xi32, #tpu.memory_space<vmem>> -> memref<1x1x128xi32, #tpu.memory_space<vmem>>
        %dma_wait3A_587 = tpu.memref_squeeze %dma_wait3A_586 : memref<1x1x128xi32, #tpu.memory_space<vmem>> -> memref<128xi32, #tpu.memory_space<vmem>>
        %dma_wait3A_588 = arith.constant 0 : i32
        %dma_wait3A_589 = arith.constant 0 : i32
        %dma_wait3A_590 = tpu.memref_slice %arg9[%dma_wait3A_588, %dma_wait3A_589] : memref<10112x128xf32, #tpu.memory_space<vmem_shared>> -> memref<10112x128xf32, #tpu.memory_space<vmem_shared>>
        tpu.wait_indirect_dma semaphore(%run_scoped3A_570 : memref<!tpu.dma_semaphore, #tpu.memory_space<semaphore_mem>>) src(%dma_wait3A_584 : memref<128x128xf32, #tpu.memory_space<vmem>>) dst(%dma_wait3A_590 : memref<10112x128xf32, #tpu.memory_space<vmem_shared>>)
        tpu.yield
      }) : () -> ()
      %dma_start3A_491 = arith.constant 1 : i32
      %dma_start3A_492 = arith.constant 6 : i32
      %dma_start3A_493 = arith.constant 0 : i32
      %dma_start3A_494 = arith.constant 0 : i32
      %dma_start3A_495 = arith.constant 0 : i32
      %dma_start3A_496 = tpu.memref_slice %arg8[%dma_start3A_493, %dma_start3A_494, %dma_start3A_495] : memref<2x128x128xf32, #tpu.memory_space<vmem>> -> memref<1x128x128xf32, #tpu.memory_space<vmem>>
      %dma_start3A_497 = tpu.memref_squeeze %dma_start3A_496 : memref<1x128x128xf32, #tpu.memory_space<vmem>> -> memref<128x128xf32, #tpu.memory_space<vmem>>
      %dma_start3A_498 = arith.constant 0 : i32
      %dma_start3A_499 = tpu.memref_slice %arg6[%dma_start3A_491, %dma_start3A_492, %dma_start3A_498] : memref<2x8x128xi32, #tpu.memory_space<vmem>> -> memref<1x1x128xi32, #tpu.memory_space<vmem>>
      %dma_start3A_500 = tpu.memref_squeeze %dma_start3A_499 : memref<1x1x128xi32, #tpu.memory_space<vmem>> -> memref<128xi32, #tpu.memory_space<vmem>>
      %dma_start3A_501 = arith.constant 0 : i32
      %dma_start3A_502 = arith.constant 0 : i32
      %dma_start3A_503 = tpu.memref_slice %arg2[%dma_start3A_501, %dma_start3A_502] : memref<10000x128xf32, #tpu.memory_space<hbm>> -> memref<10000x128xf32, #tpu.memory_space<hbm>>
      tpu.enqueue_indirect_dma source(%dma_start3A_503 : memref<10000x128xf32, #tpu.memory_space<hbm>>) target(%dma_start3A_497 : memref<128x128xf32, #tpu.memory_space<vmem>>) offsets(%dma_start3A_500 : memref<128xi32, #tpu.memory_space<vmem>>) semaphore(%arg10 : memref<!tpu.dma_semaphore, #tpu.memory_space<semaphore_mem>>)
      %dma_wait3A_504 = arith.constant 0 : i32
      %dma_wait3A_505 = arith.constant 0 : i32
      %dma_wait3A_506 = arith.constant 1 : i32
      %dma_wait3A_507 = arith.constant 0 : i32
      %dma_wait3A_508 = arith.constant 0 : i32
      %dma_wait3A_509 = tpu.memref_slice %arg8[%dma_wait3A_506, %dma_wait3A_507, %dma_wait3A_508] : memref<2x128x128xf32, #tpu.memory_space<vmem>> -> memref<1x128x128xf32, #tpu.memory_space<vmem>>
      %dma_wait3A_510 = tpu.memref_squeeze %dma_wait3A_509 : memref<1x128x128xf32, #tpu.memory_space<vmem>> -> memref<128x128xf32, #tpu.memory_space<vmem>>
      %dma_wait3A_511 = arith.constant 0 : i32
      %dma_wait3A_512 = tpu.memref_slice %arg6[%dma_wait3A_504, %dma_wait3A_505, %dma_wait3A_511] : memref<2x8x128xi32, #tpu.memory_space<vmem>> -> memref<1x1x128xi32, #tpu.memory_space<vmem>>
      %dma_wait3A_513 = tpu.memref_squeeze %dma_wait3A_512 : memref<1x1x128xi32, #tpu.memory_space<vmem>> -> memref<128xi32, #tpu.memory_space<vmem>>
      %dma_wait3A_514 = arith.constant 0 : i32
      %dma_wait3A_515 = arith.constant 0 : i32
      %dma_wait3A_516 = tpu.memref_slice %arg2[%dma_wait3A_514, %dma_wait3A_515] : memref<10000x128xf32, #tpu.memory_space<hbm>> -> memref<10000x128xf32, #tpu.memory_space<hbm>>
      tpu.wait_indirect_dma semaphore(%arg11 : memref<!tpu.dma_semaphore, #tpu.memory_space<semaphore_mem>>) src(%dma_wait3A_516 : memref<10000x128xf32, #tpu.memory_space<hbm>>) dst(%dma_wait3A_510 : memref<128x128xf32, #tpu.memory_space<vmem>>)
      %run_scoped3A_517 = arith.constant 1 : i32
      %run_scoped3A_518 = arith.constant 1 : i32
      %run_scoped3A_519 = arith.constant 5 : i32
      "tpu.region"() ({
        %run_scoped3A_570 = tpu.sem_alloc : memref<!tpu.dma_semaphore, #tpu.memory_space<semaphore_mem>>
        %dma_start3A_571 = arith.constant 0 : i32
        %dma_start3A_572 = arith.constant 0 : i32
        %dma_start3A_573 = tpu.memref_slice %arg8[%run_scoped3A_517, %dma_start3A_571, %dma_start3A_572] : memref<2x128x128xf32, #tpu.memory_space<vmem>> -> memref<1x128x128xf32, #tpu.memory_space<vmem>>
        %dma_start3A_574 = tpu.memref_squeeze %dma_start3A_573 : memref<1x128x128xf32, #tpu.memory_space<vmem>> -> memref<128x128xf32, #tpu.memory_space<vmem>>
        %dma_start3A_575 = arith.constant 0 : i32
        %dma_start3A_576 = tpu.memref_slice %arg7[%run_scoped3A_518, %run_scoped3A_519, %dma_start3A_575] : memref<2x8x128xi32, #tpu.memory_space<vmem>> -> memref<1x1x128xi32, #tpu.memory_space<vmem>>
        %dma_start3A_577 = tpu.memref_squeeze %dma_start3A_576 : memref<1x1x128xi32, #tpu.memory_space<vmem>> -> memref<128xi32, #tpu.memory_space<vmem>>
        %dma_start3A_578 = arith.constant 0 : i32
        %dma_start3A_579 = arith.constant 0 : i32
        %dma_start3A_580 = tpu.memref_slice %arg9[%dma_start3A_578, %dma_start3A_579] : memref<10112x128xf32, #tpu.memory_space<vmem_shared>> -> memref<10112x128xf32, #tpu.memory_space<vmem_shared>>
        tpu.enqueue_indirect_dma source(%dma_start3A_574 : memref<128x128xf32, #tpu.memory_space<vmem>>) target(%dma_start3A_580 : memref<10112x128xf32, #tpu.memory_space<vmem_shared>>) offsets(%dma_start3A_577 : memref<128xi32, #tpu.memory_space<vmem>>) semaphore(%run_scoped3A_570 : memref<!tpu.dma_semaphore, #tpu.memory_space<semaphore_mem>>) {add = true}
        %dma_wait3A_581 = arith.constant 0 : i32
        %dma_wait3A_582 = arith.constant 0 : i32
        %dma_wait3A_583 = tpu.memref_slice %arg8[%run_scoped3A_517, %dma_wait3A_581, %dma_wait3A_582] : memref<2x128x128xf32, #tpu.memory_space<vmem>> -> memref<1x128x128xf32, #tpu.memory_space<vmem>>
        %dma_wait3A_584 = tpu.memref_squeeze %dma_wait3A_583 : memref<1x128x128xf32, #tpu.memory_space<vmem>> -> memref<128x128xf32, #tpu.memory_space<vmem>>
        %dma_wait3A_585 = arith.constant 0 : i32
        %dma_wait3A_586 = tpu.memref_slice %arg7[%run_scoped3A_518, %run_scoped3A_519, %dma_wait3A_585] : memref<2x8x128xi32, #tpu.memory_space<vmem>> -> memref<1x1x128xi32, #tpu.memory_space<vmem>>
        %dma_wait3A_587 = tpu.memref_squeeze %dma_wait3A_586 : memref<1x1x128xi32, #tpu.memory_space<vmem>> -> memref<128xi32, #tpu.memory_space<vmem>>
        %dma_wait3A_588 = arith.constant 0 : i32
        %dma_wait3A_589 = arith.constant 0 : i32
        %dma_wait3A_590 = tpu.memref_slice %arg9[%dma_wait3A_588, %dma_wait3A_589] : memref<10112x128xf32, #tpu.memory_space<vmem_shared>> -> memref<10112x128xf32, #tpu.memory_space<vmem_shared>>
        tpu.wait_indirect_dma semaphore(%run_scoped3A_570 : memref<!tpu.dma_semaphore, #tpu.memory_space<semaphore_mem>>) src(%dma_wait3A_584 : memref<128x128xf32, #tpu.memory_space<vmem>>) dst(%dma_wait3A_590 : memref<10112x128xf32, #tpu.memory_space<vmem_shared>>)
        tpu.yield
      }) : () -> ()
      %dma_start3A_520 = arith.constant 1 : i32
      %dma_start3A_521 = arith.constant 7 : i32
      %dma_start3A_522 = arith.constant 1 : i32
      %dma_start3A_523 = arith.constant 0 : i32
      %dma_start3A_524 = arith.constant 0 : i32
      %dma_start3A_525 = tpu.memref_slice %arg8[%dma_start3A_522, %dma_start3A_523, %dma_start3A_524] : memref<2x128x128xf32, #tpu.memory_space<vmem>> -> memref<1x128x128xf32, #tpu.memory_space<vmem>>
      %dma_start3A_526 = tpu.memref_squeeze %dma_start3A_525 : memref<1x128x128xf32, #tpu.memory_space<vmem>> -> memref<128x128xf32, #tpu.memory_space<vmem>>
      %dma_start3A_527 = arith.constant 0 : i32
      %dma_start3A_528 = tpu.memref_slice %arg6[%dma_start3A_520, %dma_start3A_521, %dma_start3A_527] : memref<2x8x128xi32, #tpu.memory_space<vmem>> -> memref<1x1x128xi32, #tpu.memory_space<vmem>>
      %dma_start3A_529 = tpu.memref_squeeze %dma_start3A_528 : memref<1x1x128xi32, #tpu.memory_space<vmem>> -> memref<128xi32, #tpu.memory_space<vmem>>
      %dma_start3A_530 = arith.constant 0 : i32
      %dma_start3A_531 = arith.constant 0 : i32
      %dma_start3A_532 = tpu.memref_slice %arg2[%dma_start3A_530, %dma_start3A_531] : memref<10000x128xf32, #tpu.memory_space<hbm>> -> memref<10000x128xf32, #tpu.memory_space<hbm>>
      tpu.enqueue_indirect_dma source(%dma_start3A_532 : memref<10000x128xf32, #tpu.memory_space<hbm>>) target(%dma_start3A_526 : memref<128x128xf32, #tpu.memory_space<vmem>>) offsets(%dma_start3A_529 : memref<128xi32, #tpu.memory_space<vmem>>) semaphore(%arg11 : memref<!tpu.dma_semaphore, #tpu.memory_space<semaphore_mem>>)
      %dma_wait3A_533 = arith.constant 0 : i32
      %dma_wait3A_534 = arith.constant 0 : i32
      %dma_wait3A_535 = arith.constant 0 : i32
      %dma_wait3A_536 = arith.constant 0 : i32
      %dma_wait3A_537 = arith.constant 0 : i32
      %dma_wait3A_538 = tpu.memref_slice %arg8[%dma_wait3A_535, %dma_wait3A_536, %dma_wait3A_537] : memref<2x128x128xf32, #tpu.memory_space<vmem>> -> memref<1x128x128xf32, #tpu.memory_space<vmem>>
      %dma_wait3A_539 = tpu.memref_squeeze %dma_wait3A_538 : memref<1x128x128xf32, #tpu.memory_space<vmem>> -> memref<128x128xf32, #tpu.memory_space<vmem>>
      %dma_wait3A_540 = arith.constant 0 : i32
      %dma_wait3A_541 = tpu.memref_slice %arg6[%dma_wait3A_533, %dma_wait3A_534, %dma_wait3A_540] : memref<2x8x128xi32, #tpu.memory_space<vmem>> -> memref<1x1x128xi32, #tpu.memory_space<vmem>>
      %dma_wait3A_542 = tpu.memref_squeeze %dma_wait3A_541 : memref<1x1x128xi32, #tpu.memory_space<vmem>> -> memref<128xi32, #tpu.memory_space<vmem>>
      %dma_wait3A_543 = arith.constant 0 : i32
      %dma_wait3A_544 = arith.constant 0 : i32
      %dma_wait3A_545 = tpu.memref_slice %arg2[%dma_wait3A_543, %dma_wait3A_544] : memref<10000x128xf32, #tpu.memory_space<hbm>> -> memref<10000x128xf32, #tpu.memory_space<hbm>>
      tpu.wait_indirect_dma semaphore(%arg10 : memref<!tpu.dma_semaphore, #tpu.memory_space<semaphore_mem>>) src(%dma_wait3A_545 : memref<10000x128xf32, #tpu.memory_space<hbm>>) dst(%dma_wait3A_539 : memref<128x128xf32, #tpu.memory_space<vmem>>)
      %run_scoped3A_546 = arith.constant 0 : i32
      %run_scoped3A_547 = arith.constant 1 : i32
      %run_scoped3A_548 = arith.constant 6 : i32
      "tpu.region"() ({
        %run_scoped3A_570 = tpu.sem_alloc : memref<!tpu.dma_semaphore, #tpu.memory_space<semaphore_mem>>
        %dma_start3A_571 = arith.constant 0 : i32
        %dma_start3A_572 = arith.constant 0 : i32
        %dma_start3A_573 = tpu.memref_slice %arg8[%run_scoped3A_546, %dma_start3A_571, %dma_start3A_572] : memref<2x128x128xf32, #tpu.memory_space<vmem>> -> memref<1x128x128xf32, #tpu.memory_space<vmem>>
        %dma_start3A_574 = tpu.memref_squeeze %dma_start3A_573 : memref<1x128x128xf32, #tpu.memory_space<vmem>> -> memref<128x128xf32, #tpu.memory_space<vmem>>
        %dma_start3A_575 = arith.constant 0 : i32
        %dma_start3A_576 = tpu.memref_slice %arg7[%run_scoped3A_547, %run_scoped3A_548, %dma_start3A_575] : memref<2x8x128xi32, #tpu.memory_space<vmem>> -> memref<1x1x128xi32, #tpu.memory_space<vmem>>
        %dma_start3A_577 = tpu.memref_squeeze %dma_start3A_576 : memref<1x1x128xi32, #tpu.memory_space<vmem>> -> memref<128xi32, #tpu.memory_space<vmem>>
        %dma_start3A_578 = arith.constant 0 : i32
        %dma_start3A_579 = arith.constant 0 : i32
        %dma_start3A_580 = tpu.memref_slice %arg9[%dma_start3A_578, %dma_start3A_579] : memref<10112x128xf32, #tpu.memory_space<vmem_shared>> -> memref<10112x128xf32, #tpu.memory_space<vmem_shared>>
        tpu.enqueue_indirect_dma source(%dma_start3A_574 : memref<128x128xf32, #tpu.memory_space<vmem>>) target(%dma_start3A_580 : memref<10112x128xf32, #tpu.memory_space<vmem_shared>>) offsets(%dma_start3A_577 : memref<128xi32, #tpu.memory_space<vmem>>) semaphore(%run_scoped3A_570 : memref<!tpu.dma_semaphore, #tpu.memory_space<semaphore_mem>>) {add = true}
        %dma_wait3A_581 = arith.constant 0 : i32
        %dma_wait3A_582 = arith.constant 0 : i32
        %dma_wait3A_583 = tpu.memref_slice %arg8[%run_scoped3A_546, %dma_wait3A_581, %dma_wait3A_582] : memref<2x128x128xf32, #tpu.memory_space<vmem>> -> memref<1x128x128xf32, #tpu.memory_space<vmem>>
        %dma_wait3A_584 = tpu.memref_squeeze %dma_wait3A_583 : memref<1x128x128xf32, #tpu.memory_space<vmem>> -> memref<128x128xf32, #tpu.memory_space<vmem>>
        %dma_wait3A_585 = arith.constant 0 : i32
        %dma_wait3A_586 = tpu.memref_slice %arg7[%run_scoped3A_547, %run_scoped3A_548, %dma_wait3A_585] : memref<2x8x128xi32, #tpu.memory_space<vmem>> -> memref<1x1x128xi32, #tpu.memory_space<vmem>>
        %dma_wait3A_587 = tpu.memref_squeeze %dma_wait3A_586 : memref<1x1x128xi32, #tpu.memory_space<vmem>> -> memref<128xi32, #tpu.memory_space<vmem>>
        %dma_wait3A_588 = arith.constant 0 : i32
        %dma_wait3A_589 = arith.constant 0 : i32
        %dma_wait3A_590 = tpu.memref_slice %arg9[%dma_wait3A_588, %dma_wait3A_589] : memref<10112x128xf32, #tpu.memory_space<vmem_shared>> -> memref<10112x128xf32, #tpu.memory_space<vmem_shared>>
        tpu.wait_indirect_dma semaphore(%run_scoped3A_570 : memref<!tpu.dma_semaphore, #tpu.memory_space<semaphore_mem>>) src(%dma_wait3A_584 : memref<128x128xf32, #tpu.memory_space<vmem>>) dst(%dma_wait3A_590 : memref<10112x128xf32, #tpu.memory_space<vmem_shared>>)
        tpu.yield
      }) : () -> ()
      %not3A_549 = arith.constant true
      %not3A_550 = arith.xori %and3A_340, %not3A_549 : i1
      %convert_element_type3A_551 = arith.extui %not3A_550 : i1 to i32
      %cond3A_552 = arith.constant 0 : i32
      %cond3A_553 = arith.cmpi ne, %convert_element_type3A_551, %cond3A_552 : i32
      scf.if %cond3A_553 {
        %add3A_570 = arith.constant 1 : i32
        %add3A_571 = arith.addi %add3A_336, %add3A_570 : i32
        %mul3A_572 = arith.constant 8 : i32
        %mul3A_573 = arith.muli %add3A_571, %mul3A_572 : i32
        %add3A_574 = arith.addi %mul3A_22, %mul3A_573 : i32
        %mul3A_575 = arith.constant 8 : i32
        %mul3A_576 = arith.muli %add3A_571, %mul3A_575 : i32
        %add3A_577 = arith.addi %mul3A_22, %mul3A_576 : i32
        %dma_wait3A_578 = arith.constant 0 : i32
        %dma_wait3A_579 = arith.constant 0 : i32
        %dma_wait3A_580 = arith.constant 0 : i32
        %dma_wait3A_581 = tpu.memref_slice %arg6[%dma_wait3A_578, %dma_wait3A_579, %dma_wait3A_580] : memref<2x8x128xi32, #tpu.memory_space<vmem>> -> memref<1x8x128xi32, #tpu.memory_space<vmem>>
        %dma_wait3A_582 = tpu.memref_squeeze %dma_wait3A_581 : memref<1x8x128xi32, #tpu.memory_space<vmem>> -> memref<8x128xi32, #tpu.memory_space<vmem>>
        %dma_wait3A_583 = arith.constant 0 : i32
        %dma_wait3A_584 = tpu.memref_slice %arg3[%add3A_574, %dma_wait3A_583] : memref<2560x128xi32, #tpu.memory_space<hbm>> -> memref<8x128xi32, #tpu.memory_space<hbm>>
        %dma_wait3A_585 = arith.constant 0 : i32
        %dma_wait3A_586 = arith.constant 0 : i32
        %dma_wait3A_587 = tpu.memref_slice %arg6[%dma_wait3A_578, %dma_wait3A_585, %dma_wait3A_586] : memref<2x8x128xi32, #tpu.memory_space<vmem>> -> memref<1x8x128xi32, #tpu.memory_space<vmem>>
        %dma_wait3A_588 = tpu.memref_squeeze %dma_wait3A_587 : memref<1x8x128xi32, #tpu.memory_space<vmem>> -> memref<8x128xi32, #tpu.memory_space<vmem>>
        %dma_wait3A_589 = arith.constant 0 : i32
        %dma_wait3A_590 = tpu.memref_slice %arg3[%add3A_574, %dma_wait3A_589] : memref<2560x128xi32, #tpu.memory_space<hbm>> -> memref<8x128xi32, #tpu.memory_space<hbm>>
        tpu.wait_dma2 semaphore(%arg12 : memref<!tpu.dma_semaphore, #tpu.memory_space<semaphore_mem>>) src(%dma_wait3A_590 : memref<8x128xi32, #tpu.memory_space<hbm>>) dst(%dma_wait3A_588 : memref<8x128xi32, #tpu.memory_space<vmem>>)
        %dma_wait3A_591 = arith.constant 0 : i32
        %dma_wait3A_592 = arith.constant 0 : i32
        %dma_wait3A_593 = arith.constant 0 : i32
        %dma_wait3A_594 = tpu.memref_slice %arg7[%dma_wait3A_591, %dma_wait3A_592, %dma_wait3A_593] : memref<2x8x128xi32, #tpu.memory_space<vmem>> -> memref<1x8x128xi32, #tpu.memory_space<vmem>>
        %dma_wait3A_595 = tpu.memref_squeeze %dma_wait3A_594 : memref<1x8x128xi32, #tpu.memory_space<vmem>> -> memref<8x128xi32, #tpu.memory_space<vmem>>
        %dma_wait3A_596 = arith.constant 0 : i32
        %dma_wait3A_597 = tpu.memref_slice %arg4[%add3A_577, %dma_wait3A_596] : memref<2560x128xi32, #tpu.memory_space<hbm>> -> memref<8x128xi32, #tpu.memory_space<hbm>>
        %dma_wait3A_598 = arith.constant 0 : i32
        %dma_wait3A_599 = arith.constant 0 : i32
        %dma_wait3A_600 = tpu.memref_slice %arg7[%dma_wait3A_591, %dma_wait3A_598, %dma_wait3A_599] : memref<2x8x128xi32, #tpu.memory_space<vmem>> -> memref<1x8x128xi32, #tpu.memory_space<vmem>>
        %dma_wait3A_601 = tpu.memref_squeeze %dma_wait3A_600 : memref<1x8x128xi32, #tpu.memory_space<vmem>> -> memref<8x128xi32, #tpu.memory_space<vmem>>
        %dma_wait3A_602 = arith.constant 0 : i32
        %dma_wait3A_603 = tpu.memref_slice %arg4[%add3A_577, %dma_wait3A_602] : memref<2560x128xi32, #tpu.memory_space<hbm>> -> memref<8x128xi32, #tpu.memory_space<hbm>>
        tpu.wait_dma2 semaphore(%arg13 : memref<!tpu.dma_semaphore, #tpu.memory_space<semaphore_mem>>) src(%dma_wait3A_603 : memref<8x128xi32, #tpu.memory_space<hbm>>) dst(%dma_wait3A_601 : memref<8x128xi32, #tpu.memory_space<vmem>>)
        %dma_start3A_604 = arith.constant 0 : i32
        %dma_start3A_605 = arith.constant 0 : i32
        %dma_start3A_606 = arith.constant 0 : i32
        %dma_start3A_607 = arith.constant 0 : i32
        %dma_start3A_608 = arith.constant 0 : i32
        %dma_start3A_609 = tpu.memref_slice %arg8[%dma_start3A_606, %dma_start3A_607, %dma_start3A_608] : memref<2x128x128xf32, #tpu.memory_space<vmem>> -> memref<1x128x128xf32, #tpu.memory_space<vmem>>
        %dma_start3A_610 = tpu.memref_squeeze %dma_start3A_609 : memref<1x128x128xf32, #tpu.memory_space<vmem>> -> memref<128x128xf32, #tpu.memory_space<vmem>>
        %dma_start3A_611 = arith.constant 0 : i32
        %dma_start3A_612 = tpu.memref_slice %arg6[%dma_start3A_604, %dma_start3A_605, %dma_start3A_611] : memref<2x8x128xi32, #tpu.memory_space<vmem>> -> memref<1x1x128xi32, #tpu.memory_space<vmem>>
        %dma_start3A_613 = tpu.memref_squeeze %dma_start3A_612 : memref<1x1x128xi32, #tpu.memory_space<vmem>> -> memref<128xi32, #tpu.memory_space<vmem>>
        %dma_start3A_614 = arith.constant 0 : i32
        %dma_start3A_615 = arith.constant 0 : i32
        %dma_start3A_616 = tpu.memref_slice %arg2[%dma_start3A_614, %dma_start3A_615] : memref<10000x128xf32, #tpu.memory_space<hbm>> -> memref<10000x128xf32, #tpu.memory_space<hbm>>
        tpu.enqueue_indirect_dma source(%dma_start3A_616 : memref<10000x128xf32, #tpu.memory_space<hbm>>) target(%dma_start3A_610 : memref<128x128xf32, #tpu.memory_space<vmem>>) offsets(%dma_start3A_613 : memref<128xi32, #tpu.memory_space<vmem>>) semaphore(%arg10 : memref<!tpu.dma_semaphore, #tpu.memory_space<semaphore_mem>>)
      } else {
      }
      %dma_wait3A_554 = arith.constant 0 : i32
      %dma_wait3A_555 = arith.constant 0 : i32
      %dma_wait3A_556 = arith.constant 1 : i32
      %dma_wait3A_557 = arith.constant 0 : i32
      %dma_wait3A_558 = arith.constant 0 : i32
      %dma_wait3A_559 = tpu.memref_slice %arg8[%dma_wait3A_556, %dma_wait3A_557, %dma_wait3A_558] : memref<2x128x128xf32, #tpu.memory_space<vmem>> -> memref<1x128x128xf32, #tpu.memory_space<vmem>>
      %dma_wait3A_560 = tpu.memref_squeeze %dma_wait3A_559 : memref<1x128x128xf32, #tpu.memory_space<vmem>> -> memref<128x128xf32, #tpu.memory_space<vmem>>
      %dma_wait3A_561 = arith.constant 0 : i32
      %dma_wait3A_562 = tpu.memref_slice %arg6[%dma_wait3A_554, %dma_wait3A_555, %dma_wait3A_561] : memref<2x8x128xi32, #tpu.memory_space<vmem>> -> memref<1x1x128xi32, #tpu.memory_space<vmem>>
      %dma_wait3A_563 = tpu.memref_squeeze %dma_wait3A_562 : memref<1x1x128xi32, #tpu.memory_space<vmem>> -> memref<128xi32, #tpu.memory_space<vmem>>
      %dma_wait3A_564 = arith.constant 0 : i32
      %dma_wait3A_565 = arith.constant 0 : i32
      %dma_wait3A_566 = tpu.memref_slice %arg2[%dma_wait3A_564, %dma_wait3A_565] : memref<10000x128xf32, #tpu.memory_space<hbm>> -> memref<10000x128xf32, #tpu.memory_space<hbm>>
      tpu.wait_indirect_dma semaphore(%arg11 : memref<!tpu.dma_semaphore, #tpu.memory_space<semaphore_mem>>) src(%dma_wait3A_566 : memref<10000x128xf32, #tpu.memory_space<hbm>>) dst(%dma_wait3A_560 : memref<128x128xf32, #tpu.memory_space<vmem>>)
      %run_scoped3A_567 = arith.constant 1 : i32
      %run_scoped3A_568 = arith.constant 1 : i32
      %run_scoped3A_569 = arith.constant 7 : i32
      "tpu.region"() ({
        %run_scoped3A_570 = tpu.sem_alloc : memref<!tpu.dma_semaphore, #tpu.memory_space<semaphore_mem>>
        %dma_start3A_571 = arith.constant 0 : i32
        %dma_start3A_572 = arith.constant 0 : i32
        %dma_start3A_573 = tpu.memref_slice %arg8[%run_scoped3A_567, %dma_start3A_571, %dma_start3A_572] : memref<2x128x128xf32, #tpu.memory_space<vmem>> -> memref<1x128x128xf32, #tpu.memory_space<vmem>>
        %dma_start3A_574 = tpu.memref_squeeze %dma_start3A_573 : memref<1x128x128xf32, #tpu.memory_space<vmem>> -> memref<128x128xf32, #tpu.memory_space<vmem>>
        %dma_start3A_575 = arith.constant 0 : i32
        %dma_start3A_576 = tpu.memref_slice %arg7[%run_scoped3A_568, %run_scoped3A_569, %dma_start3A_575] : memref<2x8x128xi32, #tpu.memory_space<vmem>> -> memref<1x1x128xi32, #tpu.memory_space<vmem>>
        %dma_start3A_577 = tpu.memref_squeeze %dma_start3A_576 : memref<1x1x128xi32, #tpu.memory_space<vmem>> -> memref<128xi32, #tpu.memory_space<vmem>>
        %dma_start3A_578 = arith.constant 0 : i32
        %dma_start3A_579 = arith.constant 0 : i32
        %dma_start3A_580 = tpu.memref_slice %arg9[%dma_start3A_578, %dma_start3A_579] : memref<10112x128xf32, #tpu.memory_space<vmem_shared>> -> memref<10112x128xf32, #tpu.memory_space<vmem_shared>>
        tpu.enqueue_indirect_dma source(%dma_start3A_574 : memref<128x128xf32, #tpu.memory_space<vmem>>) target(%dma_start3A_580 : memref<10112x128xf32, #tpu.memory_space<vmem_shared>>) offsets(%dma_start3A_577 : memref<128xi32, #tpu.memory_space<vmem>>) semaphore(%run_scoped3A_570 : memref<!tpu.dma_semaphore, #tpu.memory_space<semaphore_mem>>) {add = true}
        %dma_wait3A_581 = arith.constant 0 : i32
        %dma_wait3A_582 = arith.constant 0 : i32
        %dma_wait3A_583 = tpu.memref_slice %arg8[%run_scoped3A_567, %dma_wait3A_581, %dma_wait3A_582] : memref<2x128x128xf32, #tpu.memory_space<vmem>> -> memref<1x128x128xf32, #tpu.memory_space<vmem>>
        %dma_wait3A_584 = tpu.memref_squeeze %dma_wait3A_583 : memref<1x128x128xf32, #tpu.memory_space<vmem>> -> memref<128x128xf32, #tpu.memory_space<vmem>>
        %dma_wait3A_585 = arith.constant 0 : i32
        %dma_wait3A_586 = tpu.memref_slice %arg7[%run_scoped3A_568, %run_scoped3A_569, %dma_wait3A_585] : memref<2x8x128xi32, #tpu.memory_space<vmem>> -> memref<1x1x128xi32, #tpu.memory_space<vmem>>
        %dma_wait3A_587 = tpu.memref_squeeze %dma_wait3A_586 : memref<1x1x128xi32, #tpu.memory_space<vmem>> -> memref<128xi32, #tpu.memory_space<vmem>>
        %dma_wait3A_588 = arith.constant 0 : i32
        %dma_wait3A_589 = arith.constant 0 : i32
        %dma_wait3A_590 = tpu.memref_slice %arg9[%dma_wait3A_588, %dma_wait3A_589] : memref<10112x128xf32, #tpu.memory_space<vmem_shared>> -> memref<10112x128xf32, #tpu.memory_space<vmem_shared>>
        tpu.wait_indirect_dma semaphore(%run_scoped3A_570 : memref<!tpu.dma_semaphore, #tpu.memory_space<semaphore_mem>>) src(%dma_wait3A_584 : memref<128x128xf32, #tpu.memory_space<vmem>>) dst(%dma_wait3A_590 : memref<10112x128xf32, #tpu.memory_space<vmem_shared>>)
        tpu.yield
      }) : () -> ()
    }
    %scan3A_94 = arith.constant 5 : i32
    %barrier3A_95 = arith.constant 0 : index
    tpu.barrier barrier_id(%barrier3A_95)
    "tpu.region"() ({
      %run_scoped3A_96 = tpu.sem_alloc : memref<!tpu.dma_semaphore, #tpu.memory_space<semaphore_mem>>
      %dma_start3A_97 = arith.constant 0 : i32
      %dma_start3A_98 = tpu.memref_slice %arg5[%arg0, %mul3A_6, %dma_start3A_97] : memref<2x10112x128xf32, #tpu.memory_space<hbm>> -> memref<1x632x128xf32, #tpu.memory_space<hbm>>
      %dma_start3A_99 = tpu.memref_squeeze %dma_start3A_98 : memref<1x632x128xf32, #tpu.memory_space<hbm>> -> memref<632x128xf32, #tpu.memory_space<hbm>>
      %dma_start3A_100 = arith.constant 0 : i32
      %dma_start3A_101 = tpu.memref_slice %arg9[%mul3A_6, %dma_start3A_100] : memref<10112x128xf32, #tpu.memory_space<vmem_shared>> -> memref<632x128xf32, #tpu.memory_space<vmem_shared>>
      tpu.enqueue_dma source(%dma_start3A_101 : memref<632x128xf32, #tpu.memory_space<vmem_shared>>) target(%dma_start3A_99 : memref<632x128xf32, #tpu.memory_space<hbm>>) target_semaphore(%run_scoped3A_96 : memref<!tpu.dma_semaphore, #tpu.memory_space<semaphore_mem>>)
      %dma_wait3A_102 = arith.constant 0 : i32
      %dma_wait3A_103 = tpu.memref_slice %arg5[%arg0, %mul3A_6, %dma_wait3A_102] : memref<2x10112x128xf32, #tpu.memory_space<hbm>> -> memref<1x632x128xf32, #tpu.memory_space<hbm>>
      %dma_wait3A_104 = tpu.memref_squeeze %dma_wait3A_103 : memref<1x632x128xf32, #tpu.memory_space<hbm>> -> memref<632x128xf32, #tpu.memory_space<hbm>>
      %dma_wait3A_105 = arith.constant 0 : i32
      %dma_wait3A_106 = tpu.memref_slice %arg9[%mul3A_6, %dma_wait3A_105] : memref<10112x128xf32, #tpu.memory_space<vmem_shared>> -> memref<632x128xf32, #tpu.memory_space<vmem_shared>>
      tpu.wait_dma2 semaphore(%run_scoped3A_96 : memref<!tpu.dma_semaphore, #tpu.memory_space<semaphore_mem>>) src(%dma_wait3A_106 : memref<632x128xf32, #tpu.memory_space<vmem_shared>>) dst(%dma_wait3A_104 : memref<632x128xf32, #tpu.memory_space<hbm>>)
      tpu.yield
    }) : () -> ()
    return
  }
}

module attributes {stable_mosaic.version = 14 : i64} {
  func.func @_tc_norm_mm_body(%arg0: memref<10000x128xf32, #tpu.memory_space<vmem>>, %arg1: memref<128x128xf32, #tpu.memory_space<vmem>>, %arg2: memref<10000x128xf32, #tpu.memory_space<vmem>>) attributes {dimension_semantics = [], scalar_prefetch = 0 : i64, scratch_operands = 0 : i64, tpu.core_type = #tpu.core_type<tc>} {
    %get3A = arith.constant 0 : index
    %get3A_0 = arith.constant 0 : index
    %get3A_1 = vector.load %arg0[%get3A, %get3A_0] : memref<10000x128xf32, #tpu.memory_space<vmem>>, vector<10000x128xf32>
    %mul3A = arith.mulf %get3A_1, %get3A_1 : vector<10000x128xf32>
    %reduce_sum3A = arith.constant dense<0.000000e+00> : vector<10000xf32>
    %reduce_sum3A_2 = vector.multi_reduction <add>, %mul3A, %reduce_sum3A [1] : vector<10000x128xf32> to vector<10000xf32>
    %broadcast_in_dim3A = vector.shape_cast %reduce_sum3A_2 : vector<10000xf32> to vector<10000x1xf32>
    %sqrt3A = math.sqrt %broadcast_in_dim3A : vector<10000x1xf32>
    %max3A = arith.constant 9.99999996E-13 : f32
    %max3A_3 = vector.broadcast %max3A : f32 to vector<10000x1xf32>
    %max3A_4 = arith.maximumf %sqrt3A, %max3A_3 : vector<10000x1xf32>
    %div3A = vector.broadcast %max3A_4 : vector<10000x1xf32> to vector<10000x128xf32>
    %div3A_5 = arith.divf %get3A_1, %div3A : vector<10000x128xf32>
    %get3A_6 = arith.constant 0 : index
    %get3A_7 = arith.constant 0 : index
    %get3A_8 = vector.load %arg1[%get3A_6, %get3A_7] : memref<128x128xf32, #tpu.memory_space<vmem>>, vector<128x128xf32>
    %dot_general3A = arith.constant dense<0.000000e+00> : vector<10000x128xf32>
    %dot_general3A_9 = tpu.matmul %div3A_5, %get3A_8, %dot_general3A {dimension_numbers = #tpu.dot_dimension_numbers<[1], [0], [0], [1], [0, 0, 1, 1], [], []>, transpose_lhs_hint = false} : vector<10000x128xf32>, vector<128x128xf32>, vector<10000x128xf32> -> vector<10000x128xf32>
    %swap3A = arith.constant 0 : index
    %swap3A_10 = arith.constant 0 : index
    %swap3A_11 = vector.load %arg2[%swap3A, %swap3A_10] : memref<10000x128xf32, #tpu.memory_space<vmem>>, vector<10000x128xf32>
    tpu.vector_store %arg2[%swap3A, %swap3A_10], %dot_general3A_9 {strides = array<i32>} : memref<10000x128xf32, #tpu.memory_space<vmem>>, vector<10000x128xf32>,
    return
  }
}

module attributes {stable_mosaic.version = 14 : i64} {
  func.func @_tc_combine_mm_body(%arg0: memref<2x10112x128xf32, #tpu.memory_space<vmem>>, %arg1: memref<1x128xf32, #tpu.memory_space<vmem>>, %arg2: memref<128x128xf32, #tpu.memory_space<vmem>>, %arg3: memref<10000x128xf32, #tpu.memory_space<vmem>>) attributes {dimension_semantics = [], scalar_prefetch = 0 : i64, scratch_operands = 0 : i64, tpu.core_type = #tpu.core_type<tc>} {
    %get3A = arith.constant 0 : index
    %get3A_0 = arith.constant 0 : index
    %get3A_1 = arith.constant 0 : index
    %get3A_2 = vector.load %arg0[%get3A, %get3A_0, %get3A_1] : memref<2x10112x128xf32, #tpu.memory_space<vmem>>, vector<1x10000x128xf32>
    %get3A_3 = vector.shape_cast %get3A_2 : vector<1x10000x128xf32> to vector<10000x128xf32>
    %get3A_4 = arith.constant 1 : index
    %get3A_5 = arith.constant 0 : index
    %get3A_6 = arith.constant 0 : index
    %get3A_7 = vector.load %arg0[%get3A_4, %get3A_5, %get3A_6] : memref<2x10112x128xf32, #tpu.memory_space<vmem>>, vector<1x10000x128xf32>
    %get3A_8 = vector.shape_cast %get3A_7 : vector<1x10000x128xf32> to vector<10000x128xf32>
    %add3A = arith.addf %get3A_3, %get3A_8 : vector<10000x128xf32>
    %get3A_9 = arith.constant 0 : index
    %get3A_10 = arith.constant 0 : index
    %get3A_11 = vector.load %arg1[%get3A_9, %get3A_10] : memref<1x128xf32, #tpu.memory_space<vmem>>, vector<1x128xf32>
    %add3A_12 = vector.broadcast %get3A_11 : vector<1x128xf32> to vector<10000x128xf32>
    %add3A_13 = arith.addf %add3A, %add3A_12 : vector<10000x128xf32>
    %max3A = arith.constant 0.000000e+00 : f32
    %max3A_14 = vector.broadcast %max3A : f32 to vector<10000x128xf32>
    %max3A_15 = arith.maximumf %add3A_13, %max3A_14 : vector<10000x128xf32>
    %get3A_16 = arith.constant 0 : index
    %get3A_17 = arith.constant 0 : index
    %get3A_18 = vector.load %arg2[%get3A_16, %get3A_17] : memref<128x128xf32, #tpu.memory_space<vmem>>, vector<128x128xf32>
    %dot_general3A = arith.constant dense<0.000000e+00> : vector<10000x128xf32>
    %dot_general3A_19 = tpu.matmul %max3A_15, %get3A_18, %dot_general3A {dimension_numbers = #tpu.dot_dimension_numbers<[1], [0], [0], [1], [0, 0, 1, 1], [], []>, transpose_lhs_hint = false} : vector<10000x128xf32>, vector<128x128xf32>, vector<10000x128xf32> -> vector<10000x128xf32>
    %swap3A = arith.constant 0 : index
    %swap3A_20 = arith.constant 0 : index
    %swap3A_21 = vector.load %arg3[%swap3A, %swap3A_20] : memref<10000x128xf32, #tpu.memory_space<vmem>>, vector<10000x128xf32>
    tpu.vector_store %arg3[%swap3A, %swap3A_20], %dot_general3A_19 {strides = array<i32>} : memref<10000x128xf32, #tpu.memory_space<vmem>>, vector<10000x128xf32>,
    return
  }
}

module attributes {stable_mosaic.version = 14 : i64} {
  func.func @_tc_head_body(%arg0: memref<2x10112x128xf32, #tpu.memory_space<vmem>>, %arg1: memref<1x128xf32, #tpu.memory_space<vmem>>, %arg2: memref<10000x16xf32, #tpu.memory_space<vmem>>, %arg3: memref<16x128xf32, #tpu.memory_space<vmem>>, %arg4: memref<1x128xf32, #tpu.memory_space<vmem>>, %arg5: memref<2x128x16xf32, #tpu.memory_space<vmem>>, %arg6: memref<1x16xf32, #tpu.memory_space<vmem>>, %arg7: memref<10000x16xf32, #tpu.memory_space<vmem>>) attributes {dimension_semantics = [], scalar_prefetch = 0 : i64, scratch_operands = 0 : i64, tpu.core_type = #tpu.core_type<tc>} {
    %get3A = arith.constant 0 : index
    %get3A_0 = arith.constant 0 : index
    %get3A_1 = arith.constant 0 : index
    %get3A_2 = vector.load %arg0[%get3A, %get3A_0, %get3A_1] : memref<2x10112x128xf32, #tpu.memory_space<vmem>>, vector<1x10000x128xf32>
    %get3A_3 = vector.shape_cast %get3A_2 : vector<1x10000x128xf32> to vector<10000x128xf32>
    %get3A_4 = arith.constant 1 : index
    %get3A_5 = arith.constant 0 : index
    %get3A_6 = arith.constant 0 : index
    %get3A_7 = vector.load %arg0[%get3A_4, %get3A_5, %get3A_6] : memref<2x10112x128xf32, #tpu.memory_space<vmem>>, vector<1x10000x128xf32>
    %get3A_8 = vector.shape_cast %get3A_7 : vector<1x10000x128xf32> to vector<10000x128xf32>
    %add3A = arith.addf %get3A_3, %get3A_8 : vector<10000x128xf32>
    %get3A_9 = arith.constant 0 : index
    %get3A_10 = arith.constant 0 : index
    %get3A_11 = vector.load %arg1[%get3A_9, %get3A_10] : memref<1x128xf32, #tpu.memory_space<vmem>>, vector<1x128xf32>
    %add3A_12 = vector.broadcast %get3A_11 : vector<1x128xf32> to vector<10000x128xf32>
    %add3A_13 = arith.addf %add3A, %add3A_12 : vector<10000x128xf32>
    %get3A_14 = arith.constant 0 : index
    %get3A_15 = arith.constant 0 : index
    %get3A_16 = vector.load %arg2[%get3A_14, %get3A_15] : memref<10000x16xf32, #tpu.memory_space<vmem>>, vector<10000x16xf32>
    %get3A_17 = arith.constant 0 : index
    %get3A_18 = arith.constant 0 : index
    %get3A_19 = vector.load %arg3[%get3A_17, %get3A_18] : memref<16x128xf32, #tpu.memory_space<vmem>>, vector<16x128xf32>
    %dot_general3A = arith.constant dense<0.000000e+00> : vector<10000x128xf32>
    %dot_general3A_20 = tpu.matmul %get3A_16, %get3A_19, %dot_general3A {dimension_numbers = #tpu.dot_dimension_numbers<[1], [0], [0], [1], [0, 0, 1, 1], [], []>, transpose_lhs_hint = false} : vector<10000x16xf32>, vector<16x128xf32>, vector<10000x128xf32> -> vector<10000x128xf32>
    %get3A_21 = arith.constant 0 : index
    %get3A_22 = arith.constant 0 : index
    %get3A_23 = vector.load %arg4[%get3A_21, %get3A_22] : memref<1x128xf32, #tpu.memory_space<vmem>>, vector<1x128xf32>
    %add3A_24 = vector.broadcast %get3A_23 : vector<1x128xf32> to vector<10000x128xf32>
    %add3A_25 = arith.addf %dot_general3A_20, %add3A_24 : vector<10000x128xf32>
    %get3A_26 = arith.constant 0 : index
    %get3A_27 = arith.constant 0 : index
    %get3A_28 = arith.constant 0 : index
    %get3A_29 = vector.load %arg5[%get3A_26, %get3A_27, %get3A_28] : memref<2x128x16xf32, #tpu.memory_space<vmem>>, vector<1x128x16xf32>
    %get3A_30 = vector.shape_cast %get3A_29 : vector<1x128x16xf32> to vector<128x16xf32>
    %dot_general3A_31 = arith.constant dense<0.000000e+00> : vector<10000x16xf32>
    %dot_general3A_32 = tpu.matmul %add3A_25, %get3A_30, %dot_general3A_31 {dimension_numbers = #tpu.dot_dimension_numbers<[1], [0], [0], [1], [0, 0, 1, 1], [], []>, transpose_lhs_hint = false} : vector<10000x128xf32>, vector<128x16xf32>, vector<10000x16xf32> -> vector<10000x16xf32>
    %get3A_33 = arith.constant 1 : index
    %get3A_34 = arith.constant 0 : index
    %get3A_35 = arith.constant 0 : index
    %get3A_36 = vector.load %arg5[%get3A_33, %get3A_34, %get3A_35] : memref<2x128x16xf32, #tpu.memory_space<vmem>>, vector<1x128x16xf32>
    %get3A_37 = vector.shape_cast %get3A_36 : vector<1x128x16xf32> to vector<128x16xf32>
    %dot_general3A_38 = arith.constant dense<0.000000e+00> : vector<10000x16xf32>
    %dot_general3A_39 = tpu.matmul %add3A_13, %get3A_37, %dot_general3A_38 {dimension_numbers = #tpu.dot_dimension_numbers<[1], [0], [0], [1], [0, 0, 1, 1], [], []>, transpose_lhs_hint = false} : vector<10000x128xf32>, vector<128x16xf32>, vector<10000x16xf32> -> vector<10000x16xf32>
    %add3A_40 = arith.addf %dot_general3A_32, %dot_general3A_39 : vector<10000x16xf32>
    %get3A_41 = arith.constant 0 : index
    %get3A_42 = arith.constant 0 : index
    %get3A_43 = vector.load %arg6[%get3A_41, %get3A_42] : memref<1x16xf32, #tpu.memory_space<vmem>>, vector<1x16xf32>
    %add3A_44 = vector.broadcast %get3A_43 : vector<1x16xf32> to vector<10000x16xf32>
    %add3A_45 = arith.addf %add3A_40, %add3A_44 : vector<10000x16xf32>
    %reduce_max3A = arith.constant dense<0xFF800000> : vector<10000xf32>
    %reduce_max3A_46 = vector.multi_reduction <maximumf>, %add3A_45, %reduce_max3A [1] : vector<10000x16xf32> to vector<10000xf32>
    %broadcast_in_dim3A = vector.shape_cast %reduce_max3A_46 : vector<10000xf32> to vector<10000x1xf32>
    %sub3A = vector.broadcast %broadcast_in_dim3A : vector<10000x1xf32> to vector<10000x16xf32>
    %sub3A_47 = arith.subf %add3A_45, %sub3A : vector<10000x16xf32>
    %exp3A = math.exp %sub3A_47 : vector<10000x16xf32>
    %reduce_sum3A = arith.constant dense<0.000000e+00> : vector<10000xf32>
    %reduce_sum3A_48 = vector.multi_reduction <add>, %exp3A, %reduce_sum3A [1] : vector<10000x16xf32> to vector<10000xf32>
    %broadcast_in_dim3A_49 = vector.shape_cast %reduce_sum3A_48 : vector<10000xf32> to vector<10000x1xf32>
    %div3A = vector.broadcast %broadcast_in_dim3A_49 : vector<10000x1xf32> to vector<10000x16xf32>
    %div3A_50 = arith.divf %exp3A, %div3A : vector<10000x16xf32>
    %swap3A = arith.constant 0 : index
    %swap3A_51 = arith.constant 0 : index
    %swap3A_52 = vector.load %arg7[%swap3A, %swap3A_51] : memref<10000x16xf32, #tpu.memory_space<vmem>>, vector<10000x16xf32>
    tpu.vector_store %arg7[%swap3A, %swap3A_51], %div3A_50 {strides = array<i32>} : memref<10000x16xf32, #tpu.memory_space<vmem>>, vector<10000x16xf32>,
    return
  }
}

</mosaic_0001>

<sc_bundles>
// kernel: kernel.10.cloned.1.call-start
scs
__scs_entry_jumppad:
0x0: {  	(pc) =	sbr.rel $0x88, $3  }
0x1: {  	(tag) =	ssettag $0x0;
	lr =	simm.s32 $0x1  }
0x2: {  	[smem:$0x3F96] =	sst lr;
	_ =	strace $0xD0000000  }
0x3: {  	_ = 	snop  }
0x4: {  	_ = 	snop  }
0x5: {  	_ = 	snop  }
0x6: {  	_ = 	snop  }
0x7: {  	_ = 	snop  }
__scs_overlays_trampoline_lowered:
0x8: {  	[smem:$0x3FA5] =	sst s0  }
0x9: {  	[smem:$0x3FA6] =	sst s1  }
0xa: {  	[smem:$0x3FA7] =	sst s2  }
0xb: {  	[smem:$0x3FA8] =	sst s3  }
0xc: {  	[smem:$0x3FA9] =	sst s4  }
0xd: {  	[smem:$0x3FAA] =	sst s5  }
0xe: {  	[smem:$0x3FAB] =	sst s6  }
0xf: {  	[smem:$0x3FAC] =	sst s7  }
0x10: {  	[smem:$0x3FAD] =	sst s8  }
0x11: {  	[smem:$0x3FAE] =	sst s9;
	s0 =	simm.s32 @!p0 $0x0  }
0x12: {  	s1 =	sld [smem:$0x3F94];
	s0 =	simm.s32 @p0 $0x1  }
0x13: {  	[smem:$0x3FAF] =	sst s0;
	s0 =	simm.s32 @!p1 $0x0  }
0x14: {  	s2 =	sld [smem:$0x3F93];
	s0 =	simm.s32 @p1 $0x1  }
0x15: {  	[smem:$0x3FB0] =	sst s0;
	s0 =	simm.s32 @!p2 $0x0  }
0x16: {  	s3 =	sld [smem:$0x3FDB];
	s0 =	simm.s32 @p2 $0x1  }
0x17: {  	s4 =	simm.s32 $0x1BF5;
	[smem:$0x3FB2] =	sst s0  }
0x18: {  	s0 =	sld [smem:$0x3F95];
	_ =	swait.ge [sflag:s4], $0x0  }
0x19: {  	s7 =	sld [smem:$0x3F96]  }
0x1a: {  	s8 =	sadd.s32 $0xFFFFE003, lr  }
0x1b: {  	s9 =	sadd.s32 $0xFFFFFEF7, lr;
	s5 =	simm.s32 $0xFFFFFFFF;
	p2 =	slt.u32 s8, $0xFFFFF086  }
0x1c: {  	p1 =	slt.u32 s9, $0xF7A;
	s5 =	simm.s32 @!p2 $0x0  }
0x1d: {  	s5 =	simm.s32 @p1 $0x1;
	p0 =	seq.s32 s7, s2  }
0x1e: {  	s7 =	smul.u32 @!p0 $0xF7A, s2;
	p2 =	seq.s32 @!p0 s5, $0x0  }
0x1f: {  	s9 =	smul.u32 $0xF7A, s1;
	s8 =	simm.s32 @!p0 $0x1BF5;
	p2 =	por !p2, p0  }
0x20: {  	[sflag:s8] =	ssyncset.s32 @!p0 $0xFFFFF086;
	s6 =	sadd.s32 @!p0 s3, s7;
	s7 =	simm.s32 @!p0 $0x108  }
0x21: {  	s3 =	sadd.s32 s3, s9;
	s6 =	sadd.s32 @!p0 $0x88, s6;
	s7 =	simm.s32 @p2 $0x1082  }
0x22: {  	[simem:s7], [sflag:s8] =	dma.local @!p0 [hbm:s6], $0xF7A  }
0x23: {  	s9 =	sor.u32 $0xD0000000, s2;
	s6 =	simm.s32 $0x108;
	_ =	swait.ge @!p0 [sflag:s8], $0x0  }
0x24: {  	s3 =	sadd.s32 $0x88, s3;
	s6 =	simm.s32 @!p1 $0x1082;
	[sflag:s4] =	ssyncset.s32 $0xFFFFF086  }
0x25: {  	[simem:s6], [sflag:s4] =	dma.local [hbm:s3], $0xF7A  }
0x26: {  	[smem:$0x3F96] =	sst s1;
	(tag) =	ssettag s2;
	_ =	strace s9  }
0x27: {  	s1 =	sld [smem:$0x3FA6]  }
0x28: {  	s2 =	sld [smem:$0x3FA7]  }
0x29: {  	s4 =	sld [smem:$0x3FA9]  }
0x2a: {  	p0 =	seq.s32 s5, $0x0;
	s5 =	sld [smem:$0x3FAA]  }
0x2b: {  	s6 =	sld [smem:$0x3FAB]  }
0x2c: {  	s7 =	sld [smem:$0x3FAC]  }
0x2d: {  	s3 =	simm.s32 $0x108;
	s8 =	sld [smem:$0x3FAD]  }
0x2e: {  	s3 =	simm.s32 @!p0 $0x1082;
	s9 =	sld [smem:$0x3FAE]  }
0x2f: {  	lr =	sadd.s32 s0, s3;
	s0 =	sld [smem:$0x3FA5]  }
0x30: {  	s3 =	sld [smem:$0x3FA8]  }
0x31: {  	[smem:$0x3FB1] =	sst s10  }
0x32: {  	s10 =	sld [smem:$0x3FAF];
	_ =	sdelay $0x3  }
0x33: {  	p0 =	seq.s32 s10, $0x1;
	s10 =	sld [smem:$0x3FB1];
	_ =	sdelay $0x3  }
0x34: {  	[smem:$0x3FB1] =	sst s10  }
0x35: {  	s10 =	sld [smem:$0x3FB0];
	_ =	sdelay $0x3  }
0x36: {  	p1 =	seq.s32 s10, $0x1;
	s10 =	sld [smem:$0x3FB1];
	_ =	sdelay $0x3  }
0x37: {  	[smem:$0x3FB1] =	sst s10  }
0x38: {  	s10 =	sld [smem:$0x3FB2]  }
0x39: {  	_ = 	snop;
	(pc) =	sbr.ind lr, $3  }
0x3a: {  	_ = 	snop  }
0x3b: {  	_ = 	snop  }
0x3c: {  	p2 =	seq.s32 s10, $0x1;
	s10 =	sld [smem:$0x3FB1]  }
0x3d: {  	_ =	shalt  }
0x3e: {  	_ =	shalt  }
0x3f: {  	_ =	shalt  }
0x40: {  	_ =	shalt  }
0x41: {  	_ =	shalt  }
0x42: {  	_ =	shalt  }
0x43: {  	_ =	shalt  }
0x44: {  	_ =	shalt  }
0x45: {  	_ =	shalt  }
0x46: {  	_ =	shalt  }
0x47: {  	_ =	shalt  }
0x48: {  	_ =	shalt  }
0x49: {  	_ =	shalt  }
0x4a: {  	_ =	shalt  }
0x4b: {  	_ =	shalt  }
0x4c: {  	_ =	shalt  }
0x4d: {  	_ =	shalt  }
0x4e: {  	_ =	shalt  }
0x4f: {  	_ =	shalt  }
0x50: {  	_ =	shalt  }
0x51: {  	_ =	shalt  }
0x52: {  	_ =	shalt  }
0x53: {  	_ =	shalt  }
0x54: {  	_ =	shalt  }
0x55: {  	_ =	shalt  }
0x56: {  	_ =	shalt  }
0x57: {  	_ =	shalt  }
0x58: {  	_ =	shalt  }
0x59: {  	_ =	shalt  }
0x5a: {  	_ =	shalt  }
0x5b: {  	_ =	shalt  }
0x5c: {  	_ =	shalt  }
0x5d: {  	_ =	shalt  }
0x5e: {  	_ =	shalt  }
0x5f: {  	_ =	shalt  }
0x60: {  	_ =	shalt  }
0x61: {  	_ =	shalt  }
0x62: {  	_ =	shalt  }
0x63: {  	_ =	shalt  }
0x64: {  	_ =	shalt  }
0x65: {  	_ =	shalt  }
0x66: {  	_ =	shalt  }
0x67: {  	_ =	shalt  }
0x68: {  	_ =	shalt  }
0x69: {  	_ =	shalt  }
0x6a: {  	_ =	shalt  }
0x6b: {  	_ =	shalt  }
0x6c: {  	_ =	shalt  }
0x6d: {  	_ =	shalt  }
0x6e: {  	_ =	shalt  }
0x6f: {  	_ =	shalt  }
0x70: {  	_ =	shalt  }
0x71: {  	_ =	shalt  }
0x72: {  	_ =	shalt  }
0x73: {  	_ =	shalt  }
0x74: {  	_ =	shalt  }
0x75: {  	_ =	shalt  }
0x76: {  	_ =	shalt  }
0x77: {  	_ =	shalt  }
0x78: {  	_ =	shalt  }
0x79: {  	_ =	shalt  }
0x7a: {  	_ =	shalt  }
0x7b: {  	_ =	shalt  }
0x7c: {  	_ =	shalt  }
0x7d: {  	_ =	shalt  }
0x7e: {  	_ =	shalt  }
0x7f: {  	_ =	shalt  }
0x80: {  	_ =	shalt  }
0x81: {  	_ =	shalt  }
0x82: {  	_ =	shalt  }
0x83: {  	_ =	shalt  }
0x84: {  	_ =	shalt  }
0x85: {  	_ =	shalt  }
0x86: {  	_ =	shalt  }
0x87: {  	_ =	shalt  }
.Lfunc_end0:
.L_simem_size_0:
called_computation.1_lowered:
.L_overlay_start_0:
0x88: {  	s2 =	sld [smem:$0x3FD9]  }
0x89: {  	s3 =	sld [smem:$0x3FFE];
	_ =	sdelay $0x1  }
0x8a: {  	s1 =	srdreg.scid  }
0x8b: {  	s0 =	sand.u32 $0x1, s1  }
0x8c: {  	s16 =	sshll.u32 s0, $0xA;
	s2 =	sadd.s32 s3, s2  }
0x8d: {  	s2 =	sadd.s32 s2, s16  }
0x8e: {  	[smem:$0x3FBD] =	sst s2  }
0x8f: {  	_ = 	snop  }
0x90: {  	(tm) =	ssettm $0x1  }
0x91: {  	s17 =	sld [smem:$0x3FFB];
	_ =	sdelay $0x3  }
0x92: {  	_ =	strace s17  }
0x93: {  	s2 =	sld [smem:$0x3FFC];
	_ =	sdelay $0x3  }
0x94: {  	_ =	strace s2  }
0x95: {  	s2 =	sld [smem:$0x3FFD];
	_ =	sdelay $0x3  }
0x96: {  	_ =	strace s2  }
0x97: {  	_ =	strace $0x8FFFFFFF  }
0x98: {  	s18 =	sld [smem:$0x3FDB];
	_ =	sdelay $0x1  }
0x99: {  	s19 =	simm.s32 $_scs_section_size  }
0x9a: {  	s4 =	simm.s32 $_size__tile_overlayer_lowered;
	s5 =	simm.s32 $_tile_overlayer_lowered  }
0x9b: {  	s22 =	simm.s32 $0x1BFF;
	s21 =	sshll.u32 s5, $0x1;
	s2 =	sadd.s32 s19, s18  }
0x9c: {  	s6 =	simm.s32 $0x0;
	s20 =	sshll.u32 s4, $0x1;
	s4 =	sadd.s32 s21, s2  }
0x9d: {  	[timem:s6], [sflag:s22] =	dma.local [hbm:s4], s20  }
0x9e: {  	_ =	swait.ge [sflag:s22], s20  }
0x9f: {  	s3 =	ssub.s32 $0x0, s20;
	[sflag:s22] =	ssyncset.done $0x0  }
0xa0: {  	[sflag:s22] =	ssyncadd.s32 s3;
	_ =	sdelay $0x1  }
0xa1: {  	s23 =	simm.s32 $0x1B8B  }
0xa2: {  	_ =	swait.ge [sflag:s23], $0x1  }
0xa3: {  	[sflag:s23] =	ssyncset.done $0x0  }
0xa4: {  	s25 =	simm.s32 $0x1B8E;
	s24 =	sld [smem:$0x3FFE];
	[sflag:s23] =	ssyncadd.s32 $0xFFFFFFFF  }
0xa5: {  	s26 =	simm.s32 $execute0_lowered;
	[smem:$0x3FD2] =	sst s25  }
0xa6: {  	s4 =	sshll.u32 s26, $0x1;
	_ =	strace $0x80000049;
	[dreg:$0x1] =	wrdreg $0xFFFFFFFF  }
0xa7: {  	s28 =	simm.s32 $_size_execute0_lowered;
	s2 =	sadd.s32 s2, s4;
	[dreg:$0x0] =	wrdreg $0x0  }
0xa8: {  	s4 =	sshll.u32 s28, $0x1;
	[dreg:$0x2] =	wrdreg s2  }
0xa9: {  	[dreg:$0x3] =	wrdreg s4  }
0xaa: {  	[dreg:$0x4] =	wrdreg $0xC0  }
0xab: {  	_ =	task [dreg:s6], $0x5FFFF  }
0xac: {  	[dreg:$0x1] =	wrdreg $0xFFFFFFFF  }
0xad: {  	[dreg:$0x0] =	wrdreg $0x60  }
0xae: {  	[dreg:$0x2] =	wrdreg s24  }
0xaf: {  	[dreg:$0x3] =	wrdreg $0x90000  }
0xb0: {  	[dreg:$0x4] =	wrdreg $0x9  }
0xb1: {  	_ =	task.clear_ibuf [dreg:s6], $0x5FFFF;
	_ =	strace $0x90000049  }
0xb2: {  	s29 =	simm.s32 $0x9;
	_ =	strace $0x8000004B  }
0xb3: {  	_ =	swait.ge [sflag:s29], $0x1  }
0xb4: {  	[sflag:s29] =	ssyncadd.s32 $0xFFFFFFFF  }
0xb5: {  	_ =	strace $0x9000004B  }
0xb6: {  	_ =	sfence  }
0xb7: {  	s30 =	sld [smem:$0x0];
	_ =	sdelay $0x2  }
0xb8: {  	s31 =	sshll.u32 s1, $0xD;
	s1 =	sshrl.u32 s1, $0x2  }
0xb9: {  	s3 =	sand.u32 $0x4000, s31;
	s1 =	sadd.s32 s1, s30  }
0xba: {  	s0 =	sor.u32 s3, s0;
	s1 =	sshll.u32 s1, $0x11  }
0xbb: {  	s0 =	sor.u32 s1, s0  }
0xbc: {  	s0 =	sadd.s32 $0x8F2B, s0  }
0xbd: {  	[sflag:s0] =	ssyncadd.remote.s32 $0x1  }
0xbe: {  	_ =	sfence.sel $0xFFFF  }
0xbf: {  	[dreg:$0x0] =	wrdreg $0xFFFFFFFF;
	(pc) =	sbr.abs _section_cstart, $3  }
0xc0: {  	[dreg:$0x1] =	wrdreg $0xFFFFFFFF  }
0xc1: {  	_ =	task.clear_ibuf [dreg:s6], $0x2FFFF;
	_ =	strace $0x9FFFFFFF  }
0xc2: {  	(tm) =	ssettm $0x7FFFFFFF  }
0xc3: {  	_ =	shalt  }
tec
execute0_lowered:
.L_overlay_start_1:
0x0: {  	(tag) =	ssettag $0x1  }
0x1: {  	s0 =	rddreg [dreg:$0x0]  }
0x2: {  	s1 =	srdreg.scid;
	s2 =	rddreg [dreg:$0x1];
	s3 =	simm.s32 $0x0  }
0x3: {  	s17 =	stileid.u32;
	s16 =	simm.s32 $0x100;
	[smem:$0x7FF] =	sst s3  }
0x4: {  	s19 =	simm.s32 $0x880;
	_ =	strace $0x8000004A;
	[dreg:$0x3] =	wrdreg s16  }
0x5: {  	s20 =	simm.s32 $0x180;
	s21 =	simm.s32 $0x900;
	[dreg:$0x4] =	wrdreg s19  }
0x6: {  	s10 =	simm.s32 $0x200;
	s23 =	simm.s32 $0x980;
	[dreg:$0x5] =	wrdreg s20  }
0x7: {  	s24 =	simm.s32 $0x280;
	s12 =	simm.s32 $0xA00;
	[dreg:$0x6] =	wrdreg s21  }
0x8: {  	s25 =	simm.s32 $0x300;
	s26 =	simm.s32 $0x380;
	[dreg:$0x7] =	wrdreg s10  }
0x9: {  	s30 =	simm.s32 $0xB00;
	s31 =	simm.s32 $0xB80;
	[dreg:$0x8] =	wrdreg s23  }
0xa: {  	s28 =	simm.s32 $0xF80;
	s29 =	simm.s32 $0x0;
	[dreg:$0x9] =	wrdreg s24  }
0xb: {  	s1 =	sand.u32 $0x1, s1;
	s5 =	smul.u32 $0x13C00, s17;
	[dreg:$0xa] =	wrdreg s12  }
0xc: {  	s14 =	sadd.s32 $0x33000, s0;
	s8 =	smul.u32 $0x4F000, s17;
	[dreg:$0xb] =	wrdreg s25  }
0xd: {  	s15 =	sadd.s32 $0x29000, s0;
	s4 =	smul.u32 $0x13C000, s1;
	[dreg:$0xd] =	wrdreg s26  }
0xe: {  	s13 =	ssub.s32 $0x2, s1;
	s7 =	sshll.u32 s1, $0x4;
	[dreg:$0xe] =	wrdreg s30  }
0xf: {  	s16 =	simm.s32 $0xA80;
	s1 =	smul.u32 $0x5000, s1;
	[dreg:$0xf] =	wrdreg s31  }
0x10: {  	s19 =	simm.s32 $0x580;
	s20 =	simm.s32 $0xD00;
	[dreg:$0xc] =	wrdreg s16  }
0x11: {  	s21 =	simm.s32 $0x600;
	s23 =	simm.s32 $0x680;
	[dreg:$0x13] =	wrdreg s19  }
0x12: {  	s24 =	simm.s32 $0xE00;
	s25 =	simm.s32 $0x700;
	[dreg:$0x14] =	wrdreg s20  }
0x13: {  	s26 =	simm.s32 $0xE80;
	s30 =	simm.s32 $0x780;
	[dreg:$0x15] =	wrdreg s21  }
0x14: {  	s31 =	simm.s32 $0xF00;
	s6 =	sshrl.u32 s13, $0x1;
	[dreg:$0x17] =	wrdreg s23  }
0x15: {  	s9 =	sor.u32 s17, s7;
	s18 =	sshrl.u32 s8, $0x2;
	[dreg:$0x18] =	wrdreg s24  }
0x16: {  	s7 =	simm.s32 $0x480;
	s16 =	simm.s32 $0x1000;
	[dreg:$0x19] =	wrdreg s25  }
0x17: {  	s19 =	simm.s32 $0x800;
	s20 =	simm.s32 $0x4;
	[dreg:$0x1a] =	wrdreg s26  }
0x18: {  	s21 =	simm.s32 $0x80;
	s23 =	simm.s32 $0xC00;
	[dreg:$0x1b] =	wrdreg s30  }
0x19: {  	s24 =	simm.s32 $0x5000;
	[dreg:$0x1c] =	wrdreg s31;
	s25 =	simm.s32 $0x1  }
0x1a: {  	s26 =	simm.s32 $0x2;
	s5 =	sadd.s32 s5, s4;
	s4 =	sadd.s32 $0x1E00, s0  }
0x1b: {  	s13 =	ssub.s32 s13, s6;
	s11 =	smul.u32 $0x500, s9;
	s5 =	sshrl.u32 s5, $0x3  }
0x1c: {  	[dreg:$0x10] =	wrdreg s7;
	s13 =	smax.u32 s13, $0x1;
	s0 =	sadd.s32 s5, s0  }
0x1d: {  	s5 =	sadd.s32 s18, s2;
	s10 =	sadd.s32 s14, s11;
	s11 =	sadd.s32 s15, s11  }
0x1e: {  	s14 =	sadd.s32 s1, s14;
	s18 =	simm.s32 $0xC80;
	s1 =	sadd.s32 s1, s15  }
0x1f: {  	s6 =	sadd.s32 $0x4000, s5;
	s22 =	sadd.s32 $0x8000, s5;
	[dreg:$0x12] =	wrdreg s18  }
0x20: {  	s8 =	sadd.s32 $0xC000, s5;
	s9 =	sadd.s32 $0x10000, s5;
	[dreg:$0x1d] =	wrdreg s6  }
0x21: {  	[dreg:$0x1e] =	wrdreg s22;
	s6 =	smul.u32 $0x500, s17;
	s17 =	simm.s32 $0x500  }
0x22: {  	s12 =	sadd.s32 $0x3D000, s0;
	s22 =	simm.s32 $0xD80;
	[dreg:$0x11] =	wrdreg s17  }
0x23: {  	s18 =	simm.s32 $0x3;
	s17 =	simm.s32 $0x5;
	[dreg:$0x16] =	wrdreg s22  }
0x24: {  	v0 =	vimm.f32 $0.0e+00;
	s22 =	simm.s32 $0x400;
	s14 =	sadd.s32 s6, s14;
	s15 =	sadd.s32 s6, s1  }
.LBB2_1:
0x25: {  	s0 =	simm.s32 $0x0;
	s1 =	simm.s32 $0x200  }
.LBB2_2:
0x26: {  	p0 =	sne.s32 s1, $0xFE00;
	[tilespmem:s0+$0x1070] =	vst v0  }
0x27: {  	[tilespmem:s0+$0x1000] =	vst v0  }
0x28: {  	[tilespmem:s0+$0x1010] =	vst v0  }
.Ltmp0:
0x29: {  	[tilespmem:s0+$0x1020] =	vst v0;
	(pc) =	sbr.rel @p0 .LBB2_2-.Ltmp0, $4  }
0x2a: {  	[tilespmem:s0+$0x1030] =	vst v0  }
0x2b: {  	[tilespmem:s0+$0x1040] =	vst v0  }
0x2c: {  	[tilespmem:s0+$0x1050] =	vst v0  }
0x2d: {  	[tilespmem:s0+$0x1060] =	vst v0;
	s0 =	sshra.s32 s1, $0x2;
	s1 =	sadd.s32 $0x200, s1  }
0x2e: {  	[tilespmem:s0+$0x1070] =	vst v0  }
0x2f: {  	[tilespmem:s0+$0x1000] =	vst v0  }
0x30: {  	[tilespmem:s0+$0x1010] =	vst v0  }
0x31: {  	[tilespmem:s0+$0x1020] =	vst v0  }
0x32: {  	[tilespmem:s0+$0x1030] =	vst v0  }
0x33: {  	[tilespmem:s0+$0x1040] =	vst v0  }
0x34: {  	[tilespmem:s0+$0x1050] =	vst v0  }
0x35: {  	[tilespmem:s0+$0x1060] =	vst v0  }
0x36: {  	[spmem:s5] =	stream.linear.scatter [tilespmem:s16], [sflag:$0x5], $0x4000, $0x38;
	[tilespmem:$0x1CC00] =	vst v63  }
0x37: {  	_ =	swait.ge [sflag:s17], $0x4000  }
0x38: {  	[sflag:s17] =	ssyncset.done $0x0  }
0x39: {  	s6 =	rddreg [dreg:$0x1d];
	[sflag:s17] =	ssyncadd.s32 $0xFFFFC000  }
0x3a: {  	[spmem:s6] =	stream.linear.scatter [tilespmem:s16], [sflag:$0x5], $0x4000, $0x38;
	[tilespmem:$0x1CC00] =	vst v63  }
0x3b: {  	_ =	swait.ge [sflag:s17], $0x4000  }
0x3c: {  	[sflag:s17] =	ssyncset.done $0x0  }
0x3d: {  	s7 =	rddreg [dreg:$0x1e];
	[sflag:s17] =	ssyncadd.s32 $0xFFFFC000  }
0x3e: {  	[spmem:s7] =	stream.linear.scatter [tilespmem:s16], [sflag:$0x5], $0x4000, $0x38;
	[tilespmem:$0x1CC00] =	vst v63  }
0x3f: {  	_ =	swait.ge [sflag:s17], $0x4000  }
0x40: {  	[sflag:s17] =	ssyncset.done $0x0  }
0x41: {  	[sflag:s17] =	ssyncadd.s32 $0xFFFFC000  }
0x42: {  	[spmem:s8] =	stream.linear.scatter [tilespmem:s16], [sflag:$0x5], $0x4000, $0x38;
	[tilespmem:$0x1CC00] =	vst v63  }
0x43: {  	_ =	swait.ge [sflag:s17], $0x4000  }
0x44: {  	[sflag:s17] =	ssyncset.done $0x0  }
0x45: {  	[sflag:s17] =	ssyncadd.s32 $0xFFFFC000  }
0x46: {  	[spmem:s9] =	stream.linear.scatter [tilespmem:s16], [sflag:$0x5], $0x3C00, $0x38;
	[tilespmem:$0x1CC00] =	vst v63  }
0x47: {  	_ =	swait.ge [sflag:s17], $0x3C00  }
0x48: {  	[sflag:s17] =	ssyncset.done $0x0  }
0x49: {  	[sflag:s17] =	ssyncadd.s32 $0xFFFFC400  }
0x4a: {  	s1 =	simm.s32 $0x0;
	[bflag:$0x0] =	sbarrier.arrive $0xFFFF  }
0x4b: {  	[tilespmem:s1], [sflag:$0x3] =	stream.linear.gather [hbm4b:s10+s1], $0x400, $0x38;
	[tilespmem:$0x1CC00] =	vst v63  }
0x4c: {  	_ =	swait.ge [sflag:s18], $0x400  }
0x4d: {  	[sflag:s18] =	ssyncset.done $0x0  }
0x4e: {  	[sflag:s18] =	ssyncadd.s32 $0xFFFFFC00  }
0x4f: {  	[tilespmem:s19], [sflag:$0x4] =	stream.linear.gather [hbm4b:s11+s1], $0x400, $0x38;
	[tilespmem:$0x1CC00] =	vst v63  }
0x50: {  	_ =	swait.ge [sflag:s20], $0x400  }
0x51: {  	[sflag:s20] =	ssyncset.done $0x0  }
0x52: {  	s6 =	sadd.s32 $0x0, s14;
	[sflag:s20] =	ssyncadd.s32 $0xFFFFFC00  }
0x53: {  	[tilespmem:s16], [sflag:$0x1] =	stream.indirect.gather [hbm4b:s4+s21], $0x80, s1, s21, $0xb8;
	[tilespmem:$0x1CC00] =	vst v63  }
0x54: {  	s0 =	sadd.s32 $0x80, s6;
	s1 =	sadd.s32 $0x0, s15  }
0x55: {  	[tilespmem:s22], [sflag:$0x3] =	stream.linear.gather [hbm4b:s0+s3], $0x400, $0x38;
	[tilespmem:$0x1CC00] =	vst v63  }
0x56: {  	s7 =	sadd.s32 $0x80, s1  }
0x57: {  	[tilespmem:s23], [sflag:$0x4] =	stream.linear.gather [hbm4b:s7+s3], $0x400, $0x38;
	[tilespmem:$0x1CC00] =	vst v63  }
0x58: {  	_ = 	snop  }
0x59: {  	[tilespmem:s24], [sflag:$0x2] =	stream.indirect.gather [hbm4b:s4+s21], $0x80, s21, s21, $0xb8;
	[tilespmem:$0x1CC00] =	vst v63  }
0x5a: {  	_ =	swait.ge [sflag:s25], $0x4000  }
0x5b: {  	[sflag:s25] =	ssyncset.done $0x0  }
0x5c: {  	[sflag:s25] =	ssyncadd.s32 $0xFFFFC000  }
0x5d: {  	[spmem:s2] =	stream.indirect.scatter.add.f32 [tilespmem:s16], [sflag:$0x5], $0x80, s19, s21, $0xb8;
	[tilespmem:$0x1CC00] =	vst v63  }
0x5e: {  	_ =	swait.ge [sflag:s17], $0x4000  }
0x5f: {  	[sflag:s17] =	ssyncset.done $0x0  }
0x60: {  	s1 =	rddreg [dreg:$0x3];
	[sflag:s17] =	ssyncadd.s32 $0xFFFFC000  }
0x61: {  	[tilespmem:s16], [sflag:$0x1] =	stream.indirect.gather [hbm4b:s4+s21], $0x80, s1, s21, $0xb8;
	[tilespmem:$0x1CC00] =	vst v63  }
0x62: {  	_ =	swait.ge [sflag:s26], $0x4000  }
0x63: {  	[sflag:s26] =	ssyncset.done $0x0  }
0x64: {  	s6 =	rddreg [dreg:$0x4];
	[sflag:s26] =	ssyncadd.s32 $0xFFFFC000  }
0x65: {  	[spmem:s2] =	stream.indirect.scatter.add.f32 [tilespmem:s24], [sflag:$0x5], $0x80, s6, s21, $0xb8;
	[tilespmem:$0x1CC00] =	vst v63  }
0x66: {  	_ =	swait.ge [sflag:s17], $0x4000  }
0x67: {  	[sflag:s17] =	ssyncset.done $0x0  }
0x68: {  	s7 =	rddreg [dreg:$0x5];
	[sflag:s17] =	ssyncadd.s32 $0xFFFFC000  }
0x69: {  	[tilespmem:s24], [sflag:$0x2] =	stream.indirect.gather [hbm4b:s4+s21], $0x80, s7, s21, $0xb8;
	[tilespmem:$0x1CC00] =	vst v63  }
0x6a: {  	_ =	swait.ge [sflag:s25], $0x4000  }
0x6b: {  	[sflag:s25] =	ssyncset.done $0x0  }
0x6c: {  	s1 =	rddreg [dreg:$0x6];
	[sflag:s25] =	ssyncadd.s32 $0xFFFFC000  }
0x6d: {  	[spmem:s2] =	stream.indirect.scatter.add.f32 [tilespmem:s16], [sflag:$0x5], $0x80, s1, s21, $0xb8;
	[tilespmem:$0x1CC00] =	vst v63  }
0x6e: {  	_ =	swait.ge [sflag:s17], $0x4000  }
0x6f: {  	[sflag:s17] =	ssyncset.done $0x0  }
0x70: {  	s6 =	rddreg [dreg:$0x7];
	[sflag:s17] =	ssyncadd.s32 $0xFFFFC000  }
0x71: {  	[tilespmem:s16], [sflag:$0x1] =	stream.indirect.gather [hbm4b:s4+s21], $0x80, s6, s21, $0xb8;
	[tilespmem:$0x1CC00] =	vst v63  }
0x72: {  	_ =	swait.ge [sflag:s26], $0x4000  }
0x73: {  	[sflag:s26] =	ssyncset.done $0x0  }
0x74: {  	s7 =	rddreg [dreg:$0x8];
	[sflag:s26] =	ssyncadd.s32 $0xFFFFC000  }
0x75: {  	[spmem:s2] =	stream.indirect.scatter.add.f32 [tilespmem:s24], [sflag:$0x5], $0x80, s7, s21, $0xb8;
	[tilespmem:$0x1CC00] =	vst v63  }
0x76: {  	_ =	swait.ge [sflag:s17], $0x4000  }
0x77: {  	[sflag:s17] =	ssyncset.done $0x0  }
0x78: {  	s1 =	rddreg [dreg:$0x9];
	[sflag:s17] =	ssyncadd.s32 $0xFFFFC000  }
0x79: {  	[tilespmem:s24], [sflag:$0x2] =	stream.indirect.gather [hbm4b:s4+s21], $0x80, s1, s21, $0xb8;
	[tilespmem:$0x1CC00] =	vst v63  }
0x7a: {  	_ =	swait.ge [sflag:s25], $0x4000  }
0x7b: {  	[sflag:s25] =	ssyncset.done $0x0  }
0x7c: {  	s6 =	rddreg [dreg:$0xa];
	[sflag:s25] =	ssyncadd.s32 $0xFFFFC000  }
0x7d: {  	[spmem:s2] =	stream.indirect.scatter.add.f32 [tilespmem:s16], [sflag:$0x5], $0x80, s6, s21, $0xb8;
	[tilespmem:$0x1CC00] =	vst v63  }
0x7e: {  	_ =	swait.ge [sflag:s17], $0x4000  }
0x7f: {  	[sflag:s17] =	ssyncset.done $0x0  }
0x80: {  	s7 =	rddreg [dreg:$0xb];
	[sflag:s17] =	ssyncadd.s32 $0xFFFFC000  }
0x81: {  	[tilespmem:s16], [sflag:$0x1] =	stream.indirect.gather [hbm4b:s4+s21], $0x80, s7, s21, $0xb8;
	[tilespmem:$0x1CC00] =	vst v63  }
0x82: {  	_ =	swait.ge [sflag:s26], $0x4000  }
0x83: {  	[sflag:s26] =	ssyncset.done $0x0  }
0x84: {  	s1 =	rddreg [dreg:$0xc];
	[sflag:s26] =	ssyncadd.s32 $0xFFFFC000  }
0x85: {  	[spmem:s2] =	stream.indirect.scatter.add.f32 [tilespmem:s24], [sflag:$0x5], $0x80, s1, s21, $0xb8;
	[tilespmem:$0x1CC00] =	vst v63  }
0x86: {  	_ =	swait.ge [sflag:s17], $0x4000  }
0x87: {  	[sflag:s17] =	ssyncset.done $0x0  }
0x88: {  	s6 =	rddreg [dreg:$0xd];
	[sflag:s17] =	ssyncadd.s32 $0xFFFFC000  }
0x89: {  	[tilespmem:s24], [sflag:$0x2] =	stream.indirect.gather [hbm4b:s4+s21], $0x80, s6, s21, $0xb8;
	[tilespmem:$0x1CC00] =	vst v63  }
0x8a: {  	_ =	swait.ge [sflag:s25], $0x4000  }
0x8b: {  	[sflag:s25] =	ssyncset.done $0x0  }
0x8c: {  	s7 =	rddreg [dreg:$0xe];
	[sflag:s25] =	ssyncadd.s32 $0xFFFFC000  }
0x8d: {  	[spmem:s2] =	stream.indirect.scatter.add.f32 [tilespmem:s16], [sflag:$0x5], $0x80, s7, s21, $0xb8;
	[tilespmem:$0x1CC00] =	vst v63  }
0x8e: {  	_ =	swait.ge [sflag:s17], $0x4000  }
0x8f: {  	[sflag:s17] =	ssyncset.done $0x0  }
0x90: {  	[sflag:s17] =	ssyncadd.s32 $0xFFFFC000  }
0x91: {  	_ =	swait.ge [sflag:s18], $0x400  }
0x92: {  	[sflag:s18] =	ssyncset.done $0x0  }
0x93: {  	[sflag:s18] =	ssyncadd.s32 $0xFFFFFC00  }
0x94: {  	_ =	swait.ge [sflag:s20], $0x400  }
0x95: {  	[sflag:s20] =	ssyncset.done $0x0  }
0x96: {  	[sflag:s20] =	ssyncadd.s32 $0xFFFFFC00  }
0x97: {  	[tilespmem:s16], [sflag:$0x1] =	stream.indirect.gather [hbm4b:s4+s21], $0x80, s22, s21, $0xb8;
	[tilespmem:$0x1CC00] =	vst v63  }
0x98: {  	_ =	swait.ge [sflag:s26], $0x4000  }
0x99: {  	[sflag:s26] =	ssyncset.done $0x0  }
0x9a: {  	p0 =	por $0x0, $0x0;
	s1 =	rddreg [dreg:$0xf];
	[sflag:s26] =	ssyncadd.s32 $0xFFFFC000  }
0x9b: {  	[spmem:s2] =	stream.indirect.scatter.add.f32 [tilespmem:s24], [sflag:$0x5], $0x80, s1, s21, $0xb8;
	[tilespmem:$0x1CC00] =	vst v63  }
0x9c: {  	s0 =	sadd.s32 @!p0 $0x0, s14;
	_ =	swait.ge [sflag:s17], $0x4000  }
0x9d: {  	s30 =	sadd.s32 @!p0 $0x100, s0;
	[sflag:s17] =	ssyncset.done $0x0  }
0x9e: {  	s0 =	simm.s32 @!p0 $0x0;
	s1 =	sadd.s32 @!p0 $0x0, s15;
	[sflag:s17] =	ssyncadd.s32 $0xFFFFC000  }
0x9f: {  	[tilespmem:s0], [sflag:$0x3] =	stream.linear.gather @!p0 [hbm4b:s30+s0], $0x400, $0x38;
	[tilespmem:$0x1CC00] =	vst v63  }
0xa0: {  	s1 =	sadd.s32 @!p0 $0x100, s1;
	s30 =	simm.s32 @!p0 $0x800  }
0xa1: {  	[tilespmem:s30], [sflag:$0x4] =	stream.linear.gather @!p0 [hbm4b:s1+s0], $0x400, $0x38;
	[tilespmem:$0x1CC00] =	vst v63  }
0xa2: {  	s31 =	rddreg [dreg:$0x10]  }
0xa3: {  	[tilespmem:s24], [sflag:$0x2] =	stream.indirect.gather [hbm4b:s4+s21], $0x80, s31, s21, $0xb8;
	[tilespmem:$0x1CC00] =	vst v63  }
0xa4: {  	_ =	swait.ge [sflag:s25], $0x4000  }
0xa5: {  	[sflag:s25] =	ssyncset.done $0x0  }
0xa6: {  	[sflag:s25] =	ssyncadd.s32 $0xFFFFC000  }
0xa7: {  	[spmem:s2] =	stream.indirect.scatter.add.f32 [tilespmem:s16], [sflag:$0x5], $0x80, s23, s21, $0xb8;
	[tilespmem:$0x1CC00] =	vst v63  }
0xa8: {  	_ =	swait.ge [sflag:s17], $0x4000  }
0xa9: {  	[sflag:s17] =	ssyncset.done $0x0  }
0xaa: {  	s6 =	rddreg [dreg:$0x11];
	[sflag:s17] =	ssyncadd.s32 $0xFFFFC000  }
0xab: {  	[tilespmem:s16], [sflag:$0x1] =	stream.indirect.gather [hbm4b:s4+s21], $0x80, s6, s21, $0xb8;
	[tilespmem:$0x1CC00] =	vst v63  }
0xac: {  	_ =	swait.ge [sflag:s26], $0x4000  }
0xad: {  	[sflag:s26] =	ssyncset.done $0x0  }
0xae: {  	s7 =	rddreg [dreg:$0x12];
	[sflag:s26] =	ssyncadd.s32 $0xFFFFC000  }
0xaf: {  	[spmem:s2] =	stream.indirect.scatter.add.f32 [tilespmem:s24], [sflag:$0x5], $0x80, s7, s21, $0xb8;
	[tilespmem:$0x1CC00] =	vst v63  }
0xb0: {  	_ =	swait.ge [sflag:s17], $0x4000  }
0xb1: {  	[sflag:s17] =	ssyncset.done $0x0  }
0xb2: {  	s6 =	rddreg [dreg:$0x13];
	[sflag:s17] =	ssyncadd.s32 $0xFFFFC000  }
0xb3: {  	[tilespmem:s24], [sflag:$0x2] =	stream.indirect.gather [hbm4b:s4+s21], $0x80, s6, s21, $0xb8;
	[tilespmem:$0x1CC00] =	vst v63  }
0xb4: {  	_ =	swait.ge [sflag:s25], $0x4000  }
0xb5: {  	[sflag:s25] =	ssyncset.done $0x0  }
0xb6: {  	s7 =	rddreg [dreg:$0x14];
	[sflag:s25] =	ssyncadd.s32 $0xFFFFC000  }
0xb7: {  	[spmem:s2] =	stream.indirect.scatter.add.f32 [tilespmem:s16], [sflag:$0x5], $0x80, s7, s21, $0xb8;
	[tilespmem:$0x1CC00] =	vst v63  }
0xb8: {  	_ =	swait.ge [sflag:s17], $0x4000  }
0xb9: {  	[sflag:s17] =	ssyncset.done $0x0  }
0xba: {  	s6 =	rddreg [dreg:$0x15];
	[sflag:s17] =	ssyncadd.s32 $0xFFFFC000  }
0xbb: {  	[tilespmem:s16], [sflag:$0x1] =	stream.indirect.gather [hbm4b:s4+s21], $0x80, s6, s21, $0xb8;
	[tilespmem:$0x1CC00] =	vst v63  }
0xbc: {  	_ =	swait.ge [sflag:s26], $0x4000  }
0xbd: {  	[sflag:s26] =	ssyncset.done $0x0  }
0xbe: {  	s7 =	rddreg [dreg:$0x16];
	[sflag:s26] =	ssyncadd.s32 $0xFFFFC000  }
0xbf: {  	[spmem:s2] =	stream.indirect.scatter.add.f32 [tilespmem:s24], [sflag:$0x5], $0x80, s7, s21, $0xb8;
	[tilespmem:$0x1CC00] =	vst v63  }
0xc0: {  	_ =	swait.ge [sflag:s17], $0x4000  }
0xc1: {  	[sflag:s17] =	ssyncset.done $0x0  }
0xc2: {  	s6 =	rddreg [dreg:$0x17];
	[sflag:s17] =	ssyncadd.s32 $0xFFFFC000  }
0xc3: {  	[tilespmem:s24], [sflag:$0x2] =	stream.indirect.gather [hbm4b:s4+s21], $0x80, s6, s21, $0xb8;
	[tilespmem:$0x1CC00] =	vst v63  }
0xc4: {  	_ =	swait.ge [sflag:s25], $0x4000  }
0xc5: {  	[sflag:s25] =	ssyncset.done $0x0  }
0xc6: {  	s7 =	rddreg [dreg:$0x18];
	[sflag:s25] =	ssyncadd.s32 $0xFFFFC000  }
0xc7: {  	[spmem:s2] =	stream.indirect.scatter.add.f32 [tilespmem:s16], [sflag:$0x5], $0x80, s7, s21, $0xb8;
	[tilespmem:$0x1CC00] =	vst v63  }
0xc8: {  	_ =	swait.ge [sflag:s17], $0x4000  }
0xc9: {  	[sflag:s17] =	ssyncset.done $0x0  }
0xca: {  	s6 =	rddreg [dreg:$0x19];
	[sflag:s17] =	ssyncadd.s32 $0xFFFFC000  }
0xcb: {  	[tilespmem:s16], [sflag:$0x1] =	stream.indirect.gather [hbm4b:s4+s21], $0x80, s6, s21, $0xb8;
	[tilespmem:$0x1CC00] =	vst v63  }
0xcc: {  	_ =	swait.ge [sflag:s26], $0x4000  }
0xcd: {  	[sflag:s26] =	ssyncset.done $0x0  }
0xce: {  	s7 =	rddreg [dreg:$0x1a];
	[sflag:s26] =	ssyncadd.s32 $0xFFFFC000  }
0xcf: {  	[spmem:s2] =	stream.indirect.scatter.add.f32 [tilespmem:s24], [sflag:$0x5], $0x80, s7, s21, $0xb8;
	[tilespmem:$0x1CC00] =	vst v63  }
0xd0: {  	_ =	swait.ge [sflag:s17], $0x4000  }
0xd1: {  	[sflag:s17] =	ssyncset.done $0x0  }
0xd2: {  	s6 =	rddreg [dreg:$0x1b];
	[sflag:s17] =	ssyncadd.s32 $0xFFFFC000  }
0xd3: {  	[tilespmem:s24], [sflag:$0x2] =	stream.indirect.gather [hbm4b:s4+s21], $0x80, s6, s21, $0xb8;
	[tilespmem:$0x1CC00] =	vst v63  }
0xd4: {  	_ =	swait.ge [sflag:s25], $0x4000  }
0xd5: {  	[sflag:s25] =	ssyncset.done $0x0  }
0xd6: {  	s7 =	rddreg [dreg:$0x1c];
	[sflag:s25] =	ssyncadd.s32 $0xFFFFC000  }
0xd7: {  	[spmem:s2] =	stream.indirect.scatter.add.f32 [tilespmem:s16], [sflag:$0x5], $0x80, s7, s21, $0xb8;
	[tilespmem:$0x1CC00] =	vst v63  }
0xd8: {  	_ =	swait.ge [sflag:s17], $0x4000  }
0xd9: {  	[sflag:s17] =	ssyncset.done $0x0  }
0xda: {  	s1 =	simm.s32 @!p0 $0x3;
	[sflag:s17] =	ssyncadd.s32 $0xFFFFC000  }
0xdb: {  	_ =	swait.ge @!p0 [sflag:s1], $0x400  }
0xdc: {  	[sflag:s1] =	ssyncset.done @!p0 $0x0  }
0xdd: {  	[sflag:s1] =	ssyncadd.s32 @!p0 $0xFFFFFC00;
	s1 =	simm.s32 @!p0 $0x4  }
0xde: {  	_ =	swait.ge @!p0 [sflag:s1], $0x400  }
0xdf: {  	[sflag:s1] =	ssyncset.done @!p0 $0x0  }
0xe0: {  	s30 =	simm.s32 @!p0 $0x1000;
	[sflag:s1] =	ssyncadd.s32 @!p0 $0xFFFFFC00;
	s1 =	simm.s32 @!p0 $0x80  }
0xe1: {  	[tilespmem:s30], [sflag:$0x1] =	stream.indirect.gather @!p0 [hbm4b:s4+s1], $0x80, s0, s1, $0xb8;
	[tilespmem:$0x1CC00] =	vst v63  }
0xe2: {  	_ =	swait.ge [sflag:s26], $0x4000  }
0xe3: {  	[sflag:s26] =	ssyncset.done $0x0  }
0xe4: {  	[sflag:s26] =	ssyncadd.s32 $0xFFFFC000  }
0xe5: {  	[spmem:s2] =	stream.indirect.scatter.add.f32 [tilespmem:s24], [sflag:$0x5], $0x80, s28, s21, $0xb8;
	[tilespmem:$0x1CC00] =	vst v63  }
0xe6: {  	s31 =	simm.s32 $0x200;
	_ =	swait.ge [sflag:s17], $0x4000  }
0xe7: {  	s30 =	simm.s32 $0x100;
	s0 =	sadd.s32 $0x100, s14;
	[sflag:s17] =	ssyncset.done $0x0  }
.LBB2_4:
0xe8: {  	s0 =	sadd.s32 $0x80, s0;
	s1 =	sadd.s32 s30, s15;
	[sflag:s17] =	ssyncadd.s32 $0xFFFFC000  }
0xe9: {  	[tilespmem:s22], [sflag:$0x3] =	stream.linear.gather [hbm4b:s0+s3], $0x400, $0x38;
	[tilespmem:$0x1CC00] =	vst v63  }
0xea: {  	s1 =	sadd.s32 $0x80, s1  }
0xeb: {  	[tilespmem:s23], [sflag:$0x4] =	stream.linear.gather [hbm4b:s1+s3], $0x400, $0x38;
	[tilespmem:$0x1CC00] =	vst v63  }
0xec: {  	_ = 	snop  }
0xed: {  	[tilespmem:s24], [sflag:$0x2] =	stream.indirect.gather [hbm4b:s4+s21], $0x80, s21, s21, $0xb8;
	[tilespmem:$0x1CC00] =	vst v63  }
0xee: {  	_ =	swait.ge [sflag:s25], $0x4000  }
0xef: {  	[sflag:s25] =	ssyncset.done $0x0  }
0xf0: {  	[sflag:s25] =	ssyncadd.s32 $0xFFFFC000  }
0xf1: {  	[spmem:s2] =	stream.indirect.scatter.add.f32 [tilespmem:s16], [sflag:$0x5], $0x80, s19, s21, $0xb8;
	[tilespmem:$0x1CC00] =	vst v63  }
0xf2: {  	_ =	swait.ge [sflag:s17], $0x4000  }
0xf3: {  	[sflag:s17] =	ssyncset.done $0x0  }
0xf4: {  	s7 =	rddreg [dreg:$0x3];
	[sflag:s17] =	ssyncadd.s32 $0xFFFFC000  }
0xf5: {  	[tilespmem:s16], [sflag:$0x1] =	stream.indirect.gather [hbm4b:s4+s21], $0x80, s7, s21, $0xb8;
	[tilespmem:$0x1CC00] =	vst v63  }
0xf6: {  	_ =	swait.ge [sflag:s26], $0x4000  }
0xf7: {  	[sflag:s26] =	ssyncset.done $0x0  }
0xf8: {  	s6 =	rddreg [dreg:$0x4];
	[sflag:s26] =	ssyncadd.s32 $0xFFFFC000  }
0xf9: {  	[spmem:s2] =	stream.indirect.scatter.add.f32 [tilespmem:s24], [sflag:$0x5], $0x80, s6, s21, $0xb8;
	[tilespmem:$0x1CC00] =	vst v63  }
0xfa: {  	_ =	swait.ge [sflag:s17], $0x4000  }
0xfb: {  	[sflag:s17] =	ssyncset.done $0x0  }
0xfc: {  	s7 =	rddreg [dreg:$0x5];
	[sflag:s17] =	ssyncadd.s32 $0xFFFFC000  }
0xfd: {  	[tilespmem:s24], [sflag:$0x2] =	stream.indirect.gather [hbm4b:s4+s21], $0x80, s7, s21, $0xb8;
	[tilespmem:$0x1CC00] =	vst v63  }
0xfe: {  	_ =	swait.ge [sflag:s25], $0x4000  }
0xff: {  	[sflag:s25] =	ssyncset.done $0x0  }
0x100: {  	s6 =	rddreg [dreg:$0x6];
	[sflag:s25] =	ssyncadd.s32 $0xFFFFC000  }
0x101: {  	[spmem:s2] =	stream.indirect.scatter.add.f32 [tilespmem:s16], [sflag:$0x5], $0x80, s6, s21, $0xb8;
	[tilespmem:$0x1CC00] =	vst v63  }
0x102: {  	_ =	swait.ge [sflag:s17], $0x4000  }
0x103: {  	[sflag:s17] =	ssyncset.done $0x0  }
0x104: {  	s7 =	rddreg [dreg:$0x7];
	[sflag:s17] =	ssyncadd.s32 $0xFFFFC000  }
0x105: {  	[tilespmem:s16], [sflag:$0x1] =	stream.indirect.gather [hbm4b:s4+s21], $0x80, s7, s21, $0xb8;
	[tilespmem:$0x1CC00] =	vst v63  }
0x106: {  	_ =	swait.ge [sflag:s26], $0x4000  }
0x107: {  	[sflag:s26] =	ssyncset.done $0x0  }
0x108: {  	s6 =	rddreg [dreg:$0x8];
	[sflag:s26] =	ssyncadd.s32 $0xFFFFC000  }
0x109: {  	[spmem:s2] =	stream.indirect.scatter.add.f32 [tilespmem:s24], [sflag:$0x5], $0x80, s6, s21, $0xb8;
	[tilespmem:$0x1CC00] =	vst v63  }
0x10a: {  	_ =	swait.ge [sflag:s17], $0x4000  }
0x10b: {  	[sflag:s17] =	ssyncset.done $0x0  }
0x10c: {  	s7 =	rddreg [dreg:$0x9];
	[sflag:s17] =	ssyncadd.s32 $0xFFFFC000  }
0x10d: {  	[tilespmem:s24], [sflag:$0x2] =	stream.indirect.gather [hbm4b:s4+s21], $0x80, s7, s21, $0xb8;
	[tilespmem:$0x1CC00] =	vst v63  }
0x10e: {  	_ =	swait.ge [sflag:s25], $0x4000  }
0x10f: {  	[sflag:s25] =	ssyncset.done $0x0  }
0x110: {  	s6 =	rddreg [dreg:$0xa];
	[sflag:s25] =	ssyncadd.s32 $0xFFFFC000  }
0x111: {  	[spmem:s2] =	stream.indirect.scatter.add.f32 [tilespmem:s16], [sflag:$0x5], $0x80, s6, s21, $0xb8;
	[tilespmem:$0x1CC00] =	vst v63  }
0x112: {  	_ =	swait.ge [sflag:s17], $0x4000  }
0x113: {  	[sflag:s17] =	ssyncset.done $0x0  }
0x114: {  	s7 =	rddreg [dreg:$0xb];
	[sflag:s17] =	ssyncadd.s32 $0xFFFFC000  }
0x115: {  	[tilespmem:s16], [sflag:$0x1] =	stream.indirect.gather [hbm4b:s4+s21], $0x80, s7, s21, $0xb8;
	[tilespmem:$0x1CC00] =	vst v63  }
0x116: {  	_ =	swait.ge [sflag:s26], $0x4000  }
0x117: {  	[sflag:s26] =	ssyncset.done $0x0  }
0x118: {  	s6 =	rddreg [dreg:$0xc];
	[sflag:s26] =	ssyncadd.s32 $0xFFFFC000  }
0x119: {  	[spmem:s2] =	stream.indirect.scatter.add.f32 [tilespmem:s24], [sflag:$0x5], $0x80, s6, s21, $0xb8;
	[tilespmem:$0x1CC00] =	vst v63  }
0x11a: {  	_ =	swait.ge [sflag:s17], $0x4000  }
0x11b: {  	[sflag:s17] =	ssyncset.done $0x0  }
0x11c: {  	s7 =	rddreg [dreg:$0xd];
	[sflag:s17] =	ssyncadd.s32 $0xFFFFC000  }
0x11d: {  	[tilespmem:s24], [sflag:$0x2] =	stream.indirect.gather [hbm4b:s4+s21], $0x80, s7, s21, $0xb8;
	[tilespmem:$0x1CC00] =	vst v63  }
0x11e: {  	_ =	swait.ge [sflag:s25], $0x4000  }
0x11f: {  	[sflag:s25] =	ssyncset.done $0x0  }
0x120: {  	s6 =	rddreg [dreg:$0xe];
	[sflag:s25] =	ssyncadd.s32 $0xFFFFC000  }
0x121: {  	[spmem:s2] =	stream.indirect.scatter.add.f32 [tilespmem:s16], [sflag:$0x5], $0x80, s6, s21, $0xb8;
	[tilespmem:$0x1CC00] =	vst v63  }
0x122: {  	_ =	swait.ge [sflag:s17], $0x4000  }
0x123: {  	[sflag:s17] =	ssyncset.done $0x0  }
0x124: {  	[sflag:s17] =	ssyncadd.s32 $0xFFFFC000  }
0x125: {  	_ =	swait.ge [sflag:s18], $0x400  }
0x126: {  	[sflag:s18] =	ssyncset.done $0x0  }
0x127: {  	[sflag:s18] =	ssyncadd.s32 $0xFFFFFC00  }
0x128: {  	_ =	swait.ge [sflag:s20], $0x400  }
0x129: {  	[sflag:s20] =	ssyncset.done $0x0  }
0x12a: {  	[sflag:s20] =	ssyncadd.s32 $0xFFFFFC00  }
0x12b: {  	[tilespmem:s16], [sflag:$0x1] =	stream.indirect.gather [hbm4b:s4+s21], $0x80, s22, s21, $0xb8;
	[tilespmem:$0x1CC00] =	vst v63  }
0x12c: {  	_ =	swait.ge [sflag:s26], $0x4000  }
0x12d: {  	[sflag:s26] =	ssyncset.done $0x0  }
0x12e: {  	s7 =	rddreg [dreg:$0xf];
	[sflag:s26] =	ssyncadd.s32 $0xFFFFC000  }
0x12f: {  	[spmem:s2] =	stream.indirect.scatter.add.f32 [tilespmem:s24], [sflag:$0x5], $0x80, s7, s21, $0xb8;
	[tilespmem:$0x1CC00] =	vst v63  }
0x130: {  	p1 =	seq.s32 s30, $0x400;
	_ =	swait.ge [sflag:s17], $0x4000  }
0x131: {  	s1 =	sadd.s32 @!p1 s30, s14;
	s30 =	sadd.s32 @!p1 s30, s15;
	[sflag:s17] =	ssyncset.done $0x0  }
0x132: {  	s6 =	sadd.s32 @!p1 $0x100, s1;
	s1 =	simm.s32 @!p1 $0x0;
	[sflag:s17] =	ssyncadd.s32 $0xFFFFC000  }
0x133: {  	[tilespmem:s1], [sflag:$0x3] =	stream.linear.gather @!p1 [hbm4b:s6+s1], $0x400, $0x38;
	[tilespmem:$0x1CC00] =	vst v63  }
0x134: {  	s6 =	sadd.s32 @!p1 $0x100, s30;
	s30 =	simm.s32 @!p1 $0x800  }
0x135: {  	[tilespmem:s30], [sflag:$0x4] =	stream.linear.gather @!p1 [hbm4b:s6+s1], $0x400, $0x38;
	[tilespmem:$0x1CC00] =	vst v63  }
0x136: {  	s7 =	rddreg [dreg:$0x10]  }
0x137: {  	[tilespmem:s24], [sflag:$0x2] =	stream.indirect.gather [hbm4b:s4+s21], $0x80, s7, s21, $0xb8;
	[tilespmem:$0x1CC00] =	vst v63  }
0x138: {  	_ =	swait.ge [sflag:s25], $0x4000  }
0x139: {  	[sflag:s25] =	ssyncset.done $0x0  }
0x13a: {  	[sflag:s25] =	ssyncadd.s32 $0xFFFFC000  }
0x13b: {  	[spmem:s2] =	stream.indirect.scatter.add.f32 [tilespmem:s16], [sflag:$0x5], $0x80, s23, s21, $0xb8;
	[tilespmem:$0x1CC00] =	vst v63  }
0x13c: {  	_ =	swait.ge [sflag:s17], $0x4000  }
0x13d: {  	[sflag:s17] =	ssyncset.done $0x0  }
0x13e: {  	s6 =	rddreg [dreg:$0x11];
	[sflag:s17] =	ssyncadd.s32 $0xFFFFC000  }
0x13f: {  	[tilespmem:s16], [sflag:$0x1] =	stream.indirect.gather [hbm4b:s4+s21], $0x80, s6, s21, $0xb8;
	[tilespmem:$0x1CC00] =	vst v63  }
0x140: {  	_ =	swait.ge [sflag:s26], $0x4000  }
0x141: {  	[sflag:s26] =	ssyncset.done $0x0  }
0x142: {  	s7 =	rddreg [dreg:$0x12];
	[sflag:s26] =	ssyncadd.s32 $0xFFFFC000  }
0x143: {  	[spmem:s2] =	stream.indirect.scatter.add.f32 [tilespmem:s24], [sflag:$0x5], $0x80, s7, s21, $0xb8;
	[tilespmem:$0x1CC00] =	vst v63  }
0x144: {  	_ =	swait.ge [sflag:s17], $0x4000  }
0x145: {  	[sflag:s17] =	ssyncset.done $0x0  }
0x146: {  	s6 =	rddreg [dreg:$0x13];
	[sflag:s17] =	ssyncadd.s32 $0xFFFFC000  }
0x147: {  	[tilespmem:s24], [sflag:$0x2] =	stream.indirect.gather [hbm4b:s4+s21], $0x80, s6, s21, $0xb8;
	[tilespmem:$0x1CC00] =	vst v63  }
0x148: {  	_ =	swait.ge [sflag:s25], $0x4000  }
0x149: {  	[sflag:s25] =	ssyncset.done $0x0  }
0x14a: {  	s7 =	rddreg [dreg:$0x14];
	[sflag:s25] =	ssyncadd.s32 $0xFFFFC000  }
0x14b: {  	[spmem:s2] =	stream.indirect.scatter.add.f32 [tilespmem:s16], [sflag:$0x5], $0x80, s7, s21, $0xb8;
	[tilespmem:$0x1CC00] =	vst v63  }
0x14c: {  	_ =	swait.ge [sflag:s17], $0x4000  }
0x14d: {  	[sflag:s17] =	ssyncset.done $0x0  }
0x14e: {  	s6 =	rddreg [dreg:$0x15];
	[sflag:s17] =	ssyncadd.s32 $0xFFFFC000  }
0x14f: {  	[tilespmem:s16], [sflag:$0x1] =	stream.indirect.gather [hbm4b:s4+s21], $0x80, s6, s21, $0xb8;
	[tilespmem:$0x1CC00] =	vst v63  }
0x150: {  	_ =	swait.ge [sflag:s26], $0x4000  }
0x151: {  	[sflag:s26] =	ssyncset.done $0x0  }
0x152: {  	s7 =	rddreg [dreg:$0x16];
	[sflag:s26] =	ssyncadd.s32 $0xFFFFC000  }
0x153: {  	[spmem:s2] =	stream.indirect.scatter.add.f32 [tilespmem:s24], [sflag:$0x5], $0x80, s7, s21, $0xb8;
	[tilespmem:$0x1CC00] =	vst v63  }
0x154: {  	_ =	swait.ge [sflag:s17], $0x4000  }
0x155: {  	[sflag:s17] =	ssyncset.done $0x0  }
0x156: {  	s6 =	rddreg [dreg:$0x17];
	[sflag:s17] =	ssyncadd.s32 $0xFFFFC000  }
0x157: {  	[tilespmem:s24], [sflag:$0x2] =	stream.indirect.gather [hbm4b:s4+s21], $0x80, s6, s21, $0xb8;
	[tilespmem:$0x1CC00] =	vst v63  }
0x158: {  	_ =	swait.ge [sflag:s25], $0x4000  }
0x159: {  	[sflag:s25] =	ssyncset.done $0x0  }
0x15a: {  	s7 =	rddreg [dreg:$0x18];
	[sflag:s25] =	ssyncadd.s32 $0xFFFFC000  }
0x15b: {  	[spmem:s2] =	stream.indirect.scatter.add.f32 [tilespmem:s16], [sflag:$0x5], $0x80, s7, s21, $0xb8;
	[tilespmem:$0x1CC00] =	vst v63  }
0x15c: {  	_ =	swait.ge [sflag:s17], $0x4000  }
0x15d: {  	[sflag:s17] =	ssyncset.done $0x0  }
0x15e: {  	s6 =	rddreg [dreg:$0x19];
	[sflag:s17] =	ssyncadd.s32 $0xFFFFC000  }
0x15f: {  	[tilespmem:s16], [sflag:$0x1] =	stream.indirect.gather [hbm4b:s4+s21], $0x80, s6, s21, $0xb8;
	[tilespmem:$0x1CC00] =	vst v63  }
0x160: {  	_ =	swait.ge [sflag:s26], $0x4000  }
0x161: {  	[sflag:s26] =	ssyncset.done $0x0  }
0x162: {  	s7 =	rddreg [dreg:$0x1a];
	[sflag:s26] =	ssyncadd.s32 $0xFFFFC000  }
0x163: {  	[spmem:s2] =	stream.indirect.scatter.add.f32 [tilespmem:s24], [sflag:$0x5], $0x80, s7, s21, $0xb8;
	[tilespmem:$0x1CC00] =	vst v63  }
0x164: {  	_ =	swait.ge [sflag:s17], $0x4000  }
0x165: {  	[sflag:s17] =	ssyncset.done $0x0  }
0x166: {  	s6 =	rddreg [dreg:$0x1b];
	[sflag:s17] =	ssyncadd.s32 $0xFFFFC000  }
0x167: {  	[tilespmem:s24], [sflag:$0x2] =	stream.indirect.gather [hbm4b:s4+s21], $0x80, s6, s21, $0xb8;
	[tilespmem:$0x1CC00] =	vst v63  }
0x168: {  	_ =	swait.ge [sflag:s25], $0x4000  }
0x169: {  	[sflag:s25] =	ssyncset.done $0x0  }
0x16a: {  	s7 =	rddreg [dreg:$0x1c];
	[sflag:s25] =	ssyncadd.s32 $0xFFFFC000  }
0x16b: {  	[spmem:s2] =	stream.indirect.scatter.add.f32 [tilespmem:s16], [sflag:$0x5], $0x80, s7, s21, $0xb8;
	[tilespmem:$0x1CC00] =	vst v63  }
0x16c: {  	_ =	swait.ge [sflag:s17], $0x4000  }
0x16d: {  	s0 =	smov.u32 s31;
	[sflag:s17] =	ssyncset.done $0x0  }
0x16e: {  	s30 =	smov.u32 s0;
	s0 =	simm.s32 @!p1 $0x3;
	[sflag:s17] =	ssyncadd.s32 $0xFFFFC000  }
0x16f: {  	_ =	swait.ge @!p1 [sflag:s0], $0x400  }
0x170: {  	[sflag:s0] =	ssyncset.done @!p1 $0x0  }
0x171: {  	[sflag:s0] =	ssyncadd.s32 @!p1 $0xFFFFFC00;
	s0 =	simm.s32 @!p1 $0x4  }
0x172: {  	_ =	swait.ge @!p1 [sflag:s0], $0x400  }
0x173: {  	s31 =	sadd.s32 $0x100, s31;
	[sflag:s0] =	ssyncset.done @!p1 $0x0  }
0x174: {  	s6 =	simm.s32 @!p1 $0x1000;
	[sflag:s0] =	ssyncadd.s32 @!p1 $0xFFFFFC00;
	s0 =	simm.s32 @!p1 $0x80  }
0x175: {  	[tilespmem:s6], [sflag:$0x1] =	stream.indirect.gather @!p1 [hbm4b:s4+s0], $0x80, s1, s0, $0xb8;
	[tilespmem:$0x1CC00] =	vst v63  }
0x176: {  	p0 =	sne.s32 s31, $0x500;
	_ =	swait.ge [sflag:s26], $0x4000  }
.Ltmp1:
0x177: {  	[sflag:s26] =	ssyncset.done $0x0;
	(pc) =	sbr.rel @p0 .LBB2_4-.Ltmp1, $4  }
0x178: {  	[sflag:s26] =	ssyncadd.s32 $0xFFFFC000  }
0x179: {  	[spmem:s2] =	stream.indirect.scatter.add.f32 [tilespmem:s24], [sflag:$0x5], $0x80, s28, s21, $0xb8;
	[tilespmem:$0x1CC00] =	vst v63  }
0x17a: {  	_ =	swait.ge [sflag:s17], $0x4000  }
0x17b: {  	s0 =	sadd.s32 s30, s14;
	[sflag:s17] =	ssyncset.done $0x0  }
0x17c: {  	s0 =	sadd.s32 $0x80, s0;
	s1 =	sadd.s32 s30, s15;
	[sflag:s17] =	ssyncadd.s32 $0xFFFFC000  }
0x17d: {  	[tilespmem:s22], [sflag:$0x3] =	stream.linear.gather [hbm4b:s0+s3], $0x400, $0x38;
	[tilespmem:$0x1CC00] =	vst v63  }
0x17e: {  	s6 =	sadd.s32 $0x80, s1  }
0x17f: {  	[tilespmem:s23], [sflag:$0x4] =	stream.linear.gather [hbm4b:s6+s3], $0x400, $0x38;
	[tilespmem:$0x1CC00] =	vst v63  }
0x180: {  	_ = 	snop  }
0x181: {  	[tilespmem:s24], [sflag:$0x2] =	stream.indirect.gather [hbm4b:s4+s21], $0x80, s21, s21, $0xb8;
	[tilespmem:$0x1CC00] =	vst v63  }
0x182: {  	_ =	swait.ge [sflag:s25], $0x4000  }
0x183: {  	[sflag:s25] =	ssyncset.done $0x0  }
0x184: {  	[sflag:s25] =	ssyncadd.s32 $0xFFFFC000  }
0x185: {  	[spmem:s2] =	stream.indirect.scatter.add.f32 [tilespmem:s16], [sflag:$0x5], $0x80, s19, s21, $0xb8;
	[tilespmem:$0x1CC00] =	vst v63  }
0x186: {  	_ =	swait.ge [sflag:s17], $0x4000  }
0x187: {  	[sflag:s17] =	ssyncset.done $0x0  }
0x188: {  	s7 =	rddreg [dreg:$0x3];
	[sflag:s17] =	ssyncadd.s32 $0xFFFFC000  }
0x189: {  	[tilespmem:s16], [sflag:$0x1] =	stream.indirect.gather [hbm4b:s4+s21], $0x80, s7, s21, $0xb8;
	[tilespmem:$0x1CC00] =	vst v63  }
0x18a: {  	_ =	swait.ge [sflag:s26], $0x4000  }
0x18b: {  	[sflag:s26] =	ssyncset.done $0x0  }
0x18c: {  	s31 =	rddreg [dreg:$0x4];
	[sflag:s26] =	ssyncadd.s32 $0xFFFFC000  }
0x18d: {  	[spmem:s2] =	stream.indirect.scatter.add.f32 [tilespmem:s24], [sflag:$0x5], $0x80, s31, s21, $0xb8;
	[tilespmem:$0x1CC00] =	vst v63  }
0x18e: {  	_ =	swait.ge [sflag:s17], $0x4000  }
0x18f: {  	[sflag:s17] =	ssyncset.done $0x0  }
0x190: {  	s1 =	rddreg [dreg:$0x5];
	[sflag:s17] =	ssyncadd.s32 $0xFFFFC000  }
0x191: {  	[tilespmem:s24], [sflag:$0x2] =	stream.indirect.gather [hbm4b:s4+s21], $0x80, s1, s21, $0xb8;
	[tilespmem:$0x1CC00] =	vst v63  }
0x192: {  	_ =	swait.ge [sflag:s25], $0x4000  }
0x193: {  	[sflag:s25] =	ssyncset.done $0x0  }
0x194: {  	s6 =	rddreg [dreg:$0x6];
	[sflag:s25] =	ssyncadd.s32 $0xFFFFC000  }
0x195: {  	[spmem:s2] =	stream.indirect.scatter.add.f32 [tilespmem:s16], [sflag:$0x5], $0x80, s6, s21, $0xb8;
	[tilespmem:$0x1CC00] =	vst v63  }
0x196: {  	_ =	swait.ge [sflag:s17], $0x4000  }
0x197: {  	[sflag:s17] =	ssyncset.done $0x0  }
0x198: {  	s7 =	rddreg [dreg:$0x7];
	[sflag:s17] =	ssyncadd.s32 $0xFFFFC000  }
0x199: {  	[tilespmem:s16], [sflag:$0x1] =	stream.indirect.gather [hbm4b:s4+s21], $0x80, s7, s21, $0xb8;
	[tilespmem:$0x1CC00] =	vst v63  }
0x19a: {  	_ =	swait.ge [sflag:s26], $0x4000  }
0x19b: {  	[sflag:s26] =	ssyncset.done $0x0  }
0x19c: {  	s31 =	rddreg [dreg:$0x8];
	[sflag:s26] =	ssyncadd.s32 $0xFFFFC000  }
0x19d: {  	[spmem:s2] =	stream.indirect.scatter.add.f32 [tilespmem:s24], [sflag:$0x5], $0x80, s31, s21, $0xb8;
	[tilespmem:$0x1CC00] =	vst v63  }
0x19e: {  	_ =	swait.ge [sflag:s17], $0x4000  }
0x19f: {  	[sflag:s17] =	ssyncset.done $0x0  }
0x1a0: {  	s1 =	rddreg [dreg:$0x9];
	[sflag:s17] =	ssyncadd.s32 $0xFFFFC000  }
0x1a1: {  	[tilespmem:s24], [sflag:$0x2] =	stream.indirect.gather [hbm4b:s4+s21], $0x80, s1, s21, $0xb8;
	[tilespmem:$0x1CC00] =	vst v63  }
0x1a2: {  	_ =	swait.ge [sflag:s25], $0x4000  }
0x1a3: {  	[sflag:s25] =	ssyncset.done $0x0  }
0x1a4: {  	s6 =	rddreg [dreg:$0xa];
	[sflag:s25] =	ssyncadd.s32 $0xFFFFC000  }
0x1a5: {  	[spmem:s2] =	stream.indirect.scatter.add.f32 [tilespmem:s16], [sflag:$0x5], $0x80, s6, s21, $0xb8;
	[tilespmem:$0x1CC00] =	vst v63  }
0x1a6: {  	_ =	swait.ge [sflag:s17], $0x4000  }
0x1a7: {  	[sflag:s17] =	ssyncset.done $0x0  }
0x1a8: {  	s7 =	rddreg [dreg:$0xb];
	[sflag:s17] =	ssyncadd.s32 $0xFFFFC000  }
0x1a9: {  	[tilespmem:s16], [sflag:$0x1] =	stream.indirect.gather [hbm4b:s4+s21], $0x80, s7, s21, $0xb8;
	[tilespmem:$0x1CC00] =	vst v63  }
0x1aa: {  	_ =	swait.ge [sflag:s26], $0x4000  }
0x1ab: {  	[sflag:s26] =	ssyncset.done $0x0  }
0x1ac: {  	s31 =	rddreg [dreg:$0xc];
	[sflag:s26] =	ssyncadd.s32 $0xFFFFC000  }
0x1ad: {  	[spmem:s2] =	stream.indirect.scatter.add.f32 [tilespmem:s24], [sflag:$0x5], $0x80, s31, s21, $0xb8;
	[tilespmem:$0x1CC00] =	vst v63  }
0x1ae: {  	_ =	swait.ge [sflag:s17], $0x4000  }
0x1af: {  	[sflag:s17] =	ssyncset.done $0x0  }
0x1b0: {  	s1 =	rddreg [dreg:$0xd];
	[sflag:s17] =	ssyncadd.s32 $0xFFFFC000  }
0x1b1: {  	[tilespmem:s24], [sflag:$0x2] =	stream.indirect.gather [hbm4b:s4+s21], $0x80, s1, s21, $0xb8;
	[tilespmem:$0x1CC00] =	vst v63  }
0x1b2: {  	_ =	swait.ge [sflag:s25], $0x4000  }
0x1b3: {  	[sflag:s25] =	ssyncset.done $0x0  }
0x1b4: {  	s6 =	rddreg [dreg:$0xe];
	[sflag:s25] =	ssyncadd.s32 $0xFFFFC000  }
0x1b5: {  	[spmem:s2] =	stream.indirect.scatter.add.f32 [tilespmem:s16], [sflag:$0x5], $0x80, s6, s21, $0xb8;
	[tilespmem:$0x1CC00] =	vst v63  }
0x1b6: {  	_ =	swait.ge [sflag:s17], $0x4000  }
0x1b7: {  	[sflag:s17] =	ssyncset.done $0x0  }
0x1b8: {  	[sflag:s17] =	ssyncadd.s32 $0xFFFFC000  }
0x1b9: {  	_ =	swait.ge [sflag:s18], $0x400  }
0x1ba: {  	[sflag:s18] =	ssyncset.done $0x0  }
0x1bb: {  	[sflag:s18] =	ssyncadd.s32 $0xFFFFFC00  }
0x1bc: {  	_ =	swait.ge [sflag:s20], $0x400  }
0x1bd: {  	[sflag:s20] =	ssyncset.done $0x0  }
0x1be: {  	[sflag:s20] =	ssyncadd.s32 $0xFFFFFC00  }
0x1bf: {  	[tilespmem:s16], [sflag:$0x1] =	stream.indirect.gather [hbm4b:s4+s21], $0x80, s22, s21, $0xb8;
	[tilespmem:$0x1CC00] =	vst v63  }
0x1c0: {  	_ =	swait.ge [sflag:s26], $0x4000  }
0x1c1: {  	[sflag:s26] =	ssyncset.done $0x0  }
0x1c2: {  	s7 =	rddreg [dreg:$0xf];
	[sflag:s26] =	ssyncadd.s32 $0xFFFFC000  }
0x1c3: {  	[spmem:s2] =	stream.indirect.scatter.add.f32 [tilespmem:s24], [sflag:$0x5], $0x80, s7, s21, $0xb8;
	[tilespmem:$0x1CC00] =	vst v63  }
0x1c4: {  	p0 =	seq.s32 s30, $0x400;
	_ =	swait.ge [sflag:s17], $0x4000  }
0x1c5: {  	s0 =	sadd.s32 @!p0 s30, s14;
	s1 =	sadd.s32 @!p0 s30, s15;
	[sflag:s17] =	ssyncset.done $0x0  }
0x1c6: {  	s6 =	sadd.s32 @!p0 $0x100, s0;
	s0 =	simm.s32 @!p0 $0x0;
	[sflag:s17] =	ssyncadd.s32 $0xFFFFC000  }
0x1c7: {  	[tilespmem:s0], [sflag:$0x3] =	stream.linear.gather @!p0 [hbm4b:s6+s0], $0x400, $0x38;
	[tilespmem:$0x1CC00] =	vst v63  }
0x1c8: {  	s1 =	sadd.s32 @!p0 $0x100, s1;
	s6 =	simm.s32 @!p0 $0x800  }
0x1c9: {  	[tilespmem:s6], [sflag:$0x4] =	stream.linear.gather @!p0 [hbm4b:s1+s0], $0x400, $0x38;
	[tilespmem:$0x1CC00] =	vst v63  }
0x1ca: {  	s7 =	rddreg [dreg:$0x10]  }
0x1cb: {  	[tilespmem:s24], [sflag:$0x2] =	stream.indirect.gather [hbm4b:s4+s21], $0x80, s7, s21, $0xb8;
	[tilespmem:$0x1CC00] =	vst v63  }
0x1cc: {  	_ =	swait.ge [sflag:s25], $0x4000  }
0x1cd: {  	[sflag:s25] =	ssyncset.done $0x0  }
0x1ce: {  	[sflag:s25] =	ssyncadd.s32 $0xFFFFC000  }
0x1cf: {  	[spmem:s2] =	stream.indirect.scatter.add.f32 [tilespmem:s16], [sflag:$0x5], $0x80, s23, s21, $0xb8;
	[tilespmem:$0x1CC00] =	vst v63  }
0x1d0: {  	_ =	swait.ge [sflag:s17], $0x4000  }
0x1d1: {  	[sflag:s17] =	ssyncset.done $0x0  }
0x1d2: {  	s30 =	rddreg [dreg:$0x11];
	[sflag:s17] =	ssyncadd.s32 $0xFFFFC000  }
0x1d3: {  	[tilespmem:s16], [sflag:$0x1] =	stream.indirect.gather [hbm4b:s4+s21], $0x80, s30, s21, $0xb8;
	[tilespmem:$0x1CC00] =	vst v63  }
0x1d4: {  	_ =	swait.ge [sflag:s26], $0x4000  }
0x1d5: {  	[sflag:s26] =	ssyncset.done $0x0  }
0x1d6: {  	s31 =	rddreg [dreg:$0x12];
	[sflag:s26] =	ssyncadd.s32 $0xFFFFC000  }
0x1d7: {  	[spmem:s2] =	stream.indirect.scatter.add.f32 [tilespmem:s24], [sflag:$0x5], $0x80, s31, s21, $0xb8;
	[tilespmem:$0x1CC00] =	vst v63  }
0x1d8: {  	_ =	swait.ge [sflag:s17], $0x4000  }
0x1d9: {  	[sflag:s17] =	ssyncset.done $0x0  }
0x1da: {  	s6 =	rddreg [dreg:$0x13];
	[sflag:s17] =	ssyncadd.s32 $0xFFFFC000  }
0x1db: {  	[tilespmem:s24], [sflag:$0x2] =	stream.indirect.gather [hbm4b:s4+s21], $0x80, s6, s21, $0xb8;
	[tilespmem:$0x1CC00] =	vst v63  }
0x1dc: {  	_ =	swait.ge [sflag:s25], $0x4000  }
0x1dd: {  	[sflag:s25] =	ssyncset.done $0x0  }
0x1de: {  	s7 =	rddreg [dreg:$0x14];
	[sflag:s25] =	ssyncadd.s32 $0xFFFFC000  }
0x1df: {  	[spmem:s2] =	stream.indirect.scatter.add.f32 [tilespmem:s16], [sflag:$0x5], $0x80, s7, s21, $0xb8;
	[tilespmem:$0x1CC00] =	vst v63  }
0x1e0: {  	_ =	swait.ge [sflag:s17], $0x4000  }
0x1e1: {  	[sflag:s17] =	ssyncset.done $0x0  }
0x1e2: {  	s30 =	rddreg [dreg:$0x15];
	[sflag:s17] =	ssyncadd.s32 $0xFFFFC000  }
0x1e3: {  	[tilespmem:s16], [sflag:$0x1] =	stream.indirect.gather [hbm4b:s4+s21], $0x80, s30, s21, $0xb8;
	[tilespmem:$0x1CC00] =	vst v63  }
0x1e4: {  	_ =	swait.ge [sflag:s26], $0x4000  }
0x1e5: {  	[sflag:s26] =	ssyncset.done $0x0  }
0x1e6: {  	s31 =	rddreg [dreg:$0x16];
	[sflag:s26] =	ssyncadd.s32 $0xFFFFC000  }
0x1e7: {  	[spmem:s2] =	stream.indirect.scatter.add.f32 [tilespmem:s24], [sflag:$0x5], $0x80, s31, s21, $0xb8;
	[tilespmem:$0x1CC00] =	vst v63  }
0x1e8: {  	_ =	swait.ge [sflag:s17], $0x4000  }
0x1e9: {  	[sflag:s17] =	ssyncset.done $0x0  }
0x1ea: {  	s6 =	rddreg [dreg:$0x17];
	[sflag:s17] =	ssyncadd.s32 $0xFFFFC000  }
0x1eb: {  	[tilespmem:s24], [sflag:$0x2] =	stream.indirect.gather [hbm4b:s4+s21], $0x80, s6, s21, $0xb8;
	[tilespmem:$0x1CC00] =	vst v63  }
0x1ec: {  	_ =	swait.ge [sflag:s25], $0x4000  }
0x1ed: {  	[sflag:s25] =	ssyncset.done $0x0  }
0x1ee: {  	s7 =	rddreg [dreg:$0x18];
	[sflag:s25] =	ssyncadd.s32 $0xFFFFC000  }
0x1ef: {  	[spmem:s2] =	stream.indirect.scatter.add.f32 [tilespmem:s16], [sflag:$0x5], $0x80, s7, s21, $0xb8;
	[tilespmem:$0x1CC00] =	vst v63  }
0x1f0: {  	_ =	swait.ge [sflag:s17], $0x4000  }
0x1f1: {  	[sflag:s17] =	ssyncset.done $0x0  }
0x1f2: {  	s30 =	rddreg [dreg:$0x19];
	[sflag:s17] =	ssyncadd.s32 $0xFFFFC000  }
0x1f3: {  	[tilespmem:s16], [sflag:$0x1] =	stream.indirect.gather [hbm4b:s4+s21], $0x80, s30, s21, $0xb8;
	[tilespmem:$0x1CC00] =	vst v63  }
0x1f4: {  	_ =	swait.ge [sflag:s26], $0x4000  }
0x1f5: {  	[sflag:s26] =	ssyncset.done $0x0  }
0x1f6: {  	s31 =	rddreg [dreg:$0x1a];
	[sflag:s26] =	ssyncadd.s32 $0xFFFFC000  }
0x1f7: {  	[spmem:s2] =	stream.indirect.scatter.add.f32 [tilespmem:s24], [sflag:$0x5], $0x80, s31, s21, $0xb8;
	[tilespmem:$0x1CC00] =	vst v63  }
0x1f8: {  	_ =	swait.ge [sflag:s17], $0x4000  }
0x1f9: {  	[sflag:s17] =	ssyncset.done $0x0  }
0x1fa: {  	s6 =	rddreg [dreg:$0x1b];
	[sflag:s17] =	ssyncadd.s32 $0xFFFFC000  }
0x1fb: {  	[tilespmem:s24], [sflag:$0x2] =	stream.indirect.gather [hbm4b:s4+s21], $0x80, s6, s21, $0xb8;
	[tilespmem:$0x1CC00] =	vst v63  }
0x1fc: {  	_ =	swait.ge [sflag:s25], $0x4000  }
0x1fd: {  	[sflag:s25] =	ssyncset.done $0x0  }
0x1fe: {  	s7 =	rddreg [dreg:$0x1c];
	[sflag:s25] =	ssyncadd.s32 $0xFFFFC000  }
0x1ff: {  	[spmem:s2] =	stream.indirect.scatter.add.f32 [tilespmem:s16], [sflag:$0x5], $0x80, s7, s21, $0xb8;
	[tilespmem:$0x1CC00] =	vst v63  }
0x200: {  	_ =	swait.ge [sflag:s17], $0x4000  }
0x201: {  	[sflag:s17] =	ssyncset.done $0x0  }
0x202: {  	s1 =	simm.s32 @!p0 $0x3;
	[sflag:s17] =	ssyncadd.s32 $0xFFFFC000  }
0x203: {  	_ =	swait.ge @!p0 [sflag:s1], $0x400  }
0x204: {  	[sflag:s1] =	ssyncset.done @!p0 $0x0  }
0x205: {  	[sflag:s1] =	ssyncadd.s32 @!p0 $0xFFFFFC00;
	s1 =	simm.s32 @!p0 $0x4  }
0x206: {  	_ =	swait.ge @!p0 [sflag:s1], $0x400  }
0x207: {  	[sflag:s1] =	ssyncset.done @!p0 $0x0  }
0x208: {  	s6 =	simm.s32 @!p0 $0x1000;
	[sflag:s1] =	ssyncadd.s32 @!p0 $0xFFFFFC00;
	s1 =	simm.s32 @!p0 $0x80  }
0x209: {  	[tilespmem:s6], [sflag:$0x1] =	stream.indirect.gather @!p0 [hbm4b:s4+s1], $0x80, s0, s1, $0xb8;
	[tilespmem:$0x1CC00] =	vst v63  }
0x20a: {  	_ =	swait.ge [sflag:s26], $0x4000  }
0x20b: {  	[sflag:s26] =	ssyncset.done $0x0  }
0x20c: {  	[sflag:s26] =	ssyncadd.s32 $0xFFFFC000  }
0x20d: {  	[spmem:s2] =	stream.indirect.scatter.add.f32 [tilespmem:s24], [sflag:$0x5], $0x80, s28, s21, $0xb8;
	[tilespmem:$0x1CC00] =	vst v63  }
0x20e: {  	s29 =	sadd.s32 $0x1, s29;
	_ =	swait.ge [sflag:s17], $0x4000  }
0x20f: {  	s30 =	stileid.u32;
	s31 =	sshrl.u32 s5, $0x3;
	[sflag:s17] =	ssyncset.done $0x0  }
0x210: {  	s0 =	sshll.u32 s30, $0x6;
	p0 =	sne.s32 s29, s13;
	[sflag:s17] =	ssyncadd.s32 $0xFFFFC000  }
.Ltmp2:
0x211: {  	s0 =	sor.u32 $0x1C05, s0;
	[bflag:$0x0] =	sbarrier.arrive $0xFFFF;
	(pc) =	sbr.rel @p0 .LBB2_1-.Ltmp2, $4  }
0x212: {  	[hbm:s12], [sflag:s0] =	dma.local [spmem:s31], $0x2780  }
0x213: {  	_ =	swait.ge [sflag:s17], $0x2780  }
0x214: {  	[sflag:s17] =	ssyncset.done $0x0  }
0x215: {  	[sflag:s17] =	ssyncadd.s32 $0xFFFFD880  }
0x216: {  	_ =	sfence.sel $0x180000  }
0x217: {  	[bflag:$0x0] =	sbarrier.arrive $0xFFFF  }
0x218: {  	_ =	strace $0x9000004A  }
0x219: {  	s0 =	stileid.u32;
	[bflag:$0x2] =	sbarrier.arrive $0xFFFF  }
0x21a: {  	p0 =	sne.s32 s0, $0x0;
	s0 =	rddreg [dreg:$0x2]  }
0x21b: {  	s0 =	sadd.s32 @!p0 $0x100000, s0  }
0x21c: {  	[sflag:s0] =	ssyncadd.tile.s32 @!p0 $0x1;
	_ =	shalt  }
.Lfunc_end2:
_tile_overlayer_lowered:
.L_overlay_start_2:
0x21d: {  	(tag) =	ssettag $0x2  }
0x21e: {  	s0 =	rddreg [dreg:$0x0];
	s2 =	stileid.u32  }
0x21f: {  	s1 =	rddreg [dreg:$0x1];
	p0 =	sne.s32 s2, $0x0  }
0x220: {  	s3 =	rddreg [dreg:$0x2];
	[bflag:$0x3] =	sbarrier.arrive $0xFFFF;
	s2 =	simm.s32 @!p0 $0x1C05  }
0x221: {  	[timem:s3], [sflag:s2] =	dma.local @!p0 [hbm:s0], s1  }
0x222: {  	s0 =	simm.s32 @!p0 $0x5  }
0x223: {  	_ =	swait.ge @!p0 [sflag:s0], s1  }
0x224: {  	s1 =	ssub.s32 @!p0 $0x0, s1;
	[sflag:s0] =	ssyncset.done @!p0 $0x0  }
0x225: {  	[sflag:s0] =	ssyncadd.s32 @!p0 s1  }
0x226: {  	[bflag:$0x3] =	sbarrier.arrive $0xFFFF  }
0x227: {  	_ =	shalt  }

// kernel: kernel.7.cloned.1.call-start
scs
__scs_entry_jumppad:
0x0: {  	(pc) =	sbr.rel $0x88, $3  }
0x1: {  	(tag) =	ssettag $0x0;
	lr =	simm.s32 $0x1  }
0x2: {  	[smem:$0x3F96] =	sst lr;
	_ =	strace $0xD0000000  }
0x3: {  	_ = 	snop  }
0x4: {  	_ = 	snop  }
0x5: {  	_ = 	snop  }
0x6: {  	_ = 	snop  }
0x7: {  	_ = 	snop  }
__scs_overlays_trampoline_lowered:
0x8: {  	[smem:$0x3FA5] =	sst s0  }
0x9: {  	[smem:$0x3FA6] =	sst s1  }
0xa: {  	[smem:$0x3FA7] =	sst s2  }
0xb: {  	[smem:$0x3FA8] =	sst s3  }
0xc: {  	[smem:$0x3FA9] =	sst s4  }
0xd: {  	[smem:$0x3FAA] =	sst s5  }
0xe: {  	[smem:$0x3FAB] =	sst s6  }
0xf: {  	[smem:$0x3FAC] =	sst s7  }
0x10: {  	[smem:$0x3FAD] =	sst s8  }
0x11: {  	[smem:$0x3FAE] =	sst s9;
	s0 =	simm.s32 @!p0 $0x0  }
0x12: {  	s1 =	sld [smem:$0x3F94];
	s0 =	simm.s32 @p0 $0x1  }
0x13: {  	[smem:$0x3FAF] =	sst s0;
	s0 =	simm.s32 @!p1 $0x0  }
0x14: {  	s2 =	sld [smem:$0x3F93];
	s0 =	simm.s32 @p1 $0x1  }
0x15: {  	[smem:$0x3FB0] =	sst s0;
	s0 =	simm.s32 @!p2 $0x0  }
0x16: {  	s3 =	sld [smem:$0x3FDB];
	s0 =	simm.s32 @p2 $0x1  }
0x17: {  	s4 =	simm.s32 $0x1BF5;
	[smem:$0x3FB2] =	sst s0  }
0x18: {  	s0 =	sld [smem:$0x3F95];
	_ =	swait.ge [sflag:s4], $0x0  }
0x19: {  	s7 =	sld [smem:$0x3F96]  }
0x1a: {  	s8 =	sadd.s32 $0xFFFFE003, lr  }
0x1b: {  	s9 =	sadd.s32 $0xFFFFFEF7, lr;
	s5 =	simm.s32 $0xFFFFFFFF;
	p2 =	slt.u32 s8, $0xFFFFF086  }
0x1c: {  	p1 =	slt.u32 s9, $0xF7A;
	s5 =	simm.s32 @!p2 $0x0  }
0x1d: {  	s5 =	simm.s32 @p1 $0x1;
	p0 =	seq.s32 s7, s2  }
0x1e: {  	s7 =	smul.u32 @!p0 $0xF7A, s2;
	p2 =	seq.s32 @!p0 s5, $0x0  }
0x1f: {  	s9 =	smul.u32 $0xF7A, s1;
	s8 =	simm.s32 @!p0 $0x1BF5;
	p2 =	por !p2, p0  }
0x20: {  	[sflag:s8] =	ssyncset.s32 @!p0 $0xFFFFF086;
	s6 =	sadd.s32 @!p0 s3, s7;
	s7 =	simm.s32 @!p0 $0x108  }
0x21: {  	s3 =	sadd.s32 s3, s9;
	s6 =	sadd.s32 @!p0 $0x88, s6;
	s7 =	simm.s32 @p2 $0x1082  }
0x22: {  	[simem:s7], [sflag:s8] =	dma.local @!p0 [hbm:s6], $0xF7A  }
0x23: {  	s9 =	sor.u32 $0xD0000000, s2;
	s6 =	simm.s32 $0x108;
	_ =	swait.ge @!p0 [sflag:s8], $0x0  }
0x24: {  	s3 =	sadd.s32 $0x88, s3;
	s6 =	simm.s32 @!p1 $0x1082;
	[sflag:s4] =	ssyncset.s32 $0xFFFFF086  }
0x25: {  	[simem:s6], [sflag:s4] =	dma.local [hbm:s3], $0xF7A  }
0x26: {  	[smem:$0x3F96] =	sst s1;
	(tag) =	ssettag s2;
	_ =	strace s9  }
0x27: {  	s1 =	sld [smem:$0x3FA6]  }
0x28: {  	s2 =	sld [smem:$0x3FA7]  }
0x29: {  	s4 =	sld [smem:$0x3FA9]  }
0x2a: {  	p0 =	seq.s32 s5, $0x0;
	s5 =	sld [smem:$0x3FAA]  }
0x2b: {  	s6 =	sld [smem:$0x3FAB]  }
0x2c: {  	s7 =	sld [smem:$0x3FAC]  }
0x2d: {  	s3 =	simm.s32 $0x108;
	s8 =	sld [smem:$0x3FAD]  }
0x2e: {  	s3 =	simm.s32 @!p0 $0x1082;
	s9 =	sld [smem:$0x3FAE]  }
0x2f: {  	lr =	sadd.s32 s0, s3;
	s0 =	sld [smem:$0x3FA5]  }
0x30: {  	s3 =	sld [smem:$0x3FA8]  }
0x31: {  	[smem:$0x3FB1] =	sst s10  }
0x32: {  	s10 =	sld [smem:$0x3FAF];
	_ =	sdelay $0x3  }
0x33: {  	p0 =	seq.s32 s10, $0x1;
	s10 =	sld [smem:$0x3FB1];
	_ =	sdelay $0x3  }
0x34: {  	[smem:$0x3FB1] =	sst s10  }
0x35: {  	s10 =	sld [smem:$0x3FB0];
	_ =	sdelay $0x3  }
0x36: {  	p1 =	seq.s32 s10, $0x1;
	s10 =	sld [smem:$0x3FB1];
	_ =	sdelay $0x3  }
0x37: {  	[smem:$0x3FB1] =	sst s10  }
0x38: {  	s10 =	sld [smem:$0x3FB2]  }
0x39: {  	_ = 	snop;
	(pc) =	sbr.ind lr, $3  }
0x3a: {  	_ = 	snop  }
0x3b: {  	_ = 	snop  }
0x3c: {  	p2 =	seq.s32 s10, $0x1;
	s10 =	sld [smem:$0x3FB1]  }
0x3d: {  	_ =	shalt  }
0x3e: {  	_ =	shalt  }
0x3f: {  	_ =	shalt  }
0x40: {  	_ =	shalt  }
0x41: {  	_ =	shalt  }
0x42: {  	_ =	shalt  }
0x43: {  	_ =	shalt  }
0x44: {  	_ =	shalt  }
0x45: {  	_ =	shalt  }
0x46: {  	_ =	shalt  }
0x47: {  	_ =	shalt  }
0x48: {  	_ =	shalt  }
0x49: {  	_ =	shalt  }
0x4a: {  	_ =	shalt  }
0x4b: {  	_ =	shalt  }
0x4c: {  	_ =	shalt  }
0x4d: {  	_ =	shalt  }
0x4e: {  	_ =	shalt  }
0x4f: {  	_ =	shalt  }
0x50: {  	_ =	shalt  }
0x51: {  	_ =	shalt  }
0x52: {  	_ =	shalt  }
0x53: {  	_ =	shalt  }
0x54: {  	_ =	shalt  }
0x55: {  	_ =	shalt  }
0x56: {  	_ =	shalt  }
0x57: {  	_ =	shalt  }
0x58: {  	_ =	shalt  }
0x59: {  	_ =	shalt  }
0x5a: {  	_ =	shalt  }
0x5b: {  	_ =	shalt  }
0x5c: {  	_ =	shalt  }
0x5d: {  	_ =	shalt  }
0x5e: {  	_ =	shalt  }
0x5f: {  	_ =	shalt  }
0x60: {  	_ =	shalt  }
0x61: {  	_ =	shalt  }
0x62: {  	_ =	shalt  }
0x63: {  	_ =	shalt  }
0x64: {  	_ =	shalt  }
0x65: {  	_ =	shalt  }
0x66: {  	_ =	shalt  }
0x67: {  	_ =	shalt  }
0x68: {  	_ =	shalt  }
0x69: {  	_ =	shalt  }
0x6a: {  	_ =	shalt  }
0x6b: {  	_ =	shalt  }
0x6c: {  	_ =	shalt  }
0x6d: {  	_ =	shalt  }
0x6e: {  	_ =	shalt  }
0x6f: {  	_ =	shalt  }
0x70: {  	_ =	shalt  }
0x71: {  	_ =	shalt  }
0x72: {  	_ =	shalt  }
0x73: {  	_ =	shalt  }
0x74: {  	_ =	shalt  }
0x75: {  	_ =	shalt  }
0x76: {  	_ =	shalt  }
0x77: {  	_ =	shalt  }
0x78: {  	_ =	shalt  }
0x79: {  	_ =	shalt  }
0x7a: {  	_ =	shalt  }
0x7b: {  	_ =	shalt  }
0x7c: {  	_ =	shalt  }
0x7d: {  	_ =	shalt  }
0x7e: {  	_ =	shalt  }
0x7f: {  	_ =	shalt  }
0x80: {  	_ =	shalt  }
0x81: {  	_ =	shalt  }
0x82: {  	_ =	shalt  }
0x83: {  	_ =	shalt  }
0x84: {  	_ =	shalt  }
0x85: {  	_ =	shalt  }
0x86: {  	_ =	shalt  }
0x87: {  	_ =	shalt  }
.Lfunc_end0:
.L_simem_size_0:
called_computation_lowered:
.L_overlay_start_0:
0x88: {  	s2 =	sld [smem:$0x3FD9]  }
0x89: {  	s3 =	sld [smem:$0x3FFE];
	_ =	sdelay $0x1  }
0x8a: {  	s1 =	srdreg.scid  }
0x8b: {  	s0 =	sand.u32 $0x1, s1  }
0x8c: {  	s16 =	sshll.u32 s0, $0xA;
	s2 =	sadd.s32 s3, s2  }
0x8d: {  	s2 =	sadd.s32 s2, s16  }
0x8e: {  	[smem:$0x3FBD] =	sst s2  }
0x8f: {  	_ = 	snop  }
0x90: {  	(tm) =	ssettm $0x1  }
0x91: {  	s17 =	sld [smem:$0x3FFB];
	_ =	sdelay $0x3  }
0x92: {  	_ =	strace s17  }
0x93: {  	s2 =	sld [smem:$0x3FFC];
	_ =	sdelay $0x3  }
0x94: {  	_ =	strace s2  }
0x95: {  	s2 =	sld [smem:$0x3FFD];
	_ =	sdelay $0x3  }
0x96: {  	_ =	strace s2  }
0x97: {  	_ =	strace $0x8FFFFFFF  }
0x98: {  	s18 =	sld [smem:$0x3FDB];
	_ =	sdelay $0x1  }
0x99: {  	s19 =	simm.s32 $_scs_section_size  }
0x9a: {  	s4 =	simm.s32 $_size__tile_overlayer_lowered;
	s5 =	simm.s32 $_tile_overlayer_lowered  }
0x9b: {  	s22 =	simm.s32 $0x1BFF;
	s21 =	sshll.u32 s5, $0x1;
	s2 =	sadd.s32 s19, s18  }
0x9c: {  	s6 =	simm.s32 $0x0;
	s20 =	sshll.u32 s4, $0x1;
	s4 =	sadd.s32 s21, s2  }
0x9d: {  	[timem:s6], [sflag:s22] =	dma.local [hbm:s4], s20  }
0x9e: {  	_ =	swait.ge [sflag:s22], s20  }
0x9f: {  	s3 =	ssub.s32 $0x0, s20;
	[sflag:s22] =	ssyncset.done $0x0  }
0xa0: {  	[sflag:s22] =	ssyncadd.s32 s3;
	_ =	sdelay $0x1  }
0xa1: {  	s23 =	simm.s32 $0x1B8B  }
0xa2: {  	_ =	swait.ge [sflag:s23], $0x1  }
0xa3: {  	[sflag:s23] =	ssyncset.done $0x0  }
0xa4: {  	s25 =	simm.s32 $0x1B8E;
	s24 =	sld [smem:$0x3FFE];
	[sflag:s23] =	ssyncadd.s32 $0xFFFFFFFF  }
0xa5: {  	s26 =	simm.s32 $execute0_lowered;
	[smem:$0x3FD2] =	sst s25  }
0xa6: {  	s4 =	sshll.u32 s26, $0x1;
	_ =	strace $0x80000046;
	[dreg:$0x1] =	wrdreg $0xFFFFFFFF  }
0xa7: {  	s28 =	simm.s32 $_size_execute0_lowered;
	s2 =	sadd.s32 s2, s4;
	[dreg:$0x0] =	wrdreg $0x0  }
0xa8: {  	s4 =	sshll.u32 s28, $0x1;
	[dreg:$0x2] =	wrdreg s2  }
0xa9: {  	[dreg:$0x3] =	wrdreg s4  }
0xaa: {  	[dreg:$0x4] =	wrdreg $0xC0  }
0xab: {  	_ =	task [dreg:s6], $0x5FFFF  }
0xac: {  	[dreg:$0x1] =	wrdreg $0xFFFFFFFF  }
0xad: {  	[dreg:$0x0] =	wrdreg $0x60  }
0xae: {  	[dreg:$0x2] =	wrdreg s24  }
0xaf: {  	[dreg:$0x3] =	wrdreg $0x90000  }
0xb0: {  	[dreg:$0x4] =	wrdreg $0x9  }
0xb1: {  	_ =	task.clear_ibuf [dreg:s6], $0x5FFFF;
	_ =	strace $0x90000046  }
0xb2: {  	s29 =	simm.s32 $0x9;
	_ =	strace $0x80000048  }
0xb3: {  	_ =	swait.ge [sflag:s29], $0x1  }
0xb4: {  	[sflag:s29] =	ssyncadd.s32 $0xFFFFFFFF  }
0xb5: {  	_ =	strace $0x90000048  }
0xb6: {  	_ =	sfence  }
0xb7: {  	s30 =	sld [smem:$0x0];
	_ =	sdelay $0x2  }
0xb8: {  	s31 =	sshll.u32 s1, $0xD;
	s1 =	sshrl.u32 s1, $0x2  }
0xb9: {  	s3 =	sand.u32 $0x4000, s31;
	s1 =	sadd.s32 s1, s30  }
0xba: {  	s0 =	sor.u32 s3, s0;
	s1 =	sshll.u32 s1, $0x11  }
0xbb: {  	s0 =	sor.u32 s1, s0  }
0xbc: {  	s0 =	sadd.s32 $0x8F2B, s0  }
0xbd: {  	[sflag:s0] =	ssyncadd.remote.s32 $0x1  }
0xbe: {  	_ =	sfence.sel $0xFFFF  }
0xbf: {  	[dreg:$0x0] =	wrdreg $0xFFFFFFFF;
	(pc) =	sbr.abs _section_cstart, $3  }
0xc0: {  	[dreg:$0x1] =	wrdreg $0xFFFFFFFF  }
0xc1: {  	_ =	task.clear_ibuf [dreg:s6], $0x2FFFF;
	_ =	strace $0x9FFFFFFF  }
0xc2: {  	(tm) =	ssettm $0x7FFFFFFF  }
0xc3: {  	_ =	shalt  }
tec
execute0_lowered:
.L_overlay_start_1:
0x0: {  	(tag) =	ssettag $0x1  }
0x1: {  	s0 =	rddreg [dreg:$0x0]  }
0x2: {  	s1 =	srdreg.scid;
	s2 =	rddreg [dreg:$0x1];
	s3 =	simm.s32 $0x0  }
0x3: {  	s17 =	stileid.u32;
	s16 =	simm.s32 $0x100;
	[smem:$0x7FF] =	sst s3  }
0x4: {  	s19 =	simm.s32 $0x880;
	_ =	strace $0x80000047;
	[dreg:$0x3] =	wrdreg s16  }
0x5: {  	s20 =	simm.s32 $0x180;
	s21 =	simm.s32 $0x900;
	[dreg:$0x4] =	wrdreg s19  }
0x6: {  	s10 =	simm.s32 $0x200;
	s23 =	simm.s32 $0x980;
	[dreg:$0x5] =	wrdreg s20  }
0x7: {  	s24 =	simm.s32 $0x280;
	s12 =	simm.s32 $0xA00;
	[dreg:$0x6] =	wrdreg s21  }
0x8: {  	s25 =	simm.s32 $0x300;
	s26 =	simm.s32 $0x380;
	[dreg:$0x7] =	wrdreg s10  }
0x9: {  	s30 =	simm.s32 $0xB00;
	s31 =	simm.s32 $0xB80;
	[dreg:$0x8] =	wrdreg s23  }
0xa: {  	s28 =	simm.s32 $0xF80;
	s29 =	simm.s32 $0x0;
	[dreg:$0x9] =	wrdreg s24  }
0xb: {  	s1 =	sand.u32 $0x1, s1;
	s5 =	smul.u32 $0x13C00, s17;
	[dreg:$0xa] =	wrdreg s12  }
0xc: {  	s14 =	sadd.s32 $0x33000, s0;
	s8 =	smul.u32 $0x4F000, s17;
	[dreg:$0xb] =	wrdreg s25  }
0xd: {  	s15 =	sadd.s32 $0x29000, s0;
	s4 =	smul.u32 $0x13C000, s1;
	[dreg:$0xd] =	wrdreg s26  }
0xe: {  	s13 =	ssub.s32 $0x2, s1;
	s7 =	sshll.u32 s1, $0x4;
	[dreg:$0xe] =	wrdreg s30  }
0xf: {  	s16 =	simm.s32 $0xA80;
	s1 =	smul.u32 $0x5000, s1;
	[dreg:$0xf] =	wrdreg s31  }
0x10: {  	s19 =	simm.s32 $0x580;
	s20 =	simm.s32 $0xD00;
	[dreg:$0xc] =	wrdreg s16  }
0x11: {  	s21 =	simm.s32 $0x600;
	s23 =	simm.s32 $0x680;
	[dreg:$0x13] =	wrdreg s19  }
0x12: {  	s24 =	simm.s32 $0xE00;
	s25 =	simm.s32 $0x700;
	[dreg:$0x14] =	wrdreg s20  }
0x13: {  	s26 =	simm.s32 $0xE80;
	s30 =	simm.s32 $0x780;
	[dreg:$0x15] =	wrdreg s21  }
0x14: {  	s31 =	simm.s32 $0xF00;
	s6 =	sshrl.u32 s13, $0x1;
	[dreg:$0x17] =	wrdreg s23  }
0x15: {  	s9 =	sor.u32 s17, s7;
	s18 =	sshrl.u32 s8, $0x2;
	[dreg:$0x18] =	wrdreg s24  }
0x16: {  	s7 =	simm.s32 $0x480;
	s16 =	simm.s32 $0x1000;
	[dreg:$0x19] =	wrdreg s25  }
0x17: {  	s19 =	simm.s32 $0x800;
	s20 =	simm.s32 $0x4;
	[dreg:$0x1a] =	wrdreg s26  }
0x18: {  	s21 =	simm.s32 $0x80;
	s23 =	simm.s32 $0xC00;
	[dreg:$0x1b] =	wrdreg s30  }
0x19: {  	s24 =	simm.s32 $0x5000;
	[dreg:$0x1c] =	wrdreg s31;
	s25 =	simm.s32 $0x1  }
0x1a: {  	s26 =	simm.s32 $0x2;
	s5 =	sadd.s32 s5, s4;
	s4 =	sadd.s32 $0x1E00, s0  }
0x1b: {  	s13 =	ssub.s32 s13, s6;
	s11 =	smul.u32 $0x500, s9;
	s5 =	sshrl.u32 s5, $0x3  }
0x1c: {  	[dreg:$0x10] =	wrdreg s7;
	s13 =	smax.u32 s13, $0x1;
	s0 =	sadd.s32 s5, s0  }
0x1d: {  	s5 =	sadd.s32 s18, s2;
	s10 =	sadd.s32 s14, s11;
	s11 =	sadd.s32 s15, s11  }
0x1e: {  	s14 =	sadd.s32 s1, s14;
	s18 =	simm.s32 $0xC80;
	s1 =	sadd.s32 s1, s15  }
0x1f: {  	s6 =	sadd.s32 $0x4000, s5;
	s22 =	sadd.s32 $0x8000, s5;
	[dreg:$0x12] =	wrdreg s18  }
0x20: {  	s8 =	sadd.s32 $0xC000, s5;
	s9 =	sadd.s32 $0x10000, s5;
	[dreg:$0x1d] =	wrdreg s6  }
0x21: {  	[dreg:$0x1e] =	wrdreg s22;
	s6 =	smul.u32 $0x500, s17;
	s17 =	simm.s32 $0x500  }
0x22: {  	s12 =	sadd.s32 $0x3D000, s0;
	s22 =	simm.s32 $0xD80;
	[dreg:$0x11] =	wrdreg s17  }
0x23: {  	s18 =	simm.s32 $0x3;
	s17 =	simm.s32 $0x5;
	[dreg:$0x16] =	wrdreg s22  }
0x24: {  	v0 =	vimm.f32 $0.0e+00;
	s22 =	simm.s32 $0x400;
	s14 =	sadd.s32 s6, s14;
	s15 =	sadd.s32 s6, s1  }
.LBB2_1:
0x25: {  	s0 =	simm.s32 $0x0;
	s1 =	simm.s32 $0x200  }
.LBB2_2:
0x26: {  	p0 =	sne.s32 s1, $0xFE00;
	[tilespmem:s0+$0x1070] =	vst v0  }
0x27: {  	[tilespmem:s0+$0x1000] =	vst v0  }
0x28: {  	[tilespmem:s0+$0x1010] =	vst v0  }
.Ltmp0:
0x29: {  	[tilespmem:s0+$0x1020] =	vst v0;
	(pc) =	sbr.rel @p0 .LBB2_2-.Ltmp0, $4  }
0x2a: {  	[tilespmem:s0+$0x1030] =	vst v0  }
0x2b: {  	[tilespmem:s0+$0x1040] =	vst v0  }
0x2c: {  	[tilespmem:s0+$0x1050] =	vst v0  }
0x2d: {  	[tilespmem:s0+$0x1060] =	vst v0;
	s0 =	sshra.s32 s1, $0x2;
	s1 =	sadd.s32 $0x200, s1  }
0x2e: {  	[tilespmem:s0+$0x1070] =	vst v0  }
0x2f: {  	[tilespmem:s0+$0x1000] =	vst v0  }
0x30: {  	[tilespmem:s0+$0x1010] =	vst v0  }
0x31: {  	[tilespmem:s0+$0x1020] =	vst v0  }
0x32: {  	[tilespmem:s0+$0x1030] =	vst v0  }
0x33: {  	[tilespmem:s0+$0x1040] =	vst v0  }
0x34: {  	[tilespmem:s0+$0x1050] =	vst v0  }
0x35: {  	[tilespmem:s0+$0x1060] =	vst v0  }
0x36: {  	[spmem:s5] =	stream.linear.scatter [tilespmem:s16], [sflag:$0x5], $0x4000, $0x38;
	[tilespmem:$0x1CC00] =	vst v63  }
0x37: {  	_ =	swait.ge [sflag:s17], $0x4000  }
0x38: {  	[sflag:s17] =	ssyncset.done $0x0  }
0x39: {  	s6 =	rddreg [dreg:$0x1d];
	[sflag:s17] =	ssyncadd.s32 $0xFFFFC000  }
0x3a: {  	[spmem:s6] =	stream.linear.scatter [tilespmem:s16], [sflag:$0x5], $0x4000, $0x38;
	[tilespmem:$0x1CC00] =	vst v63  }
0x3b: {  	_ =	swait.ge [sflag:s17], $0x4000  }
0x3c: {  	[sflag:s17] =	ssyncset.done $0x0  }
0x3d: {  	s7 =	rddreg [dreg:$0x1e];
	[sflag:s17] =	ssyncadd.s32 $0xFFFFC000  }
0x3e: {  	[spmem:s7] =	stream.linear.scatter [tilespmem:s16], [sflag:$0x5], $0x4000, $0x38;
	[tilespmem:$0x1CC00] =	vst v63  }
0x3f: {  	_ =	swait.ge [sflag:s17], $0x4000  }
0x40: {  	[sflag:s17] =	ssyncset.done $0x0  }
0x41: {  	[sflag:s17] =	ssyncadd.s32 $0xFFFFC000  }
0x42: {  	[spmem:s8] =	stream.linear.scatter [tilespmem:s16], [sflag:$0x5], $0x4000, $0x38;
	[tilespmem:$0x1CC00] =	vst v63  }
0x43: {  	_ =	swait.ge [sflag:s17], $0x4000  }
0x44: {  	[sflag:s17] =	ssyncset.done $0x0  }
0x45: {  	[sflag:s17] =	ssyncadd.s32 $0xFFFFC000  }
0x46: {  	[spmem:s9] =	stream.linear.scatter [tilespmem:s16], [sflag:$0x5], $0x3C00, $0x38;
	[tilespmem:$0x1CC00] =	vst v63  }
0x47: {  	_ =	swait.ge [sflag:s17], $0x3C00  }
0x48: {  	[sflag:s17] =	ssyncset.done $0x0  }
0x49: {  	[sflag:s17] =	ssyncadd.s32 $0xFFFFC400  }
0x4a: {  	s1 =	simm.s32 $0x0;
	[bflag:$0x0] =	sbarrier.arrive $0xFFFF  }
0x4b: {  	[tilespmem:s1], [sflag:$0x3] =	stream.linear.gather [hbm4b:s10+s1], $0x400, $0x38;
	[tilespmem:$0x1CC00] =	vst v63  }
0x4c: {  	_ =	swait.ge [sflag:s18], $0x400  }
0x4d: {  	[sflag:s18] =	ssyncset.done $0x0  }
0x4e: {  	[sflag:s18] =	ssyncadd.s32 $0xFFFFFC00  }
0x4f: {  	[tilespmem:s19], [sflag:$0x4] =	stream.linear.gather [hbm4b:s11+s1], $0x400, $0x38;
	[tilespmem:$0x1CC00] =	vst v63  }
0x50: {  	_ =	swait.ge [sflag:s20], $0x400  }
0x51: {  	[sflag:s20] =	ssyncset.done $0x0  }
0x52: {  	s6 =	sadd.s32 $0x0, s14;
	[sflag:s20] =	ssyncadd.s32 $0xFFFFFC00  }
0x53: {  	[tilespmem:s16], [sflag:$0x1] =	stream.indirect.gather [hbm4b:s4+s21], $0x80, s1, s21, $0xb8;
	[tilespmem:$0x1CC00] =	vst v63  }
0x54: {  	s0 =	sadd.s32 $0x80, s6;
	s1 =	sadd.s32 $0x0, s15  }
0x55: {  	[tilespmem:s22], [sflag:$0x3] =	stream.linear.gather [hbm4b:s0+s3], $0x400, $0x38;
	[tilespmem:$0x1CC00] =	vst v63  }
0x56: {  	s7 =	sadd.s32 $0x80, s1  }
0x57: {  	[tilespmem:s23], [sflag:$0x4] =	stream.linear.gather [hbm4b:s7+s3], $0x400, $0x38;
	[tilespmem:$0x1CC00] =	vst v63  }
0x58: {  	_ = 	snop  }
0x59: {  	[tilespmem:s24], [sflag:$0x2] =	stream.indirect.gather [hbm4b:s4+s21], $0x80, s21, s21, $0xb8;
	[tilespmem:$0x1CC00] =	vst v63  }
0x5a: {  	_ =	swait.ge [sflag:s25], $0x4000  }
0x5b: {  	[sflag:s25] =	ssyncset.done $0x0  }
0x5c: {  	[sflag:s25] =	ssyncadd.s32 $0xFFFFC000  }
0x5d: {  	[spmem:s2] =	stream.indirect.scatter.add.f32 [tilespmem:s16], [sflag:$0x5], $0x80, s19, s21, $0xb8;
	[tilespmem:$0x1CC00] =	vst v63  }
0x5e: {  	_ =	swait.ge [sflag:s17], $0x4000  }
0x5f: {  	[sflag:s17] =	ssyncset.done $0x0  }
0x60: {  	s1 =	rddreg [dreg:$0x3];
	[sflag:s17] =	ssyncadd.s32 $0xFFFFC000  }
0x61: {  	[tilespmem:s16], [sflag:$0x1] =	stream.indirect.gather [hbm4b:s4+s21], $0x80, s1, s21, $0xb8;
	[tilespmem:$0x1CC00] =	vst v63  }
0x62: {  	_ =	swait.ge [sflag:s26], $0x4000  }
0x63: {  	[sflag:s26] =	ssyncset.done $0x0  }
0x64: {  	s6 =	rddreg [dreg:$0x4];
	[sflag:s26] =	ssyncadd.s32 $0xFFFFC000  }
0x65: {  	[spmem:s2] =	stream.indirect.scatter.add.f32 [tilespmem:s24], [sflag:$0x5], $0x80, s6, s21, $0xb8;
	[tilespmem:$0x1CC00] =	vst v63  }
0x66: {  	_ =	swait.ge [sflag:s17], $0x4000  }
0x67: {  	[sflag:s17] =	ssyncset.done $0x0  }
0x68: {  	s7 =	rddreg [dreg:$0x5];
	[sflag:s17] =	ssyncadd.s32 $0xFFFFC000  }
0x69: {  	[tilespmem:s24], [sflag:$0x2] =	stream.indirect.gather [hbm4b:s4+s21], $0x80, s7, s21, $0xb8;
	[tilespmem:$0x1CC00] =	vst v63  }
0x6a: {  	_ =	swait.ge [sflag:s25], $0x4000  }
0x6b: {  	[sflag:s25] =	ssyncset.done $0x0  }
0x6c: {  	s1 =	rddreg [dreg:$0x6];
	[sflag:s25] =	ssyncadd.s32 $0xFFFFC000  }
0x6d: {  	[spmem:s2] =	stream.indirect.scatter.add.f32 [tilespmem:s16], [sflag:$0x5], $0x80, s1, s21, $0xb8;
	[tilespmem:$0x1CC00] =	vst v63  }
0x6e: {  	_ =	swait.ge [sflag:s17], $0x4000  }
0x6f: {  	[sflag:s17] =	ssyncset.done $0x0  }
0x70: {  	s6 =	rddreg [dreg:$0x7];
	[sflag:s17] =	ssyncadd.s32 $0xFFFFC000  }
0x71: {  	[tilespmem:s16], [sflag:$0x1] =	stream.indirect.gather [hbm4b:s4+s21], $0x80, s6, s21, $0xb8;
	[tilespmem:$0x1CC00] =	vst v63  }
0x72: {  	_ =	swait.ge [sflag:s26], $0x4000  }
0x73: {  	[sflag:s26] =	ssyncset.done $0x0  }
0x74: {  	s7 =	rddreg [dreg:$0x8];
	[sflag:s26] =	ssyncadd.s32 $0xFFFFC000  }
0x75: {  	[spmem:s2] =	stream.indirect.scatter.add.f32 [tilespmem:s24], [sflag:$0x5], $0x80, s7, s21, $0xb8;
	[tilespmem:$0x1CC00] =	vst v63  }
0x76: {  	_ =	swait.ge [sflag:s17], $0x4000  }
0x77: {  	[sflag:s17] =	ssyncset.done $0x0  }
0x78: {  	s1 =	rddreg [dreg:$0x9];
	[sflag:s17] =	ssyncadd.s32 $0xFFFFC000  }
0x79: {  	[tilespmem:s24], [sflag:$0x2] =	stream.indirect.gather [hbm4b:s4+s21], $0x80, s1, s21, $0xb8;
	[tilespmem:$0x1CC00] =	vst v63  }
0x7a: {  	_ =	swait.ge [sflag:s25], $0x4000  }
0x7b: {  	[sflag:s25] =	ssyncset.done $0x0  }
0x7c: {  	s6 =	rddreg [dreg:$0xa];
	[sflag:s25] =	ssyncadd.s32 $0xFFFFC000  }
0x7d: {  	[spmem:s2] =	stream.indirect.scatter.add.f32 [tilespmem:s16], [sflag:$0x5], $0x80, s6, s21, $0xb8;
	[tilespmem:$0x1CC00] =	vst v63  }
0x7e: {  	_ =	swait.ge [sflag:s17], $0x4000  }
0x7f: {  	[sflag:s17] =	ssyncset.done $0x0  }
0x80: {  	s7 =	rddreg [dreg:$0xb];
	[sflag:s17] =	ssyncadd.s32 $0xFFFFC000  }
0x81: {  	[tilespmem:s16], [sflag:$0x1] =	stream.indirect.gather [hbm4b:s4+s21], $0x80, s7, s21, $0xb8;
	[tilespmem:$0x1CC00] =	vst v63  }
0x82: {  	_ =	swait.ge [sflag:s26], $0x4000  }
0x83: {  	[sflag:s26] =	ssyncset.done $0x0  }
0x84: {  	s1 =	rddreg [dreg:$0xc];
	[sflag:s26] =	ssyncadd.s32 $0xFFFFC000  }
0x85: {  	[spmem:s2] =	stream.indirect.scatter.add.f32 [tilespmem:s24], [sflag:$0x5], $0x80, s1, s21, $0xb8;
	[tilespmem:$0x1CC00] =	vst v63  }
0x86: {  	_ =	swait.ge [sflag:s17], $0x4000  }
0x87: {  	[sflag:s17] =	ssyncset.done $0x0  }
0x88: {  	s6 =	rddreg [dreg:$0xd];
	[sflag:s17] =	ssyncadd.s32 $0xFFFFC000  }
0x89: {  	[tilespmem:s24], [sflag:$0x2] =	stream.indirect.gather [hbm4b:s4+s21], $0x80, s6, s21, $0xb8;
	[tilespmem:$0x1CC00] =	vst v63  }
0x8a: {  	_ =	swait.ge [sflag:s25], $0x4000  }
0x8b: {  	[sflag:s25] =	ssyncset.done $0x0  }
0x8c: {  	s7 =	rddreg [dreg:$0xe];
	[sflag:s25] =	ssyncadd.s32 $0xFFFFC000  }
0x8d: {  	[spmem:s2] =	stream.indirect.scatter.add.f32 [tilespmem:s16], [sflag:$0x5], $0x80, s7, s21, $0xb8;
	[tilespmem:$0x1CC00] =	vst v63  }
0x8e: {  	_ =	swait.ge [sflag:s17], $0x4000  }
0x8f: {  	[sflag:s17] =	ssyncset.done $0x0  }
0x90: {  	[sflag:s17] =	ssyncadd.s32 $0xFFFFC000  }
0x91: {  	_ =	swait.ge [sflag:s18], $0x400  }
0x92: {  	[sflag:s18] =	ssyncset.done $0x0  }
0x93: {  	[sflag:s18] =	ssyncadd.s32 $0xFFFFFC00  }
0x94: {  	_ =	swait.ge [sflag:s20], $0x400  }
0x95: {  	[sflag:s20] =	ssyncset.done $0x0  }
0x96: {  	[sflag:s20] =	ssyncadd.s32 $0xFFFFFC00  }
0x97: {  	[tilespmem:s16], [sflag:$0x1] =	stream.indirect.gather [hbm4b:s4+s21], $0x80, s22, s21, $0xb8;
	[tilespmem:$0x1CC00] =	vst v63  }
0x98: {  	_ =	swait.ge [sflag:s26], $0x4000  }
0x99: {  	[sflag:s26] =	ssyncset.done $0x0  }
0x9a: {  	p0 =	por $0x0, $0x0;
	s1 =	rddreg [dreg:$0xf];
	[sflag:s26] =	ssyncadd.s32 $0xFFFFC000  }
0x9b: {  	[spmem:s2] =	stream.indirect.scatter.add.f32 [tilespmem:s24], [sflag:$0x5], $0x80, s1, s21, $0xb8;
	[tilespmem:$0x1CC00] =	vst v63  }
0x9c: {  	s0 =	sadd.s32 @!p0 $0x0, s14;
	_ =	swait.ge [sflag:s17], $0x4000  }
0x9d: {  	s30 =	sadd.s32 @!p0 $0x100, s0;
	[sflag:s17] =	ssyncset.done $0x0  }
0x9e: {  	s0 =	simm.s32 @!p0 $0x0;
	s1 =	sadd.s32 @!p0 $0x0, s15;
	[sflag:s17] =	ssyncadd.s32 $0xFFFFC000  }
0x9f: {  	[tilespmem:s0], [sflag:$0x3] =	stream.linear.gather @!p0 [hbm4b:s30+s0], $0x400, $0x38;
	[tilespmem:$0x1CC00] =	vst v63  }
0xa0: {  	s1 =	sadd.s32 @!p0 $0x100, s1;
	s30 =	simm.s32 @!p0 $0x800  }
0xa1: {  	[tilespmem:s30], [sflag:$0x4] =	stream.linear.gather @!p0 [hbm4b:s1+s0], $0x400, $0x38;
	[tilespmem:$0x1CC00] =	vst v63  }
0xa2: {  	s31 =	rddreg [dreg:$0x10]  }
0xa3: {  	[tilespmem:s24], [sflag:$0x2] =	stream.indirect.gather [hbm4b:s4+s21], $0x80, s31, s21, $0xb8;
	[tilespmem:$0x1CC00] =	vst v63  }
0xa4: {  	_ =	swait.ge [sflag:s25], $0x4000  }
0xa5: {  	[sflag:s25] =	ssyncset.done $0x0  }
0xa6: {  	[sflag:s25] =	ssyncadd.s32 $0xFFFFC000  }
0xa7: {  	[spmem:s2] =	stream.indirect.scatter.add.f32 [tilespmem:s16], [sflag:$0x5], $0x80, s23, s21, $0xb8;
	[tilespmem:$0x1CC00] =	vst v63  }
0xa8: {  	_ =	swait.ge [sflag:s17], $0x4000  }
0xa9: {  	[sflag:s17] =	ssyncset.done $0x0  }
0xaa: {  	s6 =	rddreg [dreg:$0x11];
	[sflag:s17] =	ssyncadd.s32 $0xFFFFC000  }
0xab: {  	[tilespmem:s16], [sflag:$0x1] =	stream.indirect.gather [hbm4b:s4+s21], $0x80, s6, s21, $0xb8;
	[tilespmem:$0x1CC00] =	vst v63  }
0xac: {  	_ =	swait.ge [sflag:s26], $0x4000  }
0xad: {  	[sflag:s26] =	ssyncset.done $0x0  }
0xae: {  	s7 =	rddreg [dreg:$0x12];
	[sflag:s26] =	ssyncadd.s32 $0xFFFFC000  }
0xaf: {  	[spmem:s2] =	stream.indirect.scatter.add.f32 [tilespmem:s24], [sflag:$0x5], $0x80, s7, s21, $0xb8;
	[tilespmem:$0x1CC00] =	vst v63  }
0xb0: {  	_ =	swait.ge [sflag:s17], $0x4000  }
0xb1: {  	[sflag:s17] =	ssyncset.done $0x0  }
0xb2: {  	s6 =	rddreg [dreg:$0x13];
	[sflag:s17] =	ssyncadd.s32 $0xFFFFC000  }
0xb3: {  	[tilespmem:s24], [sflag:$0x2] =	stream.indirect.gather [hbm4b:s4+s21], $0x80, s6, s21, $0xb8;
	[tilespmem:$0x1CC00] =	vst v63  }
0xb4: {  	_ =	swait.ge [sflag:s25], $0x4000  }
0xb5: {  	[sflag:s25] =	ssyncset.done $0x0  }
0xb6: {  	s7 =	rddreg [dreg:$0x14];
	[sflag:s25] =	ssyncadd.s32 $0xFFFFC000  }
0xb7: {  	[spmem:s2] =	stream.indirect.scatter.add.f32 [tilespmem:s16], [sflag:$0x5], $0x80, s7, s21, $0xb8;
	[tilespmem:$0x1CC00] =	vst v63  }
0xb8: {  	_ =	swait.ge [sflag:s17], $0x4000  }
0xb9: {  	[sflag:s17] =	ssyncset.done $0x0  }
0xba: {  	s6 =	rddreg [dreg:$0x15];
	[sflag:s17] =	ssyncadd.s32 $0xFFFFC000  }
0xbb: {  	[tilespmem:s16], [sflag:$0x1] =	stream.indirect.gather [hbm4b:s4+s21], $0x80, s6, s21, $0xb8;
	[tilespmem:$0x1CC00] =	vst v63  }
0xbc: {  	_ =	swait.ge [sflag:s26], $0x4000  }
0xbd: {  	[sflag:s26] =	ssyncset.done $0x0  }
0xbe: {  	s7 =	rddreg [dreg:$0x16];
	[sflag:s26] =	ssyncadd.s32 $0xFFFFC000  }
0xbf: {  	[spmem:s2] =	stream.indirect.scatter.add.f32 [tilespmem:s24], [sflag:$0x5], $0x80, s7, s21, $0xb8;
	[tilespmem:$0x1CC00] =	vst v63  }
0xc0: {  	_ =	swait.ge [sflag:s17], $0x4000  }
0xc1: {  	[sflag:s17] =	ssyncset.done $0x0  }
0xc2: {  	s6 =	rddreg [dreg:$0x17];
	[sflag:s17] =	ssyncadd.s32 $0xFFFFC000  }
0xc3: {  	[tilespmem:s24], [sflag:$0x2] =	stream.indirect.gather [hbm4b:s4+s21], $0x80, s6, s21, $0xb8;
	[tilespmem:$0x1CC00] =	vst v63  }
0xc4: {  	_ =	swait.ge [sflag:s25], $0x4000  }
0xc5: {  	[sflag:s25] =	ssyncset.done $0x0  }
0xc6: {  	s7 =	rddreg [dreg:$0x18];
	[sflag:s25] =	ssyncadd.s32 $0xFFFFC000  }
0xc7: {  	[spmem:s2] =	stream.indirect.scatter.add.f32 [tilespmem:s16], [sflag:$0x5], $0x80, s7, s21, $0xb8;
	[tilespmem:$0x1CC00] =	vst v63  }
0xc8: {  	_ =	swait.ge [sflag:s17], $0x4000  }
0xc9: {  	[sflag:s17] =	ssyncset.done $0x0  }
0xca: {  	s6 =	rddreg [dreg:$0x19];
	[sflag:s17] =	ssyncadd.s32 $0xFFFFC000  }
0xcb: {  	[tilespmem:s16], [sflag:$0x1] =	stream.indirect.gather [hbm4b:s4+s21], $0x80, s6, s21, $0xb8;
	[tilespmem:$0x1CC00] =	vst v63  }
0xcc: {  	_ =	swait.ge [sflag:s26], $0x4000  }
0xcd: {  	[sflag:s26] =	ssyncset.done $0x0  }
0xce: {  	s7 =	rddreg [dreg:$0x1a];
	[sflag:s26] =	ssyncadd.s32 $0xFFFFC000  }
0xcf: {  	[spmem:s2] =	stream.indirect.scatter.add.f32 [tilespmem:s24], [sflag:$0x5], $0x80, s7, s21, $0xb8;
	[tilespmem:$0x1CC00] =	vst v63  }
0xd0: {  	_ =	swait.ge [sflag:s17], $0x4000  }
0xd1: {  	[sflag:s17] =	ssyncset.done $0x0  }
0xd2: {  	s6 =	rddreg [dreg:$0x1b];
	[sflag:s17] =	ssyncadd.s32 $0xFFFFC000  }
0xd3: {  	[tilespmem:s24], [sflag:$0x2] =	stream.indirect.gather [hbm4b:s4+s21], $0x80, s6, s21, $0xb8;
	[tilespmem:$0x1CC00] =	vst v63  }
0xd4: {  	_ =	swait.ge [sflag:s25], $0x4000  }
0xd5: {  	[sflag:s25] =	ssyncset.done $0x0  }
0xd6: {  	s7 =	rddreg [dreg:$0x1c];
	[sflag:s25] =	ssyncadd.s32 $0xFFFFC000  }
0xd7: {  	[spmem:s2] =	stream.indirect.scatter.add.f32 [tilespmem:s16], [sflag:$0x5], $0x80, s7, s21, $0xb8;
	[tilespmem:$0x1CC00] =	vst v63  }
0xd8: {  	_ =	swait.ge [sflag:s17], $0x4000  }
0xd9: {  	[sflag:s17] =	ssyncset.done $0x0  }
0xda: {  	s1 =	simm.s32 @!p0 $0x3;
	[sflag:s17] =	ssyncadd.s32 $0xFFFFC000  }
0xdb: {  	_ =	swait.ge @!p0 [sflag:s1], $0x400  }
0xdc: {  	[sflag:s1] =	ssyncset.done @!p0 $0x0  }
0xdd: {  	[sflag:s1] =	ssyncadd.s32 @!p0 $0xFFFFFC00;
	s1 =	simm.s32 @!p0 $0x4  }
0xde: {  	_ =	swait.ge @!p0 [sflag:s1], $0x400  }
0xdf: {  	[sflag:s1] =	ssyncset.done @!p0 $0x0  }
0xe0: {  	s30 =	simm.s32 @!p0 $0x1000;
	[sflag:s1] =	ssyncadd.s32 @!p0 $0xFFFFFC00;
	s1 =	simm.s32 @!p0 $0x80  }
0xe1: {  	[tilespmem:s30], [sflag:$0x1] =	stream.indirect.gather @!p0 [hbm4b:s4+s1], $0x80, s0, s1, $0xb8;
	[tilespmem:$0x1CC00] =	vst v63  }
0xe2: {  	_ =	swait.ge [sflag:s26], $0x4000  }
0xe3: {  	[sflag:s26] =	ssyncset.done $0x0  }
0xe4: {  	[sflag:s26] =	ssyncadd.s32 $0xFFFFC000  }
0xe5: {  	[spmem:s2] =	stream.indirect.scatter.add.f32 [tilespmem:s24], [sflag:$0x5], $0x80, s28, s21, $0xb8;
	[tilespmem:$0x1CC00] =	vst v63  }
0xe6: {  	s31 =	simm.s32 $0x200;
	_ =	swait.ge [sflag:s17], $0x4000  }
0xe7: {  	s30 =	simm.s32 $0x100;
	s0 =	sadd.s32 $0x100, s14;
	[sflag:s17] =	ssyncset.done $0x0  }
.LBB2_4:
0xe8: {  	s0 =	sadd.s32 $0x80, s0;
	s1 =	sadd.s32 s30, s15;
	[sflag:s17] =	ssyncadd.s32 $0xFFFFC000  }
0xe9: {  	[tilespmem:s22], [sflag:$0x3] =	stream.linear.gather [hbm4b:s0+s3], $0x400, $0x38;
	[tilespmem:$0x1CC00] =	vst v63  }
0xea: {  	s1 =	sadd.s32 $0x80, s1  }
0xeb: {  	[tilespmem:s23], [sflag:$0x4] =	stream.linear.gather [hbm4b:s1+s3], $0x400, $0x38;
	[tilespmem:$0x1CC00] =	vst v63  }
0xec: {  	_ = 	snop  }
0xed: {  	[tilespmem:s24], [sflag:$0x2] =	stream.indirect.gather [hbm4b:s4+s21], $0x80, s21, s21, $0xb8;
	[tilespmem:$0x1CC00] =	vst v63  }
0xee: {  	_ =	swait.ge [sflag:s25], $0x4000  }
0xef: {  	[sflag:s25] =	ssyncset.done $0x0  }
0xf0: {  	[sflag:s25] =	ssyncadd.s32 $0xFFFFC000  }
0xf1: {  	[spmem:s2] =	stream.indirect.scatter.add.f32 [tilespmem:s16], [sflag:$0x5], $0x80, s19, s21, $0xb8;
	[tilespmem:$0x1CC00] =	vst v63  }
0xf2: {  	_ =	swait.ge [sflag:s17], $0x4000  }
0xf3: {  	[sflag:s17] =	ssyncset.done $0x0  }
0xf4: {  	s7 =	rddreg [dreg:$0x3];
	[sflag:s17] =	ssyncadd.s32 $0xFFFFC000  }
0xf5: {  	[tilespmem:s16], [sflag:$0x1] =	stream.indirect.gather [hbm4b:s4+s21], $0x80, s7, s21, $0xb8;
	[tilespmem:$0x1CC00] =	vst v63  }
0xf6: {  	_ =	swait.ge [sflag:s26], $0x4000  }
0xf7: {  	[sflag:s26] =	ssyncset.done $0x0  }
0xf8: {  	s6 =	rddreg [dreg:$0x4];
	[sflag:s26] =	ssyncadd.s32 $0xFFFFC000  }
0xf9: {  	[spmem:s2] =	stream.indirect.scatter.add.f32 [tilespmem:s24], [sflag:$0x5], $0x80, s6, s21, $0xb8;
	[tilespmem:$0x1CC00] =	vst v63  }
0xfa: {  	_ =	swait.ge [sflag:s17], $0x4000  }
0xfb: {  	[sflag:s17] =	ssyncset.done $0x0  }
0xfc: {  	s7 =	rddreg [dreg:$0x5];
	[sflag:s17] =	ssyncadd.s32 $0xFFFFC000  }
0xfd: {  	[tilespmem:s24], [sflag:$0x2] =	stream.indirect.gather [hbm4b:s4+s21], $0x80, s7, s21, $0xb8;
	[tilespmem:$0x1CC00] =	vst v63  }
0xfe: {  	_ =	swait.ge [sflag:s25], $0x4000  }
0xff: {  	[sflag:s25] =	ssyncset.done $0x0  }
0x100: {  	s6 =	rddreg [dreg:$0x6];
	[sflag:s25] =	ssyncadd.s32 $0xFFFFC000  }
0x101: {  	[spmem:s2] =	stream.indirect.scatter.add.f32 [tilespmem:s16], [sflag:$0x5], $0x80, s6, s21, $0xb8;
	[tilespmem:$0x1CC00] =	vst v63  }
0x102: {  	_ =	swait.ge [sflag:s17], $0x4000  }
0x103: {  	[sflag:s17] =	ssyncset.done $0x0  }
0x104: {  	s7 =	rddreg [dreg:$0x7];
	[sflag:s17] =	ssyncadd.s32 $0xFFFFC000  }
0x105: {  	[tilespmem:s16], [sflag:$0x1] =	stream.indirect.gather [hbm4b:s4+s21], $0x80, s7, s21, $0xb8;
	[tilespmem:$0x1CC00] =	vst v63  }
0x106: {  	_ =	swait.ge [sflag:s26], $0x4000  }
0x107: {  	[sflag:s26] =	ssyncset.done $0x0  }
0x108: {  	s6 =	rddreg [dreg:$0x8];
	[sflag:s26] =	ssyncadd.s32 $0xFFFFC000  }
0x109: {  	[spmem:s2] =	stream.indirect.scatter.add.f32 [tilespmem:s24], [sflag:$0x5], $0x80, s6, s21, $0xb8;
	[tilespmem:$0x1CC00] =	vst v63  }
0x10a: {  	_ =	swait.ge [sflag:s17], $0x4000  }
0x10b: {  	[sflag:s17] =	ssyncset.done $0x0  }
0x10c: {  	s7 =	rddreg [dreg:$0x9];
	[sflag:s17] =	ssyncadd.s32 $0xFFFFC000  }
0x10d: {  	[tilespmem:s24], [sflag:$0x2] =	stream.indirect.gather [hbm4b:s4+s21], $0x80, s7, s21, $0xb8;
	[tilespmem:$0x1CC00] =	vst v63  }
0x10e: {  	_ =	swait.ge [sflag:s25], $0x4000  }
0x10f: {  	[sflag:s25] =	ssyncset.done $0x0  }
0x110: {  	s6 =	rddreg [dreg:$0xa];
	[sflag:s25] =	ssyncadd.s32 $0xFFFFC000  }
0x111: {  	[spmem:s2] =	stream.indirect.scatter.add.f32 [tilespmem:s16], [sflag:$0x5], $0x80, s6, s21, $0xb8;
	[tilespmem:$0x1CC00] =	vst v63  }
0x112: {  	_ =	swait.ge [sflag:s17], $0x4000  }
0x113: {  	[sflag:s17] =	ssyncset.done $0x0  }
0x114: {  	s7 =	rddreg [dreg:$0xb];
	[sflag:s17] =	ssyncadd.s32 $0xFFFFC000  }
0x115: {  	[tilespmem:s16], [sflag:$0x1] =	stream.indirect.gather [hbm4b:s4+s21], $0x80, s7, s21, $0xb8;
	[tilespmem:$0x1CC00] =	vst v63  }
0x116: {  	_ =	swait.ge [sflag:s26], $0x4000  }
0x117: {  	[sflag:s26] =	ssyncset.done $0x0  }
0x118: {  	s6 =	rddreg [dreg:$0xc];
	[sflag:s26] =	ssyncadd.s32 $0xFFFFC000  }
0x119: {  	[spmem:s2] =	stream.indirect.scatter.add.f32 [tilespmem:s24], [sflag:$0x5], $0x80, s6, s21, $0xb8;
	[tilespmem:$0x1CC00] =	vst v63  }
0x11a: {  	_ =	swait.ge [sflag:s17], $0x4000  }
0x11b: {  	[sflag:s17] =	ssyncset.done $0x0  }
0x11c: {  	s7 =	rddreg [dreg:$0xd];
	[sflag:s17] =	ssyncadd.s32 $0xFFFFC000  }
0x11d: {  	[tilespmem:s24], [sflag:$0x2] =	stream.indirect.gather [hbm4b:s4+s21], $0x80, s7, s21, $0xb8;
	[tilespmem:$0x1CC00] =	vst v63  }
0x11e: {  	_ =	swait.ge [sflag:s25], $0x4000  }
0x11f: {  	[sflag:s25] =	ssyncset.done $0x0  }
0x120: {  	s6 =	rddreg [dreg:$0xe];
	[sflag:s25] =	ssyncadd.s32 $0xFFFFC000  }
0x121: {  	[spmem:s2] =	stream.indirect.scatter.add.f32 [tilespmem:s16], [sflag:$0x5], $0x80, s6, s21, $0xb8;
	[tilespmem:$0x1CC00] =	vst v63  }
0x122: {  	_ =	swait.ge [sflag:s17], $0x4000  }
0x123: {  	[sflag:s17] =	ssyncset.done $0x0  }
0x124: {  	[sflag:s17] =	ssyncadd.s32 $0xFFFFC000  }
0x125: {  	_ =	swait.ge [sflag:s18], $0x400  }
0x126: {  	[sflag:s18] =	ssyncset.done $0x0  }
0x127: {  	[sflag:s18] =	ssyncadd.s32 $0xFFFFFC00  }
0x128: {  	_ =	swait.ge [sflag:s20], $0x400  }
0x129: {  	[sflag:s20] =	ssyncset.done $0x0  }
0x12a: {  	[sflag:s20] =	ssyncadd.s32 $0xFFFFFC00  }
0x12b: {  	[tilespmem:s16], [sflag:$0x1] =	stream.indirect.gather [hbm4b:s4+s21], $0x80, s22, s21, $0xb8;
	[tilespmem:$0x1CC00] =	vst v63  }
0x12c: {  	_ =	swait.ge [sflag:s26], $0x4000  }
0x12d: {  	[sflag:s26] =	ssyncset.done $0x0  }
0x12e: {  	s7 =	rddreg [dreg:$0xf];
	[sflag:s26] =	ssyncadd.s32 $0xFFFFC000  }
0x12f: {  	[spmem:s2] =	stream.indirect.scatter.add.f32 [tilespmem:s24], [sflag:$0x5], $0x80, s7, s21, $0xb8;
	[tilespmem:$0x1CC00] =	vst v63  }
0x130: {  	p1 =	seq.s32 s30, $0x400;
	_ =	swait.ge [sflag:s17], $0x4000  }
0x131: {  	s1 =	sadd.s32 @!p1 s30, s14;
	s30 =	sadd.s32 @!p1 s30, s15;
	[sflag:s17] =	ssyncset.done $0x0  }
0x132: {  	s6 =	sadd.s32 @!p1 $0x100, s1;
	s1 =	simm.s32 @!p1 $0x0;
	[sflag:s17] =	ssyncadd.s32 $0xFFFFC000  }
0x133: {  	[tilespmem:s1], [sflag:$0x3] =	stream.linear.gather @!p1 [hbm4b:s6+s1], $0x400, $0x38;
	[tilespmem:$0x1CC00] =	vst v63  }
0x134: {  	s6 =	sadd.s32 @!p1 $0x100, s30;
	s30 =	simm.s32 @!p1 $0x800  }
0x135: {  	[tilespmem:s30], [sflag:$0x4] =	stream.linear.gather @!p1 [hbm4b:s6+s1], $0x400, $0x38;
	[tilespmem:$0x1CC00] =	vst v63  }
0x136: {  	s7 =	rddreg [dreg:$0x10]  }
0x137: {  	[tilespmem:s24], [sflag:$0x2] =	stream.indirect.gather [hbm4b:s4+s21], $0x80, s7, s21, $0xb8;
	[tilespmem:$0x1CC00] =	vst v63  }
0x138: {  	_ =	swait.ge [sflag:s25], $0x4000  }
0x139: {  	[sflag:s25] =	ssyncset.done $0x0  }
0x13a: {  	[sflag:s25] =	ssyncadd.s32 $0xFFFFC000  }
0x13b: {  	[spmem:s2] =	stream.indirect.scatter.add.f32 [tilespmem:s16], [sflag:$0x5], $0x80, s23, s21, $0xb8;
	[tilespmem:$0x1CC00] =	vst v63  }
0x13c: {  	_ =	swait.ge [sflag:s17], $0x4000  }
0x13d: {  	[sflag:s17] =	ssyncset.done $0x0  }
0x13e: {  	s6 =	rddreg [dreg:$0x11];
	[sflag:s17] =	ssyncadd.s32 $0xFFFFC000  }
0x13f: {  	[tilespmem:s16], [sflag:$0x1] =	stream.indirect.gather [hbm4b:s4+s21], $0x80, s6, s21, $0xb8;
	[tilespmem:$0x1CC00] =	vst v63  }
0x140: {  	_ =	swait.ge [sflag:s26], $0x4000  }
0x141: {  	[sflag:s26] =	ssyncset.done $0x0  }
0x142: {  	s7 =	rddreg [dreg:$0x12];
	[sflag:s26] =	ssyncadd.s32 $0xFFFFC000  }
0x143: {  	[spmem:s2] =	stream.indirect.scatter.add.f32 [tilespmem:s24], [sflag:$0x5], $0x80, s7, s21, $0xb8;
	[tilespmem:$0x1CC00] =	vst v63  }
0x144: {  	_ =	swait.ge [sflag:s17], $0x4000  }
0x145: {  	[sflag:s17] =	ssyncset.done $0x0  }
0x146: {  	s6 =	rddreg [dreg:$0x13];
	[sflag:s17] =	ssyncadd.s32 $0xFFFFC000  }
0x147: {  	[tilespmem:s24], [sflag:$0x2] =	stream.indirect.gather [hbm4b:s4+s21], $0x80, s6, s21, $0xb8;
	[tilespmem:$0x1CC00] =	vst v63  }
0x148: {  	_ =	swait.ge [sflag:s25], $0x4000  }
0x149: {  	[sflag:s25] =	ssyncset.done $0x0  }
0x14a: {  	s7 =	rddreg [dreg:$0x14];
	[sflag:s25] =	ssyncadd.s32 $0xFFFFC000  }
0x14b: {  	[spmem:s2] =	stream.indirect.scatter.add.f32 [tilespmem:s16], [sflag:$0x5], $0x80, s7, s21, $0xb8;
	[tilespmem:$0x1CC00] =	vst v63  }
0x14c: {  	_ =	swait.ge [sflag:s17], $0x4000  }
0x14d: {  	[sflag:s17] =	ssyncset.done $0x0  }
0x14e: {  	s6 =	rddreg [dreg:$0x15];
	[sflag:s17] =	ssyncadd.s32 $0xFFFFC000  }
0x14f: {  	[tilespmem:s16], [sflag:$0x1] =	stream.indirect.gather [hbm4b:s4+s21], $0x80, s6, s21, $0xb8;
	[tilespmem:$0x1CC00] =	vst v63  }
0x150: {  	_ =	swait.ge [sflag:s26], $0x4000  }
0x151: {  	[sflag:s26] =	ssyncset.done $0x0  }
0x152: {  	s7 =	rddreg [dreg:$0x16];
	[sflag:s26] =	ssyncadd.s32 $0xFFFFC000  }
0x153: {  	[spmem:s2] =	stream.indirect.scatter.add.f32 [tilespmem:s24], [sflag:$0x5], $0x80, s7, s21, $0xb8;
	[tilespmem:$0x1CC00] =	vst v63  }
0x154: {  	_ =	swait.ge [sflag:s17], $0x4000  }
0x155: {  	[sflag:s17] =	ssyncset.done $0x0  }
0x156: {  	s6 =	rddreg [dreg:$0x17];
	[sflag:s17] =	ssyncadd.s32 $0xFFFFC000  }
0x157: {  	[tilespmem:s24], [sflag:$0x2] =	stream.indirect.gather [hbm4b:s4+s21], $0x80, s6, s21, $0xb8;
	[tilespmem:$0x1CC00] =	vst v63  }
0x158: {  	_ =	swait.ge [sflag:s25], $0x4000  }
0x159: {  	[sflag:s25] =	ssyncset.done $0x0  }
0x15a: {  	s7 =	rddreg [dreg:$0x18];
	[sflag:s25] =	ssyncadd.s32 $0xFFFFC000  }
0x15b: {  	[spmem:s2] =	stream.indirect.scatter.add.f32 [tilespmem:s16], [sflag:$0x5], $0x80, s7, s21, $0xb8;
	[tilespmem:$0x1CC00] =	vst v63  }
0x15c: {  	_ =	swait.ge [sflag:s17], $0x4000  }
0x15d: {  	[sflag:s17] =	ssyncset.done $0x0  }
0x15e: {  	s6 =	rddreg [dreg:$0x19];
	[sflag:s17] =	ssyncadd.s32 $0xFFFFC000  }
0x15f: {  	[tilespmem:s16], [sflag:$0x1] =	stream.indirect.gather [hbm4b:s4+s21], $0x80, s6, s21, $0xb8;
	[tilespmem:$0x1CC00] =	vst v63  }
0x160: {  	_ =	swait.ge [sflag:s26], $0x4000  }
0x161: {  	[sflag:s26] =	ssyncset.done $0x0  }
0x162: {  	s7 =	rddreg [dreg:$0x1a];
	[sflag:s26] =	ssyncadd.s32 $0xFFFFC000  }
0x163: {  	[spmem:s2] =	stream.indirect.scatter.add.f32 [tilespmem:s24], [sflag:$0x5], $0x80, s7, s21, $0xb8;
	[tilespmem:$0x1CC00] =	vst v63  }
0x164: {  	_ =	swait.ge [sflag:s17], $0x4000  }
0x165: {  	[sflag:s17] =	ssyncset.done $0x0  }
0x166: {  	s6 =	rddreg [dreg:$0x1b];
	[sflag:s17] =	ssyncadd.s32 $0xFFFFC000  }
0x167: {  	[tilespmem:s24], [sflag:$0x2] =	stream.indirect.gather [hbm4b:s4+s21], $0x80, s6, s21, $0xb8;
	[tilespmem:$0x1CC00] =	vst v63  }
0x168: {  	_ =	swait.ge [sflag:s25], $0x4000  }
0x169: {  	[sflag:s25] =	ssyncset.done $0x0  }
0x16a: {  	s7 =	rddreg [dreg:$0x1c];
	[sflag:s25] =	ssyncadd.s32 $0xFFFFC000  }
0x16b: {  	[spmem:s2] =	stream.indirect.scatter.add.f32 [tilespmem:s16], [sflag:$0x5], $0x80, s7, s21, $0xb8;
	[tilespmem:$0x1CC00] =	vst v63  }
0x16c: {  	_ =	swait.ge [sflag:s17], $0x4000  }
0x16d: {  	s0 =	smov.u32 s31;
	[sflag:s17] =	ssyncset.done $0x0  }
0x16e: {  	s30 =	smov.u32 s0;
	s0 =	simm.s32 @!p1 $0x3;
	[sflag:s17] =	ssyncadd.s32 $0xFFFFC000  }
0x16f: {  	_ =	swait.ge @!p1 [sflag:s0], $0x400  }
0x170: {  	[sflag:s0] =	ssyncset.done @!p1 $0x0  }
0x171: {  	[sflag:s0] =	ssyncadd.s32 @!p1 $0xFFFFFC00;
	s0 =	simm.s32 @!p1 $0x4  }
0x172: {  	_ =	swait.ge @!p1 [sflag:s0], $0x400  }
0x173: {  	s31 =	sadd.s32 $0x100, s31;
	[sflag:s0] =	ssyncset.done @!p1 $0x0  }
0x174: {  	s6 =	simm.s32 @!p1 $0x1000;
	[sflag:s0] =	ssyncadd.s32 @!p1 $0xFFFFFC00;
	s0 =	simm.s32 @!p1 $0x80  }
0x175: {  	[tilespmem:s6], [sflag:$0x1] =	stream.indirect.gather @!p1 [hbm4b:s4+s0], $0x80, s1, s0, $0xb8;
	[tilespmem:$0x1CC00] =	vst v63  }
0x176: {  	p0 =	sne.s32 s31, $0x500;
	_ =	swait.ge [sflag:s26], $0x4000  }
.Ltmp1:
0x177: {  	[sflag:s26] =	ssyncset.done $0x0;
	(pc) =	sbr.rel @p0 .LBB2_4-.Ltmp1, $4  }
0x178: {  	[sflag:s26] =	ssyncadd.s32 $0xFFFFC000  }
0x179: {  	[spmem:s2] =	stream.indirect.scatter.add.f32 [tilespmem:s24], [sflag:$0x5], $0x80, s28, s21, $0xb8;
	[tilespmem:$0x1CC00] =	vst v63  }
0x17a: {  	_ =	swait.ge [sflag:s17], $0x4000  }
0x17b: {  	s0 =	sadd.s32 s30, s14;
	[sflag:s17] =	ssyncset.done $0x0  }
0x17c: {  	s0 =	sadd.s32 $0x80, s0;
	s1 =	sadd.s32 s30, s15;
	[sflag:s17] =	ssyncadd.s32 $0xFFFFC000  }
0x17d: {  	[tilespmem:s22], [sflag:$0x3] =	stream.linear.gather [hbm4b:s0+s3], $0x400, $0x38;
	[tilespmem:$0x1CC00] =	vst v63  }
0x17e: {  	s6 =	sadd.s32 $0x80, s1  }
0x17f: {  	[tilespmem:s23], [sflag:$0x4] =	stream.linear.gather [hbm4b:s6+s3], $0x400, $0x38;
	[tilespmem:$0x1CC00] =	vst v63  }
0x180: {  	_ = 	snop  }
0x181: {  	[tilespmem:s24], [sflag:$0x2] =	stream.indirect.gather [hbm4b:s4+s21], $0x80, s21, s21, $0xb8;
	[tilespmem:$0x1CC00] =	vst v63  }
0x182: {  	_ =	swait.ge [sflag:s25], $0x4000  }
0x183: {  	[sflag:s25] =	ssyncset.done $0x0  }
0x184: {  	[sflag:s25] =	ssyncadd.s32 $0xFFFFC000  }
0x185: {  	[spmem:s2] =	stream.indirect.scatter.add.f32 [tilespmem:s16], [sflag:$0x5], $0x80, s19, s21, $0xb8;
	[tilespmem:$0x1CC00] =	vst v63  }
0x186: {  	_ =	swait.ge [sflag:s17], $0x4000  }
0x187: {  	[sflag:s17] =	ssyncset.done $0x0  }
0x188: {  	s7 =	rddreg [dreg:$0x3];
	[sflag:s17] =	ssyncadd.s32 $0xFFFFC000  }
0x189: {  	[tilespmem:s16], [sflag:$0x1] =	stream.indirect.gather [hbm4b:s4+s21], $0x80, s7, s21, $0xb8;
	[tilespmem:$0x1CC00] =	vst v63  }
0x18a: {  	_ =	swait.ge [sflag:s26], $0x4000  }
0x18b: {  	[sflag:s26] =	ssyncset.done $0x0  }
0x18c: {  	s31 =	rddreg [dreg:$0x4];
	[sflag:s26] =	ssyncadd.s32 $0xFFFFC000  }
0x18d: {  	[spmem:s2] =	stream.indirect.scatter.add.f32 [tilespmem:s24], [sflag:$0x5], $0x80, s31, s21, $0xb8;
	[tilespmem:$0x1CC00] =	vst v63  }
0x18e: {  	_ =	swait.ge [sflag:s17], $0x4000  }
0x18f: {  	[sflag:s17] =	ssyncset.done $0x0  }
0x190: {  	s1 =	rddreg [dreg:$0x5];
	[sflag:s17] =	ssyncadd.s32 $0xFFFFC000  }
0x191: {  	[tilespmem:s24], [sflag:$0x2] =	stream.indirect.gather [hbm4b:s4+s21], $0x80, s1, s21, $0xb8;
	[tilespmem:$0x1CC00] =	vst v63  }
0x192: {  	_ =	swait.ge [sflag:s25], $0x4000  }
0x193: {  	[sflag:s25] =	ssyncset.done $0x0  }
0x194: {  	s6 =	rddreg [dreg:$0x6];
	[sflag:s25] =	ssyncadd.s32 $0xFFFFC000  }
0x195: {  	[spmem:s2] =	stream.indirect.scatter.add.f32 [tilespmem:s16], [sflag:$0x5], $0x80, s6, s21, $0xb8;
	[tilespmem:$0x1CC00] =	vst v63  }
0x196: {  	_ =	swait.ge [sflag:s17], $0x4000  }
0x197: {  	[sflag:s17] =	ssyncset.done $0x0  }
0x198: {  	s7 =	rddreg [dreg:$0x7];
	[sflag:s17] =	ssyncadd.s32 $0xFFFFC000  }
0x199: {  	[tilespmem:s16], [sflag:$0x1] =	stream.indirect.gather [hbm4b:s4+s21], $0x80, s7, s21, $0xb8;
	[tilespmem:$0x1CC00] =	vst v63  }
0x19a: {  	_ =	swait.ge [sflag:s26], $0x4000  }
0x19b: {  	[sflag:s26] =	ssyncset.done $0x0  }
0x19c: {  	s31 =	rddreg [dreg:$0x8];
	[sflag:s26] =	ssyncadd.s32 $0xFFFFC000  }
0x19d: {  	[spmem:s2] =	stream.indirect.scatter.add.f32 [tilespmem:s24], [sflag:$0x5], $0x80, s31, s21, $0xb8;
	[tilespmem:$0x1CC00] =	vst v63  }
0x19e: {  	_ =	swait.ge [sflag:s17], $0x4000  }
0x19f: {  	[sflag:s17] =	ssyncset.done $0x0  }
0x1a0: {  	s1 =	rddreg [dreg:$0x9];
	[sflag:s17] =	ssyncadd.s32 $0xFFFFC000  }
0x1a1: {  	[tilespmem:s24], [sflag:$0x2] =	stream.indirect.gather [hbm4b:s4+s21], $0x80, s1, s21, $0xb8;
	[tilespmem:$0x1CC00] =	vst v63  }
0x1a2: {  	_ =	swait.ge [sflag:s25], $0x4000  }
0x1a3: {  	[sflag:s25] =	ssyncset.done $0x0  }
0x1a4: {  	s6 =	rddreg [dreg:$0xa];
	[sflag:s25] =	ssyncadd.s32 $0xFFFFC000  }
0x1a5: {  	[spmem:s2] =	stream.indirect.scatter.add.f32 [tilespmem:s16], [sflag:$0x5], $0x80, s6, s21, $0xb8;
	[tilespmem:$0x1CC00] =	vst v63  }
0x1a6: {  	_ =	swait.ge [sflag:s17], $0x4000  }
0x1a7: {  	[sflag:s17] =	ssyncset.done $0x0  }
0x1a8: {  	s7 =	rddreg [dreg:$0xb];
	[sflag:s17] =	ssyncadd.s32 $0xFFFFC000  }
0x1a9: {  	[tilespmem:s16], [sflag:$0x1] =	stream.indirect.gather [hbm4b:s4+s21], $0x80, s7, s21, $0xb8;
	[tilespmem:$0x1CC00] =	vst v63  }
0x1aa: {  	_ =	swait.ge [sflag:s26], $0x4000  }
0x1ab: {  	[sflag:s26] =	ssyncset.done $0x0  }
0x1ac: {  	s31 =	rddreg [dreg:$0xc];
	[sflag:s26] =	ssyncadd.s32 $0xFFFFC000  }
0x1ad: {  	[spmem:s2] =	stream.indirect.scatter.add.f32 [tilespmem:s24], [sflag:$0x5], $0x80, s31, s21, $0xb8;
	[tilespmem:$0x1CC00] =	vst v63  }
0x1ae: {  	_ =	swait.ge [sflag:s17], $0x4000  }
0x1af: {  	[sflag:s17] =	ssyncset.done $0x0  }
0x1b0: {  	s1 =	rddreg [dreg:$0xd];
	[sflag:s17] =	ssyncadd.s32 $0xFFFFC000  }
0x1b1: {  	[tilespmem:s24], [sflag:$0x2] =	stream.indirect.gather [hbm4b:s4+s21], $0x80, s1, s21, $0xb8;
	[tilespmem:$0x1CC00] =	vst v63  }
0x1b2: {  	_ =	swait.ge [sflag:s25], $0x4000  }
0x1b3: {  	[sflag:s25] =	ssyncset.done $0x0  }
0x1b4: {  	s6 =	rddreg [dreg:$0xe];
	[sflag:s25] =	ssyncadd.s32 $0xFFFFC000  }
0x1b5: {  	[spmem:s2] =	stream.indirect.scatter.add.f32 [tilespmem:s16], [sflag:$0x5], $0x80, s6, s21, $0xb8;
	[tilespmem:$0x1CC00] =	vst v63  }
0x1b6: {  	_ =	swait.ge [sflag:s17], $0x4000  }
0x1b7: {  	[sflag:s17] =	ssyncset.done $0x0  }
0x1b8: {  	[sflag:s17] =	ssyncadd.s32 $0xFFFFC000  }
0x1b9: {  	_ =	swait.ge [sflag:s18], $0x400  }
0x1ba: {  	[sflag:s18] =	ssyncset.done $0x0  }
0x1bb: {  	[sflag:s18] =	ssyncadd.s32 $0xFFFFFC00  }
0x1bc: {  	_ =	swait.ge [sflag:s20], $0x400  }
0x1bd: {  	[sflag:s20] =	ssyncset.done $0x0  }
0x1be: {  	[sflag:s20] =	ssyncadd.s32 $0xFFFFFC00  }
0x1bf: {  	[tilespmem:s16], [sflag:$0x1] =	stream.indirect.gather [hbm4b:s4+s21], $0x80, s22, s21, $0xb8;
	[tilespmem:$0x1CC00] =	vst v63  }
0x1c0: {  	_ =	swait.ge [sflag:s26], $0x4000  }
0x1c1: {  	[sflag:s26] =	ssyncset.done $0x0  }
0x1c2: {  	s7 =	rddreg [dreg:$0xf];
	[sflag:s26] =	ssyncadd.s32 $0xFFFFC000  }
0x1c3: {  	[spmem:s2] =	stream.indirect.scatter.add.f32 [tilespmem:s24], [sflag:$0x5], $0x80, s7, s21, $0xb8;
	[tilespmem:$0x1CC00] =	vst v63  }
0x1c4: {  	p0 =	seq.s32 s30, $0x400;
	_ =	swait.ge [sflag:s17], $0x4000  }
0x1c5: {  	s0 =	sadd.s32 @!p0 s30, s14;
	s1 =	sadd.s32 @!p0 s30, s15;
	[sflag:s17] =	ssyncset.done $0x0  }
0x1c6: {  	s6 =	sadd.s32 @!p0 $0x100, s0;
	s0 =	simm.s32 @!p0 $0x0;
	[sflag:s17] =	ssyncadd.s32 $0xFFFFC000  }
0x1c7: {  	[tilespmem:s0], [sflag:$0x3] =	stream.linear.gather @!p0 [hbm4b:s6+s0], $0x400, $0x38;
	[tilespmem:$0x1CC00] =	vst v63  }
0x1c8: {  	s1 =	sadd.s32 @!p0 $0x100, s1;
	s6 =	simm.s32 @!p0 $0x800  }
0x1c9: {  	[tilespmem:s6], [sflag:$0x4] =	stream.linear.gather @!p0 [hbm4b:s1+s0], $0x400, $0x38;
	[tilespmem:$0x1CC00] =	vst v63  }
0x1ca: {  	s7 =	rddreg [dreg:$0x10]  }
0x1cb: {  	[tilespmem:s24], [sflag:$0x2] =	stream.indirect.gather [hbm4b:s4+s21], $0x80, s7, s21, $0xb8;
	[tilespmem:$0x1CC00] =	vst v63  }
0x1cc: {  	_ =	swait.ge [sflag:s25], $0x4000  }
0x1cd: {  	[sflag:s25] =	ssyncset.done $0x0  }
0x1ce: {  	[sflag:s25] =	ssyncadd.s32 $0xFFFFC000  }
0x1cf: {  	[spmem:s2] =	stream.indirect.scatter.add.f32 [tilespmem:s16], [sflag:$0x5], $0x80, s23, s21, $0xb8;
	[tilespmem:$0x1CC00] =	vst v63  }
0x1d0: {  	_ =	swait.ge [sflag:s17], $0x4000  }
0x1d1: {  	[sflag:s17] =	ssyncset.done $0x0  }
0x1d2: {  	s30 =	rddreg [dreg:$0x11];
	[sflag:s17] =	ssyncadd.s32 $0xFFFFC000  }
0x1d3: {  	[tilespmem:s16], [sflag:$0x1] =	stream.indirect.gather [hbm4b:s4+s21], $0x80, s30, s21, $0xb8;
	[tilespmem:$0x1CC00] =	vst v63  }
0x1d4: {  	_ =	swait.ge [sflag:s26], $0x4000  }
0x1d5: {  	[sflag:s26] =	ssyncset.done $0x0  }
0x1d6: {  	s31 =	rddreg [dreg:$0x12];
	[sflag:s26] =	ssyncadd.s32 $0xFFFFC000  }
0x1d7: {  	[spmem:s2] =	stream.indirect.scatter.add.f32 [tilespmem:s24], [sflag:$0x5], $0x80, s31, s21, $0xb8;
	[tilespmem:$0x1CC00] =	vst v63  }
0x1d8: {  	_ =	swait.ge [sflag:s17], $0x4000  }
0x1d9: {  	[sflag:s17] =	ssyncset.done $0x0  }
0x1da: {  	s6 =	rddreg [dreg:$0x13];
	[sflag:s17] =	ssyncadd.s32 $0xFFFFC000  }
0x1db: {  	[tilespmem:s24], [sflag:$0x2] =	stream.indirect.gather [hbm4b:s4+s21], $0x80, s6, s21, $0xb8;
	[tilespmem:$0x1CC00] =	vst v63  }
0x1dc: {  	_ =	swait.ge [sflag:s25], $0x4000  }
0x1dd: {  	[sflag:s25] =	ssyncset.done $0x0  }
0x1de: {  	s7 =	rddreg [dreg:$0x14];
	[sflag:s25] =	ssyncadd.s32 $0xFFFFC000  }
0x1df: {  	[spmem:s2] =	stream.indirect.scatter.add.f32 [tilespmem:s16], [sflag:$0x5], $0x80, s7, s21, $0xb8;
	[tilespmem:$0x1CC00] =	vst v63  }
0x1e0: {  	_ =	swait.ge [sflag:s17], $0x4000  }
0x1e1: {  	[sflag:s17] =	ssyncset.done $0x0  }
0x1e2: {  	s30 =	rddreg [dreg:$0x15];
	[sflag:s17] =	ssyncadd.s32 $0xFFFFC000  }
0x1e3: {  	[tilespmem:s16], [sflag:$0x1] =	stream.indirect.gather [hbm4b:s4+s21], $0x80, s30, s21, $0xb8;
	[tilespmem:$0x1CC00] =	vst v63  }
0x1e4: {  	_ =	swait.ge [sflag:s26], $0x4000  }
0x1e5: {  	[sflag:s26] =	ssyncset.done $0x0  }
0x1e6: {  	s31 =	rddreg [dreg:$0x16];
	[sflag:s26] =	ssyncadd.s32 $0xFFFFC000  }
0x1e7: {  	[spmem:s2] =	stream.indirect.scatter.add.f32 [tilespmem:s24], [sflag:$0x5], $0x80, s31, s21, $0xb8;
	[tilespmem:$0x1CC00] =	vst v63  }
0x1e8: {  	_ =	swait.ge [sflag:s17], $0x4000  }
0x1e9: {  	[sflag:s17] =	ssyncset.done $0x0  }
0x1ea: {  	s6 =	rddreg [dreg:$0x17];
	[sflag:s17] =	ssyncadd.s32 $0xFFFFC000  }
0x1eb: {  	[tilespmem:s24], [sflag:$0x2] =	stream.indirect.gather [hbm4b:s4+s21], $0x80, s6, s21, $0xb8;
	[tilespmem:$0x1CC00] =	vst v63  }
0x1ec: {  	_ =	swait.ge [sflag:s25], $0x4000  }
0x1ed: {  	[sflag:s25] =	ssyncset.done $0x0  }
0x1ee: {  	s7 =	rddreg [dreg:$0x18];
	[sflag:s25] =	ssyncadd.s32 $0xFFFFC000  }
0x1ef: {  	[spmem:s2] =	stream.indirect.scatter.add.f32 [tilespmem:s16], [sflag:$0x5], $0x80, s7, s21, $0xb8;
	[tilespmem:$0x1CC00] =	vst v63  }
0x1f0: {  	_ =	swait.ge [sflag:s17], $0x4000  }
0x1f1: {  	[sflag:s17] =	ssyncset.done $0x0  }
0x1f2: {  	s30 =	rddreg [dreg:$0x19];
	[sflag:s17] =	ssyncadd.s32 $0xFFFFC000  }
0x1f3: {  	[tilespmem:s16], [sflag:$0x1] =	stream.indirect.gather [hbm4b:s4+s21], $0x80, s30, s21, $0xb8;
	[tilespmem:$0x1CC00] =	vst v63  }
0x1f4: {  	_ =	swait.ge [sflag:s26], $0x4000  }
0x1f5: {  	[sflag:s26] =	ssyncset.done $0x0  }
0x1f6: {  	s31 =	rddreg [dreg:$0x1a];
	[sflag:s26] =	ssyncadd.s32 $0xFFFFC000  }
0x1f7: {  	[spmem:s2] =	stream.indirect.scatter.add.f32 [tilespmem:s24], [sflag:$0x5], $0x80, s31, s21, $0xb8;
	[tilespmem:$0x1CC00] =	vst v63  }
0x1f8: {  	_ =	swait.ge [sflag:s17], $0x4000  }
0x1f9: {  	[sflag:s17] =	ssyncset.done $0x0  }
0x1fa: {  	s6 =	rddreg [dreg:$0x1b];
	[sflag:s17] =	ssyncadd.s32 $0xFFFFC000  }
0x1fb: {  	[tilespmem:s24], [sflag:$0x2] =	stream.indirect.gather [hbm4b:s4+s21], $0x80, s6, s21, $0xb8;
	[tilespmem:$0x1CC00] =	vst v63  }
0x1fc: {  	_ =	swait.ge [sflag:s25], $0x4000  }
0x1fd: {  	[sflag:s25] =	ssyncset.done $0x0  }
0x1fe: {  	s7 =	rddreg [dreg:$0x1c];
	[sflag:s25] =	ssyncadd.s32 $0xFFFFC000  }
0x1ff: {  	[spmem:s2] =	stream.indirect.scatter.add.f32 [tilespmem:s16], [sflag:$0x5], $0x80, s7, s21, $0xb8;
	[tilespmem:$0x1CC00] =	vst v63  }
0x200: {  	_ =	swait.ge [sflag:s17], $0x4000  }
0x201: {  	[sflag:s17] =	ssyncset.done $0x0  }
0x202: {  	s1 =	simm.s32 @!p0 $0x3;
	[sflag:s17] =	ssyncadd.s32 $0xFFFFC000  }
0x203: {  	_ =	swait.ge @!p0 [sflag:s1], $0x400  }
0x204: {  	[sflag:s1] =	ssyncset.done @!p0 $0x0  }
0x205: {  	[sflag:s1] =	ssyncadd.s32 @!p0 $0xFFFFFC00;
	s1 =	simm.s32 @!p0 $0x4  }
0x206: {  	_ =	swait.ge @!p0 [sflag:s1], $0x400  }
0x207: {  	[sflag:s1] =	ssyncset.done @!p0 $0x0  }
0x208: {  	s6 =	simm.s32 @!p0 $0x1000;
	[sflag:s1] =	ssyncadd.s32 @!p0 $0xFFFFFC00;
	s1 =	simm.s32 @!p0 $0x80  }
0x209: {  	[tilespmem:s6], [sflag:$0x1] =	stream.indirect.gather @!p0 [hbm4b:s4+s1], $0x80, s0, s1, $0xb8;
	[tilespmem:$0x1CC00] =	vst v63  }
0x20a: {  	_ =	swait.ge [sflag:s26], $0x4000  }
0x20b: {  	[sflag:s26] =	ssyncset.done $0x0  }
0x20c: {  	[sflag:s26] =	ssyncadd.s32 $0xFFFFC000  }
0x20d: {  	[spmem:s2] =	stream.indirect.scatter.add.f32 [tilespmem:s24], [sflag:$0x5], $0x80, s28, s21, $0xb8;
	[tilespmem:$0x1CC00] =	vst v63  }
0x20e: {  	s29 =	sadd.s32 $0x1, s29;
	_ =	swait.ge [sflag:s17], $0x4000  }
0x20f: {  	s30 =	stileid.u32;
	s31 =	sshrl.u32 s5, $0x3;
	[sflag:s17] =	ssyncset.done $0x0  }
0x210: {  	s0 =	sshll.u32 s30, $0x6;
	p0 =	sne.s32 s29, s13;
	[sflag:s17] =	ssyncadd.s32 $0xFFFFC000  }
.Ltmp2:
0x211: {  	s0 =	sor.u32 $0x1C05, s0;
	[bflag:$0x0] =	sbarrier.arrive $0xFFFF;
	(pc) =	sbr.rel @p0 .LBB2_1-.Ltmp2, $4  }
0x212: {  	[hbm:s12], [sflag:s0] =	dma.local [spmem:s31], $0x2780  }
0x213: {  	_ =	swait.ge [sflag:s17], $0x2780  }
0x214: {  	[sflag:s17] =	ssyncset.done $0x0  }
0x215: {  	[sflag:s17] =	ssyncadd.s32 $0xFFFFD880  }
0x216: {  	_ =	sfence.sel $0x180000  }
0x217: {  	[bflag:$0x0] =	sbarrier.arrive $0xFFFF  }
0x218: {  	_ =	strace $0x90000047  }
0x219: {  	s0 =	stileid.u32;
	[bflag:$0x2] =	sbarrier.arrive $0xFFFF  }
0x21a: {  	p0 =	sne.s32 s0, $0x0;
	s0 =	rddreg [dreg:$0x2]  }
0x21b: {  	s0 =	sadd.s32 @!p0 $0x100000, s0  }
0x21c: {  	[sflag:s0] =	ssyncadd.tile.s32 @!p0 $0x1;
	_ =	shalt  }
.Lfunc_end2:
_tile_overlayer_lowered:
.L_overlay_start_2:
0x21d: {  	(tag) =	ssettag $0x2  }
0x21e: {  	s0 =	rddreg [dreg:$0x0];
	s2 =	stileid.u32  }
0x21f: {  	s1 =	rddreg [dreg:$0x1];
	p0 =	sne.s32 s2, $0x0  }
0x220: {  	s3 =	rddreg [dreg:$0x2];
	[bflag:$0x3] =	sbarrier.arrive $0xFFFF;
	s2 =	simm.s32 @!p0 $0x1C05  }
0x221: {  	[timem:s3], [sflag:s2] =	dma.local @!p0 [hbm:s0], s1  }
0x222: {  	s0 =	simm.s32 @!p0 $0x5  }
0x223: {  	_ =	swait.ge @!p0 [sflag:s0], s1  }
0x224: {  	s1 =	ssub.s32 @!p0 $0x0, s1;
	[sflag:s0] =	ssyncset.done @!p0 $0x0  }
0x225: {  	[sflag:s0] =	ssyncadd.s32 @!p0 s1  }
0x226: {  	[bflag:$0x3] =	sbarrier.arrive $0xFFFF  }
0x227: {  	_ =	shalt  }

</sc_bundles>
